<compile_context>
chip_gen: v7x
topology: tpu7x:2x2x1
jax: 0.10.2.dev20260603
libtpu: 0.0.44.dev20260713+nightly
codegen_flags: <defaults>
</compile_context>

<pallas_src>
import functools

import jax
import jax.numpy as jnp
from jax import lax
from jax.experimental import pallas as pl
from jax.experimental.pallas import tpu as pltpu
from jax.experimental.pallas import tpu_sc as plsc

_N = 50000
_E = 800000
_CH = 128
_EP = 819200
_NCH = _EP // _CH
_ACC = 50176
_ZSTRIPE = _ACC // 16
_ZB = 784
_WSTRIPE = 3128
_NOUT = 50048
_BLK = 1000



def _l1_body(x_ref, w_ref, alx_ref, arx_ref, elx_ref, erx_ref, fx_ref):
    f = jnp.dot(x_ref[...], w_ref[...], preferred_element_type=jnp.float32)
    elxx = jnp.dot(f, alx_ref[...], preferred_element_type=jnp.float32)
    erxx = jnp.dot(f, arx_ref[...], preferred_element_type=jnp.float32)
    for q in range(4):
        elx_ref[q] = elxx[:, 16 * q:16 * q + 16]
        erx_ref[q] = erxx[:, 16 * q:16 * q + 16]
        fx_ref[q] = f[:, 16 * q:16 * q + 16]


def _layer1(x, w1, alx, arx):
    n = x.shape[0]
    k = x.shape[1]
    out3 = jax.ShapeDtypeStruct((4, n, 16), jnp.float32)
    return pl.pallas_call(
        _l1_body,
        grid=(n // _BLK,),
        in_specs=[
            pl.BlockSpec((_BLK, k), lambda i: (i, 0)),
            pl.BlockSpec((k, 64), lambda i: (0, 0)),
            pl.BlockSpec((64, 64), lambda i: (0, 0)),
            pl.BlockSpec((64, 64), lambda i: (0, 0)),
        ],
        out_specs=[pl.BlockSpec((4, _BLK, 16), lambda i: (0, i, 0))] * 3,
        out_shape=[out3, out3, out3],
    )(x, w1, alx, arx)




def _edge1_body(src_hbm, dst_hbm, elx, erx, fx, nd_out,
                snum, sden, wbn, wbd, nbuf,
                sraw0, sraw1, draw0, draw1,
                sq0, sq1, dq0, dq1,
                dss0, dss1, six0, six1,
                gs0, gs1, gd0, gd1, gf0, gf1,
                upd0, upd1, exb0, exb1,
                sl0, sl1, sg0, sg1, ss0, ss1):
    cid = lax.axis_index("c")
    sid = lax.axis_index("s")
    sraw = [sraw0, sraw1]
    draw = [draw0, draw1]
    sq = [sq0, sq1]
    dq = [dq0, dq1]
    dss = [dss0, dss1]
    six = [six0, six1]
    gs = [gs0, gs1]
    gd = [gd0, gd1]
    gf = [gf0, gf1]
    upd = [upd0, upd1]
    exb = [exb0, exb1]
    sl = [sl0, sl1]
    sg = [sg0, sg1]
    ss = [ss0, ss1]
    nch = _NCH // 16

    def zero_upd0(i, _):
        upd0[i] = jnp.zeros((16,), jnp.float32)
        return 0

    def issue_linear(ch, p):
        off = ch * _CH
        pltpu.make_async_copy(src_hbm.at[pl.ds(off, _CH)], sraw[p], sl[p]).start()
        pltpu.make_async_copy(dst_hbm.at[pl.ds(off, _CH)], draw[p], sl[p]).start()

    def wait_linear(p):
        pltpu.make_async_copy(src_hbm.at[pl.ds(0, _CH)], sraw[p], sl[p]).wait()
        pltpu.make_async_copy(dst_hbm.at[pl.ds(0, _CH)], draw[p], sl[p]).wait()

    def adjust(p, slot, qn):
        for l in range(8):
            s_ = pl.ds(l * 16, 16)
            s = sraw[p][s_]
            d = draw[p][s_]
            sq[p][s_] = s + qn
            dq[p][s_] = jnp.minimum(d, _N - 1) + qn
            dss[slot][s_] = d

    def issue_gathers(p):
        pltpu.make_async_copy(elx.at[sq[p]], gs[p], sg[p]).start()
        pltpu.make_async_copy(erx.at[dq[p]], gd[p], sg[p]).start()
        pltpu.make_async_copy(fx.at[sq[p]], gf[p], sg[p]).start()

    def wait_gathers(p):
        pltpu.make_async_copy(elx.at[sq[p]], gs[p], sg[p]).wait()
        pltpu.make_async_copy(erx.at[dq[p]], gd[p], sg[p]).wait()
        pltpu.make_async_copy(fx.at[sq[p]], gf[p], sg[p]).wait()

    def compute(p):
        def rowblk(i, _):
            for u in range(8):
                r = i * 8 + u
                e = gs[p][r] + gd[p][r]
                ex = jnp.exp(jnp.maximum(e, e * 0.2))
                upd[p][r] = gf[p][r] * ex
                exb[p][r] = ex
            return 0

        lax.fori_loop(0, _CH // 8, rowblk, 0)

    def copy_six(p):
        for l in range(8):
            s_ = pl.ds(l * 16, 16)
            six[p][s_] = dss[p][s_]

    def issue_scatter(p):
        pltpu.make_async_copy(upd[p], snum.at[six[p]], ss[p]).start(add=True)
        pltpu.make_async_copy(exb[p], sden.at[six[p]], ss[p]).start(add=True)

    def wait_scatter(p):
        pltpu.make_async_copy(upd[p], snum.at[six[p]], ss[p]).wait()
        pltpu.make_async_copy(exb[p], sden.at[six[p]], ss[p]).wait()

    base = sid * nch
    zbase = sid * _ZSTRIPE
    wb = sid * _WSTRIPE

    def nrow(i, _):
        nbuf[i] = wbn[i] / jnp.maximum(wbd[i], 1e-9)
        return 0

    def step(i, p, qn):
        @pl.when(i + 2 < nch)
        def _():
            issue_linear(base + i + 2, p)

        @pl.when(i + 1 < nch)
        def _():
            wait_linear(1 - p)
            adjust(1 - p, 1 - p, qn)
            issue_gathers(1 - p)

        wait_gathers(p)

        @pl.when(i >= 2)
        def _():
            wait_scatter(p)

        compute(p)
        copy_six(p)
        issue_scatter(p)

    def round_body(g, _):
        qn = (cid * 2 + g) * _N
        q = cid * 2 + g
        lax.fori_loop(0, _CH, zero_upd0, 0)

        def zrow(z, c):
            pltpu.sync_copy(upd0, snum.at[pl.ds(zbase + z * _CH, _CH)])
            pltpu.sync_copy(upd0, sden.at[pl.ds(zbase + z * _CH, _CH)])
            return c

        lax.fori_loop(0, 24, zrow, 0)
        pltpu.sync_copy(upd0.at[pl.ds(0, 64)],
                        snum.at[pl.ds(zbase + 24 * _CH, 64)])
        pltpu.sync_copy(upd0.at[pl.ds(0, 64)],
                        sden.at[pl.ds(zbase + 24 * _CH, 64)])
        plsc.subcore_barrier()

        issue_linear(base, 0)
        wait_linear(0)
        adjust(0, 0, qn)
        issue_gathers(0)
        issue_linear(base + 1, 1)

        def outer(i2, c):
            step(i2 * 2, 0, qn)
            step(i2 * 2 + 1, 1, qn)
            return c

        lax.fori_loop(0, nch // 2, outer, 0)
        wait_scatter(0)
        wait_scatter(1)
        plsc.subcore_barrier()

        def wrow(z, c):
            roff = wb + z * _CH
            pltpu.sync_copy(snum.at[pl.ds(roff, _CH)], wbn)
            pltpu.sync_copy(sden.at[pl.ds(roff, _CH)], wbd)
            lax.fori_loop(0, _CH, nrow, 0)
            pltpu.sync_copy(nbuf, nd_out.at[q, pl.ds(roff, _CH)])
            return c

        lax.fori_loop(0, 24, wrow, 0)
        roff = wb + 24 * _CH
        pltpu.sync_copy(snum.at[pl.ds(roff, 56)], wbn.at[pl.ds(0, 56)])
        pltpu.sync_copy(sden.at[pl.ds(roff, 56)], wbd.at[pl.ds(0, 56)])
        lax.fori_loop(0, 56, nrow, 0)
        pltpu.sync_copy(nbuf.at[pl.ds(0, 56)], nd_out.at[q, pl.ds(roff, 56)])
        plsc.subcore_barrier()
        return 0

    lax.fori_loop(0, 2, round_body, 0)


def _edge1(src_p, dst_p, elx, erx, fx):
    mesh = plsc.VectorSubcoreMesh(core_axis_name="c", subcore_axis_name="s")
    f32 = jnp.float32
    i32 = jnp.int32
    idxbuf = pltpu.VMEM((_CH,), i32)
    rowbuf = pltpu.VMEM((_CH, 16), f32)
    kern = pl.kernel(
        _edge1_body,
        out_type=jax.ShapeDtypeStruct((4, _NOUT, 16), f32),
        mesh=mesh,
        compiler_params=pltpu.CompilerParams(use_tc_tiling_on_sc=False),
        scratch_types=[
            pltpu.VMEM_SHARED((_ACC, 16), f32),
            pltpu.VMEM_SHARED((_ACC, 16), f32),
            rowbuf, rowbuf, rowbuf,
            idxbuf, idxbuf, idxbuf, idxbuf,
            idxbuf, idxbuf, idxbuf, idxbuf,
            idxbuf, idxbuf, idxbuf, idxbuf,
            rowbuf, rowbuf, rowbuf, rowbuf, rowbuf, rowbuf,
            rowbuf, rowbuf, rowbuf, rowbuf,
            pltpu.SemaphoreType.DMA, pltpu.SemaphoreType.DMA,
            pltpu.SemaphoreType.DMA, pltpu.SemaphoreType.DMA,
            pltpu.SemaphoreType.DMA, pltpu.SemaphoreType.DMA,
        ],
    )
    return kern(src_p, dst_p, elx, erx, fx)




def _edge3_body(src_hbm, dst_hbm, t3s, t3d, out3,
                acc,
                sraw0, sraw1, draw0, draw1,
                sq0, sq1, dq0, dq1,
                dss0, dss1, six0, six1,
                gs0, gs1, gd0, gd1, upd0, upd1,
                sl0, sl1, sg0, sg1, ss0, ss1):
    cid = lax.axis_index("c")
    sid = lax.axis_index("s")
    sraw = [sraw0, sraw1]
    draw = [draw0, draw1]
    sq = [sq0, sq1]
    dq = [dq0, dq1]
    dss = [dss0, dss1]
    six = [six0, six1]
    gs = [gs0, gs1]
    gd = [gd0, gd1]
    upd = [upd0, upd1]
    sl = [sl0, sl1]
    sg = [sg0, sg1]
    ss = [ss0, ss1]
    nch = _NCH // 32
    wid = cid * 16 + sid

    def zero_upd0(i, _):
        upd0[i] = jnp.zeros((16,), jnp.float32)
        return 0

    lax.fori_loop(0, _CH, zero_upd0, 0)

    def issue_linear(ch, p):
        off = ch * _CH
        pltpu.make_async_copy(src_hbm.at[pl.ds(off, _CH)], sraw[p], sl[p]).start()
        pltpu.make_async_copy(dst_hbm.at[pl.ds(off, _CH)], draw[p], sl[p]).start()

    def wait_linear(p):
        pltpu.make_async_copy(src_hbm.at[pl.ds(0, _CH)], sraw[p], sl[p]).wait()
        pltpu.make_async_copy(dst_hbm.at[pl.ds(0, _CH)], draw[p], sl[p]).wait()

    def adjust(p, slot):
        for l in range(8):
            s_ = pl.ds(l * 16, 16)
            d = draw[p][s_]
            sq[p][s_] = sraw[p][s_]
            dq[p][s_] = jnp.minimum(d, _N - 1)
            dss[slot][s_] = d

    def issue_gathers(p):
        pltpu.make_async_copy(t3s.at[sq[p]], gs[p], sg[p]).start()
        pltpu.make_async_copy(t3d.at[dq[p]], gd[p], sg[p]).start()

    def wait_gathers(p):
        pltpu.make_async_copy(t3s.at[sq[p]], gs[p], sg[p]).wait()
        pltpu.make_async_copy(t3d.at[dq[p]], gd[p], sg[p]).wait()

    def compute(p):
        def rowblk(i, _):
            for u in range(4):
                r = i * 4 + u
                s = gs[p][r]
                e = s + gd[p][r]
                ex = jnp.exp(jnp.maximum(e, e * 0.2))
                exv = jnp.broadcast_to(ex[8], (16,))
                upd[p][r] = s * exv
            return 0

        lax.fori_loop(0, _CH // 4, rowblk, 0)

    def copy_six(p):
        for l in range(8):
            s_ = pl.ds(l * 16, 16)
            six[p][s_] = dss[p][s_]

    def issue_scatter(p):
        pltpu.make_async_copy(upd[p], acc.at[six[p]], ss[p]).start(add=True)

    def wait_scatter(p):
        pltpu.make_async_copy(upd[p], acc.at[six[p]], ss[p]).wait()

    zbase = sid * _ZSTRIPE

    def zrow(z, c):
        pltpu.sync_copy(upd0, acc.at[pl.ds(zbase + z * _CH, _CH)])
        return c

    lax.fori_loop(0, 24, zrow, 0)
    pltpu.sync_copy(upd0.at[pl.ds(0, 64)],
                    acc.at[pl.ds(zbase + 24 * _CH, 64)])
    plsc.subcore_barrier()

    base = wid * nch

    def step(i, p):
        @pl.when(i + 2 < nch)
        def _():
            issue_linear(base + i + 2, p)

        @pl.when(i + 1 < nch)
        def _():
            wait_linear(1 - p)
            adjust(1 - p, 1 - p)
            issue_gathers(1 - p)

        wait_gathers(p)

        @pl.when(i >= 2)
        def _():
            wait_scatter(p)

        compute(p)
        copy_six(p)
        issue_scatter(p)

    issue_linear(base, 0)
    wait_linear(0)
    adjust(0, 0)
    issue_gathers(0)
    issue_linear(base + 1, 1)

    def outer(i2, c):
        step(i2 * 2, 0)
        step(i2 * 2 + 1, 1)
        return c

    lax.fori_loop(0, nch // 2, outer, 0)
    wait_scatter(0)
    wait_scatter(1)
    plsc.subcore_barrier()

    wb = sid * _ZSTRIPE
    pltpu.sync_copy(acc.at[pl.ds(wb, _ZSTRIPE)],
                    out3.at[cid, pl.ds(wb, _ZSTRIPE)])


def _edge3(src_p, dst_p, t3s, t3d):
    mesh = plsc.VectorSubcoreMesh(core_axis_name="c", subcore_axis_name="s")
    f32 = jnp.float32
    i32 = jnp.int32
    idxbuf = pltpu.VMEM((_CH,), i32)
    rowbuf = pltpu.VMEM((_CH, 16), f32)
    kern = pl.kernel(
        _edge3_body,
        out_type=jax.ShapeDtypeStruct((2, _ACC, 16), f32),
        mesh=mesh,
        compiler_params=pltpu.CompilerParams(use_tc_tiling_on_sc=False),
        scratch_types=[
            pltpu.VMEM_SHARED((_ACC, 16), f32),
            idxbuf, idxbuf, idxbuf, idxbuf,
            idxbuf, idxbuf, idxbuf, idxbuf,
            idxbuf, idxbuf, idxbuf, idxbuf,
            rowbuf, rowbuf, rowbuf, rowbuf, rowbuf, rowbuf,
            pltpu.SemaphoreType.DMA, pltpu.SemaphoreType.DMA,
            pltpu.SemaphoreType.DMA, pltpu.SemaphoreType.DMA,
            pltpu.SemaphoreType.DMA, pltpu.SemaphoreType.DMA,
        ],
    )
    return kern(src_p, dst_p, t3s, t3d)




def _mhi_body(nd_ref, b1_ref, bm_mat_ref, bmt_ref, a1_ref, v2_ref,
              r_ref, s_ref, w3_ref, al3_ref, ar3_ref, t3s_ref, t3d_ref):
    nd = nd_ref[...]
    rst = jnp.concatenate([nd[0], nd[1], nd[2], nd[3]], axis=-1)
    h = jnp.maximum(rst + b1_ref[...], 0.0)
    x2 = jnp.dot(h, bm_mat_ref[...], preferred_element_type=jnp.float32)
    x2 = x2 + bmt_ref[...]
    s1 = jnp.dot(x2, a1_ref[...], preferred_element_type=jnp.float32)
    s2 = jnp.dot(x2, v2_ref[...], preferred_element_type=jnp.float32)
    e = jnp.maximum(s1 + s2, 0.0)
    m = jnp.max(e, axis=1, keepdims=True)
    ex = jnp.exp(e - m)
    alpha = ex / jnp.sum(ex, axis=1, keepdims=True)
    alf = jnp.dot(alpha, r_ref[...], preferred_element_type=jnp.float32)
    h2 = jnp.dot(h * alf, s_ref[...], preferred_element_type=jnp.float32)
    f3 = jnp.dot(h2, w3_ref[...], preferred_element_type=jnp.float32)
    el3 = jnp.dot(f3, al3_ref[...], preferred_element_type=jnp.float32)
    er3 = jnp.dot(f3, ar3_ref[...], preferred_element_type=jnp.float32)
    blk = f3.shape[0]
    one = jnp.ones((blk, 1), jnp.float32)
    t3s_ref[...] = jnp.concatenate(
        [f3, one, jnp.broadcast_to(el3, (blk, 8))], axis=1)
    t3d_ref[...] = jnp.concatenate(
        [jnp.zeros((blk, 8), jnp.float32), jnp.broadcast_to(er3, (blk, 8))],
        axis=1)


def _mhi_layer(nd, b1, bm_mat, bmt, a1_mat, v2, r_mat, s_mat, w3, al3, ar3):
    full = lambda shape: pl.BlockSpec(shape, lambda i: tuple(0 for _ in shape))
    row = lambda c: pl.BlockSpec((_BLK, c), lambda i: (i, 0))
    return pl.pallas_call(
        _mhi_body,
        grid=(_N // _BLK,),
        in_specs=[
            pl.BlockSpec((4, _BLK, 16), lambda i: (0, i, 0)),
            full((1, 64)), full((64, 64)), full((1, 64)),
            full((64, 8)), full((64, 1)), full((8, 64)), full((64, 8)),
            full((8, 7)), full((7, 1)), full((7, 1)),
        ],
        out_specs=[row(16), row(16)],
        out_shape=[
            jax.ShapeDtypeStruct((_N, 16), jnp.float32),
            jax.ShapeDtypeStruct((_N, 16), jnp.float32),
        ],
    )(nd, b1, bm_mat, bmt, a1_mat, v2, r_mat, s_mat, w3, al3, ar3)




def _fin_body(acc_ref, b3_ref, out_ref):
    a = acc_ref[...][0] + acc_ref[...][1]
    out_ref[...] = a[:, :7] / jnp.maximum(a[:, 7:8], 1e-9) + b3_ref[...]


def _final(acc3, b3):
    return pl.pallas_call(
        _fin_body,
        grid=(_N // _BLK,),
        in_specs=[
            pl.BlockSpec((2, _BLK, 16), lambda i: (0, i, 0)),
            pl.BlockSpec((1, 7), lambda i: (0, 0)),
        ],
        out_specs=pl.BlockSpec((_BLK, 7), lambda i: (i, 0)),
        out_shape=jax.ShapeDtypeStruct((_N, 7), jnp.float32),
    )(acc3, b3.reshape(1, 7))




def kernel(x, edge_index, W1, attn_l1, attn_r1, b1, Wm, bm, a, W3,
           attn_l3, attn_r3, b3):
    n = x.shape[0]
    src = edge_index[0]
    dst = edge_index[1]

    npad = _EP - _E
    src_p = jnp.concatenate([src, jnp.zeros((npad,), jnp.int32)])
    dst_p = jnp.concatenate(
        [dst, _N + (jnp.arange(npad, dtype=jnp.int32) % 128)])

    head_of_col = 2 * (jnp.arange(64) // 16) + (jnp.arange(64) % 16) // 8
    sel = (jnp.arange(8)[:, None] == head_of_col[None, :]).astype(jnp.float32)
    eye_rep = jnp.repeat(jnp.eye(8, dtype=jnp.float32), 8, axis=0)
    al_mat = eye_rep * attn_l1.reshape(-1, 1)
    ar_mat = eye_rep * attn_r1.reshape(-1, 1)
    alx = al_mat @ sel
    arx = ar_mat @ sel
    bm_mat = jnp.kron(jnp.eye(8, dtype=jnp.float32), Wm.T)
    bmt = jnp.tile(bm, 8).reshape(1, 64)
    a1_mat = eye_rep * jnp.tile(a[:8, 0], 8).reshape(-1, 1)
    v2 = (jnp.tile(a[8:, 0], 8) / 8.0).reshape(64, 1)
    r_mat = jnp.repeat(jnp.eye(8, dtype=jnp.float32), 8, axis=1)
    s_mat = jnp.tile(jnp.eye(8, dtype=jnp.float32), (8, 1))

    elx, erx, fx = _layer1(x, W1, alx, arx)
    elx = elx.reshape(4 * n, 16)
    erx = erx.reshape(4 * n, 16)
    fx = fx.reshape(4 * n, 16)

    nd = _edge1(src_p, dst_p, elx, erx, fx)

    t3s, t3d = _mhi_layer(nd, b1.reshape(1, 64), bm_mat, bmt, a1_mat,
                          v2, r_mat, s_mat, W3, attn_l3.reshape(7, 1),
                          attn_r3.reshape(7, 1))

    acc3 = _edge3(src_p, dst_p, t3s, t3d)

    return _final(acc3, b3)

# --- scband reference (transcript-rebuilt; emitter-appended) ---
"""Pipeline reference for scband-net-55662776156696 (READ-ONLY COPY).

The authoritative reference and input builder live on the scoring server;
editing this copy changes nothing except your own understanding.
"""

import jax, jax.numpy as jnp
import numpy as np

N = 50000
E = 800000
IN = 1433


def gat_conv(x, src, dst, W, attn_l, attn_r, bias, heads, outf):
    n = x.shape[0]
    feat = (x @ W).reshape(n, heads, outf)
    el = (feat * attn_l[None, :, :]).sum(-1)
    er = (feat * attn_r[None, :, :]).sum(-1)
    e = jax.nn.leaky_relu(el[src] + er[dst], 0.2)
    emax = jax.ops.segment_max(e, dst, num_segments=n)
    emax = jnp.where(jnp.isfinite(emax), emax, 0.0)
    ex = jnp.exp(e - emax[dst])
    denom = jax.ops.segment_sum(ex, dst, num_segments=n)
    alpha = ex / jnp.maximum(denom[dst], 1e-9)
    msg = feat[src] * alpha[:, :, None]
    rst = jax.ops.segment_sum(msg, dst, num_segments=n)
    return rst + bias.reshape(1, heads, outf)


def mhi(xh, Wm, bm, a):
    # xh: [k=8, m=8]; faithful to MHI.forward
    x2 = xh @ Wm.T + bm
    xm = jnp.mean(x2, axis=0)
    cat = jnp.concatenate([x2, jnp.broadcast_to(xm[None, :], x2.shape)], axis=1)
    e = jax.nn.relu(cat @ a)
    alpha = jax.nn.softmax(e, axis=0)
    return jnp.sum(xh * alpha, axis=0)


def setup_inputs(seed: int = 0) -> dict:
    key = jax.random.key(seed)
    ks = jax.random.split(key, 14)
    x = jax.random.normal(ks[0], (N, IN), dtype=jnp.float32)
    edge_index = jax.random.randint(ks[1], (2, E), 0, N).astype(jnp.int32)
    # layer1: GATConv(1433, 8, num_heads=8)
    W1 = jax.random.normal(ks[2], (IN, 64), dtype=jnp.float32) * 0.03
    attn_l1 = jax.random.normal(ks[3], (8, 8), dtype=jnp.float32) * 0.3
    attn_r1 = jax.random.normal(ks[4], (8, 8), dtype=jnp.float32) * 0.3
    b1 = jnp.zeros((64,), dtype=jnp.float32)
    # MHI(k=8, m=8)
    Wm = jax.random.normal(ks[5], (8, 8), dtype=jnp.float32) * 0.3
    bm = jnp.zeros((8,), dtype=jnp.float32)
    a = jax.random.normal(ks[6], (16, 1), dtype=jnp.float32) * 0.3
    # layer3: GATConv(8, 7, num_heads=1)
    W3 = jax.random.normal(ks[7], (8, 7), dtype=jnp.float32) * 0.3
    attn_l3 = jax.random.normal(ks[8], (1, 7), dtype=jnp.float32) * 0.3
    attn_r3 = jax.random.normal(ks[9], (1, 7), dtype=jnp.float32) * 0.3
    b3 = jnp.zeros((7,), dtype=jnp.float32)
    return {"x": x, "edge_index": edge_index, "W1": W1, "attn_l1": attn_l1,
            "attn_r1": attn_r1, "b1": b1, "Wm": Wm, "bm": bm, "a": a,
            "W3": W3, "attn_l3": attn_l3, "attn_r3": attn_r3, "b3": b3}


def reference(x, edge_index, W1, attn_l1, attn_r1, b1, Wm, bm, a, W3, attn_l3, attn_r3, b3):
    src = edge_index[0]
    dst = edge_index[1]
    h = gat_conv(x, src, dst, W1, attn_l1, attn_r1, b1, 8, 8)  # [N, 8, 8]
    h = jax.nn.relu(h)
    h = jax.vmap(lambda xi: mhi(xi, Wm, bm, a))(h)  # [N, 8]
    h = gat_conv(h, src, dst, W3, attn_l3, attn_r3, b3, 1, 7)  # [N, 1, 7]
    return h[:, 0, :]

if __name__ == "__main__":
    import jax
    _d = setup_inputs()
    print(jax.jit(kernel)(*tuple(_d.values())))

</pallas_src>

<mosaic_0001>
#map = affine_map<(d0, d1) -> (0)>
#map1 = affine_map<(d0, d1) -> (0, 0)>
#map2 = affine_map<(d0, d1) -> (0, 0, 0)>
module attributes {stable_mosaic.version = 14 : i64} {
  func.func @_edge1_body(%arg0: i32, %arg1: i32, %arg2: memref<819200xi32, #tpu.memory_space<hbm>>, %arg3: memref<819200xi32, #tpu.memory_space<hbm>>, %arg4: memref<200000x16xf32, #tpu.memory_space<hbm>>, %arg5: memref<200000x16xf32, #tpu.memory_space<hbm>>, %arg6: memref<200000x16xf32, #tpu.memory_space<hbm>>, %arg7: memref<4x50048x16xf32, #tpu.memory_space<hbm>>, %arg8: memref<50176x16xf32, #tpu.memory_space<vmem_shared>>, %arg9: memref<50176x16xf32, #tpu.memory_space<vmem_shared>>, %arg10: memref<128x16xf32, #tpu.memory_space<vmem>>, %arg11: memref<128x16xf32, #tpu.memory_space<vmem>>, %arg12: memref<128x16xf32, #tpu.memory_space<vmem>>, %arg13: memref<128xi32, #tpu.memory_space<vmem>>, %arg14: memref<128xi32, #tpu.memory_space<vmem>>, %arg15: memref<128xi32, #tpu.memory_space<vmem>>, %arg16: memref<128xi32, #tpu.memory_space<vmem>>, %arg17: memref<128xi32, #tpu.memory_space<vmem>>, %arg18: memref<128xi32, #tpu.memory_space<vmem>>, %arg19: memref<128xi32, #tpu.memory_space<vmem>>, %arg20: memref<128xi32, #tpu.memory_space<vmem>>, %arg21: memref<128xi32, #tpu.memory_space<vmem>>, %arg22: memref<128xi32, #tpu.memory_space<vmem>>, %arg23: memref<128xi32, #tpu.memory_space<vmem>>, %arg24: memref<128xi32, #tpu.memory_space<vmem>>, %arg25: memref<128x16xf32, #tpu.memory_space<vmem>>, %arg26: memref<128x16xf32, #tpu.memory_space<vmem>>, %arg27: memref<128x16xf32, #tpu.memory_space<vmem>>, %arg28: memref<128x16xf32, #tpu.memory_space<vmem>>, %arg29: memref<128x16xf32, #tpu.memory_space<vmem>>, %arg30: memref<128x16xf32, #tpu.memory_space<vmem>>, %arg31: memref<128x16xf32, #tpu.memory_space<vmem>>, %arg32: memref<128x16xf32, #tpu.memory_space<vmem>>, %arg33: memref<128x16xf32, #tpu.memory_space<vmem>>, %arg34: memref<128x16xf32, #tpu.memory_space<vmem>>, %arg35: memref<!tpu.dma_semaphore, #tpu.memory_space<semaphore_mem>>, %arg36: memref<!tpu.dma_semaphore, #tpu.memory_space<semaphore_mem>>, %arg37: memref<!tpu.dma_semaphore, #tpu.memory_space<semaphore_mem>>, %arg38: memref<!tpu.dma_semaphore, #tpu.memory_space<semaphore_mem>>, %arg39: memref<!tpu.dma_semaphore, #tpu.memory_space<semaphore_mem>>, %arg40: memref<!tpu.dma_semaphore, #tpu.memory_space<semaphore_mem>>) attributes {dimension_semantics = [#tpu.dimension_semantics<core_parallel>, #tpu.dimension_semantics<subcore_parallel>], iteration_bounds = array<i64: 2, 16>, scalar_prefetch = 0 : i64, scratch_operands = 33 : i64, tpu.core_type = #tpu.core_type<sc_vector_subcore>, window_params = [{transform_indices = #map}, {transform_indices = #map}, {transform_indices = #map1}, {transform_indices = #map1}, {transform_indices = #map1}, {transform_indices = #map2}]} {
    %mul3A = arith.constant 400 : i32
    %mul3A_0 = arith.muli %arg1, %mul3A : i32
    %mul3A_1 = arith.constant 3136 : i32
    %mul3A_2 = arith.muli %arg1, %mul3A_1 : i32
    %mul3A_3 = arith.constant 3128 : i32
    %mul3A_4 = arith.muli %arg1, %mul3A_3 : i32
    %scan3A = arith.constant 0 : i32
    %scan3A_5 = arith.constant 0 : i32
    %scan3A_6 = arith.constant 2 : i32
    %scan3A_7 = arith.addi %scan3A_5, %scan3A_6 : i32
    %scan3A_8 = arith.constant 1 : i32
    %scan3A_9 = scf.for %scan3A_11 = %scan3A_5 to %scan3A_7 step %scan3A_8 iter_args(%scan3A_12 = %scan3A) -> (i32)  : i32 {
      %mul3A_13 = arith.constant 2 : i32
      %mul3A_14 = arith.muli %arg0, %mul3A_13 : i32
      %add3A = arith.addi %mul3A_14, %scan3A_11 : i32
      %mul3A_15 = arith.constant 50000 : i32
      %mul3A_16 = arith.muli %add3A, %mul3A_15 : i32
      %mul3A_17 = arith.constant 2 : i32
      %mul3A_18 = arith.muli %arg0, %mul3A_17 : i32
      %add3A_19 = arith.addi %mul3A_18, %scan3A_11 : i32
      %scan3A_20 = arith.constant 0 : i32
      %scan3A_21 = arith.constant 0 : i32
      %scan3A_22 = arith.constant 128 : i32
      %scan3A_23 = arith.addi %scan3A_21, %scan3A_22 : i32
      %scan3A_24 = arith.constant 1 : i32
      %scan3A_25 = scf.for %scan3A_299 = %scan3A_21 to %scan3A_23 step %scan3A_24 iter_args(%scan3A_300 = %scan3A_20) -> (i32)  : i32 {
        %broadcast_in_dim3A = arith.constant 0.000000e+00 : f32
        %broadcast_in_dim3A_301 = vector.broadcast %broadcast_in_dim3A : f32 to vector<16xf32>
        %swap3A_302 = arith.index_cast %scan3A_299 : i32 to index
        %swap3A_303 = arith.constant 0 : index
        %swap3A_304 = tpu.vector_load %arg31[%swap3A_302, %swap3A_303] {strides = array<i32>} : memref<128x16xf32, #tpu.memory_space<vmem>>, vector<1x16xf32>,
        %swap3A_305 = vector.shape_cast %swap3A_304 : vector<1x16xf32> to vector<16xf32>
        %swap3A_306 = vector.shape_cast %broadcast_in_dim3A_301 : vector<16xf32> to vector<1x16xf32>
        tpu.vector_store %arg31[%swap3A_302, %swap3A_303], %swap3A_306 {strides = array<i32>} : memref<128x16xf32, #tpu.memory_space<vmem>>, vector<1x16xf32>,
        %scan3A_307 = arith.constant 0 : i32
        scf.yield %scan3A_307 : i32
      }
      %scan3A_26 = arith.constant 128 : i32
      %scan3A_27 = arith.constant 0 : i32
      %scan3A_28 = arith.constant 0 : i32
      %scan3A_29 = arith.constant 24 : i32
      %scan3A_30 = arith.addi %scan3A_28, %scan3A_29 : i32
      %scan3A_31 = arith.constant 1 : i32
      scf.for %scan3A_299 = %scan3A_28 to %scan3A_30 step %scan3A_31  : i32 {
        %mul3A_300 = arith.constant 128 : i32
        %mul3A_301 = arith.muli %scan3A_299, %mul3A_300 : i32
        %add3A_302 = arith.addi %mul3A_2, %mul3A_301 : i32
        "tpu.region"() ({
          %run_scoped3A = tpu.sem_alloc : memref<!tpu.dma_semaphore, #tpu.memory_space<semaphore_mem>>
          %dma_start3A_306 = arith.constant 0 : i32
          %dma_start3A_307 = tpu.memref_slice %arg8[%add3A_302, %dma_start3A_306] : memref<50176x16xf32, #tpu.memory_space<vmem_shared>> -> memref<128x16xf32, #tpu.memory_space<vmem_shared>>
          %dma_start3A_308 = arith.constant 0 : i32
          %dma_start3A_309 = tpu.memref_slice %arg8[%add3A_302, %dma_start3A_308] : memref<50176x16xf32, #tpu.memory_space<vmem_shared>> -> memref<128x16xf32, #tpu.memory_space<vmem_shared>>
          tpu.enqueue_dma source(%arg31 : memref<128x16xf32, #tpu.memory_space<vmem>>) target(%dma_start3A_309 : memref<128x16xf32, #tpu.memory_space<vmem_shared>>) target_semaphore(%run_scoped3A : memref<!tpu.dma_semaphore, #tpu.memory_space<semaphore_mem>>)
          %dma_wait3A_310 = arith.constant 0 : i32
          %dma_wait3A_311 = tpu.memref_slice %arg8[%add3A_302, %dma_wait3A_310] : memref<50176x16xf32, #tpu.memory_space<vmem_shared>> -> memref<128x16xf32, #tpu.memory_space<vmem_shared>>
          %dma_wait3A_312 = arith.constant 0 : i32
          %dma_wait3A_313 = tpu.memref_slice %arg8[%add3A_302, %dma_wait3A_312] : memref<50176x16xf32, #tpu.memory_space<vmem_shared>> -> memref<128x16xf32, #tpu.memory_space<vmem_shared>>
          tpu.wait_dma2 semaphore(%run_scoped3A : memref<!tpu.dma_semaphore, #tpu.memory_space<semaphore_mem>>) src(%arg31 : memref<128x16xf32, #tpu.memory_space<vmem>>) dst(%dma_wait3A_313 : memref<128x16xf32, #tpu.memory_space<vmem_shared>>)
          tpu.yield
        }) : () -> ()
        %mul3A_303 = arith.constant 128 : i32
        %mul3A_304 = arith.muli %scan3A_299, %mul3A_303 : i32
        %add3A_305 = arith.addi %mul3A_2, %mul3A_304 : i32
        "tpu.region"() ({
          %run_scoped3A = tpu.sem_alloc : memref<!tpu.dma_semaphore, #tpu.memory_space<semaphore_mem>>
          %dma_start3A_306 = arith.constant 0 : i32
          %dma_start3A_307 = tpu.memref_slice %arg9[%add3A_305, %dma_start3A_306] : memref<50176x16xf32, #tpu.memory_space<vmem_shared>> -> memref<128x16xf32, #tpu.memory_space<vmem_shared>>
          %dma_start3A_308 = arith.constant 0 : i32
          %dma_start3A_309 = tpu.memref_slice %arg9[%add3A_305, %dma_start3A_308] : memref<50176x16xf32, #tpu.memory_space<vmem_shared>> -> memref<128x16xf32, #tpu.memory_space<vmem_shared>>
          tpu.enqueue_dma source(%arg31 : memref<128x16xf32, #tpu.memory_space<vmem>>) target(%dma_start3A_309 : memref<128x16xf32, #tpu.memory_space<vmem_shared>>) target_semaphore(%run_scoped3A : memref<!tpu.dma_semaphore, #tpu.memory_space<semaphore_mem>>)
          %dma_wait3A_310 = arith.constant 0 : i32
          %dma_wait3A_311 = tpu.memref_slice %arg9[%add3A_305, %dma_wait3A_310] : memref<50176x16xf32, #tpu.memory_space<vmem_shared>> -> memref<128x16xf32, #tpu.memory_space<vmem_shared>>
          %dma_wait3A_312 = arith.constant 0 : i32
          %dma_wait3A_313 = tpu.memref_slice %arg9[%add3A_305, %dma_wait3A_312] : memref<50176x16xf32, #tpu.memory_space<vmem_shared>> -> memref<128x16xf32, #tpu.memory_space<vmem_shared>>
          tpu.wait_dma2 semaphore(%run_scoped3A : memref<!tpu.dma_semaphore, #tpu.memory_space<semaphore_mem>>) src(%arg31 : memref<128x16xf32, #tpu.memory_space<vmem>>) dst(%dma_wait3A_313 : memref<128x16xf32, #tpu.memory_space<vmem_shared>>)
          tpu.yield
        }) : () -> ()
      }
      %scan3A_32 = arith.constant 24 : i32
      %add3A_33 = arith.constant 3072 : i32
      %add3A_34 = arith.addi %mul3A_2, %add3A_33 : i32
      "tpu.region"() ({
        %run_scoped3A = tpu.sem_alloc : memref<!tpu.dma_semaphore, #tpu.memory_space<semaphore_mem>>
        %dma_start3A_299 = arith.constant 0 : i32
        %dma_start3A_300 = arith.constant 0 : i32
        %dma_start3A_301 = tpu.memref_slice %arg31[%dma_start3A_299, %dma_start3A_300] : memref<128x16xf32, #tpu.memory_space<vmem>> -> memref<64x16xf32, #tpu.memory_space<vmem>>
        %dma_start3A_302 = arith.constant 0 : i32
        %dma_start3A_303 = tpu.memref_slice %arg8[%add3A_34, %dma_start3A_302] : memref<50176x16xf32, #tpu.memory_space<vmem_shared>> -> memref<64x16xf32, #tpu.memory_space<vmem_shared>>
        %dma_start3A_304 = arith.constant 0 : i32
        %dma_start3A_305 = tpu.memref_slice %arg8[%add3A_34, %dma_start3A_304] : memref<50176x16xf32, #tpu.memory_space<vmem_shared>> -> memref<64x16xf32, #tpu.memory_space<vmem_shared>>
        %dma_start3A_306 = arith.constant 0 : i32
        %dma_start3A_307 = arith.constant 0 : i32
        %dma_start3A_308 = tpu.memref_slice %arg31[%dma_start3A_306, %dma_start3A_307] : memref<128x16xf32, #tpu.memory_space<vmem>> -> memref<64x16xf32, #tpu.memory_space<vmem>>
        tpu.enqueue_dma source(%dma_start3A_308 : memref<64x16xf32, #tpu.memory_space<vmem>>) target(%dma_start3A_305 : memref<64x16xf32, #tpu.memory_space<vmem_shared>>) target_semaphore(%run_scoped3A : memref<!tpu.dma_semaphore, #tpu.memory_space<semaphore_mem>>)
        %dma_wait3A_309 = arith.constant 0 : i32
        %dma_wait3A_310 = arith.constant 0 : i32
        %dma_wait3A_311 = tpu.memref_slice %arg31[%dma_wait3A_309, %dma_wait3A_310] : memref<128x16xf32, #tpu.memory_space<vmem>> -> memref<64x16xf32, #tpu.memory_space<vmem>>
        %dma_wait3A_312 = arith.constant 0 : i32
        %dma_wait3A_313 = tpu.memref_slice %arg8[%add3A_34, %dma_wait3A_312] : memref<50176x16xf32, #tpu.memory_space<vmem_shared>> -> memref<64x16xf32, #tpu.memory_space<vmem_shared>>
        %dma_wait3A_314 = arith.constant 0 : i32
        %dma_wait3A_315 = tpu.memref_slice %arg8[%add3A_34, %dma_wait3A_314] : memref<50176x16xf32, #tpu.memory_space<vmem_shared>> -> memref<64x16xf32, #tpu.memory_space<vmem_shared>>
        %dma_wait3A_316 = arith.constant 0 : i32
        %dma_wait3A_317 = arith.constant 0 : i32
        %dma_wait3A_318 = tpu.memref_slice %arg31[%dma_wait3A_316, %dma_wait3A_317] : memref<128x16xf32, #tpu.memory_space<vmem>> -> memref<64x16xf32, #tpu.memory_space<vmem>>
        tpu.wait_dma2 semaphore(%run_scoped3A : memref<!tpu.dma_semaphore, #tpu.memory_space<semaphore_mem>>) src(%dma_wait3A_318 : memref<64x16xf32, #tpu.memory_space<vmem>>) dst(%dma_wait3A_315 : memref<64x16xf32, #tpu.memory_space<vmem_shared>>)
        tpu.yield
      }) : () -> ()
      %add3A_35 = arith.constant 3072 : i32
      %add3A_36 = arith.addi %mul3A_2, %add3A_35 : i32
      "tpu.region"() ({
        %run_scoped3A = tpu.sem_alloc : memref<!tpu.dma_semaphore, #tpu.memory_space<semaphore_mem>>
        %dma_start3A_299 = arith.constant 0 : i32
        %dma_start3A_300 = arith.constant 0 : i32
        %dma_start3A_301 = tpu.memref_slice %arg31[%dma_start3A_299, %dma_start3A_300] : memref<128x16xf32, #tpu.memory_space<vmem>> -> memref<64x16xf32, #tpu.memory_space<vmem>>
        %dma_start3A_302 = arith.constant 0 : i32
        %dma_start3A_303 = tpu.memref_slice %arg9[%add3A_36, %dma_start3A_302] : memref<50176x16xf32, #tpu.memory_space<vmem_shared>> -> memref<64x16xf32, #tpu.memory_space<vmem_shared>>
        %dma_start3A_304 = arith.constant 0 : i32
        %dma_start3A_305 = tpu.memref_slice %arg9[%add3A_36, %dma_start3A_304] : memref<50176x16xf32, #tpu.memory_space<vmem_shared>> -> memref<64x16xf32, #tpu.memory_space<vmem_shared>>
        %dma_start3A_306 = arith.constant 0 : i32
        %dma_start3A_307 = arith.constant 0 : i32
        %dma_start3A_308 = tpu.memref_slice %arg31[%dma_start3A_306, %dma_start3A_307] : memref<128x16xf32, #tpu.memory_space<vmem>> -> memref<64x16xf32, #tpu.memory_space<vmem>>
        tpu.enqueue_dma source(%dma_start3A_308 : memref<64x16xf32, #tpu.memory_space<vmem>>) target(%dma_start3A_305 : memref<64x16xf32, #tpu.memory_space<vmem_shared>>) target_semaphore(%run_scoped3A : memref<!tpu.dma_semaphore, #tpu.memory_space<semaphore_mem>>)
        %dma_wait3A_309 = arith.constant 0 : i32
        %dma_wait3A_310 = arith.constant 0 : i32
        %dma_wait3A_311 = tpu.memref_slice %arg31[%dma_wait3A_309, %dma_wait3A_310] : memref<128x16xf32, #tpu.memory_space<vmem>> -> memref<64x16xf32, #tpu.memory_space<vmem>>
        %dma_wait3A_312 = arith.constant 0 : i32
        %dma_wait3A_313 = tpu.memref_slice %arg9[%add3A_36, %dma_wait3A_312] : memref<50176x16xf32, #tpu.memory_space<vmem_shared>> -> memref<64x16xf32, #tpu.memory_space<vmem_shared>>
        %dma_wait3A_314 = arith.constant 0 : i32
        %dma_wait3A_315 = tpu.memref_slice %arg9[%add3A_36, %dma_wait3A_314] : memref<50176x16xf32, #tpu.memory_space<vmem_shared>> -> memref<64x16xf32, #tpu.memory_space<vmem_shared>>
        %dma_wait3A_316 = arith.constant 0 : i32
        %dma_wait3A_317 = arith.constant 0 : i32
        %dma_wait3A_318 = tpu.memref_slice %arg31[%dma_wait3A_316, %dma_wait3A_317] : memref<128x16xf32, #tpu.memory_space<vmem>> -> memref<64x16xf32, #tpu.memory_space<vmem>>
        tpu.wait_dma2 semaphore(%run_scoped3A : memref<!tpu.dma_semaphore, #tpu.memory_space<semaphore_mem>>) src(%dma_wait3A_318 : memref<64x16xf32, #tpu.memory_space<vmem>>) dst(%dma_wait3A_315 : memref<64x16xf32, #tpu.memory_space<vmem_shared>>)
        tpu.yield
      }) : () -> ()
      %barrier3A = arith.constant 0 : index
      tpu.barrier barrier_id(%barrier3A)
      %mul3A_37 = arith.constant 128 : i32
      %mul3A_38 = arith.muli %mul3A_0, %mul3A_37 : i32
      %dma_start3A = tpu.memref_slice %arg2[%mul3A_38] : memref<819200xi32, #tpu.memory_space<hbm>> -> memref<128xi32, #tpu.memory_space<hbm>>
      %dma_start3A_39 = tpu.memref_slice %arg2[%mul3A_38] : memref<819200xi32, #tpu.memory_space<hbm>> -> memref<128xi32, #tpu.memory_space<hbm>>
      tpu.enqueue_dma source(%dma_start3A_39 : memref<128xi32, #tpu.memory_space<hbm>>) target(%arg13 : memref<128xi32, #tpu.memory_space<vmem>>) target_semaphore(%arg35 : memref<!tpu.dma_semaphore, #tpu.memory_space<semaphore_mem>>)
      %dma_start3A_40 = tpu.memref_slice %arg3[%mul3A_38] : memref<819200xi32, #tpu.memory_space<hbm>> -> memref<128xi32, #tpu.memory_space<hbm>>
      %dma_start3A_41 = tpu.memref_slice %arg3[%mul3A_38] : memref<819200xi32, #tpu.memory_space<hbm>> -> memref<128xi32, #tpu.memory_space<hbm>>
      tpu.enqueue_dma source(%dma_start3A_41 : memref<128xi32, #tpu.memory_space<hbm>>) target(%arg15 : memref<128xi32, #tpu.memory_space<vmem>>) target_semaphore(%arg35 : memref<!tpu.dma_semaphore, #tpu.memory_space<semaphore_mem>>)
      %dma_wait3A = arith.constant 0 : i32
      %dma_wait3A_42 = tpu.memref_slice %arg2[%dma_wait3A] : memref<819200xi32, #tpu.memory_space<hbm>> -> memref<128xi32, #tpu.memory_space<hbm>>
      %dma_wait3A_43 = arith.constant 0 : i32
      %dma_wait3A_44 = tpu.memref_slice %arg2[%dma_wait3A_43] : memref<819200xi32, #tpu.memory_space<hbm>> -> memref<128xi32, #tpu.memory_space<hbm>>
      tpu.wait_dma2 semaphore(%arg35 : memref<!tpu.dma_semaphore, #tpu.memory_space<semaphore_mem>>) src(%dma_wait3A_44 : memref<128xi32, #tpu.memory_space<hbm>>) dst(%arg13 : memref<128xi32, #tpu.memory_space<vmem>>)
      %dma_wait3A_45 = arith.constant 0 : i32
      %dma_wait3A_46 = tpu.memref_slice %arg3[%dma_wait3A_45] : memref<819200xi32, #tpu.memory_space<hbm>> -> memref<128xi32, #tpu.memory_space<hbm>>
      %dma_wait3A_47 = arith.constant 0 : i32
      %dma_wait3A_48 = tpu.memref_slice %arg3[%dma_wait3A_47] : memref<819200xi32, #tpu.memory_space<hbm>> -> memref<128xi32, #tpu.memory_space<hbm>>
      tpu.wait_dma2 semaphore(%arg35 : memref<!tpu.dma_semaphore, #tpu.memory_space<semaphore_mem>>) src(%dma_wait3A_48 : memref<128xi32, #tpu.memory_space<hbm>>) dst(%arg15 : memref<128xi32, #tpu.memory_space<vmem>>)
      %get3A = arith.constant 0 : index
      %get3A_49 = tpu.vector_load %arg13[%get3A] {strides = array<i32>} : memref<128xi32, #tpu.memory_space<vmem>>, vector<16xi32>,
      %get3A_50 = vector.shape_cast %get3A_49 : vector<16xi32> to vector<16xi32>
      %get3A_51 = arith.constant 0 : index
      %get3A_52 = tpu.vector_load %arg15[%get3A_51] {strides = array<i32>} : memref<128xi32, #tpu.memory_space<vmem>>, vector<16xi32>,
      %get3A_53 = vector.shape_cast %get3A_52 : vector<16xi32> to vector<16xi32>
      %add3A_54 = vector.broadcast %mul3A_16 : i32 to vector<16xi32>
      %add3A_55 = arith.addi %get3A_50, %add3A_54 : vector<16xi32>
      %swap3A = arith.constant 0 : index
      %swap3A_56 = tpu.vector_load %arg17[%swap3A] {strides = array<i32>} : memref<128xi32, #tpu.memory_space<vmem>>, vector<16xi32>,
      %swap3A_57 = vector.shape_cast %swap3A_56 : vector<16xi32> to vector<16xi32>
      %swap3A_58 = vector.shape_cast %add3A_55 : vector<16xi32> to vector<16xi32>
      tpu.vector_store %arg17[%swap3A], %swap3A_58 {strides = array<i32>} : memref<128xi32, #tpu.memory_space<vmem>>, vector<16xi32>,
      %min3A = arith.constant 49999 : i32
      %min3A_59 = vector.broadcast %min3A : i32 to vector<16xi32>
      %min3A_60 = arith.minsi %get3A_53, %min3A_59 : vector<16xi32>
      %add3A_61 = vector.broadcast %mul3A_16 : i32 to vector<16xi32>
      %add3A_62 = arith.addi %min3A_60, %add3A_61 : vector<16xi32>
      %swap3A_63 = arith.constant 0 : index
      %swap3A_64 = tpu.vector_load %arg19[%swap3A_63] {strides = array<i32>} : memref<128xi32, #tpu.memory_space<vmem>>, vector<16xi32>,
      %swap3A_65 = vector.shape_cast %swap3A_64 : vector<16xi32> to vector<16xi32>
      %swap3A_66 = vector.shape_cast %add3A_62 : vector<16xi32> to vector<16xi32>
      tpu.vector_store %arg19[%swap3A_63], %swap3A_66 {strides = array<i32>} : memref<128xi32, #tpu.memory_space<vmem>>, vector<16xi32>,
      %swap3A_67 = arith.constant 0 : index
      %swap3A_68 = tpu.vector_load %arg21[%swap3A_67] {strides = array<i32>} : memref<128xi32, #tpu.memory_space<vmem>>, vector<16xi32>,
      %swap3A_69 = vector.shape_cast %swap3A_68 : vector<16xi32> to vector<16xi32>
      %swap3A_70 = vector.shape_cast %get3A_53 : vector<16xi32> to vector<16xi32>
      tpu.vector_store %arg21[%swap3A_67], %swap3A_70 {strides = array<i32>} : memref<128xi32, #tpu.memory_space<vmem>>, vector<16xi32>,
      %get3A_71 = arith.constant 16 : index
      %get3A_72 = tpu.vector_load %arg13[%get3A_71] {strides = array<i32>} : memref<128xi32, #tpu.memory_space<vmem>>, vector<16xi32>,
      %get3A_73 = vector.shape_cast %get3A_72 : vector<16xi32> to vector<16xi32>
      %get3A_74 = arith.constant 16 : index
      %get3A_75 = tpu.vector_load %arg15[%get3A_74] {strides = array<i32>} : memref<128xi32, #tpu.memory_space<vmem>>, vector<16xi32>,
      %get3A_76 = vector.shape_cast %get3A_75 : vector<16xi32> to vector<16xi32>
      %add3A_77 = vector.broadcast %mul3A_16 : i32 to vector<16xi32>
      %add3A_78 = arith.addi %get3A_73, %add3A_77 : vector<16xi32>
      %swap3A_79 = arith.constant 16 : index
      %swap3A_80 = tpu.vector_load %arg17[%swap3A_79] {strides = array<i32>} : memref<128xi32, #tpu.memory_space<vmem>>, vector<16xi32>,
      %swap3A_81 = vector.shape_cast %swap3A_80 : vector<16xi32> to vector<16xi32>
      %swap3A_82 = vector.shape_cast %add3A_78 : vector<16xi32> to vector<16xi32>
      tpu.vector_store %arg17[%swap3A_79], %swap3A_82 {strides = array<i32>} : memref<128xi32, #tpu.memory_space<vmem>>, vector<16xi32>,
      %min3A_83 = arith.constant 49999 : i32
      %min3A_84 = vector.broadcast %min3A_83 : i32 to vector<16xi32>
      %min3A_85 = arith.minsi %get3A_76, %min3A_84 : vector<16xi32>
      %add3A_86 = vector.broadcast %mul3A_16 : i32 to vector<16xi32>
      %add3A_87 = arith.addi %min3A_85, %add3A_86 : vector<16xi32>
      %swap3A_88 = arith.constant 16 : index
      %swap3A_89 = tpu.vector_load %arg19[%swap3A_88] {strides = array<i32>} : memref<128xi32, #tpu.memory_space<vmem>>, vector<16xi32>,
      %swap3A_90 = vector.shape_cast %swap3A_89 : vector<16xi32> to vector<16xi32>
      %swap3A_91 = vector.shape_cast %add3A_87 : vector<16xi32> to vector<16xi32>
      tpu.vector_store %arg19[%swap3A_88], %swap3A_91 {strides = array<i32>} : memref<128xi32, #tpu.memory_space<vmem>>, vector<16xi32>,
      %swap3A_92 = arith.constant 16 : index
      %swap3A_93 = tpu.vector_load %arg21[%swap3A_92] {strides = array<i32>} : memref<128xi32, #tpu.memory_space<vmem>>, vector<16xi32>,
      %swap3A_94 = vector.shape_cast %swap3A_93 : vector<16xi32> to vector<16xi32>
      %swap3A_95 = vector.shape_cast %get3A_76 : vector<16xi32> to vector<16xi32>
      tpu.vector_store %arg21[%swap3A_92], %swap3A_95 {strides = array<i32>} : memref<128xi32, #tpu.memory_space<vmem>>, vector<16xi32>,
      %get3A_96 = arith.constant 32 : index
      %get3A_97 = tpu.vector_load %arg13[%get3A_96] {strides = array<i32>} : memref<128xi32, #tpu.memory_space<vmem>>, vector<16xi32>,
      %get3A_98 = vector.shape_cast %get3A_97 : vector<16xi32> to vector<16xi32>
      %get3A_99 = arith.constant 32 : index
      %get3A_100 = tpu.vector_load %arg15[%get3A_99] {strides = array<i32>} : memref<128xi32, #tpu.memory_space<vmem>>, vector<16xi32>,
      %get3A_101 = vector.shape_cast %get3A_100 : vector<16xi32> to vector<16xi32>
      %add3A_102 = vector.broadcast %mul3A_16 : i32 to vector<16xi32>
      %add3A_103 = arith.addi %get3A_98, %add3A_102 : vector<16xi32>
      %swap3A_104 = arith.constant 32 : index
      %swap3A_105 = tpu.vector_load %arg17[%swap3A_104] {strides = array<i32>} : memref<128xi32, #tpu.memory_space<vmem>>, vector<16xi32>,
      %swap3A_106 = vector.shape_cast %swap3A_105 : vector<16xi32> to vector<16xi32>
      %swap3A_107 = vector.shape_cast %add3A_103 : vector<16xi32> to vector<16xi32>
      tpu.vector_store %arg17[%swap3A_104], %swap3A_107 {strides = array<i32>} : memref<128xi32, #tpu.memory_space<vmem>>, vector<16xi32>,
      %min3A_108 = arith.constant 49999 : i32
      %min3A_109 = vector.broadcast %min3A_108 : i32 to vector<16xi32>
      %min3A_110 = arith.minsi %get3A_101, %min3A_109 : vector<16xi32>
      %add3A_111 = vector.broadcast %mul3A_16 : i32 to vector<16xi32>
      %add3A_112 = arith.addi %min3A_110, %add3A_111 : vector<16xi32>
      %swap3A_113 = arith.constant 32 : index
      %swap3A_114 = tpu.vector_load %arg19[%swap3A_113] {strides = array<i32>} : memref<128xi32, #tpu.memory_space<vmem>>, vector<16xi32>,
      %swap3A_115 = vector.shape_cast %swap3A_114 : vector<16xi32> to vector<16xi32>
      %swap3A_116 = vector.shape_cast %add3A_112 : vector<16xi32> to vector<16xi32>
      tpu.vector_store %arg19[%swap3A_113], %swap3A_116 {strides = array<i32>} : memref<128xi32, #tpu.memory_space<vmem>>, vector<16xi32>,
      %swap3A_117 = arith.constant 32 : index
      %swap3A_118 = tpu.vector_load %arg21[%swap3A_117] {strides = array<i32>} : memref<128xi32, #tpu.memory_space<vmem>>, vector<16xi32>,
      %swap3A_119 = vector.shape_cast %swap3A_118 : vector<16xi32> to vector<16xi32>
      %swap3A_120 = vector.shape_cast %get3A_101 : vector<16xi32> to vector<16xi32>
      tpu.vector_store %arg21[%swap3A_117], %swap3A_120 {strides = array<i32>} : memref<128xi32, #tpu.memory_space<vmem>>, vector<16xi32>,
      %get3A_121 = arith.constant 48 : index
      %get3A_122 = tpu.vector_load %arg13[%get3A_121] {strides = array<i32>} : memref<128xi32, #tpu.memory_space<vmem>>, vector<16xi32>,
      %get3A_123 = vector.shape_cast %get3A_122 : vector<16xi32> to vector<16xi32>
      %get3A_124 = arith.constant 48 : index
      %get3A_125 = tpu.vector_load %arg15[%get3A_124] {strides = array<i32>} : memref<128xi32, #tpu.memory_space<vmem>>, vector<16xi32>,
      %get3A_126 = vector.shape_cast %get3A_125 : vector<16xi32> to vector<16xi32>
      %add3A_127 = vector.broadcast %mul3A_16 : i32 to vector<16xi32>
      %add3A_128 = arith.addi %get3A_123, %add3A_127 : vector<16xi32>
      %swap3A_129 = arith.constant 48 : index
      %swap3A_130 = tpu.vector_load %arg17[%swap3A_129] {strides = array<i32>} : memref<128xi32, #tpu.memory_space<vmem>>, vector<16xi32>,
      %swap3A_131 = vector.shape_cast %swap3A_130 : vector<16xi32> to vector<16xi32>
      %swap3A_132 = vector.shape_cast %add3A_128 : vector<16xi32> to vector<16xi32>
      tpu.vector_store %arg17[%swap3A_129], %swap3A_132 {strides = array<i32>} : memref<128xi32, #tpu.memory_space<vmem>>, vector<16xi32>,
      %min3A_133 = arith.constant 49999 : i32
      %min3A_134 = vector.broadcast %min3A_133 : i32 to vector<16xi32>
      %min3A_135 = arith.minsi %get3A_126, %min3A_134 : vector<16xi32>
      %add3A_136 = vector.broadcast %mul3A_16 : i32 to vector<16xi32>
      %add3A_137 = arith.addi %min3A_135, %add3A_136 : vector<16xi32>
      %swap3A_138 = arith.constant 48 : index
      %swap3A_139 = tpu.vector_load %arg19[%swap3A_138] {strides = array<i32>} : memref<128xi32, #tpu.memory_space<vmem>>, vector<16xi32>,
      %swap3A_140 = vector.shape_cast %swap3A_139 : vector<16xi32> to vector<16xi32>
      %swap3A_141 = vector.shape_cast %add3A_137 : vector<16xi32> to vector<16xi32>
      tpu.vector_store %arg19[%swap3A_138], %swap3A_141 {strides = array<i32>} : memref<128xi32, #tpu.memory_space<vmem>>, vector<16xi32>,
      %swap3A_142 = arith.constant 48 : index
      %swap3A_143 = tpu.vector_load %arg21[%swap3A_142] {strides = array<i32>} : memref<128xi32, #tpu.memory_space<vmem>>, vector<16xi32>,
      %swap3A_144 = vector.shape_cast %swap3A_143 : vector<16xi32> to vector<16xi32>
      %swap3A_145 = vector.shape_cast %get3A_126 : vector<16xi32> to vector<16xi32>
      tpu.vector_store %arg21[%swap3A_142], %swap3A_145 {strides = array<i32>} : memref<128xi32, #tpu.memory_space<vmem>>, vector<16xi32>,
      %get3A_146 = arith.constant 64 : index
      %get3A_147 = tpu.vector_load %arg13[%get3A_146] {strides = array<i32>} : memref<128xi32, #tpu.memory_space<vmem>>, vector<16xi32>,
      %get3A_148 = vector.shape_cast %get3A_147 : vector<16xi32> to vector<16xi32>
      %get3A_149 = arith.constant 64 : index
      %get3A_150 = tpu.vector_load %arg15[%get3A_149] {strides = array<i32>} : memref<128xi32, #tpu.memory_space<vmem>>, vector<16xi32>,
      %get3A_151 = vector.shape_cast %get3A_150 : vector<16xi32> to vector<16xi32>
      %add3A_152 = vector.broadcast %mul3A_16 : i32 to vector<16xi32>
      %add3A_153 = arith.addi %get3A_148, %add3A_152 : vector<16xi32>
      %swap3A_154 = arith.constant 64 : index
      %swap3A_155 = tpu.vector_load %arg17[%swap3A_154] {strides = array<i32>} : memref<128xi32, #tpu.memory_space<vmem>>, vector<16xi32>,
      %swap3A_156 = vector.shape_cast %swap3A_155 : vector<16xi32> to vector<16xi32>
      %swap3A_157 = vector.shape_cast %add3A_153 : vector<16xi32> to vector<16xi32>
      tpu.vector_store %arg17[%swap3A_154], %swap3A_157 {strides = array<i32>} : memref<128xi32, #tpu.memory_space<vmem>>, vector<16xi32>,
      %min3A_158 = arith.constant 49999 : i32
      %min3A_159 = vector.broadcast %min3A_158 : i32 to vector<16xi32>
      %min3A_160 = arith.minsi %get3A_151, %min3A_159 : vector<16xi32>
      %add3A_161 = vector.broadcast %mul3A_16 : i32 to vector<16xi32>
      %add3A_162 = arith.addi %min3A_160, %add3A_161 : vector<16xi32>
      %swap3A_163 = arith.constant 64 : index
      %swap3A_164 = tpu.vector_load %arg19[%swap3A_163] {strides = array<i32>} : memref<128xi32, #tpu.memory_space<vmem>>, vector<16xi32>,
      %swap3A_165 = vector.shape_cast %swap3A_164 : vector<16xi32> to vector<16xi32>
      %swap3A_166 = vector.shape_cast %add3A_162 : vector<16xi32> to vector<16xi32>
      tpu.vector_store %arg19[%swap3A_163], %swap3A_166 {strides = array<i32>} : memref<128xi32, #tpu.memory_space<vmem>>, vector<16xi32>,
      %swap3A_167 = arith.constant 64 : index
      %swap3A_168 = tpu.vector_load %arg21[%swap3A_167] {strides = array<i32>} : memref<128xi32, #tpu.memory_space<vmem>>, vector<16xi32>,
      %swap3A_169 = vector.shape_cast %swap3A_168 : vector<16xi32> to vector<16xi32>
      %swap3A_170 = vector.shape_cast %get3A_151 : vector<16xi32> to vector<16xi32>
      tpu.vector_store %arg21[%swap3A_167], %swap3A_170 {strides = array<i32>} : memref<128xi32, #tpu.memory_space<vmem>>, vector<16xi32>,
      %get3A_171 = arith.constant 80 : index
      %get3A_172 = tpu.vector_load %arg13[%get3A_171] {strides = array<i32>} : memref<128xi32, #tpu.memory_space<vmem>>, vector<16xi32>,
      %get3A_173 = vector.shape_cast %get3A_172 : vector<16xi32> to vector<16xi32>
      %get3A_174 = arith.constant 80 : index
      %get3A_175 = tpu.vector_load %arg15[%get3A_174] {strides = array<i32>} : memref<128xi32, #tpu.memory_space<vmem>>, vector<16xi32>,
      %get3A_176 = vector.shape_cast %get3A_175 : vector<16xi32> to vector<16xi32>
      %add3A_177 = vector.broadcast %mul3A_16 : i32 to vector<16xi32>
      %add3A_178 = arith.addi %get3A_173, %add3A_177 : vector<16xi32>
      %swap3A_179 = arith.constant 80 : index
      %swap3A_180 = tpu.vector_load %arg17[%swap3A_179] {strides = array<i32>} : memref<128xi32, #tpu.memory_space<vmem>>, vector<16xi32>,
      %swap3A_181 = vector.shape_cast %swap3A_180 : vector<16xi32> to vector<16xi32>
      %swap3A_182 = vector.shape_cast %add3A_178 : vector<16xi32> to vector<16xi32>
      tpu.vector_store %arg17[%swap3A_179], %swap3A_182 {strides = array<i32>} : memref<128xi32, #tpu.memory_space<vmem>>, vector<16xi32>,
      %min3A_183 = arith.constant 49999 : i32
      %min3A_184 = vector.broadcast %min3A_183 : i32 to vector<16xi32>
      %min3A_185 = arith.minsi %get3A_176, %min3A_184 : vector<16xi32>
      %add3A_186 = vector.broadcast %mul3A_16 : i32 to vector<16xi32>
      %add3A_187 = arith.addi %min3A_185, %add3A_186 : vector<16xi32>
      %swap3A_188 = arith.constant 80 : index
      %swap3A_189 = tpu.vector_load %arg19[%swap3A_188] {strides = array<i32>} : memref<128xi32, #tpu.memory_space<vmem>>, vector<16xi32>,
      %swap3A_190 = vector.shape_cast %swap3A_189 : vector<16xi32> to vector<16xi32>
      %swap3A_191 = vector.shape_cast %add3A_187 : vector<16xi32> to vector<16xi32>
      tpu.vector_store %arg19[%swap3A_188], %swap3A_191 {strides = array<i32>} : memref<128xi32, #tpu.memory_space<vmem>>, vector<16xi32>,
      %swap3A_192 = arith.constant 80 : index
      %swap3A_193 = tpu.vector_load %arg21[%swap3A_192] {strides = array<i32>} : memref<128xi32, #tpu.memory_space<vmem>>, vector<16xi32>,
      %swap3A_194 = vector.shape_cast %swap3A_193 : vector<16xi32> to vector<16xi32>
      %swap3A_195 = vector.shape_cast %get3A_176 : vector<16xi32> to vector<16xi32>
      tpu.vector_store %arg21[%swap3A_192], %swap3A_195 {strides = array<i32>} : memref<128xi32, #tpu.memory_space<vmem>>, vector<16xi32>,
      %get3A_196 = arith.constant 96 : index
      %get3A_197 = tpu.vector_load %arg13[%get3A_196] {strides = array<i32>} : memref<128xi32, #tpu.memory_space<vmem>>, vector<16xi32>,
      %get3A_198 = vector.shape_cast %get3A_197 : vector<16xi32> to vector<16xi32>
      %get3A_199 = arith.constant 96 : index
      %get3A_200 = tpu.vector_load %arg15[%get3A_199] {strides = array<i32>} : memref<128xi32, #tpu.memory_space<vmem>>, vector<16xi32>,
      %get3A_201 = vector.shape_cast %get3A_200 : vector<16xi32> to vector<16xi32>
      %add3A_202 = vector.broadcast %mul3A_16 : i32 to vector<16xi32>
      %add3A_203 = arith.addi %get3A_198, %add3A_202 : vector<16xi32>
      %swap3A_204 = arith.constant 96 : index
      %swap3A_205 = tpu.vector_load %arg17[%swap3A_204] {strides = array<i32>} : memref<128xi32, #tpu.memory_space<vmem>>, vector<16xi32>,
      %swap3A_206 = vector.shape_cast %swap3A_205 : vector<16xi32> to vector<16xi32>
      %swap3A_207 = vector.shape_cast %add3A_203 : vector<16xi32> to vector<16xi32>
      tpu.vector_store %arg17[%swap3A_204], %swap3A_207 {strides = array<i32>} : memref<128xi32, #tpu.memory_space<vmem>>, vector<16xi32>,
      %min3A_208 = arith.constant 49999 : i32
      %min3A_209 = vector.broadcast %min3A_208 : i32 to vector<16xi32>
      %min3A_210 = arith.minsi %get3A_201, %min3A_209 : vector<16xi32>
      %add3A_211 = vector.broadcast %mul3A_16 : i32 to vector<16xi32>
      %add3A_212 = arith.addi %min3A_210, %add3A_211 : vector<16xi32>
      %swap3A_213 = arith.constant 96 : index
      %swap3A_214 = tpu.vector_load %arg19[%swap3A_213] {strides = array<i32>} : memref<128xi32, #tpu.memory_space<vmem>>, vector<16xi32>,
      %swap3A_215 = vector.shape_cast %swap3A_214 : vector<16xi32> to vector<16xi32>
      %swap3A_216 = vector.shape_cast %add3A_212 : vector<16xi32> to vector<16xi32>
      tpu.vector_store %arg19[%swap3A_213], %swap3A_216 {strides = array<i32>} : memref<128xi32, #tpu.memory_space<vmem>>, vector<16xi32>,
      %swap3A_217 = arith.constant 96 : index
      %swap3A_218 = tpu.vector_load %arg21[%swap3A_217] {strides = array<i32>} : memref<128xi32, #tpu.memory_space<vmem>>, vector<16xi32>,
      %swap3A_219 = vector.shape_cast %swap3A_218 : vector<16xi32> to vector<16xi32>
      %swap3A_220 = vector.shape_cast %get3A_201 : vector<16xi32> to vector<16xi32>
      tpu.vector_store %arg21[%swap3A_217], %swap3A_220 {strides = array<i32>} : memref<128xi32, #tpu.memory_space<vmem>>, vector<16xi32>,
      %get3A_221 = arith.constant 112 : index
      %get3A_222 = tpu.vector_load %arg13[%get3A_221] {strides = array<i32>} : memref<128xi32, #tpu.memory_space<vmem>>, vector<16xi32>,
      %get3A_223 = vector.shape_cast %get3A_222 : vector<16xi32> to vector<16xi32>
      %get3A_224 = arith.constant 112 : index
      %get3A_225 = tpu.vector_load %arg15[%get3A_224] {strides = array<i32>} : memref<128xi32, #tpu.memory_space<vmem>>, vector<16xi32>,
      %get3A_226 = vector.shape_cast %get3A_225 : vector<16xi32> to vector<16xi32>
      %add3A_227 = vector.broadcast %mul3A_16 : i32 to vector<16xi32>
      %add3A_228 = arith.addi %get3A_223, %add3A_227 : vector<16xi32>
      %swap3A_229 = arith.constant 112 : index
      %swap3A_230 = tpu.vector_load %arg17[%swap3A_229] {strides = array<i32>} : memref<128xi32, #tpu.memory_space<vmem>>, vector<16xi32>,
      %swap3A_231 = vector.shape_cast %swap3A_230 : vector<16xi32> to vector<16xi32>
      %swap3A_232 = vector.shape_cast %add3A_228 : vector<16xi32> to vector<16xi32>
      tpu.vector_store %arg17[%swap3A_229], %swap3A_232 {strides = array<i32>} : memref<128xi32, #tpu.memory_space<vmem>>, vector<16xi32>,
      %min3A_233 = arith.constant 49999 : i32
      %min3A_234 = vector.broadcast %min3A_233 : i32 to vector<16xi32>
      %min3A_235 = arith.minsi %get3A_226, %min3A_234 : vector<16xi32>
      %add3A_236 = vector.broadcast %mul3A_16 : i32 to vector<16xi32>
      %add3A_237 = arith.addi %min3A_235, %add3A_236 : vector<16xi32>
      %swap3A_238 = arith.constant 112 : index
      %swap3A_239 = tpu.vector_load %arg19[%swap3A_238] {strides = array<i32>} : memref<128xi32, #tpu.memory_space<vmem>>, vector<16xi32>,
      %swap3A_240 = vector.shape_cast %swap3A_239 : vector<16xi32> to vector<16xi32>
      %swap3A_241 = vector.shape_cast %add3A_237 : vector<16xi32> to vector<16xi32>
      tpu.vector_store %arg19[%swap3A_238], %swap3A_241 {strides = array<i32>} : memref<128xi32, #tpu.memory_space<vmem>>, vector<16xi32>,
      %swap3A_242 = arith.constant 112 : index
      %swap3A_243 = tpu.vector_load %arg21[%swap3A_242] {strides = array<i32>} : memref<128xi32, #tpu.memory_space<vmem>>, vector<16xi32>,
      %swap3A_244 = vector.shape_cast %swap3A_243 : vector<16xi32> to vector<16xi32>
      %swap3A_245 = vector.shape_cast %get3A_226 : vector<16xi32> to vector<16xi32>
      tpu.vector_store %arg21[%swap3A_242], %swap3A_245 {strides = array<i32>} : memref<128xi32, #tpu.memory_space<vmem>>, vector<16xi32>,
      %dma_start3A_246 = arith.constant 0 : i32
      %dma_start3A_247 = arith.constant 0 : i32
      %dma_start3A_248 = tpu.memref_slice %arg4[%dma_start3A_246, %dma_start3A_247] : memref<200000x16xf32, #tpu.memory_space<hbm>> -> memref<200000x16xf32, #tpu.memory_space<hbm>>
      tpu.enqueue_indirect_dma source(%dma_start3A_248 : memref<200000x16xf32, #tpu.memory_space<hbm>>) target(%arg25 : memref<128x16xf32, #tpu.memory_space<vmem>>) offsets(%arg17 : memref<128xi32, #tpu.memory_space<vmem>>) semaphore(%arg37 : memref<!tpu.dma_semaphore, #tpu.memory_space<semaphore_mem>>)
      %dma_start3A_249 = arith.constant 0 : i32
      %dma_start3A_250 = arith.constant 0 : i32
      %dma_start3A_251 = tpu.memref_slice %arg5[%dma_start3A_249, %dma_start3A_250] : memref<200000x16xf32, #tpu.memory_space<hbm>> -> memref<200000x16xf32, #tpu.memory_space<hbm>>
      tpu.enqueue_indirect_dma source(%dma_start3A_251 : memref<200000x16xf32, #tpu.memory_space<hbm>>) target(%arg27 : memref<128x16xf32, #tpu.memory_space<vmem>>) offsets(%arg19 : memref<128xi32, #tpu.memory_space<vmem>>) semaphore(%arg37 : memref<!tpu.dma_semaphore, #tpu.memory_space<semaphore_mem>>)
      %dma_start3A_252 = arith.constant 0 : i32
      %dma_start3A_253 = arith.constant 0 : i32
      %dma_start3A_254 = tpu.memref_slice %arg6[%dma_start3A_252, %dma_start3A_253] : memref<200000x16xf32, #tpu.memory_space<hbm>> -> memref<200000x16xf32, #tpu.memory_space<hbm>>
      tpu.enqueue_indirect_dma source(%dma_start3A_254 : memref<200000x16xf32, #tpu.memory_space<hbm>>) target(%arg29 : memref<128x16xf32, #tpu.memory_space<vmem>>) offsets(%arg17 : memref<128xi32, #tpu.memory_space<vmem>>) semaphore(%arg37 : memref<!tpu.dma_semaphore, #tpu.memory_space<semaphore_mem>>)
      %add3A_255 = arith.constant 1 : i32
      %add3A_256 = arith.addi %mul3A_0, %add3A_255 : i32
      %mul3A_257 = arith.constant 128 : i32
      %mul3A_258 = arith.muli %add3A_256, %mul3A_257 : i32
      %dma_start3A_259 = tpu.memref_slice %arg2[%mul3A_258] : memref<819200xi32, #tpu.memory_space<hbm>> -> memref<128xi32, #tpu.memory_space<hbm>>
      %dma_start3A_260 = tpu.memref_slice %arg2[%mul3A_258] : memref<819200xi32, #tpu.memory_space<hbm>> -> memref<128xi32, #tpu.memory_space<hbm>>
      tpu.enqueue_dma source(%dma_start3A_260 : memref<128xi32, #tpu.memory_space<hbm>>) target(%arg14 : memref<128xi32, #tpu.memory_space<vmem>>) target_semaphore(%arg36 : memref<!tpu.dma_semaphore, #tpu.memory_space<semaphore_mem>>)
      %dma_start3A_261 = tpu.memref_slice %arg3[%mul3A_258] : memref<819200xi32, #tpu.memory_space<hbm>> -> memref<128xi32, #tpu.memory_space<hbm>>
      %dma_start3A_262 = tpu.memref_slice %arg3[%mul3A_258] : memref<819200xi32, #tpu.memory_space<hbm>> -> memref<128xi32, #tpu.memory_space<hbm>>
      tpu.enqueue_dma source(%dma_start3A_262 : memref<128xi32, #tpu.memory_space<hbm>>) target(%arg16 : memref<128xi32, #tpu.memory_space<vmem>>) target_semaphore(%arg36 : memref<!tpu.dma_semaphore, #tpu.memory_space<semaphore_mem>>)
      %scan3A_263 = arith.constant 0 : i32
      %scan3A_264 = arith.constant 0 : i32
      %scan3A_265 = arith.constant 200 : i32
      %scan3A_266 = arith.addi %scan3A_264, %scan3A_265 : i32
      %scan3A_267 = arith.constant 1 : i32
      scf.for %scan3A_299 = %scan3A_264 to %scan3A_266 step %scan3A_267  : i32 {
        %mul3A_300 = arith.constant 2 : i32
        %mul3A_301 = arith.muli %scan3A_299, %mul3A_300 : i32
        %add3A_302 = arith.constant 2 : i32
        %add3A_303 = arith.addi %mul3A_301, %add3A_302 : i32
        %lt3A = arith.constant 400 : i32
        %lt3A_304 = arith.cmpi slt, %add3A_303, %lt3A : i32
        %convert_element_type3A = arith.extui %lt3A_304 : i1 to i32
        %cond3A = arith.constant 0 : i32
        %cond3A_305 = arith.cmpi ne, %convert_element_type3A, %cond3A : i32
        scf.if %cond3A_305 {
          %add3A_496 = arith.addi %mul3A_0, %mul3A_301 : i32
          %add3A_497 = arith.constant 2 : i32
          %add3A_498 = arith.addi %add3A_496, %add3A_497 : i32
          %mul3A_499 = arith.constant 128 : i32
          %mul3A_500 = arith.muli %add3A_498, %mul3A_499 : i32
          %dma_start3A_501 = tpu.memref_slice %arg2[%mul3A_500] : memref<819200xi32, #tpu.memory_space<hbm>> -> memref<128xi32, #tpu.memory_space<hbm>>
          %dma_start3A_502 = tpu.memref_slice %arg2[%mul3A_500] : memref<819200xi32, #tpu.memory_space<hbm>> -> memref<128xi32, #tpu.memory_space<hbm>>
          tpu.enqueue_dma source(%dma_start3A_502 : memref<128xi32, #tpu.memory_space<hbm>>) target(%arg13 : memref<128xi32, #tpu.memory_space<vmem>>) target_semaphore(%arg35 : memref<!tpu.dma_semaphore, #tpu.memory_space<semaphore_mem>>)
          %dma_start3A_503 = tpu.memref_slice %arg3[%mul3A_500] : memref<819200xi32, #tpu.memory_space<hbm>> -> memref<128xi32, #tpu.memory_space<hbm>>
          %dma_start3A_504 = tpu.memref_slice %arg3[%mul3A_500] : memref<819200xi32, #tpu.memory_space<hbm>> -> memref<128xi32, #tpu.memory_space<hbm>>
          tpu.enqueue_dma source(%dma_start3A_504 : memref<128xi32, #tpu.memory_space<hbm>>) target(%arg15 : memref<128xi32, #tpu.memory_space<vmem>>) target_semaphore(%arg35 : memref<!tpu.dma_semaphore, #tpu.memory_space<semaphore_mem>>)
        } else {
        }
        %add3A_306 = arith.constant 1 : i32
        %add3A_307 = arith.addi %mul3A_301, %add3A_306 : i32
        %lt3A_308 = arith.constant 400 : i32
        %lt3A_309 = arith.cmpi slt, %add3A_307, %lt3A_308 : i32
        %convert_element_type3A_310 = arith.extui %lt3A_309 : i1 to i32
        %cond3A_311 = arith.constant 0 : i32
        %cond3A_312 = arith.cmpi ne, %convert_element_type3A_310, %cond3A_311 : i32
        scf.if %cond3A_312 {
          %dma_wait3A_496 = arith.constant 0 : i32
          %dma_wait3A_497 = tpu.memref_slice %arg2[%dma_wait3A_496] : memref<819200xi32, #tpu.memory_space<hbm>> -> memref<128xi32, #tpu.memory_space<hbm>>
          %dma_wait3A_498 = arith.constant 0 : i32
          %dma_wait3A_499 = tpu.memref_slice %arg2[%dma_wait3A_498] : memref<819200xi32, #tpu.memory_space<hbm>> -> memref<128xi32, #tpu.memory_space<hbm>>
          tpu.wait_dma2 semaphore(%arg36 : memref<!tpu.dma_semaphore, #tpu.memory_space<semaphore_mem>>) src(%dma_wait3A_499 : memref<128xi32, #tpu.memory_space<hbm>>) dst(%arg14 : memref<128xi32, #tpu.memory_space<vmem>>)
          %dma_wait3A_500 = arith.constant 0 : i32
          %dma_wait3A_501 = tpu.memref_slice %arg3[%dma_wait3A_500] : memref<819200xi32, #tpu.memory_space<hbm>> -> memref<128xi32, #tpu.memory_space<hbm>>
          %dma_wait3A_502 = arith.constant 0 : i32
          %dma_wait3A_503 = tpu.memref_slice %arg3[%dma_wait3A_502] : memref<819200xi32, #tpu.memory_space<hbm>> -> memref<128xi32, #tpu.memory_space<hbm>>
          tpu.wait_dma2 semaphore(%arg36 : memref<!tpu.dma_semaphore, #tpu.memory_space<semaphore_mem>>) src(%dma_wait3A_503 : memref<128xi32, #tpu.memory_space<hbm>>) dst(%arg16 : memref<128xi32, #tpu.memory_space<vmem>>)
          %get3A_504 = arith.constant 0 : index
          %get3A_505 = tpu.vector_load %arg14[%get3A_504] {strides = array<i32>} : memref<128xi32, #tpu.memory_space<vmem>>, vector<16xi32>,
          %get3A_506 = vector.shape_cast %get3A_505 : vector<16xi32> to vector<16xi32>
          %get3A_507 = arith.constant 0 : index
          %get3A_508 = tpu.vector_load %arg16[%get3A_507] {strides = array<i32>} : memref<128xi32, #tpu.memory_space<vmem>>, vector<16xi32>,
          %get3A_509 = vector.shape_cast %get3A_508 : vector<16xi32> to vector<16xi32>
          %add3A_510 = vector.broadcast %mul3A_16 : i32 to vector<16xi32>
          %add3A_511 = arith.addi %get3A_506, %add3A_510 : vector<16xi32>
          %swap3A_512 = arith.constant 0 : index
          %swap3A_513 = tpu.vector_load %arg18[%swap3A_512] {strides = array<i32>} : memref<128xi32, #tpu.memory_space<vmem>>, vector<16xi32>,
          %swap3A_514 = vector.shape_cast %swap3A_513 : vector<16xi32> to vector<16xi32>
          %swap3A_515 = vector.shape_cast %add3A_511 : vector<16xi32> to vector<16xi32>
          tpu.vector_store %arg18[%swap3A_512], %swap3A_515 {strides = array<i32>} : memref<128xi32, #tpu.memory_space<vmem>>, vector<16xi32>,
          %min3A_516 = arith.constant 49999 : i32
          %min3A_517 = vector.broadcast %min3A_516 : i32 to vector<16xi32>
          %min3A_518 = arith.minsi %get3A_509, %min3A_517 : vector<16xi32>
          %add3A_519 = vector.broadcast %mul3A_16 : i32 to vector<16xi32>
          %add3A_520 = arith.addi %min3A_518, %add3A_519 : vector<16xi32>
          %swap3A_521 = arith.constant 0 : index
          %swap3A_522 = tpu.vector_load %arg20[%swap3A_521] {strides = array<i32>} : memref<128xi32, #tpu.memory_space<vmem>>, vector<16xi32>,
          %swap3A_523 = vector.shape_cast %swap3A_522 : vector<16xi32> to vector<16xi32>
          %swap3A_524 = vector.shape_cast %add3A_520 : vector<16xi32> to vector<16xi32>
          tpu.vector_store %arg20[%swap3A_521], %swap3A_524 {strides = array<i32>} : memref<128xi32, #tpu.memory_space<vmem>>, vector<16xi32>,
          %swap3A_525 = arith.constant 0 : index
          %swap3A_526 = tpu.vector_load %arg22[%swap3A_525] {strides = array<i32>} : memref<128xi32, #tpu.memory_space<vmem>>, vector<16xi32>,
          %swap3A_527 = vector.shape_cast %swap3A_526 : vector<16xi32> to vector<16xi32>
          %swap3A_528 = vector.shape_cast %get3A_509 : vector<16xi32> to vector<16xi32>
          tpu.vector_store %arg22[%swap3A_525], %swap3A_528 {strides = array<i32>} : memref<128xi32, #tpu.memory_space<vmem>>, vector<16xi32>,
          %get3A_529 = arith.constant 16 : index
          %get3A_530 = tpu.vector_load %arg14[%get3A_529] {strides = array<i32>} : memref<128xi32, #tpu.memory_space<vmem>>, vector<16xi32>,
          %get3A_531 = vector.shape_cast %get3A_530 : vector<16xi32> to vector<16xi32>
          %get3A_532 = arith.constant 16 : index
          %get3A_533 = tpu.vector_load %arg16[%get3A_532] {strides = array<i32>} : memref<128xi32, #tpu.memory_space<vmem>>, vector<16xi32>,
          %get3A_534 = vector.shape_cast %get3A_533 : vector<16xi32> to vector<16xi32>
          %add3A_535 = vector.broadcast %mul3A_16 : i32 to vector<16xi32>
          %add3A_536 = arith.addi %get3A_531, %add3A_535 : vector<16xi32>
          %swap3A_537 = arith.constant 16 : index
          %swap3A_538 = tpu.vector_load %arg18[%swap3A_537] {strides = array<i32>} : memref<128xi32, #tpu.memory_space<vmem>>, vector<16xi32>,
          %swap3A_539 = vector.shape_cast %swap3A_538 : vector<16xi32> to vector<16xi32>
          %swap3A_540 = vector.shape_cast %add3A_536 : vector<16xi32> to vector<16xi32>
          tpu.vector_store %arg18[%swap3A_537], %swap3A_540 {strides = array<i32>} : memref<128xi32, #tpu.memory_space<vmem>>, vector<16xi32>,
          %min3A_541 = arith.constant 49999 : i32
          %min3A_542 = vector.broadcast %min3A_541 : i32 to vector<16xi32>
          %min3A_543 = arith.minsi %get3A_534, %min3A_542 : vector<16xi32>
          %add3A_544 = vector.broadcast %mul3A_16 : i32 to vector<16xi32>
          %add3A_545 = arith.addi %min3A_543, %add3A_544 : vector<16xi32>
          %swap3A_546 = arith.constant 16 : index
          %swap3A_547 = tpu.vector_load %arg20[%swap3A_546] {strides = array<i32>} : memref<128xi32, #tpu.memory_space<vmem>>, vector<16xi32>,
          %swap3A_548 = vector.shape_cast %swap3A_547 : vector<16xi32> to vector<16xi32>
          %swap3A_549 = vector.shape_cast %add3A_545 : vector<16xi32> to vector<16xi32>
          tpu.vector_store %arg20[%swap3A_546], %swap3A_549 {strides = array<i32>} : memref<128xi32, #tpu.memory_space<vmem>>, vector<16xi32>,
          %swap3A_550 = arith.constant 16 : index
          %swap3A_551 = tpu.vector_load %arg22[%swap3A_550] {strides = array<i32>} : memref<128xi32, #tpu.memory_space<vmem>>, vector<16xi32>,
          %swap3A_552 = vector.shape_cast %swap3A_551 : vector<16xi32> to vector<16xi32>
          %swap3A_553 = vector.shape_cast %get3A_534 : vector<16xi32> to vector<16xi32>
          tpu.vector_store %arg22[%swap3A_550], %swap3A_553 {strides = array<i32>} : memref<128xi32, #tpu.memory_space<vmem>>, vector<16xi32>,
          %get3A_554 = arith.constant 32 : index
          %get3A_555 = tpu.vector_load %arg14[%get3A_554] {strides = array<i32>} : memref<128xi32, #tpu.memory_space<vmem>>, vector<16xi32>,
          %get3A_556 = vector.shape_cast %get3A_555 : vector<16xi32> to vector<16xi32>
          %get3A_557 = arith.constant 32 : index
          %get3A_558 = tpu.vector_load %arg16[%get3A_557] {strides = array<i32>} : memref<128xi32, #tpu.memory_space<vmem>>, vector<16xi32>,
          %get3A_559 = vector.shape_cast %get3A_558 : vector<16xi32> to vector<16xi32>
          %add3A_560 = vector.broadcast %mul3A_16 : i32 to vector<16xi32>
          %add3A_561 = arith.addi %get3A_556, %add3A_560 : vector<16xi32>
          %swap3A_562 = arith.constant 32 : index
          %swap3A_563 = tpu.vector_load %arg18[%swap3A_562] {strides = array<i32>} : memref<128xi32, #tpu.memory_space<vmem>>, vector<16xi32>,
          %swap3A_564 = vector.shape_cast %swap3A_563 : vector<16xi32> to vector<16xi32>
          %swap3A_565 = vector.shape_cast %add3A_561 : vector<16xi32> to vector<16xi32>
          tpu.vector_store %arg18[%swap3A_562], %swap3A_565 {strides = array<i32>} : memref<128xi32, #tpu.memory_space<vmem>>, vector<16xi32>,
          %min3A_566 = arith.constant 49999 : i32
          %min3A_567 = vector.broadcast %min3A_566 : i32 to vector<16xi32>
          %min3A_568 = arith.minsi %get3A_559, %min3A_567 : vector<16xi32>
          %add3A_569 = vector.broadcast %mul3A_16 : i32 to vector<16xi32>
          %add3A_570 = arith.addi %min3A_568, %add3A_569 : vector<16xi32>
          %swap3A_571 = arith.constant 32 : index
          %swap3A_572 = tpu.vector_load %arg20[%swap3A_571] {strides = array<i32>} : memref<128xi32, #tpu.memory_space<vmem>>, vector<16xi32>,
          %swap3A_573 = vector.shape_cast %swap3A_572 : vector<16xi32> to vector<16xi32>
          %swap3A_574 = vector.shape_cast %add3A_570 : vector<16xi32> to vector<16xi32>
          tpu.vector_store %arg20[%swap3A_571], %swap3A_574 {strides = array<i32>} : memref<128xi32, #tpu.memory_space<vmem>>, vector<16xi32>,
          %swap3A_575 = arith.constant 32 : index
          %swap3A_576 = tpu.vector_load %arg22[%swap3A_575] {strides = array<i32>} : memref<128xi32, #tpu.memory_space<vmem>>, vector<16xi32>,
          %swap3A_577 = vector.shape_cast %swap3A_576 : vector<16xi32> to vector<16xi32>
          %swap3A_578 = vector.shape_cast %get3A_559 : vector<16xi32> to vector<16xi32>
          tpu.vector_store %arg22[%swap3A_575], %swap3A_578 {strides = array<i32>} : memref<128xi32, #tpu.memory_space<vmem>>, vector<16xi32>,
          %get3A_579 = arith.constant 48 : index
          %get3A_580 = tpu.vector_load %arg14[%get3A_579] {strides = array<i32>} : memref<128xi32, #tpu.memory_space<vmem>>, vector<16xi32>,
          %get3A_581 = vector.shape_cast %get3A_580 : vector<16xi32> to vector<16xi32>
          %get3A_582 = arith.constant 48 : index
          %get3A_583 = tpu.vector_load %arg16[%get3A_582] {strides = array<i32>} : memref<128xi32, #tpu.memory_space<vmem>>, vector<16xi32>,
          %get3A_584 = vector.shape_cast %get3A_583 : vector<16xi32> to vector<16xi32>
          %add3A_585 = vector.broadcast %mul3A_16 : i32 to vector<16xi32>
          %add3A_586 = arith.addi %get3A_581, %add3A_585 : vector<16xi32>
          %swap3A_587 = arith.constant 48 : index
          %swap3A_588 = tpu.vector_load %arg18[%swap3A_587] {strides = array<i32>} : memref<128xi32, #tpu.memory_space<vmem>>, vector<16xi32>,
          %swap3A_589 = vector.shape_cast %swap3A_588 : vector<16xi32> to vector<16xi32>
          %swap3A_590 = vector.shape_cast %add3A_586 : vector<16xi32> to vector<16xi32>
          tpu.vector_store %arg18[%swap3A_587], %swap3A_590 {strides = array<i32>} : memref<128xi32, #tpu.memory_space<vmem>>, vector<16xi32>,
          %min3A_591 = arith.constant 49999 : i32
          %min3A_592 = vector.broadcast %min3A_591 : i32 to vector<16xi32>
          %min3A_593 = arith.minsi %get3A_584, %min3A_592 : vector<16xi32>
          %add3A_594 = vector.broadcast %mul3A_16 : i32 to vector<16xi32>
          %add3A_595 = arith.addi %min3A_593, %add3A_594 : vector<16xi32>
          %swap3A_596 = arith.constant 48 : index
          %swap3A_597 = tpu.vector_load %arg20[%swap3A_596] {strides = array<i32>} : memref<128xi32, #tpu.memory_space<vmem>>, vector<16xi32>,
          %swap3A_598 = vector.shape_cast %swap3A_597 : vector<16xi32> to vector<16xi32>
          %swap3A_599 = vector.shape_cast %add3A_595 : vector<16xi32> to vector<16xi32>
          tpu.vector_store %arg20[%swap3A_596], %swap3A_599 {strides = array<i32>} : memref<128xi32, #tpu.memory_space<vmem>>, vector<16xi32>,
          %swap3A_600 = arith.constant 48 : index
          %swap3A_601 = tpu.vector_load %arg22[%swap3A_600] {strides = array<i32>} : memref<128xi32, #tpu.memory_space<vmem>>, vector<16xi32>,
          %swap3A_602 = vector.shape_cast %swap3A_601 : vector<16xi32> to vector<16xi32>
          %swap3A_603 = vector.shape_cast %get3A_584 : vector<16xi32> to vector<16xi32>
          tpu.vector_store %arg22[%swap3A_600], %swap3A_603 {strides = array<i32>} : memref<128xi32, #tpu.memory_space<vmem>>, vector<16xi32>,
          %get3A_604 = arith.constant 64 : index
          %get3A_605 = tpu.vector_load %arg14[%get3A_604] {strides = array<i32>} : memref<128xi32, #tpu.memory_space<vmem>>, vector<16xi32>,
          %get3A_606 = vector.shape_cast %get3A_605 : vector<16xi32> to vector<16xi32>
          %get3A_607 = arith.constant 64 : index
          %get3A_608 = tpu.vector_load %arg16[%get3A_607] {strides = array<i32>} : memref<128xi32, #tpu.memory_space<vmem>>, vector<16xi32>,
          %get3A_609 = vector.shape_cast %get3A_608 : vector<16xi32> to vector<16xi32>
          %add3A_610 = vector.broadcast %mul3A_16 : i32 to vector<16xi32>
          %add3A_611 = arith.addi %get3A_606, %add3A_610 : vector<16xi32>
          %swap3A_612 = arith.constant 64 : index
          %swap3A_613 = tpu.vector_load %arg18[%swap3A_612] {strides = array<i32>} : memref<128xi32, #tpu.memory_space<vmem>>, vector<16xi32>,
          %swap3A_614 = vector.shape_cast %swap3A_613 : vector<16xi32> to vector<16xi32>
          %swap3A_615 = vector.shape_cast %add3A_611 : vector<16xi32> to vector<16xi32>
          tpu.vector_store %arg18[%swap3A_612], %swap3A_615 {strides = array<i32>} : memref<128xi32, #tpu.memory_space<vmem>>, vector<16xi32>,
          %min3A_616 = arith.constant 49999 : i32
          %min3A_617 = vector.broadcast %min3A_616 : i32 to vector<16xi32>
          %min3A_618 = arith.minsi %get3A_609, %min3A_617 : vector<16xi32>
          %add3A_619 = vector.broadcast %mul3A_16 : i32 to vector<16xi32>
          %add3A_620 = arith.addi %min3A_618, %add3A_619 : vector<16xi32>
          %swap3A_621 = arith.constant 64 : index
          %swap3A_622 = tpu.vector_load %arg20[%swap3A_621] {strides = array<i32>} : memref<128xi32, #tpu.memory_space<vmem>>, vector<16xi32>,
          %swap3A_623 = vector.shape_cast %swap3A_622 : vector<16xi32> to vector<16xi32>
          %swap3A_624 = vector.shape_cast %add3A_620 : vector<16xi32> to vector<16xi32>
          tpu.vector_store %arg20[%swap3A_621], %swap3A_624 {strides = array<i32>} : memref<128xi32, #tpu.memory_space<vmem>>, vector<16xi32>,
          %swap3A_625 = arith.constant 64 : index
          %swap3A_626 = tpu.vector_load %arg22[%swap3A_625] {strides = array<i32>} : memref<128xi32, #tpu.memory_space<vmem>>, vector<16xi32>,
          %swap3A_627 = vector.shape_cast %swap3A_626 : vector<16xi32> to vector<16xi32>
          %swap3A_628 = vector.shape_cast %get3A_609 : vector<16xi32> to vector<16xi32>
          tpu.vector_store %arg22[%swap3A_625], %swap3A_628 {strides = array<i32>} : memref<128xi32, #tpu.memory_space<vmem>>, vector<16xi32>,
          %get3A_629 = arith.constant 80 : index
          %get3A_630 = tpu.vector_load %arg14[%get3A_629] {strides = array<i32>} : memref<128xi32, #tpu.memory_space<vmem>>, vector<16xi32>,
          %get3A_631 = vector.shape_cast %get3A_630 : vector<16xi32> to vector<16xi32>
          %get3A_632 = arith.constant 80 : index
          %get3A_633 = tpu.vector_load %arg16[%get3A_632] {strides = array<i32>} : memref<128xi32, #tpu.memory_space<vmem>>, vector<16xi32>,
          %get3A_634 = vector.shape_cast %get3A_633 : vector<16xi32> to vector<16xi32>
          %add3A_635 = vector.broadcast %mul3A_16 : i32 to vector<16xi32>
          %add3A_636 = arith.addi %get3A_631, %add3A_635 : vector<16xi32>
          %swap3A_637 = arith.constant 80 : index
          %swap3A_638 = tpu.vector_load %arg18[%swap3A_637] {strides = array<i32>} : memref<128xi32, #tpu.memory_space<vmem>>, vector<16xi32>,
          %swap3A_639 = vector.shape_cast %swap3A_638 : vector<16xi32> to vector<16xi32>
          %swap3A_640 = vector.shape_cast %add3A_636 : vector<16xi32> to vector<16xi32>
          tpu.vector_store %arg18[%swap3A_637], %swap3A_640 {strides = array<i32>} : memref<128xi32, #tpu.memory_space<vmem>>, vector<16xi32>,
          %min3A_641 = arith.constant 49999 : i32
          %min3A_642 = vector.broadcast %min3A_641 : i32 to vector<16xi32>
          %min3A_643 = arith.minsi %get3A_634, %min3A_642 : vector<16xi32>
          %add3A_644 = vector.broadcast %mul3A_16 : i32 to vector<16xi32>
          %add3A_645 = arith.addi %min3A_643, %add3A_644 : vector<16xi32>
          %swap3A_646 = arith.constant 80 : index
          %swap3A_647 = tpu.vector_load %arg20[%swap3A_646] {strides = array<i32>} : memref<128xi32, #tpu.memory_space<vmem>>, vector<16xi32>,
          %swap3A_648 = vector.shape_cast %swap3A_647 : vector<16xi32> to vector<16xi32>
          %swap3A_649 = vector.shape_cast %add3A_645 : vector<16xi32> to vector<16xi32>
          tpu.vector_store %arg20[%swap3A_646], %swap3A_649 {strides = array<i32>} : memref<128xi32, #tpu.memory_space<vmem>>, vector<16xi32>,
          %swap3A_650 = arith.constant 80 : index
          %swap3A_651 = tpu.vector_load %arg22[%swap3A_650] {strides = array<i32>} : memref<128xi32, #tpu.memory_space<vmem>>, vector<16xi32>,
          %swap3A_652 = vector.shape_cast %swap3A_651 : vector<16xi32> to vector<16xi32>
          %swap3A_653 = vector.shape_cast %get3A_634 : vector<16xi32> to vector<16xi32>
          tpu.vector_store %arg22[%swap3A_650], %swap3A_653 {strides = array<i32>} : memref<128xi32, #tpu.memory_space<vmem>>, vector<16xi32>,
          %get3A_654 = arith.constant 96 : index
          %get3A_655 = tpu.vector_load %arg14[%get3A_654] {strides = array<i32>} : memref<128xi32, #tpu.memory_space<vmem>>, vector<16xi32>,
          %get3A_656 = vector.shape_cast %get3A_655 : vector<16xi32> to vector<16xi32>
          %get3A_657 = arith.constant 96 : index
          %get3A_658 = tpu.vector_load %arg16[%get3A_657] {strides = array<i32>} : memref<128xi32, #tpu.memory_space<vmem>>, vector<16xi32>,
          %get3A_659 = vector.shape_cast %get3A_658 : vector<16xi32> to vector<16xi32>
          %add3A_660 = vector.broadcast %mul3A_16 : i32 to vector<16xi32>
          %add3A_661 = arith.addi %get3A_656, %add3A_660 : vector<16xi32>
          %swap3A_662 = arith.constant 96 : index
          %swap3A_663 = tpu.vector_load %arg18[%swap3A_662] {strides = array<i32>} : memref<128xi32, #tpu.memory_space<vmem>>, vector<16xi32>,
          %swap3A_664 = vector.shape_cast %swap3A_663 : vector<16xi32> to vector<16xi32>
          %swap3A_665 = vector.shape_cast %add3A_661 : vector<16xi32> to vector<16xi32>
          tpu.vector_store %arg18[%swap3A_662], %swap3A_665 {strides = array<i32>} : memref<128xi32, #tpu.memory_space<vmem>>, vector<16xi32>,
          %min3A_666 = arith.constant 49999 : i32
          %min3A_667 = vector.broadcast %min3A_666 : i32 to vector<16xi32>
          %min3A_668 = arith.minsi %get3A_659, %min3A_667 : vector<16xi32>
          %add3A_669 = vector.broadcast %mul3A_16 : i32 to vector<16xi32>
          %add3A_670 = arith.addi %min3A_668, %add3A_669 : vector<16xi32>
          %swap3A_671 = arith.constant 96 : index
          %swap3A_672 = tpu.vector_load %arg20[%swap3A_671] {strides = array<i32>} : memref<128xi32, #tpu.memory_space<vmem>>, vector<16xi32>,
          %swap3A_673 = vector.shape_cast %swap3A_672 : vector<16xi32> to vector<16xi32>
          %swap3A_674 = vector.shape_cast %add3A_670 : vector<16xi32> to vector<16xi32>
          tpu.vector_store %arg20[%swap3A_671], %swap3A_674 {strides = array<i32>} : memref<128xi32, #tpu.memory_space<vmem>>, vector<16xi32>,
          %swap3A_675 = arith.constant 96 : index
          %swap3A_676 = tpu.vector_load %arg22[%swap3A_675] {strides = array<i32>} : memref<128xi32, #tpu.memory_space<vmem>>, vector<16xi32>,
          %swap3A_677 = vector.shape_cast %swap3A_676 : vector<16xi32> to vector<16xi32>
          %swap3A_678 = vector.shape_cast %get3A_659 : vector<16xi32> to vector<16xi32>
          tpu.vector_store %arg22[%swap3A_675], %swap3A_678 {strides = array<i32>} : memref<128xi32, #tpu.memory_space<vmem>>, vector<16xi32>,
          %get3A_679 = arith.constant 112 : index
          %get3A_680 = tpu.vector_load %arg14[%get3A_679] {strides = array<i32>} : memref<128xi32, #tpu.memory_space<vmem>>, vector<16xi32>,
          %get3A_681 = vector.shape_cast %get3A_680 : vector<16xi32> to vector<16xi32>
          %get3A_682 = arith.constant 112 : index
          %get3A_683 = tpu.vector_load %arg16[%get3A_682] {strides = array<i32>} : memref<128xi32, #tpu.memory_space<vmem>>, vector<16xi32>,
          %get3A_684 = vector.shape_cast %get3A_683 : vector<16xi32> to vector<16xi32>
          %add3A_685 = vector.broadcast %mul3A_16 : i32 to vector<16xi32>
          %add3A_686 = arith.addi %get3A_681, %add3A_685 : vector<16xi32>
          %swap3A_687 = arith.constant 112 : index
          %swap3A_688 = tpu.vector_load %arg18[%swap3A_687] {strides = array<i32>} : memref<128xi32, #tpu.memory_space<vmem>>, vector<16xi32>,
          %swap3A_689 = vector.shape_cast %swap3A_688 : vector<16xi32> to vector<16xi32>
          %swap3A_690 = vector.shape_cast %add3A_686 : vector<16xi32> to vector<16xi32>
          tpu.vector_store %arg18[%swap3A_687], %swap3A_690 {strides = array<i32>} : memref<128xi32, #tpu.memory_space<vmem>>, vector<16xi32>,
          %min3A_691 = arith.constant 49999 : i32
          %min3A_692 = vector.broadcast %min3A_691 : i32 to vector<16xi32>
          %min3A_693 = arith.minsi %get3A_684, %min3A_692 : vector<16xi32>
          %add3A_694 = vector.broadcast %mul3A_16 : i32 to vector<16xi32>
          %add3A_695 = arith.addi %min3A_693, %add3A_694 : vector<16xi32>
          %swap3A_696 = arith.constant 112 : index
          %swap3A_697 = tpu.vector_load %arg20[%swap3A_696] {strides = array<i32>} : memref<128xi32, #tpu.memory_space<vmem>>, vector<16xi32>,
          %swap3A_698 = vector.shape_cast %swap3A_697 : vector<16xi32> to vector<16xi32>
          %swap3A_699 = vector.shape_cast %add3A_695 : vector<16xi32> to vector<16xi32>
          tpu.vector_store %arg20[%swap3A_696], %swap3A_699 {strides = array<i32>} : memref<128xi32, #tpu.memory_space<vmem>>, vector<16xi32>,
          %swap3A_700 = arith.constant 112 : index
          %swap3A_701 = tpu.vector_load %arg22[%swap3A_700] {strides = array<i32>} : memref<128xi32, #tpu.memory_space<vmem>>, vector<16xi32>,
          %swap3A_702 = vector.shape_cast %swap3A_701 : vector<16xi32> to vector<16xi32>
          %swap3A_703 = vector.shape_cast %get3A_684 : vector<16xi32> to vector<16xi32>
          tpu.vector_store %arg22[%swap3A_700], %swap3A_703 {strides = array<i32>} : memref<128xi32, #tpu.memory_space<vmem>>, vector<16xi32>,
          %dma_start3A_704 = arith.constant 0 : i32
          %dma_start3A_705 = arith.constant 0 : i32
          %dma_start3A_706 = tpu.memref_slice %arg4[%dma_start3A_704, %dma_start3A_705] : memref<200000x16xf32, #tpu.memory_space<hbm>> -> memref<200000x16xf32, #tpu.memory_space<hbm>>
          tpu.enqueue_indirect_dma source(%dma_start3A_706 : memref<200000x16xf32, #tpu.memory_space<hbm>>) target(%arg26 : memref<128x16xf32, #tpu.memory_space<vmem>>) offsets(%arg18 : memref<128xi32, #tpu.memory_space<vmem>>) semaphore(%arg38 : memref<!tpu.dma_semaphore, #tpu.memory_space<semaphore_mem>>)
          %dma_start3A_707 = arith.constant 0 : i32
          %dma_start3A_708 = arith.constant 0 : i32
          %dma_start3A_709 = tpu.memref_slice %arg5[%dma_start3A_707, %dma_start3A_708] : memref<200000x16xf32, #tpu.memory_space<hbm>> -> memref<200000x16xf32, #tpu.memory_space<hbm>>
          tpu.enqueue_indirect_dma source(%dma_start3A_709 : memref<200000x16xf32, #tpu.memory_space<hbm>>) target(%arg28 : memref<128x16xf32, #tpu.memory_space<vmem>>) offsets(%arg20 : memref<128xi32, #tpu.memory_space<vmem>>) semaphore(%arg38 : memref<!tpu.dma_semaphore, #tpu.memory_space<semaphore_mem>>)
          %dma_start3A_710 = arith.constant 0 : i32
          %dma_start3A_711 = arith.constant 0 : i32
          %dma_start3A_712 = tpu.memref_slice %arg6[%dma_start3A_710, %dma_start3A_711] : memref<200000x16xf32, #tpu.memory_space<hbm>> -> memref<200000x16xf32, #tpu.memory_space<hbm>>
          tpu.enqueue_indirect_dma source(%dma_start3A_712 : memref<200000x16xf32, #tpu.memory_space<hbm>>) target(%arg30 : memref<128x16xf32, #tpu.memory_space<vmem>>) offsets(%arg18 : memref<128xi32, #tpu.memory_space<vmem>>) semaphore(%arg38 : memref<!tpu.dma_semaphore, #tpu.memory_space<semaphore_mem>>)
        } else {
        }
        %dma_wait3A_313 = arith.constant 0 : i32
        %dma_wait3A_314 = arith.constant 0 : i32
        %dma_wait3A_315 = tpu.memref_slice %arg4[%dma_wait3A_313, %dma_wait3A_314] : memref<200000x16xf32, #tpu.memory_space<hbm>> -> memref<200000x16xf32, #tpu.memory_space<hbm>>
        tpu.wait_indirect_dma semaphore(%arg37 : memref<!tpu.dma_semaphore, #tpu.memory_space<semaphore_mem>>) src(%dma_wait3A_315 : memref<200000x16xf32, #tpu.memory_space<hbm>>) dst(%arg25 : memref<128x16xf32, #tpu.memory_space<vmem>>)
        %dma_wait3A_316 = arith.constant 0 : i32
        %dma_wait3A_317 = arith.constant 0 : i32
        %dma_wait3A_318 = tpu.memref_slice %arg5[%dma_wait3A_316, %dma_wait3A_317] : memref<200000x16xf32, #tpu.memory_space<hbm>> -> memref<200000x16xf32, #tpu.memory_space<hbm>>
        tpu.wait_indirect_dma semaphore(%arg37 : memref<!tpu.dma_semaphore, #tpu.memory_space<semaphore_mem>>) src(%dma_wait3A_318 : memref<200000x16xf32, #tpu.memory_space<hbm>>) dst(%arg27 : memref<128x16xf32, #tpu.memory_space<vmem>>)
        %dma_wait3A_319 = arith.constant 0 : i32
        %dma_wait3A_320 = arith.constant 0 : i32
        %dma_wait3A_321 = tpu.memref_slice %arg6[%dma_wait3A_319, %dma_wait3A_320] : memref<200000x16xf32, #tpu.memory_space<hbm>> -> memref<200000x16xf32, #tpu.memory_space<hbm>>
        tpu.wait_indirect_dma semaphore(%arg37 : memref<!tpu.dma_semaphore, #tpu.memory_space<semaphore_mem>>) src(%dma_wait3A_321 : memref<200000x16xf32, #tpu.memory_space<hbm>>) dst(%arg29 : memref<128x16xf32, #tpu.memory_space<vmem>>)
        %ge3A = arith.constant 2 : i32
        %ge3A_322 = arith.cmpi sge, %mul3A_301, %ge3A : i32
        %convert_element_type3A_323 = arith.extui %ge3A_322 : i1 to i32
        %cond3A_324 = arith.constant 0 : i32
        %cond3A_325 = arith.cmpi ne, %convert_element_type3A_323, %cond3A_324 : i32
        scf.if %cond3A_325 {
          %dma_wait3A_496 = arith.constant 0 : i32
          %dma_wait3A_497 = arith.constant 0 : i32
          %dma_wait3A_498 = tpu.memref_slice %arg8[%dma_wait3A_496, %dma_wait3A_497] : memref<50176x16xf32, #tpu.memory_space<vmem_shared>> -> memref<50176x16xf32, #tpu.memory_space<vmem_shared>>
          tpu.wait_indirect_dma semaphore(%arg39 : memref<!tpu.dma_semaphore, #tpu.memory_space<semaphore_mem>>) src(%arg31 : memref<128x16xf32, #tpu.memory_space<vmem>>) dst(%dma_wait3A_498 : memref<50176x16xf32, #tpu.memory_space<vmem_shared>>)
          %dma_wait3A_499 = arith.constant 0 : i32
          %dma_wait3A_500 = arith.constant 0 : i32
          %dma_wait3A_501 = tpu.memref_slice %arg9[%dma_wait3A_499, %dma_wait3A_500] : memref<50176x16xf32, #tpu.memory_space<vmem_shared>> -> memref<50176x16xf32, #tpu.memory_space<vmem_shared>>
          tpu.wait_indirect_dma semaphore(%arg39 : memref<!tpu.dma_semaphore, #tpu.memory_space<semaphore_mem>>) src(%arg33 : memref<128x16xf32, #tpu.memory_space<vmem>>) dst(%dma_wait3A_501 : memref<50176x16xf32, #tpu.memory_space<vmem_shared>>)
        } else {
        }
        %scan3A_326 = arith.constant 0 : i32
        %scan3A_327 = arith.constant 0 : i32
        %scan3A_328 = arith.constant 16 : i32
        %scan3A_329 = arith.addi %scan3A_327, %scan3A_328 : i32
        %scan3A_330 = arith.constant 1 : i32
        %scan3A_331 = scf.for %scan3A_496 = %scan3A_327 to %scan3A_329 step %scan3A_330 iter_args(%scan3A_497 = %scan3A_326) -> (i32)  : i32 {
          %mul3A_498 = arith.constant 8 : i32
          %mul3A_499 = arith.muli %scan3A_496, %mul3A_498 : i32
          %add3A_500 = arith.constant 0 : i32
          %add3A_501 = arith.addi %mul3A_499, %add3A_500 : i32
          %get3A_502 = arith.index_cast %add3A_501 : i32 to index
          %get3A_503 = arith.constant 0 : index
          %get3A_504 = tpu.vector_load %arg25[%get3A_502, %get3A_503] {strides = array<i32>} : memref<128x16xf32, #tpu.memory_space<vmem>>, vector<1x16xf32>,
          %get3A_505 = vector.shape_cast %get3A_504 : vector<1x16xf32> to vector<16xf32>
          %get3A_506 = arith.index_cast %add3A_501 : i32 to index
          %get3A_507 = arith.constant 0 : index
          %get3A_508 = tpu.vector_load %arg27[%get3A_506, %get3A_507] {strides = array<i32>} : memref<128x16xf32, #tpu.memory_space<vmem>>, vector<1x16xf32>,
          %get3A_509 = vector.shape_cast %get3A_508 : vector<1x16xf32> to vector<16xf32>
          %add3A_510 = arith.addf %get3A_505, %get3A_509 : vector<16xf32>
          %mul3A_511 = arith.constant 2.000000e-01 : f32
          %mul3A_512 = vector.broadcast %mul3A_511 : f32 to vector<16xf32>
          %mul3A_513 = arith.mulf %add3A_510, %mul3A_512 : vector<16xf32>
          %max3A = arith.maximumf %add3A_510, %mul3A_513 : vector<16xf32>
          %exp3A = math.exp %max3A : vector<16xf32>
          %get3A_514 = arith.index_cast %add3A_501 : i32 to index
          %get3A_515 = arith.constant 0 : index
          %get3A_516 = tpu.vector_load %arg29[%get3A_514, %get3A_515] {strides = array<i32>} : memref<128x16xf32, #tpu.memory_space<vmem>>, vector<1x16xf32>,
          %get3A_517 = vector.shape_cast %get3A_516 : vector<1x16xf32> to vector<16xf32>
          %mul3A_518 = arith.mulf %get3A_517, %exp3A : vector<16xf32>
          %swap3A_519 = arith.index_cast %add3A_501 : i32 to index
          %swap3A_520 = arith.constant 0 : index
          %swap3A_521 = tpu.vector_load %arg31[%swap3A_519, %swap3A_520] {strides = array<i32>} : memref<128x16xf32, #tpu.memory_space<vmem>>, vector<1x16xf32>,
          %swap3A_522 = vector.shape_cast %swap3A_521 : vector<1x16xf32> to vector<16xf32>
          %swap3A_523 = vector.shape_cast %mul3A_518 : vector<16xf32> to vector<1x16xf32>
          tpu.vector_store %arg31[%swap3A_519, %swap3A_520], %swap3A_523 {strides = array<i32>} : memref<128x16xf32, #tpu.memory_space<vmem>>, vector<1x16xf32>,
          %swap3A_524 = arith.index_cast %add3A_501 : i32 to index
          %swap3A_525 = arith.constant 0 : index
          %swap3A_526 = tpu.vector_load %arg33[%swap3A_524, %swap3A_525] {strides = array<i32>} : memref<128x16xf32, #tpu.memory_space<vmem>>, vector<1x16xf32>,
          %swap3A_527 = vector.shape_cast %swap3A_526 : vector<1x16xf32> to vector<16xf32>
          %swap3A_528 = vector.shape_cast %exp3A : vector<16xf32> to vector<1x16xf32>
          tpu.vector_store %arg33[%swap3A_524, %swap3A_525], %swap3A_528 {strides = array<i32>} : memref<128x16xf32, #tpu.memory_space<vmem>>, vector<1x16xf32>,
          %mul3A_529 = arith.constant 8 : i32
          %mul3A_530 = arith.muli %scan3A_496, %mul3A_529 : i32
          %add3A_531 = arith.constant 1 : i32
          %add3A_532 = arith.addi %mul3A_530, %add3A_531 : i32
          %get3A_533 = arith.index_cast %add3A_532 : i32 to index
          %get3A_534 = arith.constant 0 : index
          %get3A_535 = tpu.vector_load %arg25[%get3A_533, %get3A_534] {strides = array<i32>} : memref<128x16xf32, #tpu.memory_space<vmem>>, vector<1x16xf32>,
          %get3A_536 = vector.shape_cast %get3A_535 : vector<1x16xf32> to vector<16xf32>
          %get3A_537 = arith.index_cast %add3A_532 : i32 to index
          %get3A_538 = arith.constant 0 : index
          %get3A_539 = tpu.vector_load %arg27[%get3A_537, %get3A_538] {strides = array<i32>} : memref<128x16xf32, #tpu.memory_space<vmem>>, vector<1x16xf32>,
          %get3A_540 = vector.shape_cast %get3A_539 : vector<1x16xf32> to vector<16xf32>
          %add3A_541 = arith.addf %get3A_536, %get3A_540 : vector<16xf32>
          %mul3A_542 = arith.constant 2.000000e-01 : f32
          %mul3A_543 = vector.broadcast %mul3A_542 : f32 to vector<16xf32>
          %mul3A_544 = arith.mulf %add3A_541, %mul3A_543 : vector<16xf32>
          %max3A_545 = arith.maximumf %add3A_541, %mul3A_544 : vector<16xf32>
          %exp3A_546 = math.exp %max3A_545 : vector<16xf32>
          %get3A_547 = arith.index_cast %add3A_532 : i32 to index
          %get3A_548 = arith.constant 0 : index
          %get3A_549 = tpu.vector_load %arg29[%get3A_547, %get3A_548] {strides = array<i32>} : memref<128x16xf32, #tpu.memory_space<vmem>>, vector<1x16xf32>,
          %get3A_550 = vector.shape_cast %get3A_549 : vector<1x16xf32> to vector<16xf32>
          %mul3A_551 = arith.mulf %get3A_550, %exp3A_546 : vector<16xf32>
          %swap3A_552 = arith.index_cast %add3A_532 : i32 to index
          %swap3A_553 = arith.constant 0 : index
          %swap3A_554 = tpu.vector_load %arg31[%swap3A_552, %swap3A_553] {strides = array<i32>} : memref<128x16xf32, #tpu.memory_space<vmem>>, vector<1x16xf32>,
          %swap3A_555 = vector.shape_cast %swap3A_554 : vector<1x16xf32> to vector<16xf32>
          %swap3A_556 = vector.shape_cast %mul3A_551 : vector<16xf32> to vector<1x16xf32>
          tpu.vector_store %arg31[%swap3A_552, %swap3A_553], %swap3A_556 {strides = array<i32>} : memref<128x16xf32, #tpu.memory_space<vmem>>, vector<1x16xf32>,
          %swap3A_557 = arith.index_cast %add3A_532 : i32 to index
          %swap3A_558 = arith.constant 0 : index
          %swap3A_559 = tpu.vector_load %arg33[%swap3A_557, %swap3A_558] {strides = array<i32>} : memref<128x16xf32, #tpu.memory_space<vmem>>, vector<1x16xf32>,
          %swap3A_560 = vector.shape_cast %swap3A_559 : vector<1x16xf32> to vector<16xf32>
          %swap3A_561 = vector.shape_cast %exp3A_546 : vector<16xf32> to vector<1x16xf32>
          tpu.vector_store %arg33[%swap3A_557, %swap3A_558], %swap3A_561 {strides = array<i32>} : memref<128x16xf32, #tpu.memory_space<vmem>>, vector<1x16xf32>,
          %mul3A_562 = arith.constant 8 : i32
          %mul3A_563 = arith.muli %scan3A_496, %mul3A_562 : i32
          %add3A_564 = arith.constant 2 : i32
          %add3A_565 = arith.addi %mul3A_563, %add3A_564 : i32
          %get3A_566 = arith.index_cast %add3A_565 : i32 to index
          %get3A_567 = arith.constant 0 : index
          %get3A_568 = tpu.vector_load %arg25[%get3A_566, %get3A_567] {strides = array<i32>} : memref<128x16xf32, #tpu.memory_space<vmem>>, vector<1x16xf32>,
          %get3A_569 = vector.shape_cast %get3A_568 : vector<1x16xf32> to vector<16xf32>
          %get3A_570 = arith.index_cast %add3A_565 : i32 to index
          %get3A_571 = arith.constant 0 : index
          %get3A_572 = tpu.vector_load %arg27[%get3A_570, %get3A_571] {strides = array<i32>} : memref<128x16xf32, #tpu.memory_space<vmem>>, vector<1x16xf32>,
          %get3A_573 = vector.shape_cast %get3A_572 : vector<1x16xf32> to vector<16xf32>
          %add3A_574 = arith.addf %get3A_569, %get3A_573 : vector<16xf32>
          %mul3A_575 = arith.constant 2.000000e-01 : f32
          %mul3A_576 = vector.broadcast %mul3A_575 : f32 to vector<16xf32>
          %mul3A_577 = arith.mulf %add3A_574, %mul3A_576 : vector<16xf32>
          %max3A_578 = arith.maximumf %add3A_574, %mul3A_577 : vector<16xf32>
          %exp3A_579 = math.exp %max3A_578 : vector<16xf32>
          %get3A_580 = arith.index_cast %add3A_565 : i32 to index
          %get3A_581 = arith.constant 0 : index
          %get3A_582 = tpu.vector_load %arg29[%get3A_580, %get3A_581] {strides = array<i32>} : memref<128x16xf32, #tpu.memory_space<vmem>>, vector<1x16xf32>,
          %get3A_583 = vector.shape_cast %get3A_582 : vector<1x16xf32> to vector<16xf32>
          %mul3A_584 = arith.mulf %get3A_583, %exp3A_579 : vector<16xf32>
          %swap3A_585 = arith.index_cast %add3A_565 : i32 to index
          %swap3A_586 = arith.constant 0 : index
          %swap3A_587 = tpu.vector_load %arg31[%swap3A_585, %swap3A_586] {strides = array<i32>} : memref<128x16xf32, #tpu.memory_space<vmem>>, vector<1x16xf32>,
          %swap3A_588 = vector.shape_cast %swap3A_587 : vector<1x16xf32> to vector<16xf32>
          %swap3A_589 = vector.shape_cast %mul3A_584 : vector<16xf32> to vector<1x16xf32>
          tpu.vector_store %arg31[%swap3A_585, %swap3A_586], %swap3A_589 {strides = array<i32>} : memref<128x16xf32, #tpu.memory_space<vmem>>, vector<1x16xf32>,
          %swap3A_590 = arith.index_cast %add3A_565 : i32 to index
          %swap3A_591 = arith.constant 0 : index
          %swap3A_592 = tpu.vector_load %arg33[%swap3A_590, %swap3A_591] {strides = array<i32>} : memref<128x16xf32, #tpu.memory_space<vmem>>, vector<1x16xf32>,
          %swap3A_593 = vector.shape_cast %swap3A_592 : vector<1x16xf32> to vector<16xf32>
          %swap3A_594 = vector.shape_cast %exp3A_579 : vector<16xf32> to vector<1x16xf32>
          tpu.vector_store %arg33[%swap3A_590, %swap3A_591], %swap3A_594 {strides = array<i32>} : memref<128x16xf32, #tpu.memory_space<vmem>>, vector<1x16xf32>,
          %mul3A_595 = arith.constant 8 : i32
          %mul3A_596 = arith.muli %scan3A_496, %mul3A_595 : i32
          %add3A_597 = arith.constant 3 : i32
          %add3A_598 = arith.addi %mul3A_596, %add3A_597 : i32
          %get3A_599 = arith.index_cast %add3A_598 : i32 to index
          %get3A_600 = arith.constant 0 : index
          %get3A_601 = tpu.vector_load %arg25[%get3A_599, %get3A_600] {strides = array<i32>} : memref<128x16xf32, #tpu.memory_space<vmem>>, vector<1x16xf32>,
          %get3A_602 = vector.shape_cast %get3A_601 : vector<1x16xf32> to vector<16xf32>
          %get3A_603 = arith.index_cast %add3A_598 : i32 to index
          %get3A_604 = arith.constant 0 : index
          %get3A_605 = tpu.vector_load %arg27[%get3A_603, %get3A_604] {strides = array<i32>} : memref<128x16xf32, #tpu.memory_space<vmem>>, vector<1x16xf32>,
          %get3A_606 = vector.shape_cast %get3A_605 : vector<1x16xf32> to vector<16xf32>
          %add3A_607 = arith.addf %get3A_602, %get3A_606 : vector<16xf32>
          %mul3A_608 = arith.constant 2.000000e-01 : f32
          %mul3A_609 = vector.broadcast %mul3A_608 : f32 to vector<16xf32>
          %mul3A_610 = arith.mulf %add3A_607, %mul3A_609 : vector<16xf32>
          %max3A_611 = arith.maximumf %add3A_607, %mul3A_610 : vector<16xf32>
          %exp3A_612 = math.exp %max3A_611 : vector<16xf32>
          %get3A_613 = arith.index_cast %add3A_598 : i32 to index
          %get3A_614 = arith.constant 0 : index
          %get3A_615 = tpu.vector_load %arg29[%get3A_613, %get3A_614] {strides = array<i32>} : memref<128x16xf32, #tpu.memory_space<vmem>>, vector<1x16xf32>,
          %get3A_616 = vector.shape_cast %get3A_615 : vector<1x16xf32> to vector<16xf32>
          %mul3A_617 = arith.mulf %get3A_616, %exp3A_612 : vector<16xf32>
          %swap3A_618 = arith.index_cast %add3A_598 : i32 to index
          %swap3A_619 = arith.constant 0 : index
          %swap3A_620 = tpu.vector_load %arg31[%swap3A_618, %swap3A_619] {strides = array<i32>} : memref<128x16xf32, #tpu.memory_space<vmem>>, vector<1x16xf32>,
          %swap3A_621 = vector.shape_cast %swap3A_620 : vector<1x16xf32> to vector<16xf32>
          %swap3A_622 = vector.shape_cast %mul3A_617 : vector<16xf32> to vector<1x16xf32>
          tpu.vector_store %arg31[%swap3A_618, %swap3A_619], %swap3A_622 {strides = array<i32>} : memref<128x16xf32, #tpu.memory_space<vmem>>, vector<1x16xf32>,
          %swap3A_623 = arith.index_cast %add3A_598 : i32 to index
          %swap3A_624 = arith.constant 0 : index
          %swap3A_625 = tpu.vector_load %arg33[%swap3A_623, %swap3A_624] {strides = array<i32>} : memref<128x16xf32, #tpu.memory_space<vmem>>, vector<1x16xf32>,
          %swap3A_626 = vector.shape_cast %swap3A_625 : vector<1x16xf32> to vector<16xf32>
          %swap3A_627 = vector.shape_cast %exp3A_612 : vector<16xf32> to vector<1x16xf32>
          tpu.vector_store %arg33[%swap3A_623, %swap3A_624], %swap3A_627 {strides = array<i32>} : memref<128x16xf32, #tpu.memory_space<vmem>>, vector<1x16xf32>,
          %mul3A_628 = arith.constant 8 : i32
          %mul3A_629 = arith.muli %scan3A_496, %mul3A_628 : i32
          %add3A_630 = arith.constant 4 : i32
          %add3A_631 = arith.addi %mul3A_629, %add3A_630 : i32
          %get3A_632 = arith.index_cast %add3A_631 : i32 to index
          %get3A_633 = arith.constant 0 : index
          %get3A_634 = tpu.vector_load %arg25[%get3A_632, %get3A_633] {strides = array<i32>} : memref<128x16xf32, #tpu.memory_space<vmem>>, vector<1x16xf32>,
          %get3A_635 = vector.shape_cast %get3A_634 : vector<1x16xf32> to vector<16xf32>
          %get3A_636 = arith.index_cast %add3A_631 : i32 to index
          %get3A_637 = arith.constant 0 : index
          %get3A_638 = tpu.vector_load %arg27[%get3A_636, %get3A_637] {strides = array<i32>} : memref<128x16xf32, #tpu.memory_space<vmem>>, vector<1x16xf32>,
          %get3A_639 = vector.shape_cast %get3A_638 : vector<1x16xf32> to vector<16xf32>
          %add3A_640 = arith.addf %get3A_635, %get3A_639 : vector<16xf32>
          %mul3A_641 = arith.constant 2.000000e-01 : f32
          %mul3A_642 = vector.broadcast %mul3A_641 : f32 to vector<16xf32>
          %mul3A_643 = arith.mulf %add3A_640, %mul3A_642 : vector<16xf32>
          %max3A_644 = arith.maximumf %add3A_640, %mul3A_643 : vector<16xf32>
          %exp3A_645 = math.exp %max3A_644 : vector<16xf32>
          %get3A_646 = arith.index_cast %add3A_631 : i32 to index
          %get3A_647 = arith.constant 0 : index
          %get3A_648 = tpu.vector_load %arg29[%get3A_646, %get3A_647] {strides = array<i32>} : memref<128x16xf32, #tpu.memory_space<vmem>>, vector<1x16xf32>,
          %get3A_649 = vector.shape_cast %get3A_648 : vector<1x16xf32> to vector<16xf32>
          %mul3A_650 = arith.mulf %get3A_649, %exp3A_645 : vector<16xf32>
          %swap3A_651 = arith.index_cast %add3A_631 : i32 to index
          %swap3A_652 = arith.constant 0 : index
          %swap3A_653 = tpu.vector_load %arg31[%swap3A_651, %swap3A_652] {strides = array<i32>} : memref<128x16xf32, #tpu.memory_space<vmem>>, vector<1x16xf32>,
          %swap3A_654 = vector.shape_cast %swap3A_653 : vector<1x16xf32> to vector<16xf32>
          %swap3A_655 = vector.shape_cast %mul3A_650 : vector<16xf32> to vector<1x16xf32>
          tpu.vector_store %arg31[%swap3A_651, %swap3A_652], %swap3A_655 {strides = array<i32>} : memref<128x16xf32, #tpu.memory_space<vmem>>, vector<1x16xf32>,
          %swap3A_656 = arith.index_cast %add3A_631 : i32 to index
          %swap3A_657 = arith.constant 0 : index
          %swap3A_658 = tpu.vector_load %arg33[%swap3A_656, %swap3A_657] {strides = array<i32>} : memref<128x16xf32, #tpu.memory_space<vmem>>, vector<1x16xf32>,
          %swap3A_659 = vector.shape_cast %swap3A_658 : vector<1x16xf32> to vector<16xf32>
          %swap3A_660 = vector.shape_cast %exp3A_645 : vector<16xf32> to vector<1x16xf32>
          tpu.vector_store %arg33[%swap3A_656, %swap3A_657], %swap3A_660 {strides = array<i32>} : memref<128x16xf32, #tpu.memory_space<vmem>>, vector<1x16xf32>,
          %mul3A_661 = arith.constant 8 : i32
          %mul3A_662 = arith.muli %scan3A_496, %mul3A_661 : i32
          %add3A_663 = arith.constant 5 : i32
          %add3A_664 = arith.addi %mul3A_662, %add3A_663 : i32
          %get3A_665 = arith.index_cast %add3A_664 : i32 to index
          %get3A_666 = arith.constant 0 : index
          %get3A_667 = tpu.vector_load %arg25[%get3A_665, %get3A_666] {strides = array<i32>} : memref<128x16xf32, #tpu.memory_space<vmem>>, vector<1x16xf32>,
          %get3A_668 = vector.shape_cast %get3A_667 : vector<1x16xf32> to vector<16xf32>
          %get3A_669 = arith.index_cast %add3A_664 : i32 to index
          %get3A_670 = arith.constant 0 : index
          %get3A_671 = tpu.vector_load %arg27[%get3A_669, %get3A_670] {strides = array<i32>} : memref<128x16xf32, #tpu.memory_space<vmem>>, vector<1x16xf32>,
          %get3A_672 = vector.shape_cast %get3A_671 : vector<1x16xf32> to vector<16xf32>
          %add3A_673 = arith.addf %get3A_668, %get3A_672 : vector<16xf32>
          %mul3A_674 = arith.constant 2.000000e-01 : f32
          %mul3A_675 = vector.broadcast %mul3A_674 : f32 to vector<16xf32>
          %mul3A_676 = arith.mulf %add3A_673, %mul3A_675 : vector<16xf32>
          %max3A_677 = arith.maximumf %add3A_673, %mul3A_676 : vector<16xf32>
          %exp3A_678 = math.exp %max3A_677 : vector<16xf32>
          %get3A_679 = arith.index_cast %add3A_664 : i32 to index
          %get3A_680 = arith.constant 0 : index
          %get3A_681 = tpu.vector_load %arg29[%get3A_679, %get3A_680] {strides = array<i32>} : memref<128x16xf32, #tpu.memory_space<vmem>>, vector<1x16xf32>,
          %get3A_682 = vector.shape_cast %get3A_681 : vector<1x16xf32> to vector<16xf32>
          %mul3A_683 = arith.mulf %get3A_682, %exp3A_678 : vector<16xf32>
          %swap3A_684 = arith.index_cast %add3A_664 : i32 to index
          %swap3A_685 = arith.constant 0 : index
          %swap3A_686 = tpu.vector_load %arg31[%swap3A_684, %swap3A_685] {strides = array<i32>} : memref<128x16xf32, #tpu.memory_space<vmem>>, vector<1x16xf32>,
          %swap3A_687 = vector.shape_cast %swap3A_686 : vector<1x16xf32> to vector<16xf32>
          %swap3A_688 = vector.shape_cast %mul3A_683 : vector<16xf32> to vector<1x16xf32>
          tpu.vector_store %arg31[%swap3A_684, %swap3A_685], %swap3A_688 {strides = array<i32>} : memref<128x16xf32, #tpu.memory_space<vmem>>, vector<1x16xf32>,
          %swap3A_689 = arith.index_cast %add3A_664 : i32 to index
          %swap3A_690 = arith.constant 0 : index
          %swap3A_691 = tpu.vector_load %arg33[%swap3A_689, %swap3A_690] {strides = array<i32>} : memref<128x16xf32, #tpu.memory_space<vmem>>, vector<1x16xf32>,
          %swap3A_692 = vector.shape_cast %swap3A_691 : vector<1x16xf32> to vector<16xf32>
          %swap3A_693 = vector.shape_cast %exp3A_678 : vector<16xf32> to vector<1x16xf32>
          tpu.vector_store %arg33[%swap3A_689, %swap3A_690], %swap3A_693 {strides = array<i32>} : memref<128x16xf32, #tpu.memory_space<vmem>>, vector<1x16xf32>,
          %mul3A_694 = arith.constant 8 : i32
          %mul3A_695 = arith.muli %scan3A_496, %mul3A_694 : i32
          %add3A_696 = arith.constant 6 : i32
          %add3A_697 = arith.addi %mul3A_695, %add3A_696 : i32
          %get3A_698 = arith.index_cast %add3A_697 : i32 to index
          %get3A_699 = arith.constant 0 : index
          %get3A_700 = tpu.vector_load %arg25[%get3A_698, %get3A_699] {strides = array<i32>} : memref<128x16xf32, #tpu.memory_space<vmem>>, vector<1x16xf32>,
          %get3A_701 = vector.shape_cast %get3A_700 : vector<1x16xf32> to vector<16xf32>
          %get3A_702 = arith.index_cast %add3A_697 : i32 to index
          %get3A_703 = arith.constant 0 : index
          %get3A_704 = tpu.vector_load %arg27[%get3A_702, %get3A_703] {strides = array<i32>} : memref<128x16xf32, #tpu.memory_space<vmem>>, vector<1x16xf32>,
          %get3A_705 = vector.shape_cast %get3A_704 : vector<1x16xf32> to vector<16xf32>
          %add3A_706 = arith.addf %get3A_701, %get3A_705 : vector<16xf32>
          %mul3A_707 = arith.constant 2.000000e-01 : f32
          %mul3A_708 = vector.broadcast %mul3A_707 : f32 to vector<16xf32>
          %mul3A_709 = arith.mulf %add3A_706, %mul3A_708 : vector<16xf32>
          %max3A_710 = arith.maximumf %add3A_706, %mul3A_709 : vector<16xf32>
          %exp3A_711 = math.exp %max3A_710 : vector<16xf32>
          %get3A_712 = arith.index_cast %add3A_697 : i32 to index
          %get3A_713 = arith.constant 0 : index
          %get3A_714 = tpu.vector_load %arg29[%get3A_712, %get3A_713] {strides = array<i32>} : memref<128x16xf32, #tpu.memory_space<vmem>>, vector<1x16xf32>,
          %get3A_715 = vector.shape_cast %get3A_714 : vector<1x16xf32> to vector<16xf32>
          %mul3A_716 = arith.mulf %get3A_715, %exp3A_711 : vector<16xf32>
          %swap3A_717 = arith.index_cast %add3A_697 : i32 to index
          %swap3A_718 = arith.constant 0 : index
          %swap3A_719 = tpu.vector_load %arg31[%swap3A_717, %swap3A_718] {strides = array<i32>} : memref<128x16xf32, #tpu.memory_space<vmem>>, vector<1x16xf32>,
          %swap3A_720 = vector.shape_cast %swap3A_719 : vector<1x16xf32> to vector<16xf32>
          %swap3A_721 = vector.shape_cast %mul3A_716 : vector<16xf32> to vector<1x16xf32>
          tpu.vector_store %arg31[%swap3A_717, %swap3A_718], %swap3A_721 {strides = array<i32>} : memref<128x16xf32, #tpu.memory_space<vmem>>, vector<1x16xf32>,
          %swap3A_722 = arith.index_cast %add3A_697 : i32 to index
          %swap3A_723 = arith.constant 0 : index
          %swap3A_724 = tpu.vector_load %arg33[%swap3A_722, %swap3A_723] {strides = array<i32>} : memref<128x16xf32, #tpu.memory_space<vmem>>, vector<1x16xf32>,
          %swap3A_725 = vector.shape_cast %swap3A_724 : vector<1x16xf32> to vector<16xf32>
          %swap3A_726 = vector.shape_cast %exp3A_711 : vector<16xf32> to vector<1x16xf32>
          tpu.vector_store %arg33[%swap3A_722, %swap3A_723], %swap3A_726 {strides = array<i32>} : memref<128x16xf32, #tpu.memory_space<vmem>>, vector<1x16xf32>,
          %mul3A_727 = arith.constant 8 : i32
          %mul3A_728 = arith.muli %scan3A_496, %mul3A_727 : i32
          %add3A_729 = arith.constant 7 : i32
          %add3A_730 = arith.addi %mul3A_728, %add3A_729 : i32
          %get3A_731 = arith.index_cast %add3A_730 : i32 to index
          %get3A_732 = arith.constant 0 : index
          %get3A_733 = tpu.vector_load %arg25[%get3A_731, %get3A_732] {strides = array<i32>} : memref<128x16xf32, #tpu.memory_space<vmem>>, vector<1x16xf32>,
          %get3A_734 = vector.shape_cast %get3A_733 : vector<1x16xf32> to vector<16xf32>
          %get3A_735 = arith.index_cast %add3A_730 : i32 to index
          %get3A_736 = arith.constant 0 : index
          %get3A_737 = tpu.vector_load %arg27[%get3A_735, %get3A_736] {strides = array<i32>} : memref<128x16xf32, #tpu.memory_space<vmem>>, vector<1x16xf32>,
          %get3A_738 = vector.shape_cast %get3A_737 : vector<1x16xf32> to vector<16xf32>
          %add3A_739 = arith.addf %get3A_734, %get3A_738 : vector<16xf32>
          %mul3A_740 = arith.constant 2.000000e-01 : f32
          %mul3A_741 = vector.broadcast %mul3A_740 : f32 to vector<16xf32>
          %mul3A_742 = arith.mulf %add3A_739, %mul3A_741 : vector<16xf32>
          %max3A_743 = arith.maximumf %add3A_739, %mul3A_742 : vector<16xf32>
          %exp3A_744 = math.exp %max3A_743 : vector<16xf32>
          %get3A_745 = arith.index_cast %add3A_730 : i32 to index
          %get3A_746 = arith.constant 0 : index
          %get3A_747 = tpu.vector_load %arg29[%get3A_745, %get3A_746] {strides = array<i32>} : memref<128x16xf32, #tpu.memory_space<vmem>>, vector<1x16xf32>,
          %get3A_748 = vector.shape_cast %get3A_747 : vector<1x16xf32> to vector<16xf32>
          %mul3A_749 = arith.mulf %get3A_748, %exp3A_744 : vector<16xf32>
          %swap3A_750 = arith.index_cast %add3A_730 : i32 to index
          %swap3A_751 = arith.constant 0 : index
          %swap3A_752 = tpu.vector_load %arg31[%swap3A_750, %swap3A_751] {strides = array<i32>} : memref<128x16xf32, #tpu.memory_space<vmem>>, vector<1x16xf32>,
          %swap3A_753 = vector.shape_cast %swap3A_752 : vector<1x16xf32> to vector<16xf32>
          %swap3A_754 = vector.shape_cast %mul3A_749 : vector<16xf32> to vector<1x16xf32>
          tpu.vector_store %arg31[%swap3A_750, %swap3A_751], %swap3A_754 {strides = array<i32>} : memref<128x16xf32, #tpu.memory_space<vmem>>, vector<1x16xf32>,
          %swap3A_755 = arith.index_cast %add3A_730 : i32 to index
          %swap3A_756 = arith.constant 0 : index
          %swap3A_757 = tpu.vector_load %arg33[%swap3A_755, %swap3A_756] {strides = array<i32>} : memref<128x16xf32, #tpu.memory_space<vmem>>, vector<1x16xf32>,
          %swap3A_758 = vector.shape_cast %swap3A_757 : vector<1x16xf32> to vector<16xf32>
          %swap3A_759 = vector.shape_cast %exp3A_744 : vector<16xf32> to vector<1x16xf32>
          tpu.vector_store %arg33[%swap3A_755, %swap3A_756], %swap3A_759 {strides = array<i32>} : memref<128x16xf32, #tpu.memory_space<vmem>>, vector<1x16xf32>,
          %scan3A_760 = arith.constant 0 : i32
          scf.yield %scan3A_760 : i32
        }
        %scan3A_332 = arith.constant 16 : i32
        %get3A_333 = arith.constant 0 : index
        %get3A_334 = tpu.vector_load %arg21[%get3A_333] {strides = array<i32>} : memref<128xi32, #tpu.memory_space<vmem>>, vector<16xi32>,
        %get3A_335 = vector.shape_cast %get3A_334 : vector<16xi32> to vector<16xi32>
        %swap3A_336 = arith.constant 0 : index
        %swap3A_337 = tpu.vector_load %arg23[%swap3A_336] {strides = array<i32>} : memref<128xi32, #tpu.memory_space<vmem>>, vector<16xi32>,
        %swap3A_338 = vector.shape_cast %swap3A_337 : vector<16xi32> to vector<16xi32>
        %swap3A_339 = vector.shape_cast %get3A_335 : vector<16xi32> to vector<16xi32>
        tpu.vector_store %arg23[%swap3A_336], %swap3A_339 {strides = array<i32>} : memref<128xi32, #tpu.memory_space<vmem>>, vector<16xi32>,
        %get3A_340 = arith.constant 16 : index
        %get3A_341 = tpu.vector_load %arg21[%get3A_340] {strides = array<i32>} : memref<128xi32, #tpu.memory_space<vmem>>, vector<16xi32>,
        %get3A_342 = vector.shape_cast %get3A_341 : vector<16xi32> to vector<16xi32>
        %swap3A_343 = arith.constant 16 : index
        %swap3A_344 = tpu.vector_load %arg23[%swap3A_343] {strides = array<i32>} : memref<128xi32, #tpu.memory_space<vmem>>, vector<16xi32>,
        %swap3A_345 = vector.shape_cast %swap3A_344 : vector<16xi32> to vector<16xi32>
        %swap3A_346 = vector.shape_cast %get3A_342 : vector<16xi32> to vector<16xi32>
        tpu.vector_store %arg23[%swap3A_343], %swap3A_346 {strides = array<i32>} : memref<128xi32, #tpu.memory_space<vmem>>, vector<16xi32>,
        %get3A_347 = arith.constant 32 : index
        %get3A_348 = tpu.vector_load %arg21[%get3A_347] {strides = array<i32>} : memref<128xi32, #tpu.memory_space<vmem>>, vector<16xi32>,
        %get3A_349 = vector.shape_cast %get3A_348 : vector<16xi32> to vector<16xi32>
        %swap3A_350 = arith.constant 32 : index
        %swap3A_351 = tpu.vector_load %arg23[%swap3A_350] {strides = array<i32>} : memref<128xi32, #tpu.memory_space<vmem>>, vector<16xi32>,
        %swap3A_352 = vector.shape_cast %swap3A_351 : vector<16xi32> to vector<16xi32>
        %swap3A_353 = vector.shape_cast %get3A_349 : vector<16xi32> to vector<16xi32>
        tpu.vector_store %arg23[%swap3A_350], %swap3A_353 {strides = array<i32>} : memref<128xi32, #tpu.memory_space<vmem>>, vector<16xi32>,
        %get3A_354 = arith.constant 48 : index
        %get3A_355 = tpu.vector_load %arg21[%get3A_354] {strides = array<i32>} : memref<128xi32, #tpu.memory_space<vmem>>, vector<16xi32>,
        %get3A_356 = vector.shape_cast %get3A_355 : vector<16xi32> to vector<16xi32>
        %swap3A_357 = arith.constant 48 : index
        %swap3A_358 = tpu.vector_load %arg23[%swap3A_357] {strides = array<i32>} : memref<128xi32, #tpu.memory_space<vmem>>, vector<16xi32>,
        %swap3A_359 = vector.shape_cast %swap3A_358 : vector<16xi32> to vector<16xi32>
        %swap3A_360 = vector.shape_cast %get3A_356 : vector<16xi32> to vector<16xi32>
        tpu.vector_store %arg23[%swap3A_357], %swap3A_360 {strides = array<i32>} : memref<128xi32, #tpu.memory_space<vmem>>, vector<16xi32>,
        %get3A_361 = arith.constant 64 : index
        %get3A_362 = tpu.vector_load %arg21[%get3A_361] {strides = array<i32>} : memref<128xi32, #tpu.memory_space<vmem>>, vector<16xi32>,
        %get3A_363 = vector.shape_cast %get3A_362 : vector<16xi32> to vector<16xi32>
        %swap3A_364 = arith.constant 64 : index
        %swap3A_365 = tpu.vector_load %arg23[%swap3A_364] {strides = array<i32>} : memref<128xi32, #tpu.memory_space<vmem>>, vector<16xi32>,
        %swap3A_366 = vector.shape_cast %swap3A_365 : vector<16xi32> to vector<16xi32>
        %swap3A_367 = vector.shape_cast %get3A_363 : vector<16xi32> to vector<16xi32>
        tpu.vector_store %arg23[%swap3A_364], %swap3A_367 {strides = array<i32>} : memref<128xi32, #tpu.memory_space<vmem>>, vector<16xi32>,
        %get3A_368 = arith.constant 80 : index
        %get3A_369 = tpu.vector_load %arg21[%get3A_368] {strides = array<i32>} : memref<128xi32, #tpu.memory_space<vmem>>, vector<16xi32>,
        %get3A_370 = vector.shape_cast %get3A_369 : vector<16xi32> to vector<16xi32>
        %swap3A_371 = arith.constant 80 : index
        %swap3A_372 = tpu.vector_load %arg23[%swap3A_371] {strides = array<i32>} : memref<128xi32, #tpu.memory_space<vmem>>, vector<16xi32>,
        %swap3A_373 = vector.shape_cast %swap3A_372 : vector<16xi32> to vector<16xi32>
        %swap3A_374 = vector.shape_cast %get3A_370 : vector<16xi32> to vector<16xi32>
        tpu.vector_store %arg23[%swap3A_371], %swap3A_374 {strides = array<i32>} : memref<128xi32, #tpu.memory_space<vmem>>, vector<16xi32>,
        %get3A_375 = arith.constant 96 : index
        %get3A_376 = tpu.vector_load %arg21[%get3A_375] {strides = array<i32>} : memref<128xi32, #tpu.memory_space<vmem>>, vector<16xi32>,
        %get3A_377 = vector.shape_cast %get3A_376 : vector<16xi32> to vector<16xi32>
        %swap3A_378 = arith.constant 96 : index
        %swap3A_379 = tpu.vector_load %arg23[%swap3A_378] {strides = array<i32>} : memref<128xi32, #tpu.memory_space<vmem>>, vector<16xi32>,
        %swap3A_380 = vector.shape_cast %swap3A_379 : vector<16xi32> to vector<16xi32>
        %swap3A_381 = vector.shape_cast %get3A_377 : vector<16xi32> to vector<16xi32>
        tpu.vector_store %arg23[%swap3A_378], %swap3A_381 {strides = array<i32>} : memref<128xi32, #tpu.memory_space<vmem>>, vector<16xi32>,
        %get3A_382 = arith.constant 112 : index
        %get3A_383 = tpu.vector_load %arg21[%get3A_382] {strides = array<i32>} : memref<128xi32, #tpu.memory_space<vmem>>, vector<16xi32>,
        %get3A_384 = vector.shape_cast %get3A_383 : vector<16xi32> to vector<16xi32>
        %swap3A_385 = arith.constant 112 : index
        %swap3A_386 = tpu.vector_load %arg23[%swap3A_385] {strides = array<i32>} : memref<128xi32, #tpu.memory_space<vmem>>, vector<16xi32>,
        %swap3A_387 = vector.shape_cast %swap3A_386 : vector<16xi32> to vector<16xi32>
        %swap3A_388 = vector.shape_cast %get3A_384 : vector<16xi32> to vector<16xi32>
        tpu.vector_store %arg23[%swap3A_385], %swap3A_388 {strides = array<i32>} : memref<128xi32, #tpu.memory_space<vmem>>, vector<16xi32>,
        %dma_start3A_389 = arith.constant 0 : i32
        %dma_start3A_390 = arith.constant 0 : i32
        %dma_start3A_391 = tpu.memref_slice %arg8[%dma_start3A_389, %dma_start3A_390] : memref<50176x16xf32, #tpu.memory_space<vmem_shared>> -> memref<50176x16xf32, #tpu.memory_space<vmem_shared>>
        tpu.enqueue_indirect_dma source(%arg31 : memref<128x16xf32, #tpu.memory_space<vmem>>) target(%dma_start3A_391 : memref<50176x16xf32, #tpu.memory_space<vmem_shared>>) offsets(%arg23 : memref<128xi32, #tpu.memory_space<vmem>>) semaphore(%arg39 : memref<!tpu.dma_semaphore, #tpu.memory_space<semaphore_mem>>) {add = true}
        %dma_start3A_392 = arith.constant 0 : i32
        %dma_start3A_393 = arith.constant 0 : i32
        %dma_start3A_394 = tpu.memref_slice %arg9[%dma_start3A_392, %dma_start3A_393] : memref<50176x16xf32, #tpu.memory_space<vmem_shared>> -> memref<50176x16xf32, #tpu.memory_space<vmem_shared>>
        tpu.enqueue_indirect_dma source(%arg33 : memref<128x16xf32, #tpu.memory_space<vmem>>) target(%dma_start3A_394 : memref<50176x16xf32, #tpu.memory_space<vmem_shared>>) offsets(%arg23 : memref<128xi32, #tpu.memory_space<vmem>>) semaphore(%arg39 : memref<!tpu.dma_semaphore, #tpu.memory_space<semaphore_mem>>) {add = true}
        %mul3A_395 = arith.constant 2 : i32
        %mul3A_396 = arith.muli %scan3A_299, %mul3A_395 : i32
        %add3A_397 = arith.constant 1 : i32
        %add3A_398 = arith.addi %mul3A_396, %add3A_397 : i32
        %add3A_399 = arith.constant 2 : i32
        %add3A_400 = arith.addi %add3A_398, %add3A_399 : i32
        %lt3A_401 = arith.constant 400 : i32
        %lt3A_402 = arith.cmpi slt, %add3A_400, %lt3A_401 : i32
        %convert_element_type3A_403 = arith.extui %lt3A_402 : i1 to i32
        %cond3A_404 = arith.constant 0 : i32
        %cond3A_405 = arith.cmpi ne, %convert_element_type3A_403, %cond3A_404 : i32
        scf.if %cond3A_405 {
          %add3A_496 = arith.addi %mul3A_0, %add3A_398 : i32
          %add3A_497 = arith.constant 2 : i32
          %add3A_498 = arith.addi %add3A_496, %add3A_497 : i32
          %mul3A_499 = arith.constant 128 : i32
          %mul3A_500 = arith.muli %add3A_498, %mul3A_499 : i32
          %dma_start3A_501 = tpu.memref_slice %arg2[%mul3A_500] : memref<819200xi32, #tpu.memory_space<hbm>> -> memref<128xi32, #tpu.memory_space<hbm>>
          %dma_start3A_502 = tpu.memref_slice %arg2[%mul3A_500] : memref<819200xi32, #tpu.memory_space<hbm>> -> memref<128xi32, #tpu.memory_space<hbm>>
          tpu.enqueue_dma source(%dma_start3A_502 : memref<128xi32, #tpu.memory_space<hbm>>) target(%arg14 : memref<128xi32, #tpu.memory_space<vmem>>) target_semaphore(%arg36 : memref<!tpu.dma_semaphore, #tpu.memory_space<semaphore_mem>>)
          %dma_start3A_503 = tpu.memref_slice %arg3[%mul3A_500] : memref<819200xi32, #tpu.memory_space<hbm>> -> memref<128xi32, #tpu.memory_space<hbm>>
          %dma_start3A_504 = tpu.memref_slice %arg3[%mul3A_500] : memref<819200xi32, #tpu.memory_space<hbm>> -> memref<128xi32, #tpu.memory_space<hbm>>
          tpu.enqueue_dma source(%dma_start3A_504 : memref<128xi32, #tpu.memory_space<hbm>>) target(%arg16 : memref<128xi32, #tpu.memory_space<vmem>>) target_semaphore(%arg36 : memref<!tpu.dma_semaphore, #tpu.memory_space<semaphore_mem>>)
        } else {
        }
        %add3A_406 = arith.constant 1 : i32
        %add3A_407 = arith.addi %add3A_398, %add3A_406 : i32
        %lt3A_408 = arith.constant 400 : i32
        %lt3A_409 = arith.cmpi slt, %add3A_407, %lt3A_408 : i32
        %convert_element_type3A_410 = arith.extui %lt3A_409 : i1 to i32
        %cond3A_411 = arith.constant 0 : i32
        %cond3A_412 = arith.cmpi ne, %convert_element_type3A_410, %cond3A_411 : i32
        scf.if %cond3A_412 {
          %dma_wait3A_496 = arith.constant 0 : i32
          %dma_wait3A_497 = tpu.memref_slice %arg2[%dma_wait3A_496] : memref<819200xi32, #tpu.memory_space<hbm>> -> memref<128xi32, #tpu.memory_space<hbm>>
          %dma_wait3A_498 = arith.constant 0 : i32
          %dma_wait3A_499 = tpu.memref_slice %arg2[%dma_wait3A_498] : memref<819200xi32, #tpu.memory_space<hbm>> -> memref<128xi32, #tpu.memory_space<hbm>>
          tpu.wait_dma2 semaphore(%arg35 : memref<!tpu.dma_semaphore, #tpu.memory_space<semaphore_mem>>) src(%dma_wait3A_499 : memref<128xi32, #tpu.memory_space<hbm>>) dst(%arg13 : memref<128xi32, #tpu.memory_space<vmem>>)
          %dma_wait3A_500 = arith.constant 0 : i32
          %dma_wait3A_501 = tpu.memref_slice %arg3[%dma_wait3A_500] : memref<819200xi32, #tpu.memory_space<hbm>> -> memref<128xi32, #tpu.memory_space<hbm>>
          %dma_wait3A_502 = arith.constant 0 : i32
          %dma_wait3A_503 = tpu.memref_slice %arg3[%dma_wait3A_502] : memref<819200xi32, #tpu.memory_space<hbm>> -> memref<128xi32, #tpu.memory_space<hbm>>
          tpu.wait_dma2 semaphore(%arg35 : memref<!tpu.dma_semaphore, #tpu.memory_space<semaphore_mem>>) src(%dma_wait3A_503 : memref<128xi32, #tpu.memory_space<hbm>>) dst(%arg15 : memref<128xi32, #tpu.memory_space<vmem>>)
          %get3A_504 = arith.constant 0 : index
          %get3A_505 = tpu.vector_load %arg13[%get3A_504] {strides = array<i32>} : memref<128xi32, #tpu.memory_space<vmem>>, vector<16xi32>,
          %get3A_506 = vector.shape_cast %get3A_505 : vector<16xi32> to vector<16xi32>
          %get3A_507 = arith.constant 0 : index
          %get3A_508 = tpu.vector_load %arg15[%get3A_507] {strides = array<i32>} : memref<128xi32, #tpu.memory_space<vmem>>, vector<16xi32>,
          %get3A_509 = vector.shape_cast %get3A_508 : vector<16xi32> to vector<16xi32>
          %add3A_510 = vector.broadcast %mul3A_16 : i32 to vector<16xi32>
          %add3A_511 = arith.addi %get3A_506, %add3A_510 : vector<16xi32>
          %swap3A_512 = arith.constant 0 : index
          %swap3A_513 = tpu.vector_load %arg17[%swap3A_512] {strides = array<i32>} : memref<128xi32, #tpu.memory_space<vmem>>, vector<16xi32>,
          %swap3A_514 = vector.shape_cast %swap3A_513 : vector<16xi32> to vector<16xi32>
          %swap3A_515 = vector.shape_cast %add3A_511 : vector<16xi32> to vector<16xi32>
          tpu.vector_store %arg17[%swap3A_512], %swap3A_515 {strides = array<i32>} : memref<128xi32, #tpu.memory_space<vmem>>, vector<16xi32>,
          %min3A_516 = arith.constant 49999 : i32
          %min3A_517 = vector.broadcast %min3A_516 : i32 to vector<16xi32>
          %min3A_518 = arith.minsi %get3A_509, %min3A_517 : vector<16xi32>
          %add3A_519 = vector.broadcast %mul3A_16 : i32 to vector<16xi32>
          %add3A_520 = arith.addi %min3A_518, %add3A_519 : vector<16xi32>
          %swap3A_521 = arith.constant 0 : index
          %swap3A_522 = tpu.vector_load %arg19[%swap3A_521] {strides = array<i32>} : memref<128xi32, #tpu.memory_space<vmem>>, vector<16xi32>,
          %swap3A_523 = vector.shape_cast %swap3A_522 : vector<16xi32> to vector<16xi32>
          %swap3A_524 = vector.shape_cast %add3A_520 : vector<16xi32> to vector<16xi32>
          tpu.vector_store %arg19[%swap3A_521], %swap3A_524 {strides = array<i32>} : memref<128xi32, #tpu.memory_space<vmem>>, vector<16xi32>,
          %swap3A_525 = arith.constant 0 : index
          %swap3A_526 = tpu.vector_load %arg21[%swap3A_525] {strides = array<i32>} : memref<128xi32, #tpu.memory_space<vmem>>, vector<16xi32>,
          %swap3A_527 = vector.shape_cast %swap3A_526 : vector<16xi32> to vector<16xi32>
          %swap3A_528 = vector.shape_cast %get3A_509 : vector<16xi32> to vector<16xi32>
          tpu.vector_store %arg21[%swap3A_525], %swap3A_528 {strides = array<i32>} : memref<128xi32, #tpu.memory_space<vmem>>, vector<16xi32>,
          %get3A_529 = arith.constant 16 : index
          %get3A_530 = tpu.vector_load %arg13[%get3A_529] {strides = array<i32>} : memref<128xi32, #tpu.memory_space<vmem>>, vector<16xi32>,
          %get3A_531 = vector.shape_cast %get3A_530 : vector<16xi32> to vector<16xi32>
          %get3A_532 = arith.constant 16 : index
          %get3A_533 = tpu.vector_load %arg15[%get3A_532] {strides = array<i32>} : memref<128xi32, #tpu.memory_space<vmem>>, vector<16xi32>,
          %get3A_534 = vector.shape_cast %get3A_533 : vector<16xi32> to vector<16xi32>
          %add3A_535 = vector.broadcast %mul3A_16 : i32 to vector<16xi32>
          %add3A_536 = arith.addi %get3A_531, %add3A_535 : vector<16xi32>
          %swap3A_537 = arith.constant 16 : index
          %swap3A_538 = tpu.vector_load %arg17[%swap3A_537] {strides = array<i32>} : memref<128xi32, #tpu.memory_space<vmem>>, vector<16xi32>,
          %swap3A_539 = vector.shape_cast %swap3A_538 : vector<16xi32> to vector<16xi32>
          %swap3A_540 = vector.shape_cast %add3A_536 : vector<16xi32> to vector<16xi32>
          tpu.vector_store %arg17[%swap3A_537], %swap3A_540 {strides = array<i32>} : memref<128xi32, #tpu.memory_space<vmem>>, vector<16xi32>,
          %min3A_541 = arith.constant 49999 : i32
          %min3A_542 = vector.broadcast %min3A_541 : i32 to vector<16xi32>
          %min3A_543 = arith.minsi %get3A_534, %min3A_542 : vector<16xi32>
          %add3A_544 = vector.broadcast %mul3A_16 : i32 to vector<16xi32>
          %add3A_545 = arith.addi %min3A_543, %add3A_544 : vector<16xi32>
          %swap3A_546 = arith.constant 16 : index
          %swap3A_547 = tpu.vector_load %arg19[%swap3A_546] {strides = array<i32>} : memref<128xi32, #tpu.memory_space<vmem>>, vector<16xi32>,
          %swap3A_548 = vector.shape_cast %swap3A_547 : vector<16xi32> to vector<16xi32>
          %swap3A_549 = vector.shape_cast %add3A_545 : vector<16xi32> to vector<16xi32>
          tpu.vector_store %arg19[%swap3A_546], %swap3A_549 {strides = array<i32>} : memref<128xi32, #tpu.memory_space<vmem>>, vector<16xi32>,
          %swap3A_550 = arith.constant 16 : index
          %swap3A_551 = tpu.vector_load %arg21[%swap3A_550] {strides = array<i32>} : memref<128xi32, #tpu.memory_space<vmem>>, vector<16xi32>,
          %swap3A_552 = vector.shape_cast %swap3A_551 : vector<16xi32> to vector<16xi32>
          %swap3A_553 = vector.shape_cast %get3A_534 : vector<16xi32> to vector<16xi32>
          tpu.vector_store %arg21[%swap3A_550], %swap3A_553 {strides = array<i32>} : memref<128xi32, #tpu.memory_space<vmem>>, vector<16xi32>,
          %get3A_554 = arith.constant 32 : index
          %get3A_555 = tpu.vector_load %arg13[%get3A_554] {strides = array<i32>} : memref<128xi32, #tpu.memory_space<vmem>>, vector<16xi32>,
          %get3A_556 = vector.shape_cast %get3A_555 : vector<16xi32> to vector<16xi32>
          %get3A_557 = arith.constant 32 : index
          %get3A_558 = tpu.vector_load %arg15[%get3A_557] {strides = array<i32>} : memref<128xi32, #tpu.memory_space<vmem>>, vector<16xi32>,
          %get3A_559 = vector.shape_cast %get3A_558 : vector<16xi32> to vector<16xi32>
          %add3A_560 = vector.broadcast %mul3A_16 : i32 to vector<16xi32>
          %add3A_561 = arith.addi %get3A_556, %add3A_560 : vector<16xi32>
          %swap3A_562 = arith.constant 32 : index
          %swap3A_563 = tpu.vector_load %arg17[%swap3A_562] {strides = array<i32>} : memref<128xi32, #tpu.memory_space<vmem>>, vector<16xi32>,
          %swap3A_564 = vector.shape_cast %swap3A_563 : vector<16xi32> to vector<16xi32>
          %swap3A_565 = vector.shape_cast %add3A_561 : vector<16xi32> to vector<16xi32>
          tpu.vector_store %arg17[%swap3A_562], %swap3A_565 {strides = array<i32>} : memref<128xi32, #tpu.memory_space<vmem>>, vector<16xi32>,
          %min3A_566 = arith.constant 49999 : i32
          %min3A_567 = vector.broadcast %min3A_566 : i32 to vector<16xi32>
          %min3A_568 = arith.minsi %get3A_559, %min3A_567 : vector<16xi32>
          %add3A_569 = vector.broadcast %mul3A_16 : i32 to vector<16xi32>
          %add3A_570 = arith.addi %min3A_568, %add3A_569 : vector<16xi32>
          %swap3A_571 = arith.constant 32 : index
          %swap3A_572 = tpu.vector_load %arg19[%swap3A_571] {strides = array<i32>} : memref<128xi32, #tpu.memory_space<vmem>>, vector<16xi32>,
          %swap3A_573 = vector.shape_cast %swap3A_572 : vector<16xi32> to vector<16xi32>
          %swap3A_574 = vector.shape_cast %add3A_570 : vector<16xi32> to vector<16xi32>
          tpu.vector_store %arg19[%swap3A_571], %swap3A_574 {strides = array<i32>} : memref<128xi32, #tpu.memory_space<vmem>>, vector<16xi32>,
          %swap3A_575 = arith.constant 32 : index
          %swap3A_576 = tpu.vector_load %arg21[%swap3A_575] {strides = array<i32>} : memref<128xi32, #tpu.memory_space<vmem>>, vector<16xi32>,
          %swap3A_577 = vector.shape_cast %swap3A_576 : vector<16xi32> to vector<16xi32>
          %swap3A_578 = vector.shape_cast %get3A_559 : vector<16xi32> to vector<16xi32>
          tpu.vector_store %arg21[%swap3A_575], %swap3A_578 {strides = array<i32>} : memref<128xi32, #tpu.memory_space<vmem>>, vector<16xi32>,
          %get3A_579 = arith.constant 48 : index
          %get3A_580 = tpu.vector_load %arg13[%get3A_579] {strides = array<i32>} : memref<128xi32, #tpu.memory_space<vmem>>, vector<16xi32>,
          %get3A_581 = vector.shape_cast %get3A_580 : vector<16xi32> to vector<16xi32>
          %get3A_582 = arith.constant 48 : index
          %get3A_583 = tpu.vector_load %arg15[%get3A_582] {strides = array<i32>} : memref<128xi32, #tpu.memory_space<vmem>>, vector<16xi32>,
          %get3A_584 = vector.shape_cast %get3A_583 : vector<16xi32> to vector<16xi32>
          %add3A_585 = vector.broadcast %mul3A_16 : i32 to vector<16xi32>
          %add3A_586 = arith.addi %get3A_581, %add3A_585 : vector<16xi32>
          %swap3A_587 = arith.constant 48 : index
          %swap3A_588 = tpu.vector_load %arg17[%swap3A_587] {strides = array<i32>} : memref<128xi32, #tpu.memory_space<vmem>>, vector<16xi32>,
          %swap3A_589 = vector.shape_cast %swap3A_588 : vector<16xi32> to vector<16xi32>
          %swap3A_590 = vector.shape_cast %add3A_586 : vector<16xi32> to vector<16xi32>
          tpu.vector_store %arg17[%swap3A_587], %swap3A_590 {strides = array<i32>} : memref<128xi32, #tpu.memory_space<vmem>>, vector<16xi32>,
          %min3A_591 = arith.constant 49999 : i32
          %min3A_592 = vector.broadcast %min3A_591 : i32 to vector<16xi32>
          %min3A_593 = arith.minsi %get3A_584, %min3A_592 : vector<16xi32>
          %add3A_594 = vector.broadcast %mul3A_16 : i32 to vector<16xi32>
          %add3A_595 = arith.addi %min3A_593, %add3A_594 : vector<16xi32>
          %swap3A_596 = arith.constant 48 : index
          %swap3A_597 = tpu.vector_load %arg19[%swap3A_596] {strides = array<i32>} : memref<128xi32, #tpu.memory_space<vmem>>, vector<16xi32>,
          %swap3A_598 = vector.shape_cast %swap3A_597 : vector<16xi32> to vector<16xi32>
          %swap3A_599 = vector.shape_cast %add3A_595 : vector<16xi32> to vector<16xi32>
          tpu.vector_store %arg19[%swap3A_596], %swap3A_599 {strides = array<i32>} : memref<128xi32, #tpu.memory_space<vmem>>, vector<16xi32>,
          %swap3A_600 = arith.constant 48 : index
          %swap3A_601 = tpu.vector_load %arg21[%swap3A_600] {strides = array<i32>} : memref<128xi32, #tpu.memory_space<vmem>>, vector<16xi32>,
          %swap3A_602 = vector.shape_cast %swap3A_601 : vector<16xi32> to vector<16xi32>
          %swap3A_603 = vector.shape_cast %get3A_584 : vector<16xi32> to vector<16xi32>
          tpu.vector_store %arg21[%swap3A_600], %swap3A_603 {strides = array<i32>} : memref<128xi32, #tpu.memory_space<vmem>>, vector<16xi32>,
          %get3A_604 = arith.constant 64 : index
          %get3A_605 = tpu.vector_load %arg13[%get3A_604] {strides = array<i32>} : memref<128xi32, #tpu.memory_space<vmem>>, vector<16xi32>,
          %get3A_606 = vector.shape_cast %get3A_605 : vector<16xi32> to vector<16xi32>
          %get3A_607 = arith.constant 64 : index
          %get3A_608 = tpu.vector_load %arg15[%get3A_607] {strides = array<i32>} : memref<128xi32, #tpu.memory_space<vmem>>, vector<16xi32>,
          %get3A_609 = vector.shape_cast %get3A_608 : vector<16xi32> to vector<16xi32>
          %add3A_610 = vector.broadcast %mul3A_16 : i32 to vector<16xi32>
          %add3A_611 = arith.addi %get3A_606, %add3A_610 : vector<16xi32>
          %swap3A_612 = arith.constant 64 : index
          %swap3A_613 = tpu.vector_load %arg17[%swap3A_612] {strides = array<i32>} : memref<128xi32, #tpu.memory_space<vmem>>, vector<16xi32>,
          %swap3A_614 = vector.shape_cast %swap3A_613 : vector<16xi32> to vector<16xi32>
          %swap3A_615 = vector.shape_cast %add3A_611 : vector<16xi32> to vector<16xi32>
          tpu.vector_store %arg17[%swap3A_612], %swap3A_615 {strides = array<i32>} : memref<128xi32, #tpu.memory_space<vmem>>, vector<16xi32>,
          %min3A_616 = arith.constant 49999 : i32
          %min3A_617 = vector.broadcast %min3A_616 : i32 to vector<16xi32>
          %min3A_618 = arith.minsi %get3A_609, %min3A_617 : vector<16xi32>
          %add3A_619 = vector.broadcast %mul3A_16 : i32 to vector<16xi32>
          %add3A_620 = arith.addi %min3A_618, %add3A_619 : vector<16xi32>
          %swap3A_621 = arith.constant 64 : index
          %swap3A_622 = tpu.vector_load %arg19[%swap3A_621] {strides = array<i32>} : memref<128xi32, #tpu.memory_space<vmem>>, vector<16xi32>,
          %swap3A_623 = vector.shape_cast %swap3A_622 : vector<16xi32> to vector<16xi32>
          %swap3A_624 = vector.shape_cast %add3A_620 : vector<16xi32> to vector<16xi32>
          tpu.vector_store %arg19[%swap3A_621], %swap3A_624 {strides = array<i32>} : memref<128xi32, #tpu.memory_space<vmem>>, vector<16xi32>,
          %swap3A_625 = arith.constant 64 : index
          %swap3A_626 = tpu.vector_load %arg21[%swap3A_625] {strides = array<i32>} : memref<128xi32, #tpu.memory_space<vmem>>, vector<16xi32>,
          %swap3A_627 = vector.shape_cast %swap3A_626 : vector<16xi32> to vector<16xi32>
          %swap3A_628 = vector.shape_cast %get3A_609 : vector<16xi32> to vector<16xi32>
          tpu.vector_store %arg21[%swap3A_625], %swap3A_628 {strides = array<i32>} : memref<128xi32, #tpu.memory_space<vmem>>, vector<16xi32>,
          %get3A_629 = arith.constant 80 : index
          %get3A_630 = tpu.vector_load %arg13[%get3A_629] {strides = array<i32>} : memref<128xi32, #tpu.memory_space<vmem>>, vector<16xi32>,
          %get3A_631 = vector.shape_cast %get3A_630 : vector<16xi32> to vector<16xi32>
          %get3A_632 = arith.constant 80 : index
          %get3A_633 = tpu.vector_load %arg15[%get3A_632] {strides = array<i32>} : memref<128xi32, #tpu.memory_space<vmem>>, vector<16xi32>,
          %get3A_634 = vector.shape_cast %get3A_633 : vector<16xi32> to vector<16xi32>
          %add3A_635 = vector.broadcast %mul3A_16 : i32 to vector<16xi32>
          %add3A_636 = arith.addi %get3A_631, %add3A_635 : vector<16xi32>
          %swap3A_637 = arith.constant 80 : index
          %swap3A_638 = tpu.vector_load %arg17[%swap3A_637] {strides = array<i32>} : memref<128xi32, #tpu.memory_space<vmem>>, vector<16xi32>,
          %swap3A_639 = vector.shape_cast %swap3A_638 : vector<16xi32> to vector<16xi32>
          %swap3A_640 = vector.shape_cast %add3A_636 : vector<16xi32> to vector<16xi32>
          tpu.vector_store %arg17[%swap3A_637], %swap3A_640 {strides = array<i32>} : memref<128xi32, #tpu.memory_space<vmem>>, vector<16xi32>,
          %min3A_641 = arith.constant 49999 : i32
          %min3A_642 = vector.broadcast %min3A_641 : i32 to vector<16xi32>
          %min3A_643 = arith.minsi %get3A_634, %min3A_642 : vector<16xi32>
          %add3A_644 = vector.broadcast %mul3A_16 : i32 to vector<16xi32>
          %add3A_645 = arith.addi %min3A_643, %add3A_644 : vector<16xi32>
          %swap3A_646 = arith.constant 80 : index
          %swap3A_647 = tpu.vector_load %arg19[%swap3A_646] {strides = array<i32>} : memref<128xi32, #tpu.memory_space<vmem>>, vector<16xi32>,
          %swap3A_648 = vector.shape_cast %swap3A_647 : vector<16xi32> to vector<16xi32>
          %swap3A_649 = vector.shape_cast %add3A_645 : vector<16xi32> to vector<16xi32>
          tpu.vector_store %arg19[%swap3A_646], %swap3A_649 {strides = array<i32>} : memref<128xi32, #tpu.memory_space<vmem>>, vector<16xi32>,
          %swap3A_650 = arith.constant 80 : index
          %swap3A_651 = tpu.vector_load %arg21[%swap3A_650] {strides = array<i32>} : memref<128xi32, #tpu.memory_space<vmem>>, vector<16xi32>,
          %swap3A_652 = vector.shape_cast %swap3A_651 : vector<16xi32> to vector<16xi32>
          %swap3A_653 = vector.shape_cast %get3A_634 : vector<16xi32> to vector<16xi32>
          tpu.vector_store %arg21[%swap3A_650], %swap3A_653 {strides = array<i32>} : memref<128xi32, #tpu.memory_space<vmem>>, vector<16xi32>,
          %get3A_654 = arith.constant 96 : index
          %get3A_655 = tpu.vector_load %arg13[%get3A_654] {strides = array<i32>} : memref<128xi32, #tpu.memory_space<vmem>>, vector<16xi32>,
          %get3A_656 = vector.shape_cast %get3A_655 : vector<16xi32> to vector<16xi32>
          %get3A_657 = arith.constant 96 : index
          %get3A_658 = tpu.vector_load %arg15[%get3A_657] {strides = array<i32>} : memref<128xi32, #tpu.memory_space<vmem>>, vector<16xi32>,
          %get3A_659 = vector.shape_cast %get3A_658 : vector<16xi32> to vector<16xi32>
          %add3A_660 = vector.broadcast %mul3A_16 : i32 to vector<16xi32>
          %add3A_661 = arith.addi %get3A_656, %add3A_660 : vector<16xi32>
          %swap3A_662 = arith.constant 96 : index
          %swap3A_663 = tpu.vector_load %arg17[%swap3A_662] {strides = array<i32>} : memref<128xi32, #tpu.memory_space<vmem>>, vector<16xi32>,
          %swap3A_664 = vector.shape_cast %swap3A_663 : vector<16xi32> to vector<16xi32>
          %swap3A_665 = vector.shape_cast %add3A_661 : vector<16xi32> to vector<16xi32>
          tpu.vector_store %arg17[%swap3A_662], %swap3A_665 {strides = array<i32>} : memref<128xi32, #tpu.memory_space<vmem>>, vector<16xi32>,
          %min3A_666 = arith.constant 49999 : i32
          %min3A_667 = vector.broadcast %min3A_666 : i32 to vector<16xi32>
          %min3A_668 = arith.minsi %get3A_659, %min3A_667 : vector<16xi32>
          %add3A_669 = vector.broadcast %mul3A_16 : i32 to vector<16xi32>
          %add3A_670 = arith.addi %min3A_668, %add3A_669 : vector<16xi32>
          %swap3A_671 = arith.constant 96 : index
          %swap3A_672 = tpu.vector_load %arg19[%swap3A_671] {strides = array<i32>} : memref<128xi32, #tpu.memory_space<vmem>>, vector<16xi32>,
          %swap3A_673 = vector.shape_cast %swap3A_672 : vector<16xi32> to vector<16xi32>
          %swap3A_674 = vector.shape_cast %add3A_670 : vector<16xi32> to vector<16xi32>
          tpu.vector_store %arg19[%swap3A_671], %swap3A_674 {strides = array<i32>} : memref<128xi32, #tpu.memory_space<vmem>>, vector<16xi32>,
          %swap3A_675 = arith.constant 96 : index
          %swap3A_676 = tpu.vector_load %arg21[%swap3A_675] {strides = array<i32>} : memref<128xi32, #tpu.memory_space<vmem>>, vector<16xi32>,
          %swap3A_677 = vector.shape_cast %swap3A_676 : vector<16xi32> to vector<16xi32>
          %swap3A_678 = vector.shape_cast %get3A_659 : vector<16xi32> to vector<16xi32>
          tpu.vector_store %arg21[%swap3A_675], %swap3A_678 {strides = array<i32>} : memref<128xi32, #tpu.memory_space<vmem>>, vector<16xi32>,
          %get3A_679 = arith.constant 112 : index
          %get3A_680 = tpu.vector_load %arg13[%get3A_679] {strides = array<i32>} : memref<128xi32, #tpu.memory_space<vmem>>, vector<16xi32>,
          %get3A_681 = vector.shape_cast %get3A_680 : vector<16xi32> to vector<16xi32>
          %get3A_682 = arith.constant 112 : index
          %get3A_683 = tpu.vector_load %arg15[%get3A_682] {strides = array<i32>} : memref<128xi32, #tpu.memory_space<vmem>>, vector<16xi32>,
          %get3A_684 = vector.shape_cast %get3A_683 : vector<16xi32> to vector<16xi32>
          %add3A_685 = vector.broadcast %mul3A_16 : i32 to vector<16xi32>
          %add3A_686 = arith.addi %get3A_681, %add3A_685 : vector<16xi32>
          %swap3A_687 = arith.constant 112 : index
          %swap3A_688 = tpu.vector_load %arg17[%swap3A_687] {strides = array<i32>} : memref<128xi32, #tpu.memory_space<vmem>>, vector<16xi32>,
          %swap3A_689 = vector.shape_cast %swap3A_688 : vector<16xi32> to vector<16xi32>
          %swap3A_690 = vector.shape_cast %add3A_686 : vector<16xi32> to vector<16xi32>
          tpu.vector_store %arg17[%swap3A_687], %swap3A_690 {strides = array<i32>} : memref<128xi32, #tpu.memory_space<vmem>>, vector<16xi32>,
          %min3A_691 = arith.constant 49999 : i32
          %min3A_692 = vector.broadcast %min3A_691 : i32 to vector<16xi32>
          %min3A_693 = arith.minsi %get3A_684, %min3A_692 : vector<16xi32>
          %add3A_694 = vector.broadcast %mul3A_16 : i32 to vector<16xi32>
          %add3A_695 = arith.addi %min3A_693, %add3A_694 : vector<16xi32>
          %swap3A_696 = arith.constant 112 : index
          %swap3A_697 = tpu.vector_load %arg19[%swap3A_696] {strides = array<i32>} : memref<128xi32, #tpu.memory_space<vmem>>, vector<16xi32>,
          %swap3A_698 = vector.shape_cast %swap3A_697 : vector<16xi32> to vector<16xi32>
          %swap3A_699 = vector.shape_cast %add3A_695 : vector<16xi32> to vector<16xi32>
          tpu.vector_store %arg19[%swap3A_696], %swap3A_699 {strides = array<i32>} : memref<128xi32, #tpu.memory_space<vmem>>, vector<16xi32>,
          %swap3A_700 = arith.constant 112 : index
          %swap3A_701 = tpu.vector_load %arg21[%swap3A_700] {strides = array<i32>} : memref<128xi32, #tpu.memory_space<vmem>>, vector<16xi32>,
          %swap3A_702 = vector.shape_cast %swap3A_701 : vector<16xi32> to vector<16xi32>
          %swap3A_703 = vector.shape_cast %get3A_684 : vector<16xi32> to vector<16xi32>
          tpu.vector_store %arg21[%swap3A_700], %swap3A_703 {strides = array<i32>} : memref<128xi32, #tpu.memory_space<vmem>>, vector<16xi32>,
          %dma_start3A_704 = arith.constant 0 : i32
          %dma_start3A_705 = arith.constant 0 : i32
          %dma_start3A_706 = tpu.memref_slice %arg4[%dma_start3A_704, %dma_start3A_705] : memref<200000x16xf32, #tpu.memory_space<hbm>> -> memref<200000x16xf32, #tpu.memory_space<hbm>>
          tpu.enqueue_indirect_dma source(%dma_start3A_706 : memref<200000x16xf32, #tpu.memory_space<hbm>>) target(%arg25 : memref<128x16xf32, #tpu.memory_space<vmem>>) offsets(%arg17 : memref<128xi32, #tpu.memory_space<vmem>>) semaphore(%arg37 : memref<!tpu.dma_semaphore, #tpu.memory_space<semaphore_mem>>)
          %dma_start3A_707 = arith.constant 0 : i32
          %dma_start3A_708 = arith.constant 0 : i32
          %dma_start3A_709 = tpu.memref_slice %arg5[%dma_start3A_707, %dma_start3A_708] : memref<200000x16xf32, #tpu.memory_space<hbm>> -> memref<200000x16xf32, #tpu.memory_space<hbm>>
          tpu.enqueue_indirect_dma source(%dma_start3A_709 : memref<200000x16xf32, #tpu.memory_space<hbm>>) target(%arg27 : memref<128x16xf32, #tpu.memory_space<vmem>>) offsets(%arg19 : memref<128xi32, #tpu.memory_space<vmem>>) semaphore(%arg37 : memref<!tpu.dma_semaphore, #tpu.memory_space<semaphore_mem>>)
          %dma_start3A_710 = arith.constant 0 : i32
          %dma_start3A_711 = arith.constant 0 : i32
          %dma_start3A_712 = tpu.memref_slice %arg6[%dma_start3A_710, %dma_start3A_711] : memref<200000x16xf32, #tpu.memory_space<hbm>> -> memref<200000x16xf32, #tpu.memory_space<hbm>>
          tpu.enqueue_indirect_dma source(%dma_start3A_712 : memref<200000x16xf32, #tpu.memory_space<hbm>>) target(%arg29 : memref<128x16xf32, #tpu.memory_space<vmem>>) offsets(%arg17 : memref<128xi32, #tpu.memory_space<vmem>>) semaphore(%arg37 : memref<!tpu.dma_semaphore, #tpu.memory_space<semaphore_mem>>)
        } else {
        }
        %dma_wait3A_413 = arith.constant 0 : i32
        %dma_wait3A_414 = arith.constant 0 : i32
        %dma_wait3A_415 = tpu.memref_slice %arg4[%dma_wait3A_413, %dma_wait3A_414] : memref<200000x16xf32, #tpu.memory_space<hbm>> -> memref<200000x16xf32, #tpu.memory_space<hbm>>
        tpu.wait_indirect_dma semaphore(%arg38 : memref<!tpu.dma_semaphore, #tpu.memory_space<semaphore_mem>>) src(%dma_wait3A_415 : memref<200000x16xf32, #tpu.memory_space<hbm>>) dst(%arg26 : memref<128x16xf32, #tpu.memory_space<vmem>>)
        %dma_wait3A_416 = arith.constant 0 : i32
        %dma_wait3A_417 = arith.constant 0 : i32
        %dma_wait3A_418 = tpu.memref_slice %arg5[%dma_wait3A_416, %dma_wait3A_417] : memref<200000x16xf32, #tpu.memory_space<hbm>> -> memref<200000x16xf32, #tpu.memory_space<hbm>>
        tpu.wait_indirect_dma semaphore(%arg38 : memref<!tpu.dma_semaphore, #tpu.memory_space<semaphore_mem>>) src(%dma_wait3A_418 : memref<200000x16xf32, #tpu.memory_space<hbm>>) dst(%arg28 : memref<128x16xf32, #tpu.memory_space<vmem>>)
        %dma_wait3A_419 = arith.constant 0 : i32
        %dma_wait3A_420 = arith.constant 0 : i32
        %dma_wait3A_421 = tpu.memref_slice %arg6[%dma_wait3A_419, %dma_wait3A_420] : memref<200000x16xf32, #tpu.memory_space<hbm>> -> memref<200000x16xf32, #tpu.memory_space<hbm>>
        tpu.wait_indirect_dma semaphore(%arg38 : memref<!tpu.dma_semaphore, #tpu.memory_space<semaphore_mem>>) src(%dma_wait3A_421 : memref<200000x16xf32, #tpu.memory_space<hbm>>) dst(%arg30 : memref<128x16xf32, #tpu.memory_space<vmem>>)
        %ge3A_422 = arith.constant 2 : i32
        %ge3A_423 = arith.cmpi sge, %add3A_398, %ge3A_422 : i32
        %convert_element_type3A_424 = arith.extui %ge3A_423 : i1 to i32
        %cond3A_425 = arith.constant 0 : i32
        %cond3A_426 = arith.cmpi ne, %convert_element_type3A_424, %cond3A_425 : i32
        scf.if %cond3A_426 {
          %dma_wait3A_496 = arith.constant 0 : i32
          %dma_wait3A_497 = arith.constant 0 : i32
          %dma_wait3A_498 = tpu.memref_slice %arg8[%dma_wait3A_496, %dma_wait3A_497] : memref<50176x16xf32, #tpu.memory_space<vmem_shared>> -> memref<50176x16xf32, #tpu.memory_space<vmem_shared>>
          tpu.wait_indirect_dma semaphore(%arg40 : memref<!tpu.dma_semaphore, #tpu.memory_space<semaphore_mem>>) src(%arg32 : memref<128x16xf32, #tpu.memory_space<vmem>>) dst(%dma_wait3A_498 : memref<50176x16xf32, #tpu.memory_space<vmem_shared>>)
          %dma_wait3A_499 = arith.constant 0 : i32
          %dma_wait3A_500 = arith.constant 0 : i32
          %dma_wait3A_501 = tpu.memref_slice %arg9[%dma_wait3A_499, %dma_wait3A_500] : memref<50176x16xf32, #tpu.memory_space<vmem_shared>> -> memref<50176x16xf32, #tpu.memory_space<vmem_shared>>
          tpu.wait_indirect_dma semaphore(%arg40 : memref<!tpu.dma_semaphore, #tpu.memory_space<semaphore_mem>>) src(%arg34 : memref<128x16xf32, #tpu.memory_space<vmem>>) dst(%dma_wait3A_501 : memref<50176x16xf32, #tpu.memory_space<vmem_shared>>)
        } else {
        }
        %scan3A_427 = arith.constant 0 : i32
        %scan3A_428 = arith.constant 0 : i32
        %scan3A_429 = arith.constant 16 : i32
        %scan3A_430 = arith.addi %scan3A_428, %scan3A_429 : i32
        %scan3A_431 = arith.constant 1 : i32
        %scan3A_432 = scf.for %scan3A_496 = %scan3A_428 to %scan3A_430 step %scan3A_431 iter_args(%scan3A_497 = %scan3A_427) -> (i32)  : i32 {
          %mul3A_498 = arith.constant 8 : i32
          %mul3A_499 = arith.muli %scan3A_496, %mul3A_498 : i32
          %add3A_500 = arith.constant 0 : i32
          %add3A_501 = arith.addi %mul3A_499, %add3A_500 : i32
          %get3A_502 = arith.index_cast %add3A_501 : i32 to index
          %get3A_503 = arith.constant 0 : index
          %get3A_504 = tpu.vector_load %arg26[%get3A_502, %get3A_503] {strides = array<i32>} : memref<128x16xf32, #tpu.memory_space<vmem>>, vector<1x16xf32>,
          %get3A_505 = vector.shape_cast %get3A_504 : vector<1x16xf32> to vector<16xf32>
          %get3A_506 = arith.index_cast %add3A_501 : i32 to index
          %get3A_507 = arith.constant 0 : index
          %get3A_508 = tpu.vector_load %arg28[%get3A_506, %get3A_507] {strides = array<i32>} : memref<128x16xf32, #tpu.memory_space<vmem>>, vector<1x16xf32>,
          %get3A_509 = vector.shape_cast %get3A_508 : vector<1x16xf32> to vector<16xf32>
          %add3A_510 = arith.addf %get3A_505, %get3A_509 : vector<16xf32>
          %mul3A_511 = arith.constant 2.000000e-01 : f32
          %mul3A_512 = vector.broadcast %mul3A_511 : f32 to vector<16xf32>
          %mul3A_513 = arith.mulf %add3A_510, %mul3A_512 : vector<16xf32>
          %max3A = arith.maximumf %add3A_510, %mul3A_513 : vector<16xf32>
          %exp3A = math.exp %max3A : vector<16xf32>
          %get3A_514 = arith.index_cast %add3A_501 : i32 to index
          %get3A_515 = arith.constant 0 : index
          %get3A_516 = tpu.vector_load %arg30[%get3A_514, %get3A_515] {strides = array<i32>} : memref<128x16xf32, #tpu.memory_space<vmem>>, vector<1x16xf32>,
          %get3A_517 = vector.shape_cast %get3A_516 : vector<1x16xf32> to vector<16xf32>
          %mul3A_518 = arith.mulf %get3A_517, %exp3A : vector<16xf32>
          %swap3A_519 = arith.index_cast %add3A_501 : i32 to index
          %swap3A_520 = arith.constant 0 : index
          %swap3A_521 = tpu.vector_load %arg32[%swap3A_519, %swap3A_520] {strides = array<i32>} : memref<128x16xf32, #tpu.memory_space<vmem>>, vector<1x16xf32>,
          %swap3A_522 = vector.shape_cast %swap3A_521 : vector<1x16xf32> to vector<16xf32>
          %swap3A_523 = vector.shape_cast %mul3A_518 : vector<16xf32> to vector<1x16xf32>
          tpu.vector_store %arg32[%swap3A_519, %swap3A_520], %swap3A_523 {strides = array<i32>} : memref<128x16xf32, #tpu.memory_space<vmem>>, vector<1x16xf32>,
          %swap3A_524 = arith.index_cast %add3A_501 : i32 to index
          %swap3A_525 = arith.constant 0 : index
          %swap3A_526 = tpu.vector_load %arg34[%swap3A_524, %swap3A_525] {strides = array<i32>} : memref<128x16xf32, #tpu.memory_space<vmem>>, vector<1x16xf32>,
          %swap3A_527 = vector.shape_cast %swap3A_526 : vector<1x16xf32> to vector<16xf32>
          %swap3A_528 = vector.shape_cast %exp3A : vector<16xf32> to vector<1x16xf32>
          tpu.vector_store %arg34[%swap3A_524, %swap3A_525], %swap3A_528 {strides = array<i32>} : memref<128x16xf32, #tpu.memory_space<vmem>>, vector<1x16xf32>,
          %mul3A_529 = arith.constant 8 : i32
          %mul3A_530 = arith.muli %scan3A_496, %mul3A_529 : i32
          %add3A_531 = arith.constant 1 : i32
          %add3A_532 = arith.addi %mul3A_530, %add3A_531 : i32
          %get3A_533 = arith.index_cast %add3A_532 : i32 to index
          %get3A_534 = arith.constant 0 : index
          %get3A_535 = tpu.vector_load %arg26[%get3A_533, %get3A_534] {strides = array<i32>} : memref<128x16xf32, #tpu.memory_space<vmem>>, vector<1x16xf32>,
          %get3A_536 = vector.shape_cast %get3A_535 : vector<1x16xf32> to vector<16xf32>
          %get3A_537 = arith.index_cast %add3A_532 : i32 to index
          %get3A_538 = arith.constant 0 : index
          %get3A_539 = tpu.vector_load %arg28[%get3A_537, %get3A_538] {strides = array<i32>} : memref<128x16xf32, #tpu.memory_space<vmem>>, vector<1x16xf32>,
          %get3A_540 = vector.shape_cast %get3A_539 : vector<1x16xf32> to vector<16xf32>
          %add3A_541 = arith.addf %get3A_536, %get3A_540 : vector<16xf32>
          %mul3A_542 = arith.constant 2.000000e-01 : f32
          %mul3A_543 = vector.broadcast %mul3A_542 : f32 to vector<16xf32>
          %mul3A_544 = arith.mulf %add3A_541, %mul3A_543 : vector<16xf32>
          %max3A_545 = arith.maximumf %add3A_541, %mul3A_544 : vector<16xf32>
          %exp3A_546 = math.exp %max3A_545 : vector<16xf32>
          %get3A_547 = arith.index_cast %add3A_532 : i32 to index
          %get3A_548 = arith.constant 0 : index
          %get3A_549 = tpu.vector_load %arg30[%get3A_547, %get3A_548] {strides = array<i32>} : memref<128x16xf32, #tpu.memory_space<vmem>>, vector<1x16xf32>,
          %get3A_550 = vector.shape_cast %get3A_549 : vector<1x16xf32> to vector<16xf32>
          %mul3A_551 = arith.mulf %get3A_550, %exp3A_546 : vector<16xf32>
          %swap3A_552 = arith.index_cast %add3A_532 : i32 to index
          %swap3A_553 = arith.constant 0 : index
          %swap3A_554 = tpu.vector_load %arg32[%swap3A_552, %swap3A_553] {strides = array<i32>} : memref<128x16xf32, #tpu.memory_space<vmem>>, vector<1x16xf32>,
          %swap3A_555 = vector.shape_cast %swap3A_554 : vector<1x16xf32> to vector<16xf32>
          %swap3A_556 = vector.shape_cast %mul3A_551 : vector<16xf32> to vector<1x16xf32>
          tpu.vector_store %arg32[%swap3A_552, %swap3A_553], %swap3A_556 {strides = array<i32>} : memref<128x16xf32, #tpu.memory_space<vmem>>, vector<1x16xf32>,
          %swap3A_557 = arith.index_cast %add3A_532 : i32 to index
          %swap3A_558 = arith.constant 0 : index
          %swap3A_559 = tpu.vector_load %arg34[%swap3A_557, %swap3A_558] {strides = array<i32>} : memref<128x16xf32, #tpu.memory_space<vmem>>, vector<1x16xf32>,
          %swap3A_560 = vector.shape_cast %swap3A_559 : vector<1x16xf32> to vector<16xf32>
          %swap3A_561 = vector.shape_cast %exp3A_546 : vector<16xf32> to vector<1x16xf32>
          tpu.vector_store %arg34[%swap3A_557, %swap3A_558], %swap3A_561 {strides = array<i32>} : memref<128x16xf32, #tpu.memory_space<vmem>>, vector<1x16xf32>,
          %mul3A_562 = arith.constant 8 : i32
          %mul3A_563 = arith.muli %scan3A_496, %mul3A_562 : i32
          %add3A_564 = arith.constant 2 : i32
          %add3A_565 = arith.addi %mul3A_563, %add3A_564 : i32
          %get3A_566 = arith.index_cast %add3A_565 : i32 to index
          %get3A_567 = arith.constant 0 : index
          %get3A_568 = tpu.vector_load %arg26[%get3A_566, %get3A_567] {strides = array<i32>} : memref<128x16xf32, #tpu.memory_space<vmem>>, vector<1x16xf32>,
          %get3A_569 = vector.shape_cast %get3A_568 : vector<1x16xf32> to vector<16xf32>
          %get3A_570 = arith.index_cast %add3A_565 : i32 to index
          %get3A_571 = arith.constant 0 : index
          %get3A_572 = tpu.vector_load %arg28[%get3A_570, %get3A_571] {strides = array<i32>} : memref<128x16xf32, #tpu.memory_space<vmem>>, vector<1x16xf32>,
          %get3A_573 = vector.shape_cast %get3A_572 : vector<1x16xf32> to vector<16xf32>
          %add3A_574 = arith.addf %get3A_569, %get3A_573 : vector<16xf32>
          %mul3A_575 = arith.constant 2.000000e-01 : f32
          %mul3A_576 = vector.broadcast %mul3A_575 : f32 to vector<16xf32>
          %mul3A_577 = arith.mulf %add3A_574, %mul3A_576 : vector<16xf32>
          %max3A_578 = arith.maximumf %add3A_574, %mul3A_577 : vector<16xf32>
          %exp3A_579 = math.exp %max3A_578 : vector<16xf32>
          %get3A_580 = arith.index_cast %add3A_565 : i32 to index
          %get3A_581 = arith.constant 0 : index
          %get3A_582 = tpu.vector_load %arg30[%get3A_580, %get3A_581] {strides = array<i32>} : memref<128x16xf32, #tpu.memory_space<vmem>>, vector<1x16xf32>,
          %get3A_583 = vector.shape_cast %get3A_582 : vector<1x16xf32> to vector<16xf32>
          %mul3A_584 = arith.mulf %get3A_583, %exp3A_579 : vector<16xf32>
          %swap3A_585 = arith.index_cast %add3A_565 : i32 to index
          %swap3A_586 = arith.constant 0 : index
          %swap3A_587 = tpu.vector_load %arg32[%swap3A_585, %swap3A_586] {strides = array<i32>} : memref<128x16xf32, #tpu.memory_space<vmem>>, vector<1x16xf32>,
          %swap3A_588 = vector.shape_cast %swap3A_587 : vector<1x16xf32> to vector<16xf32>
          %swap3A_589 = vector.shape_cast %mul3A_584 : vector<16xf32> to vector<1x16xf32>
          tpu.vector_store %arg32[%swap3A_585, %swap3A_586], %swap3A_589 {strides = array<i32>} : memref<128x16xf32, #tpu.memory_space<vmem>>, vector<1x16xf32>,
          %swap3A_590 = arith.index_cast %add3A_565 : i32 to index
          %swap3A_591 = arith.constant 0 : index
          %swap3A_592 = tpu.vector_load %arg34[%swap3A_590, %swap3A_591] {strides = array<i32>} : memref<128x16xf32, #tpu.memory_space<vmem>>, vector<1x16xf32>,
          %swap3A_593 = vector.shape_cast %swap3A_592 : vector<1x16xf32> to vector<16xf32>
          %swap3A_594 = vector.shape_cast %exp3A_579 : vector<16xf32> to vector<1x16xf32>
          tpu.vector_store %arg34[%swap3A_590, %swap3A_591], %swap3A_594 {strides = array<i32>} : memref<128x16xf32, #tpu.memory_space<vmem>>, vector<1x16xf32>,
          %mul3A_595 = arith.constant 8 : i32
          %mul3A_596 = arith.muli %scan3A_496, %mul3A_595 : i32
          %add3A_597 = arith.constant 3 : i32
          %add3A_598 = arith.addi %mul3A_596, %add3A_597 : i32
          %get3A_599 = arith.index_cast %add3A_598 : i32 to index
          %get3A_600 = arith.constant 0 : index
          %get3A_601 = tpu.vector_load %arg26[%get3A_599, %get3A_600] {strides = array<i32>} : memref<128x16xf32, #tpu.memory_space<vmem>>, vector<1x16xf32>,
          %get3A_602 = vector.shape_cast %get3A_601 : vector<1x16xf32> to vector<16xf32>
          %get3A_603 = arith.index_cast %add3A_598 : i32 to index
          %get3A_604 = arith.constant 0 : index
          %get3A_605 = tpu.vector_load %arg28[%get3A_603, %get3A_604] {strides = array<i32>} : memref<128x16xf32, #tpu.memory_space<vmem>>, vector<1x16xf32>,
          %get3A_606 = vector.shape_cast %get3A_605 : vector<1x16xf32> to vector<16xf32>
          %add3A_607 = arith.addf %get3A_602, %get3A_606 : vector<16xf32>
          %mul3A_608 = arith.constant 2.000000e-01 : f32
          %mul3A_609 = vector.broadcast %mul3A_608 : f32 to vector<16xf32>
          %mul3A_610 = arith.mulf %add3A_607, %mul3A_609 : vector<16xf32>
          %max3A_611 = arith.maximumf %add3A_607, %mul3A_610 : vector<16xf32>
          %exp3A_612 = math.exp %max3A_611 : vector<16xf32>
          %get3A_613 = arith.index_cast %add3A_598 : i32 to index
          %get3A_614 = arith.constant 0 : index
          %get3A_615 = tpu.vector_load %arg30[%get3A_613, %get3A_614] {strides = array<i32>} : memref<128x16xf32, #tpu.memory_space<vmem>>, vector<1x16xf32>,
          %get3A_616 = vector.shape_cast %get3A_615 : vector<1x16xf32> to vector<16xf32>
          %mul3A_617 = arith.mulf %get3A_616, %exp3A_612 : vector<16xf32>
          %swap3A_618 = arith.index_cast %add3A_598 : i32 to index
          %swap3A_619 = arith.constant 0 : index
          %swap3A_620 = tpu.vector_load %arg32[%swap3A_618, %swap3A_619] {strides = array<i32>} : memref<128x16xf32, #tpu.memory_space<vmem>>, vector<1x16xf32>,
          %swap3A_621 = vector.shape_cast %swap3A_620 : vector<1x16xf32> to vector<16xf32>
          %swap3A_622 = vector.shape_cast %mul3A_617 : vector<16xf32> to vector<1x16xf32>
          tpu.vector_store %arg32[%swap3A_618, %swap3A_619], %swap3A_622 {strides = array<i32>} : memref<128x16xf32, #tpu.memory_space<vmem>>, vector<1x16xf32>,
          %swap3A_623 = arith.index_cast %add3A_598 : i32 to index
          %swap3A_624 = arith.constant 0 : index
          %swap3A_625 = tpu.vector_load %arg34[%swap3A_623, %swap3A_624] {strides = array<i32>} : memref<128x16xf32, #tpu.memory_space<vmem>>, vector<1x16xf32>,
          %swap3A_626 = vector.shape_cast %swap3A_625 : vector<1x16xf32> to vector<16xf32>
          %swap3A_627 = vector.shape_cast %exp3A_612 : vector<16xf32> to vector<1x16xf32>
          tpu.vector_store %arg34[%swap3A_623, %swap3A_624], %swap3A_627 {strides = array<i32>} : memref<128x16xf32, #tpu.memory_space<vmem>>, vector<1x16xf32>,
          %mul3A_628 = arith.constant 8 : i32
          %mul3A_629 = arith.muli %scan3A_496, %mul3A_628 : i32
          %add3A_630 = arith.constant 4 : i32
          %add3A_631 = arith.addi %mul3A_629, %add3A_630 : i32
          %get3A_632 = arith.index_cast %add3A_631 : i32 to index
          %get3A_633 = arith.constant 0 : index
          %get3A_634 = tpu.vector_load %arg26[%get3A_632, %get3A_633] {strides = array<i32>} : memref<128x16xf32, #tpu.memory_space<vmem>>, vector<1x16xf32>,
          %get3A_635 = vector.shape_cast %get3A_634 : vector<1x16xf32> to vector<16xf32>
          %get3A_636 = arith.index_cast %add3A_631 : i32 to index
          %get3A_637 = arith.constant 0 : index
          %get3A_638 = tpu.vector_load %arg28[%get3A_636, %get3A_637] {strides = array<i32>} : memref<128x16xf32, #tpu.memory_space<vmem>>, vector<1x16xf32>,
          %get3A_639 = vector.shape_cast %get3A_638 : vector<1x16xf32> to vector<16xf32>
          %add3A_640 = arith.addf %get3A_635, %get3A_639 : vector<16xf32>
          %mul3A_641 = arith.constant 2.000000e-01 : f32
          %mul3A_642 = vector.broadcast %mul3A_641 : f32 to vector<16xf32>
          %mul3A_643 = arith.mulf %add3A_640, %mul3A_642 : vector<16xf32>
          %max3A_644 = arith.maximumf %add3A_640, %mul3A_643 : vector<16xf32>
          %exp3A_645 = math.exp %max3A_644 : vector<16xf32>
          %get3A_646 = arith.index_cast %add3A_631 : i32 to index
          %get3A_647 = arith.constant 0 : index
          %get3A_648 = tpu.vector_load %arg30[%get3A_646, %get3A_647] {strides = array<i32>} : memref<128x16xf32, #tpu.memory_space<vmem>>, vector<1x16xf32>,
          %get3A_649 = vector.shape_cast %get3A_648 : vector<1x16xf32> to vector<16xf32>
          %mul3A_650 = arith.mulf %get3A_649, %exp3A_645 : vector<16xf32>
          %swap3A_651 = arith.index_cast %add3A_631 : i32 to index
          %swap3A_652 = arith.constant 0 : index
          %swap3A_653 = tpu.vector_load %arg32[%swap3A_651, %swap3A_652] {strides = array<i32>} : memref<128x16xf32, #tpu.memory_space<vmem>>, vector<1x16xf32>,
          %swap3A_654 = vector.shape_cast %swap3A_653 : vector<1x16xf32> to vector<16xf32>
          %swap3A_655 = vector.shape_cast %mul3A_650 : vector<16xf32> to vector<1x16xf32>
          tpu.vector_store %arg32[%swap3A_651, %swap3A_652], %swap3A_655 {strides = array<i32>} : memref<128x16xf32, #tpu.memory_space<vmem>>, vector<1x16xf32>,
          %swap3A_656 = arith.index_cast %add3A_631 : i32 to index
          %swap3A_657 = arith.constant 0 : index
          %swap3A_658 = tpu.vector_load %arg34[%swap3A_656, %swap3A_657] {strides = array<i32>} : memref<128x16xf32, #tpu.memory_space<vmem>>, vector<1x16xf32>,
          %swap3A_659 = vector.shape_cast %swap3A_658 : vector<1x16xf32> to vector<16xf32>
          %swap3A_660 = vector.shape_cast %exp3A_645 : vector<16xf32> to vector<1x16xf32>
          tpu.vector_store %arg34[%swap3A_656, %swap3A_657], %swap3A_660 {strides = array<i32>} : memref<128x16xf32, #tpu.memory_space<vmem>>, vector<1x16xf32>,
          %mul3A_661 = arith.constant 8 : i32
          %mul3A_662 = arith.muli %scan3A_496, %mul3A_661 : i32
          %add3A_663 = arith.constant 5 : i32
          %add3A_664 = arith.addi %mul3A_662, %add3A_663 : i32
          %get3A_665 = arith.index_cast %add3A_664 : i32 to index
          %get3A_666 = arith.constant 0 : index
          %get3A_667 = tpu.vector_load %arg26[%get3A_665, %get3A_666] {strides = array<i32>} : memref<128x16xf32, #tpu.memory_space<vmem>>, vector<1x16xf32>,
          %get3A_668 = vector.shape_cast %get3A_667 : vector<1x16xf32> to vector<16xf32>
          %get3A_669 = arith.index_cast %add3A_664 : i32 to index
          %get3A_670 = arith.constant 0 : index
          %get3A_671 = tpu.vector_load %arg28[%get3A_669, %get3A_670] {strides = array<i32>} : memref<128x16xf32, #tpu.memory_space<vmem>>, vector<1x16xf32>,
          %get3A_672 = vector.shape_cast %get3A_671 : vector<1x16xf32> to vector<16xf32>
          %add3A_673 = arith.addf %get3A_668, %get3A_672 : vector<16xf32>
          %mul3A_674 = arith.constant 2.000000e-01 : f32
          %mul3A_675 = vector.broadcast %mul3A_674 : f32 to vector<16xf32>
          %mul3A_676 = arith.mulf %add3A_673, %mul3A_675 : vector<16xf32>
          %max3A_677 = arith.maximumf %add3A_673, %mul3A_676 : vector<16xf32>
          %exp3A_678 = math.exp %max3A_677 : vector<16xf32>
          %get3A_679 = arith.index_cast %add3A_664 : i32 to index
          %get3A_680 = arith.constant 0 : index
          %get3A_681 = tpu.vector_load %arg30[%get3A_679, %get3A_680] {strides = array<i32>} : memref<128x16xf32, #tpu.memory_space<vmem>>, vector<1x16xf32>,
          %get3A_682 = vector.shape_cast %get3A_681 : vector<1x16xf32> to vector<16xf32>
          %mul3A_683 = arith.mulf %get3A_682, %exp3A_678 : vector<16xf32>
          %swap3A_684 = arith.index_cast %add3A_664 : i32 to index
          %swap3A_685 = arith.constant 0 : index
          %swap3A_686 = tpu.vector_load %arg32[%swap3A_684, %swap3A_685] {strides = array<i32>} : memref<128x16xf32, #tpu.memory_space<vmem>>, vector<1x16xf32>,
          %swap3A_687 = vector.shape_cast %swap3A_686 : vector<1x16xf32> to vector<16xf32>
          %swap3A_688 = vector.shape_cast %mul3A_683 : vector<16xf32> to vector<1x16xf32>
          tpu.vector_store %arg32[%swap3A_684, %swap3A_685], %swap3A_688 {strides = array<i32>} : memref<128x16xf32, #tpu.memory_space<vmem>>, vector<1x16xf32>,
          %swap3A_689 = arith.index_cast %add3A_664 : i32 to index
          %swap3A_690 = arith.constant 0 : index
          %swap3A_691 = tpu.vector_load %arg34[%swap3A_689, %swap3A_690] {strides = array<i32>} : memref<128x16xf32, #tpu.memory_space<vmem>>, vector<1x16xf32>,
          %swap3A_692 = vector.shape_cast %swap3A_691 : vector<1x16xf32> to vector<16xf32>
          %swap3A_693 = vector.shape_cast %exp3A_678 : vector<16xf32> to vector<1x16xf32>
          tpu.vector_store %arg34[%swap3A_689, %swap3A_690], %swap3A_693 {strides = array<i32>} : memref<128x16xf32, #tpu.memory_space<vmem>>, vector<1x16xf32>,
          %mul3A_694 = arith.constant 8 : i32
          %mul3A_695 = arith.muli %scan3A_496, %mul3A_694 : i32
          %add3A_696 = arith.constant 6 : i32
          %add3A_697 = arith.addi %mul3A_695, %add3A_696 : i32
          %get3A_698 = arith.index_cast %add3A_697 : i32 to index
          %get3A_699 = arith.constant 0 : index
          %get3A_700 = tpu.vector_load %arg26[%get3A_698, %get3A_699] {strides = array<i32>} : memref<128x16xf32, #tpu.memory_space<vmem>>, vector<1x16xf32>,
          %get3A_701 = vector.shape_cast %get3A_700 : vector<1x16xf32> to vector<16xf32>
          %get3A_702 = arith.index_cast %add3A_697 : i32 to index
          %get3A_703 = arith.constant 0 : index
          %get3A_704 = tpu.vector_load %arg28[%get3A_702, %get3A_703] {strides = array<i32>} : memref<128x16xf32, #tpu.memory_space<vmem>>, vector<1x16xf32>,
          %get3A_705 = vector.shape_cast %get3A_704 : vector<1x16xf32> to vector<16xf32>
          %add3A_706 = arith.addf %get3A_701, %get3A_705 : vector<16xf32>
          %mul3A_707 = arith.constant 2.000000e-01 : f32
          %mul3A_708 = vector.broadcast %mul3A_707 : f32 to vector<16xf32>
          %mul3A_709 = arith.mulf %add3A_706, %mul3A_708 : vector<16xf32>
          %max3A_710 = arith.maximumf %add3A_706, %mul3A_709 : vector<16xf32>
          %exp3A_711 = math.exp %max3A_710 : vector<16xf32>
          %get3A_712 = arith.index_cast %add3A_697 : i32 to index
          %get3A_713 = arith.constant 0 : index
          %get3A_714 = tpu.vector_load %arg30[%get3A_712, %get3A_713] {strides = array<i32>} : memref<128x16xf32, #tpu.memory_space<vmem>>, vector<1x16xf32>,
          %get3A_715 = vector.shape_cast %get3A_714 : vector<1x16xf32> to vector<16xf32>
          %mul3A_716 = arith.mulf %get3A_715, %exp3A_711 : vector<16xf32>
          %swap3A_717 = arith.index_cast %add3A_697 : i32 to index
          %swap3A_718 = arith.constant 0 : index
          %swap3A_719 = tpu.vector_load %arg32[%swap3A_717, %swap3A_718] {strides = array<i32>} : memref<128x16xf32, #tpu.memory_space<vmem>>, vector<1x16xf32>,
          %swap3A_720 = vector.shape_cast %swap3A_719 : vector<1x16xf32> to vector<16xf32>
          %swap3A_721 = vector.shape_cast %mul3A_716 : vector<16xf32> to vector<1x16xf32>
          tpu.vector_store %arg32[%swap3A_717, %swap3A_718], %swap3A_721 {strides = array<i32>} : memref<128x16xf32, #tpu.memory_space<vmem>>, vector<1x16xf32>,
          %swap3A_722 = arith.index_cast %add3A_697 : i32 to index
          %swap3A_723 = arith.constant 0 : index
          %swap3A_724 = tpu.vector_load %arg34[%swap3A_722, %swap3A_723] {strides = array<i32>} : memref<128x16xf32, #tpu.memory_space<vmem>>, vector<1x16xf32>,
          %swap3A_725 = vector.shape_cast %swap3A_724 : vector<1x16xf32> to vector<16xf32>
          %swap3A_726 = vector.shape_cast %exp3A_711 : vector<16xf32> to vector<1x16xf32>
          tpu.vector_store %arg34[%swap3A_722, %swap3A_723], %swap3A_726 {strides = array<i32>} : memref<128x16xf32, #tpu.memory_space<vmem>>, vector<1x16xf32>,
          %mul3A_727 = arith.constant 8 : i32
          %mul3A_728 = arith.muli %scan3A_496, %mul3A_727 : i32
          %add3A_729 = arith.constant 7 : i32
          %add3A_730 = arith.addi %mul3A_728, %add3A_729 : i32
          %get3A_731 = arith.index_cast %add3A_730 : i32 to index
          %get3A_732 = arith.constant 0 : index
          %get3A_733 = tpu.vector_load %arg26[%get3A_731, %get3A_732] {strides = array<i32>} : memref<128x16xf32, #tpu.memory_space<vmem>>, vector<1x16xf32>,
          %get3A_734 = vector.shape_cast %get3A_733 : vector<1x16xf32> to vector<16xf32>
          %get3A_735 = arith.index_cast %add3A_730 : i32 to index
          %get3A_736 = arith.constant 0 : index
          %get3A_737 = tpu.vector_load %arg28[%get3A_735, %get3A_736] {strides = array<i32>} : memref<128x16xf32, #tpu.memory_space<vmem>>, vector<1x16xf32>,
          %get3A_738 = vector.shape_cast %get3A_737 : vector<1x16xf32> to vector<16xf32>
          %add3A_739 = arith.addf %get3A_734, %get3A_738 : vector<16xf32>
          %mul3A_740 = arith.constant 2.000000e-01 : f32
          %mul3A_741 = vector.broadcast %mul3A_740 : f32 to vector<16xf32>
          %mul3A_742 = arith.mulf %add3A_739, %mul3A_741 : vector<16xf32>
          %max3A_743 = arith.maximumf %add3A_739, %mul3A_742 : vector<16xf32>
          %exp3A_744 = math.exp %max3A_743 : vector<16xf32>
          %get3A_745 = arith.index_cast %add3A_730 : i32 to index
          %get3A_746 = arith.constant 0 : index
          %get3A_747 = tpu.vector_load %arg30[%get3A_745, %get3A_746] {strides = array<i32>} : memref<128x16xf32, #tpu.memory_space<vmem>>, vector<1x16xf32>,
          %get3A_748 = vector.shape_cast %get3A_747 : vector<1x16xf32> to vector<16xf32>
          %mul3A_749 = arith.mulf %get3A_748, %exp3A_744 : vector<16xf32>
          %swap3A_750 = arith.index_cast %add3A_730 : i32 to index
          %swap3A_751 = arith.constant 0 : index
          %swap3A_752 = tpu.vector_load %arg32[%swap3A_750, %swap3A_751] {strides = array<i32>} : memref<128x16xf32, #tpu.memory_space<vmem>>, vector<1x16xf32>,
          %swap3A_753 = vector.shape_cast %swap3A_752 : vector<1x16xf32> to vector<16xf32>
          %swap3A_754 = vector.shape_cast %mul3A_749 : vector<16xf32> to vector<1x16xf32>
          tpu.vector_store %arg32[%swap3A_750, %swap3A_751], %swap3A_754 {strides = array<i32>} : memref<128x16xf32, #tpu.memory_space<vmem>>, vector<1x16xf32>,
          %swap3A_755 = arith.index_cast %add3A_730 : i32 to index
          %swap3A_756 = arith.constant 0 : index
          %swap3A_757 = tpu.vector_load %arg34[%swap3A_755, %swap3A_756] {strides = array<i32>} : memref<128x16xf32, #tpu.memory_space<vmem>>, vector<1x16xf32>,
          %swap3A_758 = vector.shape_cast %swap3A_757 : vector<1x16xf32> to vector<16xf32>
          %swap3A_759 = vector.shape_cast %exp3A_744 : vector<16xf32> to vector<1x16xf32>
          tpu.vector_store %arg34[%swap3A_755, %swap3A_756], %swap3A_759 {strides = array<i32>} : memref<128x16xf32, #tpu.memory_space<vmem>>, vector<1x16xf32>,
          %scan3A_760 = arith.constant 0 : i32
          scf.yield %scan3A_760 : i32
        }
        %scan3A_433 = arith.constant 16 : i32
        %get3A_434 = arith.constant 0 : index
        %get3A_435 = tpu.vector_load %arg22[%get3A_434] {strides = array<i32>} : memref<128xi32, #tpu.memory_space<vmem>>, vector<16xi32>,
        %get3A_436 = vector.shape_cast %get3A_435 : vector<16xi32> to vector<16xi32>
        %swap3A_437 = arith.constant 0 : index
        %swap3A_438 = tpu.vector_load %arg24[%swap3A_437] {strides = array<i32>} : memref<128xi32, #tpu.memory_space<vmem>>, vector<16xi32>,
        %swap3A_439 = vector.shape_cast %swap3A_438 : vector<16xi32> to vector<16xi32>
        %swap3A_440 = vector.shape_cast %get3A_436 : vector<16xi32> to vector<16xi32>
        tpu.vector_store %arg24[%swap3A_437], %swap3A_440 {strides = array<i32>} : memref<128xi32, #tpu.memory_space<vmem>>, vector<16xi32>,
        %get3A_441 = arith.constant 16 : index
        %get3A_442 = tpu.vector_load %arg22[%get3A_441] {strides = array<i32>} : memref<128xi32, #tpu.memory_space<vmem>>, vector<16xi32>,
        %get3A_443 = vector.shape_cast %get3A_442 : vector<16xi32> to vector<16xi32>
        %swap3A_444 = arith.constant 16 : index
        %swap3A_445 = tpu.vector_load %arg24[%swap3A_444] {strides = array<i32>} : memref<128xi32, #tpu.memory_space<vmem>>, vector<16xi32>,
        %swap3A_446 = vector.shape_cast %swap3A_445 : vector<16xi32> to vector<16xi32>
        %swap3A_447 = vector.shape_cast %get3A_443 : vector<16xi32> to vector<16xi32>
        tpu.vector_store %arg24[%swap3A_444], %swap3A_447 {strides = array<i32>} : memref<128xi32, #tpu.memory_space<vmem>>, vector<16xi32>,
        %get3A_448 = arith.constant 32 : index
        %get3A_449 = tpu.vector_load %arg22[%get3A_448] {strides = array<i32>} : memref<128xi32, #tpu.memory_space<vmem>>, vector<16xi32>,
        %get3A_450 = vector.shape_cast %get3A_449 : vector<16xi32> to vector<16xi32>
        %swap3A_451 = arith.constant 32 : index
        %swap3A_452 = tpu.vector_load %arg24[%swap3A_451] {strides = array<i32>} : memref<128xi32, #tpu.memory_space<vmem>>, vector<16xi32>,
        %swap3A_453 = vector.shape_cast %swap3A_452 : vector<16xi32> to vector<16xi32>
        %swap3A_454 = vector.shape_cast %get3A_450 : vector<16xi32> to vector<16xi32>
        tpu.vector_store %arg24[%swap3A_451], %swap3A_454 {strides = array<i32>} : memref<128xi32, #tpu.memory_space<vmem>>, vector<16xi32>,
        %get3A_455 = arith.constant 48 : index
        %get3A_456 = tpu.vector_load %arg22[%get3A_455] {strides = array<i32>} : memref<128xi32, #tpu.memory_space<vmem>>, vector<16xi32>,
        %get3A_457 = vector.shape_cast %get3A_456 : vector<16xi32> to vector<16xi32>
        %swap3A_458 = arith.constant 48 : index
        %swap3A_459 = tpu.vector_load %arg24[%swap3A_458] {strides = array<i32>} : memref<128xi32, #tpu.memory_space<vmem>>, vector<16xi32>,
        %swap3A_460 = vector.shape_cast %swap3A_459 : vector<16xi32> to vector<16xi32>
        %swap3A_461 = vector.shape_cast %get3A_457 : vector<16xi32> to vector<16xi32>
        tpu.vector_store %arg24[%swap3A_458], %swap3A_461 {strides = array<i32>} : memref<128xi32, #tpu.memory_space<vmem>>, vector<16xi32>,
        %get3A_462 = arith.constant 64 : index
        %get3A_463 = tpu.vector_load %arg22[%get3A_462] {strides = array<i32>} : memref<128xi32, #tpu.memory_space<vmem>>, vector<16xi32>,
        %get3A_464 = vector.shape_cast %get3A_463 : vector<16xi32> to vector<16xi32>
        %swap3A_465 = arith.constant 64 : index
        %swap3A_466 = tpu.vector_load %arg24[%swap3A_465] {strides = array<i32>} : memref<128xi32, #tpu.memory_space<vmem>>, vector<16xi32>,
        %swap3A_467 = vector.shape_cast %swap3A_466 : vector<16xi32> to vector<16xi32>
        %swap3A_468 = vector.shape_cast %get3A_464 : vector<16xi32> to vector<16xi32>
        tpu.vector_store %arg24[%swap3A_465], %swap3A_468 {strides = array<i32>} : memref<128xi32, #tpu.memory_space<vmem>>, vector<16xi32>,
        %get3A_469 = arith.constant 80 : index
        %get3A_470 = tpu.vector_load %arg22[%get3A_469] {strides = array<i32>} : memref<128xi32, #tpu.memory_space<vmem>>, vector<16xi32>,
        %get3A_471 = vector.shape_cast %get3A_470 : vector<16xi32> to vector<16xi32>
        %swap3A_472 = arith.constant 80 : index
        %swap3A_473 = tpu.vector_load %arg24[%swap3A_472] {strides = array<i32>} : memref<128xi32, #tpu.memory_space<vmem>>, vector<16xi32>,
        %swap3A_474 = vector.shape_cast %swap3A_473 : vector<16xi32> to vector<16xi32>
        %swap3A_475 = vector.shape_cast %get3A_471 : vector<16xi32> to vector<16xi32>
        tpu.vector_store %arg24[%swap3A_472], %swap3A_475 {strides = array<i32>} : memref<128xi32, #tpu.memory_space<vmem>>, vector<16xi32>,
        %get3A_476 = arith.constant 96 : index
        %get3A_477 = tpu.vector_load %arg22[%get3A_476] {strides = array<i32>} : memref<128xi32, #tpu.memory_space<vmem>>, vector<16xi32>,
        %get3A_478 = vector.shape_cast %get3A_477 : vector<16xi32> to vector<16xi32>
        %swap3A_479 = arith.constant 96 : index
        %swap3A_480 = tpu.vector_load %arg24[%swap3A_479] {strides = array<i32>} : memref<128xi32, #tpu.memory_space<vmem>>, vector<16xi32>,
        %swap3A_481 = vector.shape_cast %swap3A_480 : vector<16xi32> to vector<16xi32>
        %swap3A_482 = vector.shape_cast %get3A_478 : vector<16xi32> to vector<16xi32>
        tpu.vector_store %arg24[%swap3A_479], %swap3A_482 {strides = array<i32>} : memref<128xi32, #tpu.memory_space<vmem>>, vector<16xi32>,
        %get3A_483 = arith.constant 112 : index
        %get3A_484 = tpu.vector_load %arg22[%get3A_483] {strides = array<i32>} : memref<128xi32, #tpu.memory_space<vmem>>, vector<16xi32>,
        %get3A_485 = vector.shape_cast %get3A_484 : vector<16xi32> to vector<16xi32>
        %swap3A_486 = arith.constant 112 : index
        %swap3A_487 = tpu.vector_load %arg24[%swap3A_486] {strides = array<i32>} : memref<128xi32, #tpu.memory_space<vmem>>, vector<16xi32>,
        %swap3A_488 = vector.shape_cast %swap3A_487 : vector<16xi32> to vector<16xi32>
        %swap3A_489 = vector.shape_cast %get3A_485 : vector<16xi32> to vector<16xi32>
        tpu.vector_store %arg24[%swap3A_486], %swap3A_489 {strides = array<i32>} : memref<128xi32, #tpu.memory_space<vmem>>, vector<16xi32>,
        %dma_start3A_490 = arith.constant 0 : i32
        %dma_start3A_491 = arith.constant 0 : i32
        %dma_start3A_492 = tpu.memref_slice %arg8[%dma_start3A_490, %dma_start3A_491] : memref<50176x16xf32, #tpu.memory_space<vmem_shared>> -> memref<50176x16xf32, #tpu.memory_space<vmem_shared>>
        tpu.enqueue_indirect_dma source(%arg32 : memref<128x16xf32, #tpu.memory_space<vmem>>) target(%dma_start3A_492 : memref<50176x16xf32, #tpu.memory_space<vmem_shared>>) offsets(%arg24 : memref<128xi32, #tpu.memory_space<vmem>>) semaphore(%arg40 : memref<!tpu.dma_semaphore, #tpu.memory_space<semaphore_mem>>) {add = true}
        %dma_start3A_493 = arith.constant 0 : i32
        %dma_start3A_494 = arith.constant 0 : i32
        %dma_start3A_495 = tpu.memref_slice %arg9[%dma_start3A_493, %dma_start3A_494] : memref<50176x16xf32, #tpu.memory_space<vmem_shared>> -> memref<50176x16xf32, #tpu.memory_space<vmem_shared>>
        tpu.enqueue_indirect_dma source(%arg34 : memref<128x16xf32, #tpu.memory_space<vmem>>) target(%dma_start3A_495 : memref<50176x16xf32, #tpu.memory_space<vmem_shared>>) offsets(%arg24 : memref<128xi32, #tpu.memory_space<vmem>>) semaphore(%arg40 : memref<!tpu.dma_semaphore, #tpu.memory_space<semaphore_mem>>) {add = true}
      }
      %scan3A_268 = arith.constant 200 : i32
      %dma_wait3A_269 = arith.constant 0 : i32
      %dma_wait3A_270 = arith.constant 0 : i32
      %dma_wait3A_271 = tpu.memref_slice %arg8[%dma_wait3A_269, %dma_wait3A_270] : memref<50176x16xf32, #tpu.memory_space<vmem_shared>> -> memref<50176x16xf32, #tpu.memory_space<vmem_shared>>
      tpu.wait_indirect_dma semaphore(%arg39 : memref<!tpu.dma_semaphore, #tpu.memory_space<semaphore_mem>>) src(%arg31 : memref<128x16xf32, #tpu.memory_space<vmem>>) dst(%dma_wait3A_271 : memref<50176x16xf32, #tpu.memory_space<vmem_shared>>)
      %dma_wait3A_272 = arith.constant 0 : i32
      %dma_wait3A_273 = arith.constant 0 : i32
      %dma_wait3A_274 = tpu.memref_slice %arg9[%dma_wait3A_272, %dma_wait3A_273] : memref<50176x16xf32, #tpu.memory_space<vmem_shared>> -> memref<50176x16xf32, #tpu.memory_space<vmem_shared>>
      tpu.wait_indirect_dma semaphore(%arg39 : memref<!tpu.dma_semaphore, #tpu.memory_space<semaphore_mem>>) src(%arg33 : memref<128x16xf32, #tpu.memory_space<vmem>>) dst(%dma_wait3A_274 : memref<50176x16xf32, #tpu.memory_space<vmem_shared>>)
      %dma_wait3A_275 = arith.constant 0 : i32
      %dma_wait3A_276 = arith.constant 0 : i32
      %dma_wait3A_277 = tpu.memref_slice %arg8[%dma_wait3A_275, %dma_wait3A_276] : memref<50176x16xf32, #tpu.memory_space<vmem_shared>> -> memref<50176x16xf32, #tpu.memory_space<vmem_shared>>
      tpu.wait_indirect_dma semaphore(%arg40 : memref<!tpu.dma_semaphore, #tpu.memory_space<semaphore_mem>>) src(%arg32 : memref<128x16xf32, #tpu.memory_space<vmem>>) dst(%dma_wait3A_277 : memref<50176x16xf32, #tpu.memory_space<vmem_shared>>)
      %dma_wait3A_278 = arith.constant 0 : i32
      %dma_wait3A_279 = arith.constant 0 : i32
      %dma_wait3A_280 = tpu.memref_slice %arg9[%dma_wait3A_278, %dma_wait3A_279] : memref<50176x16xf32, #tpu.memory_space<vmem_shared>> -> memref<50176x16xf32, #tpu.memory_space<vmem_shared>>
      tpu.wait_indirect_dma semaphore(%arg40 : memref<!tpu.dma_semaphore, #tpu.memory_space<semaphore_mem>>) src(%arg34 : memref<128x16xf32, #tpu.memory_space<vmem>>) dst(%dma_wait3A_280 : memref<50176x16xf32, #tpu.memory_space<vmem_shared>>)
      %barrier3A_281 = arith.constant 0 : index
      tpu.barrier barrier_id(%barrier3A_281)
      %scan3A_282 = arith.constant 0 : i32
      %scan3A_283 = arith.constant 0 : i32
      %scan3A_284 = arith.constant 24 : i32
      %scan3A_285 = arith.addi %scan3A_283, %scan3A_284 : i32
      %scan3A_286 = arith.constant 1 : i32
      scf.for %scan3A_299 = %scan3A_283 to %scan3A_285 step %scan3A_286  : i32 {
        %mul3A_300 = arith.constant 128 : i32
        %mul3A_301 = arith.muli %scan3A_299, %mul3A_300 : i32
        %add3A_302 = arith.addi %mul3A_4, %mul3A_301 : i32
        "tpu.region"() ({
          %run_scoped3A = tpu.sem_alloc : memref<!tpu.dma_semaphore, #tpu.memory_space<semaphore_mem>>
          %dma_start3A_310 = arith.constant 0 : i32
          %dma_start3A_311 = tpu.memref_slice %arg8[%add3A_302, %dma_start3A_310] : memref<50176x16xf32, #tpu.memory_space<vmem_shared>> -> memref<128x16xf32, #tpu.memory_space<vmem_shared>>
          %dma_start3A_312 = arith.constant 0 : i32
          %dma_start3A_313 = tpu.memref_slice %arg8[%add3A_302, %dma_start3A_312] : memref<50176x16xf32, #tpu.memory_space<vmem_shared>> -> memref<128x16xf32, #tpu.memory_space<vmem_shared>>
          tpu.enqueue_dma source(%dma_start3A_313 : memref<128x16xf32, #tpu.memory_space<vmem_shared>>) target(%arg10 : memref<128x16xf32, #tpu.memory_space<vmem>>) target_semaphore(%run_scoped3A : memref<!tpu.dma_semaphore, #tpu.memory_space<semaphore_mem>>)
          %dma_wait3A_314 = arith.constant 0 : i32
          %dma_wait3A_315 = tpu.memref_slice %arg8[%add3A_302, %dma_wait3A_314] : memref<50176x16xf32, #tpu.memory_space<vmem_shared>> -> memref<128x16xf32, #tpu.memory_space<vmem_shared>>
          %dma_wait3A_316 = arith.constant 0 : i32
          %dma_wait3A_317 = tpu.memref_slice %arg8[%add3A_302, %dma_wait3A_316] : memref<50176x16xf32, #tpu.memory_space<vmem_shared>> -> memref<128x16xf32, #tpu.memory_space<vmem_shared>>
          tpu.wait_dma2 semaphore(%run_scoped3A : memref<!tpu.dma_semaphore, #tpu.memory_space<semaphore_mem>>) src(%dma_wait3A_317 : memref<128x16xf32, #tpu.memory_space<vmem_shared>>) dst(%arg10 : memref<128x16xf32, #tpu.memory_space<vmem>>)
          tpu.yield
        }) : () -> ()
        "tpu.region"() ({
          %run_scoped3A = tpu.sem_alloc : memref<!tpu.dma_semaphore, #tpu.memory_space<semaphore_mem>>
          %dma_start3A_310 = arith.constant 0 : i32
          %dma_start3A_311 = tpu.memref_slice %arg9[%add3A_302, %dma_start3A_310] : memref<50176x16xf32, #tpu.memory_space<vmem_shared>> -> memref<128x16xf32, #tpu.memory_space<vmem_shared>>
          %dma_start3A_312 = arith.constant 0 : i32
          %dma_start3A_313 = tpu.memref_slice %arg9[%add3A_302, %dma_start3A_312] : memref<50176x16xf32, #tpu.memory_space<vmem_shared>> -> memref<128x16xf32, #tpu.memory_space<vmem_shared>>
          tpu.enqueue_dma source(%dma_start3A_313 : memref<128x16xf32, #tpu.memory_space<vmem_shared>>) target(%arg11 : memref<128x16xf32, #tpu.memory_space<vmem>>) target_semaphore(%run_scoped3A : memref<!tpu.dma_semaphore, #tpu.memory_space<semaphore_mem>>)
          %dma_wait3A_314 = arith.constant 0 : i32
          %dma_wait3A_315 = tpu.memref_slice %arg9[%add3A_302, %dma_wait3A_314] : memref<50176x16xf32, #tpu.memory_space<vmem_shared>> -> memref<128x16xf32, #tpu.memory_space<vmem_shared>>
          %dma_wait3A_316 = arith.constant 0 : i32
          %dma_wait3A_317 = tpu.memref_slice %arg9[%add3A_302, %dma_wait3A_316] : memref<50176x16xf32, #tpu.memory_space<vmem_shared>> -> memref<128x16xf32, #tpu.memory_space<vmem_shared>>
          tpu.wait_dma2 semaphore(%run_scoped3A : memref<!tpu.dma_semaphore, #tpu.memory_space<semaphore_mem>>) src(%dma_wait3A_317 : memref<128x16xf32, #tpu.memory_space<vmem_shared>>) dst(%arg11 : memref<128x16xf32, #tpu.memory_space<vmem>>)
          tpu.yield
        }) : () -> ()
        %scan3A_303 = arith.constant 0 : i32
        %scan3A_304 = arith.constant 0 : i32
        %scan3A_305 = arith.constant 128 : i32
        %scan3A_306 = arith.addi %scan3A_304, %scan3A_305 : i32
        %scan3A_307 = arith.constant 1 : i32
        %scan3A_308 = scf.for %scan3A_310 = %scan3A_304 to %scan3A_306 step %scan3A_307 iter_args(%scan3A_311 = %scan3A_303) -> (i32)  : i32 {
          %get3A_312 = arith.index_cast %scan3A_310 : i32 to index
          %get3A_313 = arith.constant 0 : index
          %get3A_314 = tpu.vector_load %arg10[%get3A_312, %get3A_313] {strides = array<i32>} : memref<128x16xf32, #tpu.memory_space<vmem>>, vector<1x16xf32>,
          %get3A_315 = vector.shape_cast %get3A_314 : vector<1x16xf32> to vector<16xf32>
          %get3A_316 = arith.index_cast %scan3A_310 : i32 to index
          %get3A_317 = arith.constant 0 : index
          %get3A_318 = tpu.vector_load %arg11[%get3A_316, %get3A_317] {strides = array<i32>} : memref<128x16xf32, #tpu.memory_space<vmem>>, vector<1x16xf32>,
          %get3A_319 = vector.shape_cast %get3A_318 : vector<1x16xf32> to vector<16xf32>
          %max3A = arith.constant 9.99999971E-10 : f32
          %max3A_320 = vector.broadcast %max3A : f32 to vector<16xf32>
          %max3A_321 = arith.maximumf %get3A_319, %max3A_320 : vector<16xf32>
          %div3A = arith.divf %get3A_315, %max3A_321 : vector<16xf32>
          %swap3A_322 = arith.index_cast %scan3A_310 : i32 to index
          %swap3A_323 = arith.constant 0 : index
          %swap3A_324 = tpu.vector_load %arg12[%swap3A_322, %swap3A_323] {strides = array<i32>} : memref<128x16xf32, #tpu.memory_space<vmem>>, vector<1x16xf32>,
          %swap3A_325 = vector.shape_cast %swap3A_324 : vector<1x16xf32> to vector<16xf32>
          %swap3A_326 = vector.shape_cast %div3A : vector<16xf32> to vector<1x16xf32>
          tpu.vector_store %arg12[%swap3A_322, %swap3A_323], %swap3A_326 {strides = array<i32>} : memref<128x16xf32, #tpu.memory_space<vmem>>, vector<1x16xf32>,
          %scan3A_327 = arith.constant 0 : i32
          scf.yield %scan3A_327 : i32
        }
        %scan3A_309 = arith.constant 128 : i32
        "tpu.region"() ({
          %run_scoped3A = tpu.sem_alloc : memref<!tpu.dma_semaphore, #tpu.memory_space<semaphore_mem>>
          %dma_start3A_310 = arith.constant 0 : i32
          %dma_start3A_311 = tpu.memref_slice %arg7[%add3A_19, %add3A_302, %dma_start3A_310] : memref<4x50048x16xf32, #tpu.memory_space<hbm>> -> memref<1x128x16xf32, #tpu.memory_space<hbm>>
          %dma_start3A_312 = tpu.memref_squeeze %dma_start3A_311 : memref<1x128x16xf32, #tpu.memory_space<hbm>> -> memref<128x16xf32, #tpu.memory_space<hbm>>
          %dma_start3A_313 = arith.constant 0 : i32
          %dma_start3A_314 = tpu.memref_slice %arg7[%add3A_19, %add3A_302, %dma_start3A_313] : memref<4x50048x16xf32, #tpu.memory_space<hbm>> -> memref<1x128x16xf32, #tpu.memory_space<hbm>>
          %dma_start3A_315 = tpu.memref_squeeze %dma_start3A_314 : memref<1x128x16xf32, #tpu.memory_space<hbm>> -> memref<128x16xf32, #tpu.memory_space<hbm>>
          tpu.enqueue_dma source(%arg12 : memref<128x16xf32, #tpu.memory_space<vmem>>) target(%dma_start3A_315 : memref<128x16xf32, #tpu.memory_space<hbm>>) target_semaphore(%run_scoped3A : memref<!tpu.dma_semaphore, #tpu.memory_space<semaphore_mem>>)
          %dma_wait3A_316 = arith.constant 0 : i32
          %dma_wait3A_317 = tpu.memref_slice %arg7[%add3A_19, %add3A_302, %dma_wait3A_316] : memref<4x50048x16xf32, #tpu.memory_space<hbm>> -> memref<1x128x16xf32, #tpu.memory_space<hbm>>
          %dma_wait3A_318 = tpu.memref_squeeze %dma_wait3A_317 : memref<1x128x16xf32, #tpu.memory_space<hbm>> -> memref<128x16xf32, #tpu.memory_space<hbm>>
          %dma_wait3A_319 = arith.constant 0 : i32
          %dma_wait3A_320 = tpu.memref_slice %arg7[%add3A_19, %add3A_302, %dma_wait3A_319] : memref<4x50048x16xf32, #tpu.memory_space<hbm>> -> memref<1x128x16xf32, #tpu.memory_space<hbm>>
          %dma_wait3A_321 = tpu.memref_squeeze %dma_wait3A_320 : memref<1x128x16xf32, #tpu.memory_space<hbm>> -> memref<128x16xf32, #tpu.memory_space<hbm>>
          tpu.wait_dma2 semaphore(%run_scoped3A : memref<!tpu.dma_semaphore, #tpu.memory_space<semaphore_mem>>) src(%arg12 : memref<128x16xf32, #tpu.memory_space<vmem>>) dst(%dma_wait3A_321 : memref<128x16xf32, #tpu.memory_space<hbm>>)
          tpu.yield
        }) : () -> ()
      }
      %scan3A_287 = arith.constant 24 : i32
      %add3A_288 = arith.constant 3072 : i32
      %add3A_289 = arith.addi %mul3A_4, %add3A_288 : i32
      "tpu.region"() ({
        %run_scoped3A = tpu.sem_alloc : memref<!tpu.dma_semaphore, #tpu.memory_space<semaphore_mem>>
        %dma_start3A_299 = arith.constant 0 : i32
        %dma_start3A_300 = arith.constant 0 : i32
        %dma_start3A_301 = tpu.memref_slice %arg10[%dma_start3A_299, %dma_start3A_300] : memref<128x16xf32, #tpu.memory_space<vmem>> -> memref<56x16xf32, #tpu.memory_space<vmem>>
        %dma_start3A_302 = arith.constant 0 : i32
        %dma_start3A_303 = tpu.memref_slice %arg8[%add3A_289, %dma_start3A_302] : memref<50176x16xf32, #tpu.memory_space<vmem_shared>> -> memref<56x16xf32, #tpu.memory_space<vmem_shared>>
        %dma_start3A_304 = arith.constant 0 : i32
        %dma_start3A_305 = arith.constant 0 : i32
        %dma_start3A_306 = tpu.memref_slice %arg10[%dma_start3A_304, %dma_start3A_305] : memref<128x16xf32, #tpu.memory_space<vmem>> -> memref<56x16xf32, #tpu.memory_space<vmem>>
        %dma_start3A_307 = arith.constant 0 : i32
        %dma_start3A_308 = tpu.memref_slice %arg8[%add3A_289, %dma_start3A_307] : memref<50176x16xf32, #tpu.memory_space<vmem_shared>> -> memref<56x16xf32, #tpu.memory_space<vmem_shared>>
        tpu.enqueue_dma source(%dma_start3A_308 : memref<56x16xf32, #tpu.memory_space<vmem_shared>>) target(%dma_start3A_306 : memref<56x16xf32, #tpu.memory_space<vmem>>) target_semaphore(%run_scoped3A : memref<!tpu.dma_semaphore, #tpu.memory_space<semaphore_mem>>)
        %dma_wait3A_309 = arith.constant 0 : i32
        %dma_wait3A_310 = arith.constant 0 : i32
        %dma_wait3A_311 = tpu.memref_slice %arg10[%dma_wait3A_309, %dma_wait3A_310] : memref<128x16xf32, #tpu.memory_space<vmem>> -> memref<56x16xf32, #tpu.memory_space<vmem>>
        %dma_wait3A_312 = arith.constant 0 : i32
        %dma_wait3A_313 = tpu.memref_slice %arg8[%add3A_289, %dma_wait3A_312] : memref<50176x16xf32, #tpu.memory_space<vmem_shared>> -> memref<56x16xf32, #tpu.memory_space<vmem_shared>>
        %dma_wait3A_314 = arith.constant 0 : i32
        %dma_wait3A_315 = arith.constant 0 : i32
        %dma_wait3A_316 = tpu.memref_slice %arg10[%dma_wait3A_314, %dma_wait3A_315] : memref<128x16xf32, #tpu.memory_space<vmem>> -> memref<56x16xf32, #tpu.memory_space<vmem>>
        %dma_wait3A_317 = arith.constant 0 : i32
        %dma_wait3A_318 = tpu.memref_slice %arg8[%add3A_289, %dma_wait3A_317] : memref<50176x16xf32, #tpu.memory_space<vmem_shared>> -> memref<56x16xf32, #tpu.memory_space<vmem_shared>>
        tpu.wait_dma2 semaphore(%run_scoped3A : memref<!tpu.dma_semaphore, #tpu.memory_space<semaphore_mem>>) src(%dma_wait3A_318 : memref<56x16xf32, #tpu.memory_space<vmem_shared>>) dst(%dma_wait3A_316 : memref<56x16xf32, #tpu.memory_space<vmem>>)
        tpu.yield
      }) : () -> ()
      "tpu.region"() ({
        %run_scoped3A = tpu.sem_alloc : memref<!tpu.dma_semaphore, #tpu.memory_space<semaphore_mem>>
        %dma_start3A_299 = arith.constant 0 : i32
        %dma_start3A_300 = arith.constant 0 : i32
        %dma_start3A_301 = tpu.memref_slice %arg11[%dma_start3A_299, %dma_start3A_300] : memref<128x16xf32, #tpu.memory_space<vmem>> -> memref<56x16xf32, #tpu.memory_space<vmem>>
        %dma_start3A_302 = arith.constant 0 : i32
        %dma_start3A_303 = tpu.memref_slice %arg9[%add3A_289, %dma_start3A_302] : memref<50176x16xf32, #tpu.memory_space<vmem_shared>> -> memref<56x16xf32, #tpu.memory_space<vmem_shared>>
        %dma_start3A_304 = arith.constant 0 : i32
        %dma_start3A_305 = arith.constant 0 : i32
        %dma_start3A_306 = tpu.memref_slice %arg11[%dma_start3A_304, %dma_start3A_305] : memref<128x16xf32, #tpu.memory_space<vmem>> -> memref<56x16xf32, #tpu.memory_space<vmem>>
        %dma_start3A_307 = arith.constant 0 : i32
        %dma_start3A_308 = tpu.memref_slice %arg9[%add3A_289, %dma_start3A_307] : memref<50176x16xf32, #tpu.memory_space<vmem_shared>> -> memref<56x16xf32, #tpu.memory_space<vmem_shared>>
        tpu.enqueue_dma source(%dma_start3A_308 : memref<56x16xf32, #tpu.memory_space<vmem_shared>>) target(%dma_start3A_306 : memref<56x16xf32, #tpu.memory_space<vmem>>) target_semaphore(%run_scoped3A : memref<!tpu.dma_semaphore, #tpu.memory_space<semaphore_mem>>)
        %dma_wait3A_309 = arith.constant 0 : i32
        %dma_wait3A_310 = arith.constant 0 : i32
        %dma_wait3A_311 = tpu.memref_slice %arg11[%dma_wait3A_309, %dma_wait3A_310] : memref<128x16xf32, #tpu.memory_space<vmem>> -> memref<56x16xf32, #tpu.memory_space<vmem>>
        %dma_wait3A_312 = arith.constant 0 : i32
        %dma_wait3A_313 = tpu.memref_slice %arg9[%add3A_289, %dma_wait3A_312] : memref<50176x16xf32, #tpu.memory_space<vmem_shared>> -> memref<56x16xf32, #tpu.memory_space<vmem_shared>>
        %dma_wait3A_314 = arith.constant 0 : i32
        %dma_wait3A_315 = arith.constant 0 : i32
        %dma_wait3A_316 = tpu.memref_slice %arg11[%dma_wait3A_314, %dma_wait3A_315] : memref<128x16xf32, #tpu.memory_space<vmem>> -> memref<56x16xf32, #tpu.memory_space<vmem>>
        %dma_wait3A_317 = arith.constant 0 : i32
        %dma_wait3A_318 = tpu.memref_slice %arg9[%add3A_289, %dma_wait3A_317] : memref<50176x16xf32, #tpu.memory_space<vmem_shared>> -> memref<56x16xf32, #tpu.memory_space<vmem_shared>>
        tpu.wait_dma2 semaphore(%run_scoped3A : memref<!tpu.dma_semaphore, #tpu.memory_space<semaphore_mem>>) src(%dma_wait3A_318 : memref<56x16xf32, #tpu.memory_space<vmem_shared>>) dst(%dma_wait3A_316 : memref<56x16xf32, #tpu.memory_space<vmem>>)
        tpu.yield
      }) : () -> ()
      %scan3A_290 = arith.constant 0 : i32
      %scan3A_291 = arith.constant 0 : i32
      %scan3A_292 = arith.constant 56 : i32
      %scan3A_293 = arith.addi %scan3A_291, %scan3A_292 : i32
      %scan3A_294 = arith.constant 1 : i32
      %scan3A_295 = scf.for %scan3A_299 = %scan3A_291 to %scan3A_293 step %scan3A_294 iter_args(%scan3A_300 = %scan3A_290) -> (i32)  : i32 {
        %get3A_301 = arith.index_cast %scan3A_299 : i32 to index
        %get3A_302 = arith.constant 0 : index
        %get3A_303 = tpu.vector_load %arg10[%get3A_301, %get3A_302] {strides = array<i32>} : memref<128x16xf32, #tpu.memory_space<vmem>>, vector<1x16xf32>,
        %get3A_304 = vector.shape_cast %get3A_303 : vector<1x16xf32> to vector<16xf32>
        %get3A_305 = arith.index_cast %scan3A_299 : i32 to index
        %get3A_306 = arith.constant 0 : index
        %get3A_307 = tpu.vector_load %arg11[%get3A_305, %get3A_306] {strides = array<i32>} : memref<128x16xf32, #tpu.memory_space<vmem>>, vector<1x16xf32>,
        %get3A_308 = vector.shape_cast %get3A_307 : vector<1x16xf32> to vector<16xf32>
        %max3A = arith.constant 9.99999971E-10 : f32
        %max3A_309 = vector.broadcast %max3A : f32 to vector<16xf32>
        %max3A_310 = arith.maximumf %get3A_308, %max3A_309 : vector<16xf32>
        %div3A = arith.divf %get3A_304, %max3A_310 : vector<16xf32>
        %swap3A_311 = arith.index_cast %scan3A_299 : i32 to index
        %swap3A_312 = arith.constant 0 : index
        %swap3A_313 = tpu.vector_load %arg12[%swap3A_311, %swap3A_312] {strides = array<i32>} : memref<128x16xf32, #tpu.memory_space<vmem>>, vector<1x16xf32>,
        %swap3A_314 = vector.shape_cast %swap3A_313 : vector<1x16xf32> to vector<16xf32>
        %swap3A_315 = vector.shape_cast %div3A : vector<16xf32> to vector<1x16xf32>
        tpu.vector_store %arg12[%swap3A_311, %swap3A_312], %swap3A_315 {strides = array<i32>} : memref<128x16xf32, #tpu.memory_space<vmem>>, vector<1x16xf32>,
        %scan3A_316 = arith.constant 0 : i32
        scf.yield %scan3A_316 : i32
      }
      %scan3A_296 = arith.constant 56 : i32
      "tpu.region"() ({
        %run_scoped3A = tpu.sem_alloc : memref<!tpu.dma_semaphore, #tpu.memory_space<semaphore_mem>>
        %dma_start3A_299 = arith.constant 0 : i32
        %dma_start3A_300 = arith.constant 0 : i32
        %dma_start3A_301 = tpu.memref_slice %arg12[%dma_start3A_299, %dma_start3A_300] : memref<128x16xf32, #tpu.memory_space<vmem>> -> memref<56x16xf32, #tpu.memory_space<vmem>>
        %dma_start3A_302 = arith.constant 0 : i32
        %dma_start3A_303 = tpu.memref_slice %arg7[%add3A_19, %add3A_289, %dma_start3A_302] : memref<4x50048x16xf32, #tpu.memory_space<hbm>> -> memref<1x56x16xf32, #tpu.memory_space<hbm>>
        %dma_start3A_304 = tpu.memref_squeeze %dma_start3A_303 : memref<1x56x16xf32, #tpu.memory_space<hbm>> -> memref<56x16xf32, #tpu.memory_space<hbm>>
        %dma_start3A_305 = arith.constant 0 : i32
        %dma_start3A_306 = tpu.memref_slice %arg7[%add3A_19, %add3A_289, %dma_start3A_305] : memref<4x50048x16xf32, #tpu.memory_space<hbm>> -> memref<1x56x16xf32, #tpu.memory_space<hbm>>
        %dma_start3A_307 = tpu.memref_squeeze %dma_start3A_306 : memref<1x56x16xf32, #tpu.memory_space<hbm>> -> memref<56x16xf32, #tpu.memory_space<hbm>>
        %dma_start3A_308 = arith.constant 0 : i32
        %dma_start3A_309 = arith.constant 0 : i32
        %dma_start3A_310 = tpu.memref_slice %arg12[%dma_start3A_308, %dma_start3A_309] : memref<128x16xf32, #tpu.memory_space<vmem>> -> memref<56x16xf32, #tpu.memory_space<vmem>>
        tpu.enqueue_dma source(%dma_start3A_310 : memref<56x16xf32, #tpu.memory_space<vmem>>) target(%dma_start3A_307 : memref<56x16xf32, #tpu.memory_space<hbm>>) target_semaphore(%run_scoped3A : memref<!tpu.dma_semaphore, #tpu.memory_space<semaphore_mem>>)
        %dma_wait3A_311 = arith.constant 0 : i32
        %dma_wait3A_312 = arith.constant 0 : i32
        %dma_wait3A_313 = tpu.memref_slice %arg12[%dma_wait3A_311, %dma_wait3A_312] : memref<128x16xf32, #tpu.memory_space<vmem>> -> memref<56x16xf32, #tpu.memory_space<vmem>>
        %dma_wait3A_314 = arith.constant 0 : i32
        %dma_wait3A_315 = tpu.memref_slice %arg7[%add3A_19, %add3A_289, %dma_wait3A_314] : memref<4x50048x16xf32, #tpu.memory_space<hbm>> -> memref<1x56x16xf32, #tpu.memory_space<hbm>>
        %dma_wait3A_316 = tpu.memref_squeeze %dma_wait3A_315 : memref<1x56x16xf32, #tpu.memory_space<hbm>> -> memref<56x16xf32, #tpu.memory_space<hbm>>
        %dma_wait3A_317 = arith.constant 0 : i32
        %dma_wait3A_318 = tpu.memref_slice %arg7[%add3A_19, %add3A_289, %dma_wait3A_317] : memref<4x50048x16xf32, #tpu.memory_space<hbm>> -> memref<1x56x16xf32, #tpu.memory_space<hbm>>
        %dma_wait3A_319 = tpu.memref_squeeze %dma_wait3A_318 : memref<1x56x16xf32, #tpu.memory_space<hbm>> -> memref<56x16xf32, #tpu.memory_space<hbm>>
        %dma_wait3A_320 = arith.constant 0 : i32
        %dma_wait3A_321 = arith.constant 0 : i32
        %dma_wait3A_322 = tpu.memref_slice %arg12[%dma_wait3A_320, %dma_wait3A_321] : memref<128x16xf32, #tpu.memory_space<vmem>> -> memref<56x16xf32, #tpu.memory_space<vmem>>
        tpu.wait_dma2 semaphore(%run_scoped3A : memref<!tpu.dma_semaphore, #tpu.memory_space<semaphore_mem>>) src(%dma_wait3A_322 : memref<56x16xf32, #tpu.memory_space<vmem>>) dst(%dma_wait3A_319 : memref<56x16xf32, #tpu.memory_space<hbm>>)
        tpu.yield
      }) : () -> ()
      %barrier3A_297 = arith.constant 0 : index
      tpu.barrier barrier_id(%barrier3A_297)
      %scan3A_298 = arith.constant 0 : i32
      scf.yield %scan3A_298 : i32
    }
    %scan3A_10 = arith.constant 2 : i32
    return
  }
}

#map = affine_map<(d0, d1) -> (0)>
#map1 = affine_map<(d0, d1) -> (0, 0)>
#map2 = affine_map<(d0, d1) -> (0, 0, 0)>
module attributes {stable_mosaic.version = 14 : i64} {
  func.func @_edge3_body(%arg0: i32, %arg1: i32, %arg2: memref<819200xi32, #tpu.memory_space<hbm>>, %arg3: memref<819200xi32, #tpu.memory_space<hbm>>, %arg4: memref<50000x16xf32, #tpu.memory_space<hbm>>, %arg5: memref<50000x16xf32, #tpu.memory_space<hbm>>, %arg6: memref<2x50176x16xf32, #tpu.memory_space<hbm>>, %arg7: memref<50176x16xf32, #tpu.memory_space<vmem_shared>>, %arg8: memref<128xi32, #tpu.memory_space<vmem>>, %arg9: memref<128xi32, #tpu.memory_space<vmem>>, %arg10: memref<128xi32, #tpu.memory_space<vmem>>, %arg11: memref<128xi32, #tpu.memory_space<vmem>>, %arg12: memref<128xi32, #tpu.memory_space<vmem>>, %arg13: memref<128xi32, #tpu.memory_space<vmem>>, %arg14: memref<128xi32, #tpu.memory_space<vmem>>, %arg15: memref<128xi32, #tpu.memory_space<vmem>>, %arg16: memref<128xi32, #tpu.memory_space<vmem>>, %arg17: memref<128xi32, #tpu.memory_space<vmem>>, %arg18: memref<128xi32, #tpu.memory_space<vmem>>, %arg19: memref<128xi32, #tpu.memory_space<vmem>>, %arg20: memref<128x16xf32, #tpu.memory_space<vmem>>, %arg21: memref<128x16xf32, #tpu.memory_space<vmem>>, %arg22: memref<128x16xf32, #tpu.memory_space<vmem>>, %arg23: memref<128x16xf32, #tpu.memory_space<vmem>>, %arg24: memref<128x16xf32, #tpu.memory_space<vmem>>, %arg25: memref<128x16xf32, #tpu.memory_space<vmem>>, %arg26: memref<!tpu.dma_semaphore, #tpu.memory_space<semaphore_mem>>, %arg27: memref<!tpu.dma_semaphore, #tpu.memory_space<semaphore_mem>>, %arg28: memref<!tpu.dma_semaphore, #tpu.memory_space<semaphore_mem>>, %arg29: memref<!tpu.dma_semaphore, #tpu.memory_space<semaphore_mem>>, %arg30: memref<!tpu.dma_semaphore, #tpu.memory_space<semaphore_mem>>, %arg31: memref<!tpu.dma_semaphore, #tpu.memory_space<semaphore_mem>>) attributes {dimension_semantics = [#tpu.dimension_semantics<core_parallel>, #tpu.dimension_semantics<subcore_parallel>], iteration_bounds = array<i64: 2, 16>, scalar_prefetch = 0 : i64, scratch_operands = 25 : i64, tpu.core_type = #tpu.core_type<sc_vector_subcore>, window_params = [{transform_indices = #map}, {transform_indices = #map}, {transform_indices = #map1}, {transform_indices = #map1}, {transform_indices = #map2}]} {
    %mul3A = arith.constant 16 : i32
    %mul3A_0 = arith.muli %arg0, %mul3A : i32
    %add3A = arith.addi %mul3A_0, %arg1 : i32
    %scan3A = arith.constant 0 : i32
    %scan3A_1 = arith.constant 0 : i32
    %scan3A_2 = arith.constant 128 : i32
    %scan3A_3 = arith.addi %scan3A_1, %scan3A_2 : i32
    %scan3A_4 = arith.constant 1 : i32
    %scan3A_5 = scf.for %scan3A_225 = %scan3A_1 to %scan3A_3 step %scan3A_4 iter_args(%scan3A_226 = %scan3A) -> (i32)  : i32 {
      %broadcast_in_dim3A = arith.constant 0.000000e+00 : f32
      %broadcast_in_dim3A_227 = vector.broadcast %broadcast_in_dim3A : f32 to vector<16xf32>
      %swap3A_228 = arith.index_cast %scan3A_225 : i32 to index
      %swap3A_229 = arith.constant 0 : index
      %swap3A_230 = tpu.vector_load %arg24[%swap3A_228, %swap3A_229] {strides = array<i32>} : memref<128x16xf32, #tpu.memory_space<vmem>>, vector<1x16xf32>,
      %swap3A_231 = vector.shape_cast %swap3A_230 : vector<1x16xf32> to vector<16xf32>
      %swap3A_232 = vector.shape_cast %broadcast_in_dim3A_227 : vector<16xf32> to vector<1x16xf32>
      tpu.vector_store %arg24[%swap3A_228, %swap3A_229], %swap3A_232 {strides = array<i32>} : memref<128x16xf32, #tpu.memory_space<vmem>>, vector<1x16xf32>,
      %scan3A_233 = arith.constant 0 : i32
      scf.yield %scan3A_233 : i32
    }
    %scan3A_6 = arith.constant 128 : i32
    %mul3A_7 = arith.constant 3136 : i32
    %mul3A_8 = arith.muli %arg1, %mul3A_7 : i32
    %scan3A_9 = arith.constant 0 : i32
    %scan3A_10 = arith.constant 0 : i32
    %scan3A_11 = arith.constant 24 : i32
    %scan3A_12 = arith.addi %scan3A_10, %scan3A_11 : i32
    %scan3A_13 = arith.constant 1 : i32
    scf.for %scan3A_225 = %scan3A_10 to %scan3A_12 step %scan3A_13  : i32 {
      %mul3A_226 = arith.constant 128 : i32
      %mul3A_227 = arith.muli %scan3A_225, %mul3A_226 : i32
      %add3A_228 = arith.addi %mul3A_8, %mul3A_227 : i32
      "tpu.region"() ({
        %run_scoped3A = tpu.sem_alloc : memref<!tpu.dma_semaphore, #tpu.memory_space<semaphore_mem>>
        %dma_start3A_229 = arith.constant 0 : i32
        %dma_start3A_230 = tpu.memref_slice %arg7[%add3A_228, %dma_start3A_229] : memref<50176x16xf32, #tpu.memory_space<vmem_shared>> -> memref<128x16xf32, #tpu.memory_space<vmem_shared>>
        %dma_start3A_231 = arith.constant 0 : i32
        %dma_start3A_232 = tpu.memref_slice %arg7[%add3A_228, %dma_start3A_231] : memref<50176x16xf32, #tpu.memory_space<vmem_shared>> -> memref<128x16xf32, #tpu.memory_space<vmem_shared>>
        tpu.enqueue_dma source(%arg24 : memref<128x16xf32, #tpu.memory_space<vmem>>) target(%dma_start3A_232 : memref<128x16xf32, #tpu.memory_space<vmem_shared>>) target_semaphore(%run_scoped3A : memref<!tpu.dma_semaphore, #tpu.memory_space<semaphore_mem>>)
        %dma_wait3A_233 = arith.constant 0 : i32
        %dma_wait3A_234 = tpu.memref_slice %arg7[%add3A_228, %dma_wait3A_233] : memref<50176x16xf32, #tpu.memory_space<vmem_shared>> -> memref<128x16xf32, #tpu.memory_space<vmem_shared>>
        %dma_wait3A_235 = arith.constant 0 : i32
        %dma_wait3A_236 = tpu.memref_slice %arg7[%add3A_228, %dma_wait3A_235] : memref<50176x16xf32, #tpu.memory_space<vmem_shared>> -> memref<128x16xf32, #tpu.memory_space<vmem_shared>>
        tpu.wait_dma2 semaphore(%run_scoped3A : memref<!tpu.dma_semaphore, #tpu.memory_space<semaphore_mem>>) src(%arg24 : memref<128x16xf32, #tpu.memory_space<vmem>>) dst(%dma_wait3A_236 : memref<128x16xf32, #tpu.memory_space<vmem_shared>>)
        tpu.yield
      }) : () -> ()
    }
    %scan3A_14 = arith.constant 24 : i32
    %add3A_15 = arith.constant 3072 : i32
    %add3A_16 = arith.addi %mul3A_8, %add3A_15 : i32
    "tpu.region"() ({
      %run_scoped3A = tpu.sem_alloc : memref<!tpu.dma_semaphore, #tpu.memory_space<semaphore_mem>>
      %dma_start3A_225 = arith.constant 0 : i32
      %dma_start3A_226 = arith.constant 0 : i32
      %dma_start3A_227 = tpu.memref_slice %arg24[%dma_start3A_225, %dma_start3A_226] : memref<128x16xf32, #tpu.memory_space<vmem>> -> memref<64x16xf32, #tpu.memory_space<vmem>>
      %dma_start3A_228 = arith.constant 0 : i32
      %dma_start3A_229 = tpu.memref_slice %arg7[%add3A_16, %dma_start3A_228] : memref<50176x16xf32, #tpu.memory_space<vmem_shared>> -> memref<64x16xf32, #tpu.memory_space<vmem_shared>>
      %dma_start3A_230 = arith.constant 0 : i32
      %dma_start3A_231 = tpu.memref_slice %arg7[%add3A_16, %dma_start3A_230] : memref<50176x16xf32, #tpu.memory_space<vmem_shared>> -> memref<64x16xf32, #tpu.memory_space<vmem_shared>>
      %dma_start3A_232 = arith.constant 0 : i32
      %dma_start3A_233 = arith.constant 0 : i32
      %dma_start3A_234 = tpu.memref_slice %arg24[%dma_start3A_232, %dma_start3A_233] : memref<128x16xf32, #tpu.memory_space<vmem>> -> memref<64x16xf32, #tpu.memory_space<vmem>>
      tpu.enqueue_dma source(%dma_start3A_234 : memref<64x16xf32, #tpu.memory_space<vmem>>) target(%dma_start3A_231 : memref<64x16xf32, #tpu.memory_space<vmem_shared>>) target_semaphore(%run_scoped3A : memref<!tpu.dma_semaphore, #tpu.memory_space<semaphore_mem>>)
      %dma_wait3A_235 = arith.constant 0 : i32
      %dma_wait3A_236 = arith.constant 0 : i32
      %dma_wait3A_237 = tpu.memref_slice %arg24[%dma_wait3A_235, %dma_wait3A_236] : memref<128x16xf32, #tpu.memory_space<vmem>> -> memref<64x16xf32, #tpu.memory_space<vmem>>
      %dma_wait3A_238 = arith.constant 0 : i32
      %dma_wait3A_239 = tpu.memref_slice %arg7[%add3A_16, %dma_wait3A_238] : memref<50176x16xf32, #tpu.memory_space<vmem_shared>> -> memref<64x16xf32, #tpu.memory_space<vmem_shared>>
      %dma_wait3A_240 = arith.constant 0 : i32
      %dma_wait3A_241 = tpu.memref_slice %arg7[%add3A_16, %dma_wait3A_240] : memref<50176x16xf32, #tpu.memory_space<vmem_shared>> -> memref<64x16xf32, #tpu.memory_space<vmem_shared>>
      %dma_wait3A_242 = arith.constant 0 : i32
      %dma_wait3A_243 = arith.constant 0 : i32
      %dma_wait3A_244 = tpu.memref_slice %arg24[%dma_wait3A_242, %dma_wait3A_243] : memref<128x16xf32, #tpu.memory_space<vmem>> -> memref<64x16xf32, #tpu.memory_space<vmem>>
      tpu.wait_dma2 semaphore(%run_scoped3A : memref<!tpu.dma_semaphore, #tpu.memory_space<semaphore_mem>>) src(%dma_wait3A_244 : memref<64x16xf32, #tpu.memory_space<vmem>>) dst(%dma_wait3A_241 : memref<64x16xf32, #tpu.memory_space<vmem_shared>>)
      tpu.yield
    }) : () -> ()
    %barrier3A = arith.constant 0 : index
    tpu.barrier barrier_id(%barrier3A)
    %mul3A_17 = arith.constant 200 : i32
    %mul3A_18 = arith.muli %add3A, %mul3A_17 : i32
    %mul3A_19 = arith.constant 128 : i32
    %mul3A_20 = arith.muli %mul3A_18, %mul3A_19 : i32
    %dma_start3A = tpu.memref_slice %arg2[%mul3A_20] : memref<819200xi32, #tpu.memory_space<hbm>> -> memref<128xi32, #tpu.memory_space<hbm>>
    %dma_start3A_21 = tpu.memref_slice %arg2[%mul3A_20] : memref<819200xi32, #tpu.memory_space<hbm>> -> memref<128xi32, #tpu.memory_space<hbm>>
    tpu.enqueue_dma source(%dma_start3A_21 : memref<128xi32, #tpu.memory_space<hbm>>) target(%arg8 : memref<128xi32, #tpu.memory_space<vmem>>) target_semaphore(%arg26 : memref<!tpu.dma_semaphore, #tpu.memory_space<semaphore_mem>>)
    %dma_start3A_22 = tpu.memref_slice %arg3[%mul3A_20] : memref<819200xi32, #tpu.memory_space<hbm>> -> memref<128xi32, #tpu.memory_space<hbm>>
    %dma_start3A_23 = tpu.memref_slice %arg3[%mul3A_20] : memref<819200xi32, #tpu.memory_space<hbm>> -> memref<128xi32, #tpu.memory_space<hbm>>
    tpu.enqueue_dma source(%dma_start3A_23 : memref<128xi32, #tpu.memory_space<hbm>>) target(%arg10 : memref<128xi32, #tpu.memory_space<vmem>>) target_semaphore(%arg26 : memref<!tpu.dma_semaphore, #tpu.memory_space<semaphore_mem>>)
    %dma_wait3A = arith.constant 0 : i32
    %dma_wait3A_24 = tpu.memref_slice %arg2[%dma_wait3A] : memref<819200xi32, #tpu.memory_space<hbm>> -> memref<128xi32, #tpu.memory_space<hbm>>
    %dma_wait3A_25 = arith.constant 0 : i32
    %dma_wait3A_26 = tpu.memref_slice %arg2[%dma_wait3A_25] : memref<819200xi32, #tpu.memory_space<hbm>> -> memref<128xi32, #tpu.memory_space<hbm>>
    tpu.wait_dma2 semaphore(%arg26 : memref<!tpu.dma_semaphore, #tpu.memory_space<semaphore_mem>>) src(%dma_wait3A_26 : memref<128xi32, #tpu.memory_space<hbm>>) dst(%arg8 : memref<128xi32, #tpu.memory_space<vmem>>)
    %dma_wait3A_27 = arith.constant 0 : i32
    %dma_wait3A_28 = tpu.memref_slice %arg3[%dma_wait3A_27] : memref<819200xi32, #tpu.memory_space<hbm>> -> memref<128xi32, #tpu.memory_space<hbm>>
    %dma_wait3A_29 = arith.constant 0 : i32
    %dma_wait3A_30 = tpu.memref_slice %arg3[%dma_wait3A_29] : memref<819200xi32, #tpu.memory_space<hbm>> -> memref<128xi32, #tpu.memory_space<hbm>>
    tpu.wait_dma2 semaphore(%arg26 : memref<!tpu.dma_semaphore, #tpu.memory_space<semaphore_mem>>) src(%dma_wait3A_30 : memref<128xi32, #tpu.memory_space<hbm>>) dst(%arg10 : memref<128xi32, #tpu.memory_space<vmem>>)
    %get3A = arith.constant 0 : index
    %get3A_31 = tpu.vector_load %arg10[%get3A] {strides = array<i32>} : memref<128xi32, #tpu.memory_space<vmem>>, vector<16xi32>,
    %get3A_32 = vector.shape_cast %get3A_31 : vector<16xi32> to vector<16xi32>
    %get3A_33 = arith.constant 0 : index
    %get3A_34 = tpu.vector_load %arg8[%get3A_33] {strides = array<i32>} : memref<128xi32, #tpu.memory_space<vmem>>, vector<16xi32>,
    %get3A_35 = vector.shape_cast %get3A_34 : vector<16xi32> to vector<16xi32>
    %swap3A = arith.constant 0 : index
    %swap3A_36 = tpu.vector_load %arg12[%swap3A] {strides = array<i32>} : memref<128xi32, #tpu.memory_space<vmem>>, vector<16xi32>,
    %swap3A_37 = vector.shape_cast %swap3A_36 : vector<16xi32> to vector<16xi32>
    %swap3A_38 = vector.shape_cast %get3A_35 : vector<16xi32> to vector<16xi32>
    tpu.vector_store %arg12[%swap3A], %swap3A_38 {strides = array<i32>} : memref<128xi32, #tpu.memory_space<vmem>>, vector<16xi32>,
    %min3A = arith.constant 49999 : i32
    %min3A_39 = vector.broadcast %min3A : i32 to vector<16xi32>
    %min3A_40 = arith.minsi %get3A_32, %min3A_39 : vector<16xi32>
    %swap3A_41 = arith.constant 0 : index
    %swap3A_42 = tpu.vector_load %arg14[%swap3A_41] {strides = array<i32>} : memref<128xi32, #tpu.memory_space<vmem>>, vector<16xi32>,
    %swap3A_43 = vector.shape_cast %swap3A_42 : vector<16xi32> to vector<16xi32>
    %swap3A_44 = vector.shape_cast %min3A_40 : vector<16xi32> to vector<16xi32>
    tpu.vector_store %arg14[%swap3A_41], %swap3A_44 {strides = array<i32>} : memref<128xi32, #tpu.memory_space<vmem>>, vector<16xi32>,
    %swap3A_45 = arith.constant 0 : index
    %swap3A_46 = tpu.vector_load %arg16[%swap3A_45] {strides = array<i32>} : memref<128xi32, #tpu.memory_space<vmem>>, vector<16xi32>,
    %swap3A_47 = vector.shape_cast %swap3A_46 : vector<16xi32> to vector<16xi32>
    %swap3A_48 = vector.shape_cast %get3A_32 : vector<16xi32> to vector<16xi32>
    tpu.vector_store %arg16[%swap3A_45], %swap3A_48 {strides = array<i32>} : memref<128xi32, #tpu.memory_space<vmem>>, vector<16xi32>,
    %get3A_49 = arith.constant 16 : index
    %get3A_50 = tpu.vector_load %arg10[%get3A_49] {strides = array<i32>} : memref<128xi32, #tpu.memory_space<vmem>>, vector<16xi32>,
    %get3A_51 = vector.shape_cast %get3A_50 : vector<16xi32> to vector<16xi32>
    %get3A_52 = arith.constant 16 : index
    %get3A_53 = tpu.vector_load %arg8[%get3A_52] {strides = array<i32>} : memref<128xi32, #tpu.memory_space<vmem>>, vector<16xi32>,
    %get3A_54 = vector.shape_cast %get3A_53 : vector<16xi32> to vector<16xi32>
    %swap3A_55 = arith.constant 16 : index
    %swap3A_56 = tpu.vector_load %arg12[%swap3A_55] {strides = array<i32>} : memref<128xi32, #tpu.memory_space<vmem>>, vector<16xi32>,
    %swap3A_57 = vector.shape_cast %swap3A_56 : vector<16xi32> to vector<16xi32>
    %swap3A_58 = vector.shape_cast %get3A_54 : vector<16xi32> to vector<16xi32>
    tpu.vector_store %arg12[%swap3A_55], %swap3A_58 {strides = array<i32>} : memref<128xi32, #tpu.memory_space<vmem>>, vector<16xi32>,
    %min3A_59 = arith.constant 49999 : i32
    %min3A_60 = vector.broadcast %min3A_59 : i32 to vector<16xi32>
    %min3A_61 = arith.minsi %get3A_51, %min3A_60 : vector<16xi32>
    %swap3A_62 = arith.constant 16 : index
    %swap3A_63 = tpu.vector_load %arg14[%swap3A_62] {strides = array<i32>} : memref<128xi32, #tpu.memory_space<vmem>>, vector<16xi32>,
    %swap3A_64 = vector.shape_cast %swap3A_63 : vector<16xi32> to vector<16xi32>
    %swap3A_65 = vector.shape_cast %min3A_61 : vector<16xi32> to vector<16xi32>
    tpu.vector_store %arg14[%swap3A_62], %swap3A_65 {strides = array<i32>} : memref<128xi32, #tpu.memory_space<vmem>>, vector<16xi32>,
    %swap3A_66 = arith.constant 16 : index
    %swap3A_67 = tpu.vector_load %arg16[%swap3A_66] {strides = array<i32>} : memref<128xi32, #tpu.memory_space<vmem>>, vector<16xi32>,
    %swap3A_68 = vector.shape_cast %swap3A_67 : vector<16xi32> to vector<16xi32>
    %swap3A_69 = vector.shape_cast %get3A_51 : vector<16xi32> to vector<16xi32>
    tpu.vector_store %arg16[%swap3A_66], %swap3A_69 {strides = array<i32>} : memref<128xi32, #tpu.memory_space<vmem>>, vector<16xi32>,
    %get3A_70 = arith.constant 32 : index
    %get3A_71 = tpu.vector_load %arg10[%get3A_70] {strides = array<i32>} : memref<128xi32, #tpu.memory_space<vmem>>, vector<16xi32>,
    %get3A_72 = vector.shape_cast %get3A_71 : vector<16xi32> to vector<16xi32>
    %get3A_73 = arith.constant 32 : index
    %get3A_74 = tpu.vector_load %arg8[%get3A_73] {strides = array<i32>} : memref<128xi32, #tpu.memory_space<vmem>>, vector<16xi32>,
    %get3A_75 = vector.shape_cast %get3A_74 : vector<16xi32> to vector<16xi32>
    %swap3A_76 = arith.constant 32 : index
    %swap3A_77 = tpu.vector_load %arg12[%swap3A_76] {strides = array<i32>} : memref<128xi32, #tpu.memory_space<vmem>>, vector<16xi32>,
    %swap3A_78 = vector.shape_cast %swap3A_77 : vector<16xi32> to vector<16xi32>
    %swap3A_79 = vector.shape_cast %get3A_75 : vector<16xi32> to vector<16xi32>
    tpu.vector_store %arg12[%swap3A_76], %swap3A_79 {strides = array<i32>} : memref<128xi32, #tpu.memory_space<vmem>>, vector<16xi32>,
    %min3A_80 = arith.constant 49999 : i32
    %min3A_81 = vector.broadcast %min3A_80 : i32 to vector<16xi32>
    %min3A_82 = arith.minsi %get3A_72, %min3A_81 : vector<16xi32>
    %swap3A_83 = arith.constant 32 : index
    %swap3A_84 = tpu.vector_load %arg14[%swap3A_83] {strides = array<i32>} : memref<128xi32, #tpu.memory_space<vmem>>, vector<16xi32>,
    %swap3A_85 = vector.shape_cast %swap3A_84 : vector<16xi32> to vector<16xi32>
    %swap3A_86 = vector.shape_cast %min3A_82 : vector<16xi32> to vector<16xi32>
    tpu.vector_store %arg14[%swap3A_83], %swap3A_86 {strides = array<i32>} : memref<128xi32, #tpu.memory_space<vmem>>, vector<16xi32>,
    %swap3A_87 = arith.constant 32 : index
    %swap3A_88 = tpu.vector_load %arg16[%swap3A_87] {strides = array<i32>} : memref<128xi32, #tpu.memory_space<vmem>>, vector<16xi32>,
    %swap3A_89 = vector.shape_cast %swap3A_88 : vector<16xi32> to vector<16xi32>
    %swap3A_90 = vector.shape_cast %get3A_72 : vector<16xi32> to vector<16xi32>
    tpu.vector_store %arg16[%swap3A_87], %swap3A_90 {strides = array<i32>} : memref<128xi32, #tpu.memory_space<vmem>>, vector<16xi32>,
    %get3A_91 = arith.constant 48 : index
    %get3A_92 = tpu.vector_load %arg10[%get3A_91] {strides = array<i32>} : memref<128xi32, #tpu.memory_space<vmem>>, vector<16xi32>,
    %get3A_93 = vector.shape_cast %get3A_92 : vector<16xi32> to vector<16xi32>
    %get3A_94 = arith.constant 48 : index
    %get3A_95 = tpu.vector_load %arg8[%get3A_94] {strides = array<i32>} : memref<128xi32, #tpu.memory_space<vmem>>, vector<16xi32>,
    %get3A_96 = vector.shape_cast %get3A_95 : vector<16xi32> to vector<16xi32>
    %swap3A_97 = arith.constant 48 : index
    %swap3A_98 = tpu.vector_load %arg12[%swap3A_97] {strides = array<i32>} : memref<128xi32, #tpu.memory_space<vmem>>, vector<16xi32>,
    %swap3A_99 = vector.shape_cast %swap3A_98 : vector<16xi32> to vector<16xi32>
    %swap3A_100 = vector.shape_cast %get3A_96 : vector<16xi32> to vector<16xi32>
    tpu.vector_store %arg12[%swap3A_97], %swap3A_100 {strides = array<i32>} : memref<128xi32, #tpu.memory_space<vmem>>, vector<16xi32>,
    %min3A_101 = arith.constant 49999 : i32
    %min3A_102 = vector.broadcast %min3A_101 : i32 to vector<16xi32>
    %min3A_103 = arith.minsi %get3A_93, %min3A_102 : vector<16xi32>
    %swap3A_104 = arith.constant 48 : index
    %swap3A_105 = tpu.vector_load %arg14[%swap3A_104] {strides = array<i32>} : memref<128xi32, #tpu.memory_space<vmem>>, vector<16xi32>,
    %swap3A_106 = vector.shape_cast %swap3A_105 : vector<16xi32> to vector<16xi32>
    %swap3A_107 = vector.shape_cast %min3A_103 : vector<16xi32> to vector<16xi32>
    tpu.vector_store %arg14[%swap3A_104], %swap3A_107 {strides = array<i32>} : memref<128xi32, #tpu.memory_space<vmem>>, vector<16xi32>,
    %swap3A_108 = arith.constant 48 : index
    %swap3A_109 = tpu.vector_load %arg16[%swap3A_108] {strides = array<i32>} : memref<128xi32, #tpu.memory_space<vmem>>, vector<16xi32>,
    %swap3A_110 = vector.shape_cast %swap3A_109 : vector<16xi32> to vector<16xi32>
    %swap3A_111 = vector.shape_cast %get3A_93 : vector<16xi32> to vector<16xi32>
    tpu.vector_store %arg16[%swap3A_108], %swap3A_111 {strides = array<i32>} : memref<128xi32, #tpu.memory_space<vmem>>, vector<16xi32>,
    %get3A_112 = arith.constant 64 : index
    %get3A_113 = tpu.vector_load %arg10[%get3A_112] {strides = array<i32>} : memref<128xi32, #tpu.memory_space<vmem>>, vector<16xi32>,
    %get3A_114 = vector.shape_cast %get3A_113 : vector<16xi32> to vector<16xi32>
    %get3A_115 = arith.constant 64 : index
    %get3A_116 = tpu.vector_load %arg8[%get3A_115] {strides = array<i32>} : memref<128xi32, #tpu.memory_space<vmem>>, vector<16xi32>,
    %get3A_117 = vector.shape_cast %get3A_116 : vector<16xi32> to vector<16xi32>
    %swap3A_118 = arith.constant 64 : index
    %swap3A_119 = tpu.vector_load %arg12[%swap3A_118] {strides = array<i32>} : memref<128xi32, #tpu.memory_space<vmem>>, vector<16xi32>,
    %swap3A_120 = vector.shape_cast %swap3A_119 : vector<16xi32> to vector<16xi32>
    %swap3A_121 = vector.shape_cast %get3A_117 : vector<16xi32> to vector<16xi32>
    tpu.vector_store %arg12[%swap3A_118], %swap3A_121 {strides = array<i32>} : memref<128xi32, #tpu.memory_space<vmem>>, vector<16xi32>,
    %min3A_122 = arith.constant 49999 : i32
    %min3A_123 = vector.broadcast %min3A_122 : i32 to vector<16xi32>
    %min3A_124 = arith.minsi %get3A_114, %min3A_123 : vector<16xi32>
    %swap3A_125 = arith.constant 64 : index
    %swap3A_126 = tpu.vector_load %arg14[%swap3A_125] {strides = array<i32>} : memref<128xi32, #tpu.memory_space<vmem>>, vector<16xi32>,
    %swap3A_127 = vector.shape_cast %swap3A_126 : vector<16xi32> to vector<16xi32>
    %swap3A_128 = vector.shape_cast %min3A_124 : vector<16xi32> to vector<16xi32>
    tpu.vector_store %arg14[%swap3A_125], %swap3A_128 {strides = array<i32>} : memref<128xi32, #tpu.memory_space<vmem>>, vector<16xi32>,
    %swap3A_129 = arith.constant 64 : index
    %swap3A_130 = tpu.vector_load %arg16[%swap3A_129] {strides = array<i32>} : memref<128xi32, #tpu.memory_space<vmem>>, vector<16xi32>,
    %swap3A_131 = vector.shape_cast %swap3A_130 : vector<16xi32> to vector<16xi32>
    %swap3A_132 = vector.shape_cast %get3A_114 : vector<16xi32> to vector<16xi32>
    tpu.vector_store %arg16[%swap3A_129], %swap3A_132 {strides = array<i32>} : memref<128xi32, #tpu.memory_space<vmem>>, vector<16xi32>,
    %get3A_133 = arith.constant 80 : index
    %get3A_134 = tpu.vector_load %arg10[%get3A_133] {strides = array<i32>} : memref<128xi32, #tpu.memory_space<vmem>>, vector<16xi32>,
    %get3A_135 = vector.shape_cast %get3A_134 : vector<16xi32> to vector<16xi32>
    %get3A_136 = arith.constant 80 : index
    %get3A_137 = tpu.vector_load %arg8[%get3A_136] {strides = array<i32>} : memref<128xi32, #tpu.memory_space<vmem>>, vector<16xi32>,
    %get3A_138 = vector.shape_cast %get3A_137 : vector<16xi32> to vector<16xi32>
    %swap3A_139 = arith.constant 80 : index
    %swap3A_140 = tpu.vector_load %arg12[%swap3A_139] {strides = array<i32>} : memref<128xi32, #tpu.memory_space<vmem>>, vector<16xi32>,
    %swap3A_141 = vector.shape_cast %swap3A_140 : vector<16xi32> to vector<16xi32>
    %swap3A_142 = vector.shape_cast %get3A_138 : vector<16xi32> to vector<16xi32>
    tpu.vector_store %arg12[%swap3A_139], %swap3A_142 {strides = array<i32>} : memref<128xi32, #tpu.memory_space<vmem>>, vector<16xi32>,
    %min3A_143 = arith.constant 49999 : i32
    %min3A_144 = vector.broadcast %min3A_143 : i32 to vector<16xi32>
    %min3A_145 = arith.minsi %get3A_135, %min3A_144 : vector<16xi32>
    %swap3A_146 = arith.constant 80 : index
    %swap3A_147 = tpu.vector_load %arg14[%swap3A_146] {strides = array<i32>} : memref<128xi32, #tpu.memory_space<vmem>>, vector<16xi32>,
    %swap3A_148 = vector.shape_cast %swap3A_147 : vector<16xi32> to vector<16xi32>
    %swap3A_149 = vector.shape_cast %min3A_145 : vector<16xi32> to vector<16xi32>
    tpu.vector_store %arg14[%swap3A_146], %swap3A_149 {strides = array<i32>} : memref<128xi32, #tpu.memory_space<vmem>>, vector<16xi32>,
    %swap3A_150 = arith.constant 80 : index
    %swap3A_151 = tpu.vector_load %arg16[%swap3A_150] {strides = array<i32>} : memref<128xi32, #tpu.memory_space<vmem>>, vector<16xi32>,
    %swap3A_152 = vector.shape_cast %swap3A_151 : vector<16xi32> to vector<16xi32>
    %swap3A_153 = vector.shape_cast %get3A_135 : vector<16xi32> to vector<16xi32>
    tpu.vector_store %arg16[%swap3A_150], %swap3A_153 {strides = array<i32>} : memref<128xi32, #tpu.memory_space<vmem>>, vector<16xi32>,
    %get3A_154 = arith.constant 96 : index
    %get3A_155 = tpu.vector_load %arg10[%get3A_154] {strides = array<i32>} : memref<128xi32, #tpu.memory_space<vmem>>, vector<16xi32>,
    %get3A_156 = vector.shape_cast %get3A_155 : vector<16xi32> to vector<16xi32>
    %get3A_157 = arith.constant 96 : index
    %get3A_158 = tpu.vector_load %arg8[%get3A_157] {strides = array<i32>} : memref<128xi32, #tpu.memory_space<vmem>>, vector<16xi32>,
    %get3A_159 = vector.shape_cast %get3A_158 : vector<16xi32> to vector<16xi32>
    %swap3A_160 = arith.constant 96 : index
    %swap3A_161 = tpu.vector_load %arg12[%swap3A_160] {strides = array<i32>} : memref<128xi32, #tpu.memory_space<vmem>>, vector<16xi32>,
    %swap3A_162 = vector.shape_cast %swap3A_161 : vector<16xi32> to vector<16xi32>
    %swap3A_163 = vector.shape_cast %get3A_159 : vector<16xi32> to vector<16xi32>
    tpu.vector_store %arg12[%swap3A_160], %swap3A_163 {strides = array<i32>} : memref<128xi32, #tpu.memory_space<vmem>>, vector<16xi32>,
    %min3A_164 = arith.constant 49999 : i32
    %min3A_165 = vector.broadcast %min3A_164 : i32 to vector<16xi32>
    %min3A_166 = arith.minsi %get3A_156, %min3A_165 : vector<16xi32>
    %swap3A_167 = arith.constant 96 : index
    %swap3A_168 = tpu.vector_load %arg14[%swap3A_167] {strides = array<i32>} : memref<128xi32, #tpu.memory_space<vmem>>, vector<16xi32>,
    %swap3A_169 = vector.shape_cast %swap3A_168 : vector<16xi32> to vector<16xi32>
    %swap3A_170 = vector.shape_cast %min3A_166 : vector<16xi32> to vector<16xi32>
    tpu.vector_store %arg14[%swap3A_167], %swap3A_170 {strides = array<i32>} : memref<128xi32, #tpu.memory_space<vmem>>, vector<16xi32>,
    %swap3A_171 = arith.constant 96 : index
    %swap3A_172 = tpu.vector_load %arg16[%swap3A_171] {strides = array<i32>} : memref<128xi32, #tpu.memory_space<vmem>>, vector<16xi32>,
    %swap3A_173 = vector.shape_cast %swap3A_172 : vector<16xi32> to vector<16xi32>
    %swap3A_174 = vector.shape_cast %get3A_156 : vector<16xi32> to vector<16xi32>
    tpu.vector_store %arg16[%swap3A_171], %swap3A_174 {strides = array<i32>} : memref<128xi32, #tpu.memory_space<vmem>>, vector<16xi32>,
    %get3A_175 = arith.constant 112 : index
    %get3A_176 = tpu.vector_load %arg10[%get3A_175] {strides = array<i32>} : memref<128xi32, #tpu.memory_space<vmem>>, vector<16xi32>,
    %get3A_177 = vector.shape_cast %get3A_176 : vector<16xi32> to vector<16xi32>
    %get3A_178 = arith.constant 112 : index
    %get3A_179 = tpu.vector_load %arg8[%get3A_178] {strides = array<i32>} : memref<128xi32, #tpu.memory_space<vmem>>, vector<16xi32>,
    %get3A_180 = vector.shape_cast %get3A_179 : vector<16xi32> to vector<16xi32>
    %swap3A_181 = arith.constant 112 : index
    %swap3A_182 = tpu.vector_load %arg12[%swap3A_181] {strides = array<i32>} : memref<128xi32, #tpu.memory_space<vmem>>, vector<16xi32>,
    %swap3A_183 = vector.shape_cast %swap3A_182 : vector<16xi32> to vector<16xi32>
    %swap3A_184 = vector.shape_cast %get3A_180 : vector<16xi32> to vector<16xi32>
    tpu.vector_store %arg12[%swap3A_181], %swap3A_184 {strides = array<i32>} : memref<128xi32, #tpu.memory_space<vmem>>, vector<16xi32>,
    %min3A_185 = arith.constant 49999 : i32
    %min3A_186 = vector.broadcast %min3A_185 : i32 to vector<16xi32>
    %min3A_187 = arith.minsi %get3A_177, %min3A_186 : vector<16xi32>
    %swap3A_188 = arith.constant 112 : index
    %swap3A_189 = tpu.vector_load %arg14[%swap3A_188] {strides = array<i32>} : memref<128xi32, #tpu.memory_space<vmem>>, vector<16xi32>,
    %swap3A_190 = vector.shape_cast %swap3A_189 : vector<16xi32> to vector<16xi32>
    %swap3A_191 = vector.shape_cast %min3A_187 : vector<16xi32> to vector<16xi32>
    tpu.vector_store %arg14[%swap3A_188], %swap3A_191 {strides = array<i32>} : memref<128xi32, #tpu.memory_space<vmem>>, vector<16xi32>,
    %swap3A_192 = arith.constant 112 : index
    %swap3A_193 = tpu.vector_load %arg16[%swap3A_192] {strides = array<i32>} : memref<128xi32, #tpu.memory_space<vmem>>, vector<16xi32>,
    %swap3A_194 = vector.shape_cast %swap3A_193 : vector<16xi32> to vector<16xi32>
    %swap3A_195 = vector.shape_cast %get3A_177 : vector<16xi32> to vector<16xi32>
    tpu.vector_store %arg16[%swap3A_192], %swap3A_195 {strides = array<i32>} : memref<128xi32, #tpu.memory_space<vmem>>, vector<16xi32>,
    %dma_start3A_196 = arith.constant 0 : i32
    %dma_start3A_197 = arith.constant 0 : i32
    %dma_start3A_198 = tpu.memref_slice %arg4[%dma_start3A_196, %dma_start3A_197] : memref<50000x16xf32, #tpu.memory_space<hbm>> -> memref<50000x16xf32, #tpu.memory_space<hbm>>
    tpu.enqueue_indirect_dma source(%dma_start3A_198 : memref<50000x16xf32, #tpu.memory_space<hbm>>) target(%arg20 : memref<128x16xf32, #tpu.memory_space<vmem>>) offsets(%arg12 : memref<128xi32, #tpu.memory_space<vmem>>) semaphore(%arg28 : memref<!tpu.dma_semaphore, #tpu.memory_space<semaphore_mem>>)
    %dma_start3A_199 = arith.constant 0 : i32
    %dma_start3A_200 = arith.constant 0 : i32
    %dma_start3A_201 = tpu.memref_slice %arg5[%dma_start3A_199, %dma_start3A_200] : memref<50000x16xf32, #tpu.memory_space<hbm>> -> memref<50000x16xf32, #tpu.memory_space<hbm>>
    tpu.enqueue_indirect_dma source(%dma_start3A_201 : memref<50000x16xf32, #tpu.memory_space<hbm>>) target(%arg22 : memref<128x16xf32, #tpu.memory_space<vmem>>) offsets(%arg14 : memref<128xi32, #tpu.memory_space<vmem>>) semaphore(%arg28 : memref<!tpu.dma_semaphore, #tpu.memory_space<semaphore_mem>>)
    %add3A_202 = arith.constant 1 : i32
    %add3A_203 = arith.addi %mul3A_18, %add3A_202 : i32
    %mul3A_204 = arith.constant 128 : i32
    %mul3A_205 = arith.muli %add3A_203, %mul3A_204 : i32
    %dma_start3A_206 = tpu.memref_slice %arg2[%mul3A_205] : memref<819200xi32, #tpu.memory_space<hbm>> -> memref<128xi32, #tpu.memory_space<hbm>>
    %dma_start3A_207 = tpu.memref_slice %arg2[%mul3A_205] : memref<819200xi32, #tpu.memory_space<hbm>> -> memref<128xi32, #tpu.memory_space<hbm>>
    tpu.enqueue_dma source(%dma_start3A_207 : memref<128xi32, #tpu.memory_space<hbm>>) target(%arg9 : memref<128xi32, #tpu.memory_space<vmem>>) target_semaphore(%arg27 : memref<!tpu.dma_semaphore, #tpu.memory_space<semaphore_mem>>)
    %dma_start3A_208 = tpu.memref_slice %arg3[%mul3A_205] : memref<819200xi32, #tpu.memory_space<hbm>> -> memref<128xi32, #tpu.memory_space<hbm>>
    %dma_start3A_209 = tpu.memref_slice %arg3[%mul3A_205] : memref<819200xi32, #tpu.memory_space<hbm>> -> memref<128xi32, #tpu.memory_space<hbm>>
    tpu.enqueue_dma source(%dma_start3A_209 : memref<128xi32, #tpu.memory_space<hbm>>) target(%arg11 : memref<128xi32, #tpu.memory_space<vmem>>) target_semaphore(%arg27 : memref<!tpu.dma_semaphore, #tpu.memory_space<semaphore_mem>>)
    %scan3A_210 = arith.constant 0 : i32
    %scan3A_211 = arith.constant 0 : i32
    %scan3A_212 = arith.constant 100 : i32
    %scan3A_213 = arith.addi %scan3A_211, %scan3A_212 : i32
    %scan3A_214 = arith.constant 1 : i32
    scf.for %scan3A_225 = %scan3A_211 to %scan3A_213 step %scan3A_214  : i32 {
      %mul3A_226 = arith.constant 2 : i32
      %mul3A_227 = arith.muli %scan3A_225, %mul3A_226 : i32
      %add3A_228 = arith.constant 2 : i32
      %add3A_229 = arith.addi %mul3A_227, %add3A_228 : i32
      %lt3A = arith.constant 200 : i32
      %lt3A_230 = arith.cmpi slt, %add3A_229, %lt3A : i32
      %convert_element_type3A = arith.extui %lt3A_230 : i1 to i32
      %cond3A = arith.constant 0 : i32
      %cond3A_231 = arith.cmpi ne, %convert_element_type3A, %cond3A : i32
      scf.if %cond3A_231 {
        %add3A_410 = arith.addi %mul3A_18, %mul3A_227 : i32
        %add3A_411 = arith.constant 2 : i32
        %add3A_412 = arith.addi %add3A_410, %add3A_411 : i32
        %mul3A_413 = arith.constant 128 : i32
        %mul3A_414 = arith.muli %add3A_412, %mul3A_413 : i32
        %dma_start3A_415 = tpu.memref_slice %arg2[%mul3A_414] : memref<819200xi32, #tpu.memory_space<hbm>> -> memref<128xi32, #tpu.memory_space<hbm>>
        %dma_start3A_416 = tpu.memref_slice %arg2[%mul3A_414] : memref<819200xi32, #tpu.memory_space<hbm>> -> memref<128xi32, #tpu.memory_space<hbm>>
        tpu.enqueue_dma source(%dma_start3A_416 : memref<128xi32, #tpu.memory_space<hbm>>) target(%arg8 : memref<128xi32, #tpu.memory_space<vmem>>) target_semaphore(%arg26 : memref<!tpu.dma_semaphore, #tpu.memory_space<semaphore_mem>>)
        %dma_start3A_417 = tpu.memref_slice %arg3[%mul3A_414] : memref<819200xi32, #tpu.memory_space<hbm>> -> memref<128xi32, #tpu.memory_space<hbm>>
        %dma_start3A_418 = tpu.memref_slice %arg3[%mul3A_414] : memref<819200xi32, #tpu.memory_space<hbm>> -> memref<128xi32, #tpu.memory_space<hbm>>
        tpu.enqueue_dma source(%dma_start3A_418 : memref<128xi32, #tpu.memory_space<hbm>>) target(%arg10 : memref<128xi32, #tpu.memory_space<vmem>>) target_semaphore(%arg26 : memref<!tpu.dma_semaphore, #tpu.memory_space<semaphore_mem>>)
      } else {
      }
      %add3A_232 = arith.constant 1 : i32
      %add3A_233 = arith.addi %mul3A_227, %add3A_232 : i32
      %lt3A_234 = arith.constant 200 : i32
      %lt3A_235 = arith.cmpi slt, %add3A_233, %lt3A_234 : i32
      %convert_element_type3A_236 = arith.extui %lt3A_235 : i1 to i32
      %cond3A_237 = arith.constant 0 : i32
      %cond3A_238 = arith.cmpi ne, %convert_element_type3A_236, %cond3A_237 : i32
      scf.if %cond3A_238 {
        %dma_wait3A_410 = arith.constant 0 : i32
        %dma_wait3A_411 = tpu.memref_slice %arg2[%dma_wait3A_410] : memref<819200xi32, #tpu.memory_space<hbm>> -> memref<128xi32, #tpu.memory_space<hbm>>
        %dma_wait3A_412 = arith.constant 0 : i32
        %dma_wait3A_413 = tpu.memref_slice %arg2[%dma_wait3A_412] : memref<819200xi32, #tpu.memory_space<hbm>> -> memref<128xi32, #tpu.memory_space<hbm>>
        tpu.wait_dma2 semaphore(%arg27 : memref<!tpu.dma_semaphore, #tpu.memory_space<semaphore_mem>>) src(%dma_wait3A_413 : memref<128xi32, #tpu.memory_space<hbm>>) dst(%arg9 : memref<128xi32, #tpu.memory_space<vmem>>)
        %dma_wait3A_414 = arith.constant 0 : i32
        %dma_wait3A_415 = tpu.memref_slice %arg3[%dma_wait3A_414] : memref<819200xi32, #tpu.memory_space<hbm>> -> memref<128xi32, #tpu.memory_space<hbm>>
        %dma_wait3A_416 = arith.constant 0 : i32
        %dma_wait3A_417 = tpu.memref_slice %arg3[%dma_wait3A_416] : memref<819200xi32, #tpu.memory_space<hbm>> -> memref<128xi32, #tpu.memory_space<hbm>>
        tpu.wait_dma2 semaphore(%arg27 : memref<!tpu.dma_semaphore, #tpu.memory_space<semaphore_mem>>) src(%dma_wait3A_417 : memref<128xi32, #tpu.memory_space<hbm>>) dst(%arg11 : memref<128xi32, #tpu.memory_space<vmem>>)
        %get3A_418 = arith.constant 0 : index
        %get3A_419 = tpu.vector_load %arg11[%get3A_418] {strides = array<i32>} : memref<128xi32, #tpu.memory_space<vmem>>, vector<16xi32>,
        %get3A_420 = vector.shape_cast %get3A_419 : vector<16xi32> to vector<16xi32>
        %get3A_421 = arith.constant 0 : index
        %get3A_422 = tpu.vector_load %arg9[%get3A_421] {strides = array<i32>} : memref<128xi32, #tpu.memory_space<vmem>>, vector<16xi32>,
        %get3A_423 = vector.shape_cast %get3A_422 : vector<16xi32> to vector<16xi32>
        %swap3A_424 = arith.constant 0 : index
        %swap3A_425 = tpu.vector_load %arg13[%swap3A_424] {strides = array<i32>} : memref<128xi32, #tpu.memory_space<vmem>>, vector<16xi32>,
        %swap3A_426 = vector.shape_cast %swap3A_425 : vector<16xi32> to vector<16xi32>
        %swap3A_427 = vector.shape_cast %get3A_423 : vector<16xi32> to vector<16xi32>
        tpu.vector_store %arg13[%swap3A_424], %swap3A_427 {strides = array<i32>} : memref<128xi32, #tpu.memory_space<vmem>>, vector<16xi32>,
        %min3A_428 = arith.constant 49999 : i32
        %min3A_429 = vector.broadcast %min3A_428 : i32 to vector<16xi32>
        %min3A_430 = arith.minsi %get3A_420, %min3A_429 : vector<16xi32>
        %swap3A_431 = arith.constant 0 : index
        %swap3A_432 = tpu.vector_load %arg15[%swap3A_431] {strides = array<i32>} : memref<128xi32, #tpu.memory_space<vmem>>, vector<16xi32>,
        %swap3A_433 = vector.shape_cast %swap3A_432 : vector<16xi32> to vector<16xi32>
        %swap3A_434 = vector.shape_cast %min3A_430 : vector<16xi32> to vector<16xi32>
        tpu.vector_store %arg15[%swap3A_431], %swap3A_434 {strides = array<i32>} : memref<128xi32, #tpu.memory_space<vmem>>, vector<16xi32>,
        %swap3A_435 = arith.constant 0 : index
        %swap3A_436 = tpu.vector_load %arg17[%swap3A_435] {strides = array<i32>} : memref<128xi32, #tpu.memory_space<vmem>>, vector<16xi32>,
        %swap3A_437 = vector.shape_cast %swap3A_436 : vector<16xi32> to vector<16xi32>
        %swap3A_438 = vector.shape_cast %get3A_420 : vector<16xi32> to vector<16xi32>
        tpu.vector_store %arg17[%swap3A_435], %swap3A_438 {strides = array<i32>} : memref<128xi32, #tpu.memory_space<vmem>>, vector<16xi32>,
        %get3A_439 = arith.constant 16 : index
        %get3A_440 = tpu.vector_load %arg11[%get3A_439] {strides = array<i32>} : memref<128xi32, #tpu.memory_space<vmem>>, vector<16xi32>,
        %get3A_441 = vector.shape_cast %get3A_440 : vector<16xi32> to vector<16xi32>
        %get3A_442 = arith.constant 16 : index
        %get3A_443 = tpu.vector_load %arg9[%get3A_442] {strides = array<i32>} : memref<128xi32, #tpu.memory_space<vmem>>, vector<16xi32>,
        %get3A_444 = vector.shape_cast %get3A_443 : vector<16xi32> to vector<16xi32>
        %swap3A_445 = arith.constant 16 : index
        %swap3A_446 = tpu.vector_load %arg13[%swap3A_445] {strides = array<i32>} : memref<128xi32, #tpu.memory_space<vmem>>, vector<16xi32>,
        %swap3A_447 = vector.shape_cast %swap3A_446 : vector<16xi32> to vector<16xi32>
        %swap3A_448 = vector.shape_cast %get3A_444 : vector<16xi32> to vector<16xi32>
        tpu.vector_store %arg13[%swap3A_445], %swap3A_448 {strides = array<i32>} : memref<128xi32, #tpu.memory_space<vmem>>, vector<16xi32>,
        %min3A_449 = arith.constant 49999 : i32
        %min3A_450 = vector.broadcast %min3A_449 : i32 to vector<16xi32>
        %min3A_451 = arith.minsi %get3A_441, %min3A_450 : vector<16xi32>
        %swap3A_452 = arith.constant 16 : index
        %swap3A_453 = tpu.vector_load %arg15[%swap3A_452] {strides = array<i32>} : memref<128xi32, #tpu.memory_space<vmem>>, vector<16xi32>,
        %swap3A_454 = vector.shape_cast %swap3A_453 : vector<16xi32> to vector<16xi32>
        %swap3A_455 = vector.shape_cast %min3A_451 : vector<16xi32> to vector<16xi32>
        tpu.vector_store %arg15[%swap3A_452], %swap3A_455 {strides = array<i32>} : memref<128xi32, #tpu.memory_space<vmem>>, vector<16xi32>,
        %swap3A_456 = arith.constant 16 : index
        %swap3A_457 = tpu.vector_load %arg17[%swap3A_456] {strides = array<i32>} : memref<128xi32, #tpu.memory_space<vmem>>, vector<16xi32>,
        %swap3A_458 = vector.shape_cast %swap3A_457 : vector<16xi32> to vector<16xi32>
        %swap3A_459 = vector.shape_cast %get3A_441 : vector<16xi32> to vector<16xi32>
        tpu.vector_store %arg17[%swap3A_456], %swap3A_459 {strides = array<i32>} : memref<128xi32, #tpu.memory_space<vmem>>, vector<16xi32>,
        %get3A_460 = arith.constant 32 : index
        %get3A_461 = tpu.vector_load %arg11[%get3A_460] {strides = array<i32>} : memref<128xi32, #tpu.memory_space<vmem>>, vector<16xi32>,
        %get3A_462 = vector.shape_cast %get3A_461 : vector<16xi32> to vector<16xi32>
        %get3A_463 = arith.constant 32 : index
        %get3A_464 = tpu.vector_load %arg9[%get3A_463] {strides = array<i32>} : memref<128xi32, #tpu.memory_space<vmem>>, vector<16xi32>,
        %get3A_465 = vector.shape_cast %get3A_464 : vector<16xi32> to vector<16xi32>
        %swap3A_466 = arith.constant 32 : index
        %swap3A_467 = tpu.vector_load %arg13[%swap3A_466] {strides = array<i32>} : memref<128xi32, #tpu.memory_space<vmem>>, vector<16xi32>,
        %swap3A_468 = vector.shape_cast %swap3A_467 : vector<16xi32> to vector<16xi32>
        %swap3A_469 = vector.shape_cast %get3A_465 : vector<16xi32> to vector<16xi32>
        tpu.vector_store %arg13[%swap3A_466], %swap3A_469 {strides = array<i32>} : memref<128xi32, #tpu.memory_space<vmem>>, vector<16xi32>,
        %min3A_470 = arith.constant 49999 : i32
        %min3A_471 = vector.broadcast %min3A_470 : i32 to vector<16xi32>
        %min3A_472 = arith.minsi %get3A_462, %min3A_471 : vector<16xi32>
        %swap3A_473 = arith.constant 32 : index
        %swap3A_474 = tpu.vector_load %arg15[%swap3A_473] {strides = array<i32>} : memref<128xi32, #tpu.memory_space<vmem>>, vector<16xi32>,
        %swap3A_475 = vector.shape_cast %swap3A_474 : vector<16xi32> to vector<16xi32>
        %swap3A_476 = vector.shape_cast %min3A_472 : vector<16xi32> to vector<16xi32>
        tpu.vector_store %arg15[%swap3A_473], %swap3A_476 {strides = array<i32>} : memref<128xi32, #tpu.memory_space<vmem>>, vector<16xi32>,
        %swap3A_477 = arith.constant 32 : index
        %swap3A_478 = tpu.vector_load %arg17[%swap3A_477] {strides = array<i32>} : memref<128xi32, #tpu.memory_space<vmem>>, vector<16xi32>,
        %swap3A_479 = vector.shape_cast %swap3A_478 : vector<16xi32> to vector<16xi32>
        %swap3A_480 = vector.shape_cast %get3A_462 : vector<16xi32> to vector<16xi32>
        tpu.vector_store %arg17[%swap3A_477], %swap3A_480 {strides = array<i32>} : memref<128xi32, #tpu.memory_space<vmem>>, vector<16xi32>,
        %get3A_481 = arith.constant 48 : index
        %get3A_482 = tpu.vector_load %arg11[%get3A_481] {strides = array<i32>} : memref<128xi32, #tpu.memory_space<vmem>>, vector<16xi32>,
        %get3A_483 = vector.shape_cast %get3A_482 : vector<16xi32> to vector<16xi32>
        %get3A_484 = arith.constant 48 : index
        %get3A_485 = tpu.vector_load %arg9[%get3A_484] {strides = array<i32>} : memref<128xi32, #tpu.memory_space<vmem>>, vector<16xi32>,
        %get3A_486 = vector.shape_cast %get3A_485 : vector<16xi32> to vector<16xi32>
        %swap3A_487 = arith.constant 48 : index
        %swap3A_488 = tpu.vector_load %arg13[%swap3A_487] {strides = array<i32>} : memref<128xi32, #tpu.memory_space<vmem>>, vector<16xi32>,
        %swap3A_489 = vector.shape_cast %swap3A_488 : vector<16xi32> to vector<16xi32>
        %swap3A_490 = vector.shape_cast %get3A_486 : vector<16xi32> to vector<16xi32>
        tpu.vector_store %arg13[%swap3A_487], %swap3A_490 {strides = array<i32>} : memref<128xi32, #tpu.memory_space<vmem>>, vector<16xi32>,
        %min3A_491 = arith.constant 49999 : i32
        %min3A_492 = vector.broadcast %min3A_491 : i32 to vector<16xi32>
        %min3A_493 = arith.minsi %get3A_483, %min3A_492 : vector<16xi32>
        %swap3A_494 = arith.constant 48 : index
        %swap3A_495 = tpu.vector_load %arg15[%swap3A_494] {strides = array<i32>} : memref<128xi32, #tpu.memory_space<vmem>>, vector<16xi32>,
        %swap3A_496 = vector.shape_cast %swap3A_495 : vector<16xi32> to vector<16xi32>
        %swap3A_497 = vector.shape_cast %min3A_493 : vector<16xi32> to vector<16xi32>
        tpu.vector_store %arg15[%swap3A_494], %swap3A_497 {strides = array<i32>} : memref<128xi32, #tpu.memory_space<vmem>>, vector<16xi32>,
        %swap3A_498 = arith.constant 48 : index
        %swap3A_499 = tpu.vector_load %arg17[%swap3A_498] {strides = array<i32>} : memref<128xi32, #tpu.memory_space<vmem>>, vector<16xi32>,
        %swap3A_500 = vector.shape_cast %swap3A_499 : vector<16xi32> to vector<16xi32>
        %swap3A_501 = vector.shape_cast %get3A_483 : vector<16xi32> to vector<16xi32>
        tpu.vector_store %arg17[%swap3A_498], %swap3A_501 {strides = array<i32>} : memref<128xi32, #tpu.memory_space<vmem>>, vector<16xi32>,
        %get3A_502 = arith.constant 64 : index
        %get3A_503 = tpu.vector_load %arg11[%get3A_502] {strides = array<i32>} : memref<128xi32, #tpu.memory_space<vmem>>, vector<16xi32>,
        %get3A_504 = vector.shape_cast %get3A_503 : vector<16xi32> to vector<16xi32>
        %get3A_505 = arith.constant 64 : index
        %get3A_506 = tpu.vector_load %arg9[%get3A_505] {strides = array<i32>} : memref<128xi32, #tpu.memory_space<vmem>>, vector<16xi32>,
        %get3A_507 = vector.shape_cast %get3A_506 : vector<16xi32> to vector<16xi32>
        %swap3A_508 = arith.constant 64 : index
        %swap3A_509 = tpu.vector_load %arg13[%swap3A_508] {strides = array<i32>} : memref<128xi32, #tpu.memory_space<vmem>>, vector<16xi32>,
        %swap3A_510 = vector.shape_cast %swap3A_509 : vector<16xi32> to vector<16xi32>
        %swap3A_511 = vector.shape_cast %get3A_507 : vector<16xi32> to vector<16xi32>
        tpu.vector_store %arg13[%swap3A_508], %swap3A_511 {strides = array<i32>} : memref<128xi32, #tpu.memory_space<vmem>>, vector<16xi32>,
        %min3A_512 = arith.constant 49999 : i32
        %min3A_513 = vector.broadcast %min3A_512 : i32 to vector<16xi32>
        %min3A_514 = arith.minsi %get3A_504, %min3A_513 : vector<16xi32>
        %swap3A_515 = arith.constant 64 : index
        %swap3A_516 = tpu.vector_load %arg15[%swap3A_515] {strides = array<i32>} : memref<128xi32, #tpu.memory_space<vmem>>, vector<16xi32>,
        %swap3A_517 = vector.shape_cast %swap3A_516 : vector<16xi32> to vector<16xi32>
        %swap3A_518 = vector.shape_cast %min3A_514 : vector<16xi32> to vector<16xi32>
        tpu.vector_store %arg15[%swap3A_515], %swap3A_518 {strides = array<i32>} : memref<128xi32, #tpu.memory_space<vmem>>, vector<16xi32>,
        %swap3A_519 = arith.constant 64 : index
        %swap3A_520 = tpu.vector_load %arg17[%swap3A_519] {strides = array<i32>} : memref<128xi32, #tpu.memory_space<vmem>>, vector<16xi32>,
        %swap3A_521 = vector.shape_cast %swap3A_520 : vector<16xi32> to vector<16xi32>
        %swap3A_522 = vector.shape_cast %get3A_504 : vector<16xi32> to vector<16xi32>
        tpu.vector_store %arg17[%swap3A_519], %swap3A_522 {strides = array<i32>} : memref<128xi32, #tpu.memory_space<vmem>>, vector<16xi32>,
        %get3A_523 = arith.constant 80 : index
        %get3A_524 = tpu.vector_load %arg11[%get3A_523] {strides = array<i32>} : memref<128xi32, #tpu.memory_space<vmem>>, vector<16xi32>,
        %get3A_525 = vector.shape_cast %get3A_524 : vector<16xi32> to vector<16xi32>
        %get3A_526 = arith.constant 80 : index
        %get3A_527 = tpu.vector_load %arg9[%get3A_526] {strides = array<i32>} : memref<128xi32, #tpu.memory_space<vmem>>, vector<16xi32>,
        %get3A_528 = vector.shape_cast %get3A_527 : vector<16xi32> to vector<16xi32>
        %swap3A_529 = arith.constant 80 : index
        %swap3A_530 = tpu.vector_load %arg13[%swap3A_529] {strides = array<i32>} : memref<128xi32, #tpu.memory_space<vmem>>, vector<16xi32>,
        %swap3A_531 = vector.shape_cast %swap3A_530 : vector<16xi32> to vector<16xi32>
        %swap3A_532 = vector.shape_cast %get3A_528 : vector<16xi32> to vector<16xi32>
        tpu.vector_store %arg13[%swap3A_529], %swap3A_532 {strides = array<i32>} : memref<128xi32, #tpu.memory_space<vmem>>, vector<16xi32>,
        %min3A_533 = arith.constant 49999 : i32
        %min3A_534 = vector.broadcast %min3A_533 : i32 to vector<16xi32>
        %min3A_535 = arith.minsi %get3A_525, %min3A_534 : vector<16xi32>
        %swap3A_536 = arith.constant 80 : index
        %swap3A_537 = tpu.vector_load %arg15[%swap3A_536] {strides = array<i32>} : memref<128xi32, #tpu.memory_space<vmem>>, vector<16xi32>,
        %swap3A_538 = vector.shape_cast %swap3A_537 : vector<16xi32> to vector<16xi32>
        %swap3A_539 = vector.shape_cast %min3A_535 : vector<16xi32> to vector<16xi32>
        tpu.vector_store %arg15[%swap3A_536], %swap3A_539 {strides = array<i32>} : memref<128xi32, #tpu.memory_space<vmem>>, vector<16xi32>,
        %swap3A_540 = arith.constant 80 : index
        %swap3A_541 = tpu.vector_load %arg17[%swap3A_540] {strides = array<i32>} : memref<128xi32, #tpu.memory_space<vmem>>, vector<16xi32>,
        %swap3A_542 = vector.shape_cast %swap3A_541 : vector<16xi32> to vector<16xi32>
        %swap3A_543 = vector.shape_cast %get3A_525 : vector<16xi32> to vector<16xi32>
        tpu.vector_store %arg17[%swap3A_540], %swap3A_543 {strides = array<i32>} : memref<128xi32, #tpu.memory_space<vmem>>, vector<16xi32>,
        %get3A_544 = arith.constant 96 : index
        %get3A_545 = tpu.vector_load %arg11[%get3A_544] {strides = array<i32>} : memref<128xi32, #tpu.memory_space<vmem>>, vector<16xi32>,
        %get3A_546 = vector.shape_cast %get3A_545 : vector<16xi32> to vector<16xi32>
        %get3A_547 = arith.constant 96 : index
        %get3A_548 = tpu.vector_load %arg9[%get3A_547] {strides = array<i32>} : memref<128xi32, #tpu.memory_space<vmem>>, vector<16xi32>,
        %get3A_549 = vector.shape_cast %get3A_548 : vector<16xi32> to vector<16xi32>
        %swap3A_550 = arith.constant 96 : index
        %swap3A_551 = tpu.vector_load %arg13[%swap3A_550] {strides = array<i32>} : memref<128xi32, #tpu.memory_space<vmem>>, vector<16xi32>,
        %swap3A_552 = vector.shape_cast %swap3A_551 : vector<16xi32> to vector<16xi32>
        %swap3A_553 = vector.shape_cast %get3A_549 : vector<16xi32> to vector<16xi32>
        tpu.vector_store %arg13[%swap3A_550], %swap3A_553 {strides = array<i32>} : memref<128xi32, #tpu.memory_space<vmem>>, vector<16xi32>,
        %min3A_554 = arith.constant 49999 : i32
        %min3A_555 = vector.broadcast %min3A_554 : i32 to vector<16xi32>
        %min3A_556 = arith.minsi %get3A_546, %min3A_555 : vector<16xi32>
        %swap3A_557 = arith.constant 96 : index
        %swap3A_558 = tpu.vector_load %arg15[%swap3A_557] {strides = array<i32>} : memref<128xi32, #tpu.memory_space<vmem>>, vector<16xi32>,
        %swap3A_559 = vector.shape_cast %swap3A_558 : vector<16xi32> to vector<16xi32>
        %swap3A_560 = vector.shape_cast %min3A_556 : vector<16xi32> to vector<16xi32>
        tpu.vector_store %arg15[%swap3A_557], %swap3A_560 {strides = array<i32>} : memref<128xi32, #tpu.memory_space<vmem>>, vector<16xi32>,
        %swap3A_561 = arith.constant 96 : index
        %swap3A_562 = tpu.vector_load %arg17[%swap3A_561] {strides = array<i32>} : memref<128xi32, #tpu.memory_space<vmem>>, vector<16xi32>,
        %swap3A_563 = vector.shape_cast %swap3A_562 : vector<16xi32> to vector<16xi32>
        %swap3A_564 = vector.shape_cast %get3A_546 : vector<16xi32> to vector<16xi32>
        tpu.vector_store %arg17[%swap3A_561], %swap3A_564 {strides = array<i32>} : memref<128xi32, #tpu.memory_space<vmem>>, vector<16xi32>,
        %get3A_565 = arith.constant 112 : index
        %get3A_566 = tpu.vector_load %arg11[%get3A_565] {strides = array<i32>} : memref<128xi32, #tpu.memory_space<vmem>>, vector<16xi32>,
        %get3A_567 = vector.shape_cast %get3A_566 : vector<16xi32> to vector<16xi32>
        %get3A_568 = arith.constant 112 : index
        %get3A_569 = tpu.vector_load %arg9[%get3A_568] {strides = array<i32>} : memref<128xi32, #tpu.memory_space<vmem>>, vector<16xi32>,
        %get3A_570 = vector.shape_cast %get3A_569 : vector<16xi32> to vector<16xi32>
        %swap3A_571 = arith.constant 112 : index
        %swap3A_572 = tpu.vector_load %arg13[%swap3A_571] {strides = array<i32>} : memref<128xi32, #tpu.memory_space<vmem>>, vector<16xi32>,
        %swap3A_573 = vector.shape_cast %swap3A_572 : vector<16xi32> to vector<16xi32>
        %swap3A_574 = vector.shape_cast %get3A_570 : vector<16xi32> to vector<16xi32>
        tpu.vector_store %arg13[%swap3A_571], %swap3A_574 {strides = array<i32>} : memref<128xi32, #tpu.memory_space<vmem>>, vector<16xi32>,
        %min3A_575 = arith.constant 49999 : i32
        %min3A_576 = vector.broadcast %min3A_575 : i32 to vector<16xi32>
        %min3A_577 = arith.minsi %get3A_567, %min3A_576 : vector<16xi32>
        %swap3A_578 = arith.constant 112 : index
        %swap3A_579 = tpu.vector_load %arg15[%swap3A_578] {strides = array<i32>} : memref<128xi32, #tpu.memory_space<vmem>>, vector<16xi32>,
        %swap3A_580 = vector.shape_cast %swap3A_579 : vector<16xi32> to vector<16xi32>
        %swap3A_581 = vector.shape_cast %min3A_577 : vector<16xi32> to vector<16xi32>
        tpu.vector_store %arg15[%swap3A_578], %swap3A_581 {strides = array<i32>} : memref<128xi32, #tpu.memory_space<vmem>>, vector<16xi32>,
        %swap3A_582 = arith.constant 112 : index
        %swap3A_583 = tpu.vector_load %arg17[%swap3A_582] {strides = array<i32>} : memref<128xi32, #tpu.memory_space<vmem>>, vector<16xi32>,
        %swap3A_584 = vector.shape_cast %swap3A_583 : vector<16xi32> to vector<16xi32>
        %swap3A_585 = vector.shape_cast %get3A_567 : vector<16xi32> to vector<16xi32>
        tpu.vector_store %arg17[%swap3A_582], %swap3A_585 {strides = array<i32>} : memref<128xi32, #tpu.memory_space<vmem>>, vector<16xi32>,
        %dma_start3A_586 = arith.constant 0 : i32
        %dma_start3A_587 = arith.constant 0 : i32
        %dma_start3A_588 = tpu.memref_slice %arg4[%dma_start3A_586, %dma_start3A_587] : memref<50000x16xf32, #tpu.memory_space<hbm>> -> memref<50000x16xf32, #tpu.memory_space<hbm>>
        tpu.enqueue_indirect_dma source(%dma_start3A_588 : memref<50000x16xf32, #tpu.memory_space<hbm>>) target(%arg21 : memref<128x16xf32, #tpu.memory_space<vmem>>) offsets(%arg13 : memref<128xi32, #tpu.memory_space<vmem>>) semaphore(%arg29 : memref<!tpu.dma_semaphore, #tpu.memory_space<semaphore_mem>>)
        %dma_start3A_589 = arith.constant 0 : i32
        %dma_start3A_590 = arith.constant 0 : i32
        %dma_start3A_591 = tpu.memref_slice %arg5[%dma_start3A_589, %dma_start3A_590] : memref<50000x16xf32, #tpu.memory_space<hbm>> -> memref<50000x16xf32, #tpu.memory_space<hbm>>
        tpu.enqueue_indirect_dma source(%dma_start3A_591 : memref<50000x16xf32, #tpu.memory_space<hbm>>) target(%arg23 : memref<128x16xf32, #tpu.memory_space<vmem>>) offsets(%arg15 : memref<128xi32, #tpu.memory_space<vmem>>) semaphore(%arg29 : memref<!tpu.dma_semaphore, #tpu.memory_space<semaphore_mem>>)
      } else {
      }
      %dma_wait3A_239 = arith.constant 0 : i32
      %dma_wait3A_240 = arith.constant 0 : i32
      %dma_wait3A_241 = tpu.memref_slice %arg4[%dma_wait3A_239, %dma_wait3A_240] : memref<50000x16xf32, #tpu.memory_space<hbm>> -> memref<50000x16xf32, #tpu.memory_space<hbm>>
      tpu.wait_indirect_dma semaphore(%arg28 : memref<!tpu.dma_semaphore, #tpu.memory_space<semaphore_mem>>) src(%dma_wait3A_241 : memref<50000x16xf32, #tpu.memory_space<hbm>>) dst(%arg20 : memref<128x16xf32, #tpu.memory_space<vmem>>)
      %dma_wait3A_242 = arith.constant 0 : i32
      %dma_wait3A_243 = arith.constant 0 : i32
      %dma_wait3A_244 = tpu.memref_slice %arg5[%dma_wait3A_242, %dma_wait3A_243] : memref<50000x16xf32, #tpu.memory_space<hbm>> -> memref<50000x16xf32, #tpu.memory_space<hbm>>
      tpu.wait_indirect_dma semaphore(%arg28 : memref<!tpu.dma_semaphore, #tpu.memory_space<semaphore_mem>>) src(%dma_wait3A_244 : memref<50000x16xf32, #tpu.memory_space<hbm>>) dst(%arg22 : memref<128x16xf32, #tpu.memory_space<vmem>>)
      %ge3A = arith.constant 2 : i32
      %ge3A_245 = arith.cmpi sge, %mul3A_227, %ge3A : i32
      %convert_element_type3A_246 = arith.extui %ge3A_245 : i1 to i32
      %cond3A_247 = arith.constant 0 : i32
      %cond3A_248 = arith.cmpi ne, %convert_element_type3A_246, %cond3A_247 : i32
      scf.if %cond3A_248 {
        %dma_wait3A_410 = arith.constant 0 : i32
        %dma_wait3A_411 = arith.constant 0 : i32
        %dma_wait3A_412 = tpu.memref_slice %arg7[%dma_wait3A_410, %dma_wait3A_411] : memref<50176x16xf32, #tpu.memory_space<vmem_shared>> -> memref<50176x16xf32, #tpu.memory_space<vmem_shared>>
        tpu.wait_indirect_dma semaphore(%arg30 : memref<!tpu.dma_semaphore, #tpu.memory_space<semaphore_mem>>) src(%arg24 : memref<128x16xf32, #tpu.memory_space<vmem>>) dst(%dma_wait3A_412 : memref<50176x16xf32, #tpu.memory_space<vmem_shared>>)
      } else {
      }
      %scan3A_249 = arith.constant 0 : i32
      %scan3A_250 = arith.constant 0 : i32
      %scan3A_251 = arith.constant 32 : i32
      %scan3A_252 = arith.addi %scan3A_250, %scan3A_251 : i32
      %scan3A_253 = arith.constant 1 : i32
      %scan3A_254 = scf.for %scan3A_410 = %scan3A_250 to %scan3A_252 step %scan3A_253 iter_args(%scan3A_411 = %scan3A_249) -> (i32)  : i32 {
        %mul3A_412 = arith.constant 4 : i32
        %mul3A_413 = arith.muli %scan3A_410, %mul3A_412 : i32
        %add3A_414 = arith.constant 0 : i32
        %add3A_415 = arith.addi %mul3A_413, %add3A_414 : i32
        %get3A_416 = arith.index_cast %add3A_415 : i32 to index
        %get3A_417 = arith.constant 0 : index
        %get3A_418 = tpu.vector_load %arg20[%get3A_416, %get3A_417] {strides = array<i32>} : memref<128x16xf32, #tpu.memory_space<vmem>>, vector<1x16xf32>,
        %get3A_419 = vector.shape_cast %get3A_418 : vector<1x16xf32> to vector<16xf32>
        %get3A_420 = arith.index_cast %add3A_415 : i32 to index
        %get3A_421 = arith.constant 0 : index
        %get3A_422 = tpu.vector_load %arg22[%get3A_420, %get3A_421] {strides = array<i32>} : memref<128x16xf32, #tpu.memory_space<vmem>>, vector<1x16xf32>,
        %get3A_423 = vector.shape_cast %get3A_422 : vector<1x16xf32> to vector<16xf32>
        %add3A_424 = arith.addf %get3A_419, %get3A_423 : vector<16xf32>
        %mul3A_425 = arith.constant 2.000000e-01 : f32
        %mul3A_426 = vector.broadcast %mul3A_425 : f32 to vector<16xf32>
        %mul3A_427 = arith.mulf %add3A_424, %mul3A_426 : vector<16xf32>
        %max3A = arith.maximumf %add3A_424, %mul3A_427 : vector<16xf32>
        %exp3A = math.exp %max3A : vector<16xf32>
        %slice3A = vector.extract_strided_slice %exp3A {offsets = [8], sizes = [1], strides = [1]} : vector<16xf32> to vector<1xf32>
        %squeeze3A = vector.extract %slice3A[0] : f32 from vector<1xf32>
        %broadcast_in_dim3A = vector.broadcast %squeeze3A : f32 to vector<16xf32>
        %mul3A_428 = arith.mulf %get3A_419, %broadcast_in_dim3A : vector<16xf32>
        %swap3A_429 = arith.index_cast %add3A_415 : i32 to index
        %swap3A_430 = arith.constant 0 : index
        %swap3A_431 = tpu.vector_load %arg24[%swap3A_429, %swap3A_430] {strides = array<i32>} : memref<128x16xf32, #tpu.memory_space<vmem>>, vector<1x16xf32>,
        %swap3A_432 = vector.shape_cast %swap3A_431 : vector<1x16xf32> to vector<16xf32>
        %swap3A_433 = vector.shape_cast %mul3A_428 : vector<16xf32> to vector<1x16xf32>
        tpu.vector_store %arg24[%swap3A_429, %swap3A_430], %swap3A_433 {strides = array<i32>} : memref<128x16xf32, #tpu.memory_space<vmem>>, vector<1x16xf32>,
        %mul3A_434 = arith.constant 4 : i32
        %mul3A_435 = arith.muli %scan3A_410, %mul3A_434 : i32
        %add3A_436 = arith.constant 1 : i32
        %add3A_437 = arith.addi %mul3A_435, %add3A_436 : i32
        %get3A_438 = arith.index_cast %add3A_437 : i32 to index
        %get3A_439 = arith.constant 0 : index
        %get3A_440 = tpu.vector_load %arg20[%get3A_438, %get3A_439] {strides = array<i32>} : memref<128x16xf32, #tpu.memory_space<vmem>>, vector<1x16xf32>,
        %get3A_441 = vector.shape_cast %get3A_440 : vector<1x16xf32> to vector<16xf32>
        %get3A_442 = arith.index_cast %add3A_437 : i32 to index
        %get3A_443 = arith.constant 0 : index
        %get3A_444 = tpu.vector_load %arg22[%get3A_442, %get3A_443] {strides = array<i32>} : memref<128x16xf32, #tpu.memory_space<vmem>>, vector<1x16xf32>,
        %get3A_445 = vector.shape_cast %get3A_444 : vector<1x16xf32> to vector<16xf32>
        %add3A_446 = arith.addf %get3A_441, %get3A_445 : vector<16xf32>
        %mul3A_447 = arith.constant 2.000000e-01 : f32
        %mul3A_448 = vector.broadcast %mul3A_447 : f32 to vector<16xf32>
        %mul3A_449 = arith.mulf %add3A_446, %mul3A_448 : vector<16xf32>
        %max3A_450 = arith.maximumf %add3A_446, %mul3A_449 : vector<16xf32>
        %exp3A_451 = math.exp %max3A_450 : vector<16xf32>
        %slice3A_452 = vector.extract_strided_slice %exp3A_451 {offsets = [8], sizes = [1], strides = [1]} : vector<16xf32> to vector<1xf32>
        %squeeze3A_453 = vector.extract %slice3A_452[0] : f32 from vector<1xf32>
        %broadcast_in_dim3A_454 = vector.broadcast %squeeze3A_453 : f32 to vector<16xf32>
        %mul3A_455 = arith.mulf %get3A_441, %broadcast_in_dim3A_454 : vector<16xf32>
        %swap3A_456 = arith.index_cast %add3A_437 : i32 to index
        %swap3A_457 = arith.constant 0 : index
        %swap3A_458 = tpu.vector_load %arg24[%swap3A_456, %swap3A_457] {strides = array<i32>} : memref<128x16xf32, #tpu.memory_space<vmem>>, vector<1x16xf32>,
        %swap3A_459 = vector.shape_cast %swap3A_458 : vector<1x16xf32> to vector<16xf32>
        %swap3A_460 = vector.shape_cast %mul3A_455 : vector<16xf32> to vector<1x16xf32>
        tpu.vector_store %arg24[%swap3A_456, %swap3A_457], %swap3A_460 {strides = array<i32>} : memref<128x16xf32, #tpu.memory_space<vmem>>, vector<1x16xf32>,
        %mul3A_461 = arith.constant 4 : i32
        %mul3A_462 = arith.muli %scan3A_410, %mul3A_461 : i32
        %add3A_463 = arith.constant 2 : i32
        %add3A_464 = arith.addi %mul3A_462, %add3A_463 : i32
        %get3A_465 = arith.index_cast %add3A_464 : i32 to index
        %get3A_466 = arith.constant 0 : index
        %get3A_467 = tpu.vector_load %arg20[%get3A_465, %get3A_466] {strides = array<i32>} : memref<128x16xf32, #tpu.memory_space<vmem>>, vector<1x16xf32>,
        %get3A_468 = vector.shape_cast %get3A_467 : vector<1x16xf32> to vector<16xf32>
        %get3A_469 = arith.index_cast %add3A_464 : i32 to index
        %get3A_470 = arith.constant 0 : index
        %get3A_471 = tpu.vector_load %arg22[%get3A_469, %get3A_470] {strides = array<i32>} : memref<128x16xf32, #tpu.memory_space<vmem>>, vector<1x16xf32>,
        %get3A_472 = vector.shape_cast %get3A_471 : vector<1x16xf32> to vector<16xf32>
        %add3A_473 = arith.addf %get3A_468, %get3A_472 : vector<16xf32>
        %mul3A_474 = arith.constant 2.000000e-01 : f32
        %mul3A_475 = vector.broadcast %mul3A_474 : f32 to vector<16xf32>
        %mul3A_476 = arith.mulf %add3A_473, %mul3A_475 : vector<16xf32>
        %max3A_477 = arith.maximumf %add3A_473, %mul3A_476 : vector<16xf32>
        %exp3A_478 = math.exp %max3A_477 : vector<16xf32>
        %slice3A_479 = vector.extract_strided_slice %exp3A_478 {offsets = [8], sizes = [1], strides = [1]} : vector<16xf32> to vector<1xf32>
        %squeeze3A_480 = vector.extract %slice3A_479[0] : f32 from vector<1xf32>
        %broadcast_in_dim3A_481 = vector.broadcast %squeeze3A_480 : f32 to vector<16xf32>
        %mul3A_482 = arith.mulf %get3A_468, %broadcast_in_dim3A_481 : vector<16xf32>
        %swap3A_483 = arith.index_cast %add3A_464 : i32 to index
        %swap3A_484 = arith.constant 0 : index
        %swap3A_485 = tpu.vector_load %arg24[%swap3A_483, %swap3A_484] {strides = array<i32>} : memref<128x16xf32, #tpu.memory_space<vmem>>, vector<1x16xf32>,
        %swap3A_486 = vector.shape_cast %swap3A_485 : vector<1x16xf32> to vector<16xf32>
        %swap3A_487 = vector.shape_cast %mul3A_482 : vector<16xf32> to vector<1x16xf32>
        tpu.vector_store %arg24[%swap3A_483, %swap3A_484], %swap3A_487 {strides = array<i32>} : memref<128x16xf32, #tpu.memory_space<vmem>>, vector<1x16xf32>,
        %mul3A_488 = arith.constant 4 : i32
        %mul3A_489 = arith.muli %scan3A_410, %mul3A_488 : i32
        %add3A_490 = arith.constant 3 : i32
        %add3A_491 = arith.addi %mul3A_489, %add3A_490 : i32
        %get3A_492 = arith.index_cast %add3A_491 : i32 to index
        %get3A_493 = arith.constant 0 : index
        %get3A_494 = tpu.vector_load %arg20[%get3A_492, %get3A_493] {strides = array<i32>} : memref<128x16xf32, #tpu.memory_space<vmem>>, vector<1x16xf32>,
        %get3A_495 = vector.shape_cast %get3A_494 : vector<1x16xf32> to vector<16xf32>
        %get3A_496 = arith.index_cast %add3A_491 : i32 to index
        %get3A_497 = arith.constant 0 : index
        %get3A_498 = tpu.vector_load %arg22[%get3A_496, %get3A_497] {strides = array<i32>} : memref<128x16xf32, #tpu.memory_space<vmem>>, vector<1x16xf32>,
        %get3A_499 = vector.shape_cast %get3A_498 : vector<1x16xf32> to vector<16xf32>
        %add3A_500 = arith.addf %get3A_495, %get3A_499 : vector<16xf32>
        %mul3A_501 = arith.constant 2.000000e-01 : f32
        %mul3A_502 = vector.broadcast %mul3A_501 : f32 to vector<16xf32>
        %mul3A_503 = arith.mulf %add3A_500, %mul3A_502 : vector<16xf32>
        %max3A_504 = arith.maximumf %add3A_500, %mul3A_503 : vector<16xf32>
        %exp3A_505 = math.exp %max3A_504 : vector<16xf32>
        %slice3A_506 = vector.extract_strided_slice %exp3A_505 {offsets = [8], sizes = [1], strides = [1]} : vector<16xf32> to vector<1xf32>
        %squeeze3A_507 = vector.extract %slice3A_506[0] : f32 from vector<1xf32>
        %broadcast_in_dim3A_508 = vector.broadcast %squeeze3A_507 : f32 to vector<16xf32>
        %mul3A_509 = arith.mulf %get3A_495, %broadcast_in_dim3A_508 : vector<16xf32>
        %swap3A_510 = arith.index_cast %add3A_491 : i32 to index
        %swap3A_511 = arith.constant 0 : index
        %swap3A_512 = tpu.vector_load %arg24[%swap3A_510, %swap3A_511] {strides = array<i32>} : memref<128x16xf32, #tpu.memory_space<vmem>>, vector<1x16xf32>,
        %swap3A_513 = vector.shape_cast %swap3A_512 : vector<1x16xf32> to vector<16xf32>
        %swap3A_514 = vector.shape_cast %mul3A_509 : vector<16xf32> to vector<1x16xf32>
        tpu.vector_store %arg24[%swap3A_510, %swap3A_511], %swap3A_514 {strides = array<i32>} : memref<128x16xf32, #tpu.memory_space<vmem>>, vector<1x16xf32>,
        %scan3A_515 = arith.constant 0 : i32
        scf.yield %scan3A_515 : i32
      }
      %scan3A_255 = arith.constant 32 : i32
      %get3A_256 = arith.constant 0 : index
      %get3A_257 = tpu.vector_load %arg16[%get3A_256] {strides = array<i32>} : memref<128xi32, #tpu.memory_space<vmem>>, vector<16xi32>,
      %get3A_258 = vector.shape_cast %get3A_257 : vector<16xi32> to vector<16xi32>
      %swap3A_259 = arith.constant 0 : index
      %swap3A_260 = tpu.vector_load %arg18[%swap3A_259] {strides = array<i32>} : memref<128xi32, #tpu.memory_space<vmem>>, vector<16xi32>,
      %swap3A_261 = vector.shape_cast %swap3A_260 : vector<16xi32> to vector<16xi32>
      %swap3A_262 = vector.shape_cast %get3A_258 : vector<16xi32> to vector<16xi32>
      tpu.vector_store %arg18[%swap3A_259], %swap3A_262 {strides = array<i32>} : memref<128xi32, #tpu.memory_space<vmem>>, vector<16xi32>,
      %get3A_263 = arith.constant 16 : index
      %get3A_264 = tpu.vector_load %arg16[%get3A_263] {strides = array<i32>} : memref<128xi32, #tpu.memory_space<vmem>>, vector<16xi32>,
      %get3A_265 = vector.shape_cast %get3A_264 : vector<16xi32> to vector<16xi32>
      %swap3A_266 = arith.constant 16 : index
      %swap3A_267 = tpu.vector_load %arg18[%swap3A_266] {strides = array<i32>} : memref<128xi32, #tpu.memory_space<vmem>>, vector<16xi32>,
      %swap3A_268 = vector.shape_cast %swap3A_267 : vector<16xi32> to vector<16xi32>
      %swap3A_269 = vector.shape_cast %get3A_265 : vector<16xi32> to vector<16xi32>
      tpu.vector_store %arg18[%swap3A_266], %swap3A_269 {strides = array<i32>} : memref<128xi32, #tpu.memory_space<vmem>>, vector<16xi32>,
      %get3A_270 = arith.constant 32 : index
      %get3A_271 = tpu.vector_load %arg16[%get3A_270] {strides = array<i32>} : memref<128xi32, #tpu.memory_space<vmem>>, vector<16xi32>,
      %get3A_272 = vector.shape_cast %get3A_271 : vector<16xi32> to vector<16xi32>
      %swap3A_273 = arith.constant 32 : index
      %swap3A_274 = tpu.vector_load %arg18[%swap3A_273] {strides = array<i32>} : memref<128xi32, #tpu.memory_space<vmem>>, vector<16xi32>,
      %swap3A_275 = vector.shape_cast %swap3A_274 : vector<16xi32> to vector<16xi32>
      %swap3A_276 = vector.shape_cast %get3A_272 : vector<16xi32> to vector<16xi32>
      tpu.vector_store %arg18[%swap3A_273], %swap3A_276 {strides = array<i32>} : memref<128xi32, #tpu.memory_space<vmem>>, vector<16xi32>,
      %get3A_277 = arith.constant 48 : index
      %get3A_278 = tpu.vector_load %arg16[%get3A_277] {strides = array<i32>} : memref<128xi32, #tpu.memory_space<vmem>>, vector<16xi32>,
      %get3A_279 = vector.shape_cast %get3A_278 : vector<16xi32> to vector<16xi32>
      %swap3A_280 = arith.constant 48 : index
      %swap3A_281 = tpu.vector_load %arg18[%swap3A_280] {strides = array<i32>} : memref<128xi32, #tpu.memory_space<vmem>>, vector<16xi32>,
      %swap3A_282 = vector.shape_cast %swap3A_281 : vector<16xi32> to vector<16xi32>
      %swap3A_283 = vector.shape_cast %get3A_279 : vector<16xi32> to vector<16xi32>
      tpu.vector_store %arg18[%swap3A_280], %swap3A_283 {strides = array<i32>} : memref<128xi32, #tpu.memory_space<vmem>>, vector<16xi32>,
      %get3A_284 = arith.constant 64 : index
      %get3A_285 = tpu.vector_load %arg16[%get3A_284] {strides = array<i32>} : memref<128xi32, #tpu.memory_space<vmem>>, vector<16xi32>,
      %get3A_286 = vector.shape_cast %get3A_285 : vector<16xi32> to vector<16xi32>
      %swap3A_287 = arith.constant 64 : index
      %swap3A_288 = tpu.vector_load %arg18[%swap3A_287] {strides = array<i32>} : memref<128xi32, #tpu.memory_space<vmem>>, vector<16xi32>,
      %swap3A_289 = vector.shape_cast %swap3A_288 : vector<16xi32> to vector<16xi32>
      %swap3A_290 = vector.shape_cast %get3A_286 : vector<16xi32> to vector<16xi32>
      tpu.vector_store %arg18[%swap3A_287], %swap3A_290 {strides = array<i32>} : memref<128xi32, #tpu.memory_space<vmem>>, vector<16xi32>,
      %get3A_291 = arith.constant 80 : index
      %get3A_292 = tpu.vector_load %arg16[%get3A_291] {strides = array<i32>} : memref<128xi32, #tpu.memory_space<vmem>>, vector<16xi32>,
      %get3A_293 = vector.shape_cast %get3A_292 : vector<16xi32> to vector<16xi32>
      %swap3A_294 = arith.constant 80 : index
      %swap3A_295 = tpu.vector_load %arg18[%swap3A_294] {strides = array<i32>} : memref<128xi32, #tpu.memory_space<vmem>>, vector<16xi32>,
      %swap3A_296 = vector.shape_cast %swap3A_295 : vector<16xi32> to vector<16xi32>
      %swap3A_297 = vector.shape_cast %get3A_293 : vector<16xi32> to vector<16xi32>
      tpu.vector_store %arg18[%swap3A_294], %swap3A_297 {strides = array<i32>} : memref<128xi32, #tpu.memory_space<vmem>>, vector<16xi32>,
      %get3A_298 = arith.constant 96 : index
      %get3A_299 = tpu.vector_load %arg16[%get3A_298] {strides = array<i32>} : memref<128xi32, #tpu.memory_space<vmem>>, vector<16xi32>,
      %get3A_300 = vector.shape_cast %get3A_299 : vector<16xi32> to vector<16xi32>
      %swap3A_301 = arith.constant 96 : index
      %swap3A_302 = tpu.vector_load %arg18[%swap3A_301] {strides = array<i32>} : memref<128xi32, #tpu.memory_space<vmem>>, vector<16xi32>,
      %swap3A_303 = vector.shape_cast %swap3A_302 : vector<16xi32> to vector<16xi32>
      %swap3A_304 = vector.shape_cast %get3A_300 : vector<16xi32> to vector<16xi32>
      tpu.vector_store %arg18[%swap3A_301], %swap3A_304 {strides = array<i32>} : memref<128xi32, #tpu.memory_space<vmem>>, vector<16xi32>,
      %get3A_305 = arith.constant 112 : index
      %get3A_306 = tpu.vector_load %arg16[%get3A_305] {strides = array<i32>} : memref<128xi32, #tpu.memory_space<vmem>>, vector<16xi32>,
      %get3A_307 = vector.shape_cast %get3A_306 : vector<16xi32> to vector<16xi32>
      %swap3A_308 = arith.constant 112 : index
      %swap3A_309 = tpu.vector_load %arg18[%swap3A_308] {strides = array<i32>} : memref<128xi32, #tpu.memory_space<vmem>>, vector<16xi32>,
      %swap3A_310 = vector.shape_cast %swap3A_309 : vector<16xi32> to vector<16xi32>
      %swap3A_311 = vector.shape_cast %get3A_307 : vector<16xi32> to vector<16xi32>
      tpu.vector_store %arg18[%swap3A_308], %swap3A_311 {strides = array<i32>} : memref<128xi32, #tpu.memory_space<vmem>>, vector<16xi32>,
      %dma_start3A_312 = arith.constant 0 : i32
      %dma_start3A_313 = arith.constant 0 : i32
      %dma_start3A_314 = tpu.memref_slice %arg7[%dma_start3A_312, %dma_start3A_313] : memref<50176x16xf32, #tpu.memory_space<vmem_shared>> -> memref<50176x16xf32, #tpu.memory_space<vmem_shared>>
      tpu.enqueue_indirect_dma source(%arg24 : memref<128x16xf32, #tpu.memory_space<vmem>>) target(%dma_start3A_314 : memref<50176x16xf32, #tpu.memory_space<vmem_shared>>) offsets(%arg18 : memref<128xi32, #tpu.memory_space<vmem>>) semaphore(%arg30 : memref<!tpu.dma_semaphore, #tpu.memory_space<semaphore_mem>>) {add = true}
      %mul3A_315 = arith.constant 2 : i32
      %mul3A_316 = arith.muli %scan3A_225, %mul3A_315 : i32
      %add3A_317 = arith.constant 1 : i32
      %add3A_318 = arith.addi %mul3A_316, %add3A_317 : i32
      %add3A_319 = arith.constant 2 : i32
      %add3A_320 = arith.addi %add3A_318, %add3A_319 : i32
      %lt3A_321 = arith.constant 200 : i32
      %lt3A_322 = arith.cmpi slt, %add3A_320, %lt3A_321 : i32
      %convert_element_type3A_323 = arith.extui %lt3A_322 : i1 to i32
      %cond3A_324 = arith.constant 0 : i32
      %cond3A_325 = arith.cmpi ne, %convert_element_type3A_323, %cond3A_324 : i32
      scf.if %cond3A_325 {
        %add3A_410 = arith.addi %mul3A_18, %add3A_318 : i32
        %add3A_411 = arith.constant 2 : i32
        %add3A_412 = arith.addi %add3A_410, %add3A_411 : i32
        %mul3A_413 = arith.constant 128 : i32
        %mul3A_414 = arith.muli %add3A_412, %mul3A_413 : i32
        %dma_start3A_415 = tpu.memref_slice %arg2[%mul3A_414] : memref<819200xi32, #tpu.memory_space<hbm>> -> memref<128xi32, #tpu.memory_space<hbm>>
        %dma_start3A_416 = tpu.memref_slice %arg2[%mul3A_414] : memref<819200xi32, #tpu.memory_space<hbm>> -> memref<128xi32, #tpu.memory_space<hbm>>
        tpu.enqueue_dma source(%dma_start3A_416 : memref<128xi32, #tpu.memory_space<hbm>>) target(%arg9 : memref<128xi32, #tpu.memory_space<vmem>>) target_semaphore(%arg27 : memref<!tpu.dma_semaphore, #tpu.memory_space<semaphore_mem>>)
        %dma_start3A_417 = tpu.memref_slice %arg3[%mul3A_414] : memref<819200xi32, #tpu.memory_space<hbm>> -> memref<128xi32, #tpu.memory_space<hbm>>
        %dma_start3A_418 = tpu.memref_slice %arg3[%mul3A_414] : memref<819200xi32, #tpu.memory_space<hbm>> -> memref<128xi32, #tpu.memory_space<hbm>>
        tpu.enqueue_dma source(%dma_start3A_418 : memref<128xi32, #tpu.memory_space<hbm>>) target(%arg11 : memref<128xi32, #tpu.memory_space<vmem>>) target_semaphore(%arg27 : memref<!tpu.dma_semaphore, #tpu.memory_space<semaphore_mem>>)
      } else {
      }
      %add3A_326 = arith.constant 1 : i32
      %add3A_327 = arith.addi %add3A_318, %add3A_326 : i32
      %lt3A_328 = arith.constant 200 : i32
      %lt3A_329 = arith.cmpi slt, %add3A_327, %lt3A_328 : i32
      %convert_element_type3A_330 = arith.extui %lt3A_329 : i1 to i32
      %cond3A_331 = arith.constant 0 : i32
      %cond3A_332 = arith.cmpi ne, %convert_element_type3A_330, %cond3A_331 : i32
      scf.if %cond3A_332 {
        %dma_wait3A_410 = arith.constant 0 : i32
        %dma_wait3A_411 = tpu.memref_slice %arg2[%dma_wait3A_410] : memref<819200xi32, #tpu.memory_space<hbm>> -> memref<128xi32, #tpu.memory_space<hbm>>
        %dma_wait3A_412 = arith.constant 0 : i32
        %dma_wait3A_413 = tpu.memref_slice %arg2[%dma_wait3A_412] : memref<819200xi32, #tpu.memory_space<hbm>> -> memref<128xi32, #tpu.memory_space<hbm>>
        tpu.wait_dma2 semaphore(%arg26 : memref<!tpu.dma_semaphore, #tpu.memory_space<semaphore_mem>>) src(%dma_wait3A_413 : memref<128xi32, #tpu.memory_space<hbm>>) dst(%arg8 : memref<128xi32, #tpu.memory_space<vmem>>)
        %dma_wait3A_414 = arith.constant 0 : i32
        %dma_wait3A_415 = tpu.memref_slice %arg3[%dma_wait3A_414] : memref<819200xi32, #tpu.memory_space<hbm>> -> memref<128xi32, #tpu.memory_space<hbm>>
        %dma_wait3A_416 = arith.constant 0 : i32
        %dma_wait3A_417 = tpu.memref_slice %arg3[%dma_wait3A_416] : memref<819200xi32, #tpu.memory_space<hbm>> -> memref<128xi32, #tpu.memory_space<hbm>>
        tpu.wait_dma2 semaphore(%arg26 : memref<!tpu.dma_semaphore, #tpu.memory_space<semaphore_mem>>) src(%dma_wait3A_417 : memref<128xi32, #tpu.memory_space<hbm>>) dst(%arg10 : memref<128xi32, #tpu.memory_space<vmem>>)
        %get3A_418 = arith.constant 0 : index
        %get3A_419 = tpu.vector_load %arg10[%get3A_418] {strides = array<i32>} : memref<128xi32, #tpu.memory_space<vmem>>, vector<16xi32>,
        %get3A_420 = vector.shape_cast %get3A_419 : vector<16xi32> to vector<16xi32>
        %get3A_421 = arith.constant 0 : index
        %get3A_422 = tpu.vector_load %arg8[%get3A_421] {strides = array<i32>} : memref<128xi32, #tpu.memory_space<vmem>>, vector<16xi32>,
        %get3A_423 = vector.shape_cast %get3A_422 : vector<16xi32> to vector<16xi32>
        %swap3A_424 = arith.constant 0 : index
        %swap3A_425 = tpu.vector_load %arg12[%swap3A_424] {strides = array<i32>} : memref<128xi32, #tpu.memory_space<vmem>>, vector<16xi32>,
        %swap3A_426 = vector.shape_cast %swap3A_425 : vector<16xi32> to vector<16xi32>
        %swap3A_427 = vector.shape_cast %get3A_423 : vector<16xi32> to vector<16xi32>
        tpu.vector_store %arg12[%swap3A_424], %swap3A_427 {strides = array<i32>} : memref<128xi32, #tpu.memory_space<vmem>>, vector<16xi32>,
        %min3A_428 = arith.constant 49999 : i32
        %min3A_429 = vector.broadcast %min3A_428 : i32 to vector<16xi32>
        %min3A_430 = arith.minsi %get3A_420, %min3A_429 : vector<16xi32>
        %swap3A_431 = arith.constant 0 : index
        %swap3A_432 = tpu.vector_load %arg14[%swap3A_431] {strides = array<i32>} : memref<128xi32, #tpu.memory_space<vmem>>, vector<16xi32>,
        %swap3A_433 = vector.shape_cast %swap3A_432 : vector<16xi32> to vector<16xi32>
        %swap3A_434 = vector.shape_cast %min3A_430 : vector<16xi32> to vector<16xi32>
        tpu.vector_store %arg14[%swap3A_431], %swap3A_434 {strides = array<i32>} : memref<128xi32, #tpu.memory_space<vmem>>, vector<16xi32>,
        %swap3A_435 = arith.constant 0 : index
        %swap3A_436 = tpu.vector_load %arg16[%swap3A_435] {strides = array<i32>} : memref<128xi32, #tpu.memory_space<vmem>>, vector<16xi32>,
        %swap3A_437 = vector.shape_cast %swap3A_436 : vector<16xi32> to vector<16xi32>
        %swap3A_438 = vector.shape_cast %get3A_420 : vector<16xi32> to vector<16xi32>
        tpu.vector_store %arg16[%swap3A_435], %swap3A_438 {strides = array<i32>} : memref<128xi32, #tpu.memory_space<vmem>>, vector<16xi32>,
        %get3A_439 = arith.constant 16 : index
        %get3A_440 = tpu.vector_load %arg10[%get3A_439] {strides = array<i32>} : memref<128xi32, #tpu.memory_space<vmem>>, vector<16xi32>,
        %get3A_441 = vector.shape_cast %get3A_440 : vector<16xi32> to vector<16xi32>
        %get3A_442 = arith.constant 16 : index
        %get3A_443 = tpu.vector_load %arg8[%get3A_442] {strides = array<i32>} : memref<128xi32, #tpu.memory_space<vmem>>, vector<16xi32>,
        %get3A_444 = vector.shape_cast %get3A_443 : vector<16xi32> to vector<16xi32>
        %swap3A_445 = arith.constant 16 : index
        %swap3A_446 = tpu.vector_load %arg12[%swap3A_445] {strides = array<i32>} : memref<128xi32, #tpu.memory_space<vmem>>, vector<16xi32>,
        %swap3A_447 = vector.shape_cast %swap3A_446 : vector<16xi32> to vector<16xi32>
        %swap3A_448 = vector.shape_cast %get3A_444 : vector<16xi32> to vector<16xi32>
        tpu.vector_store %arg12[%swap3A_445], %swap3A_448 {strides = array<i32>} : memref<128xi32, #tpu.memory_space<vmem>>, vector<16xi32>,
        %min3A_449 = arith.constant 49999 : i32
        %min3A_450 = vector.broadcast %min3A_449 : i32 to vector<16xi32>
        %min3A_451 = arith.minsi %get3A_441, %min3A_450 : vector<16xi32>
        %swap3A_452 = arith.constant 16 : index
        %swap3A_453 = tpu.vector_load %arg14[%swap3A_452] {strides = array<i32>} : memref<128xi32, #tpu.memory_space<vmem>>, vector<16xi32>,
        %swap3A_454 = vector.shape_cast %swap3A_453 : vector<16xi32> to vector<16xi32>
        %swap3A_455 = vector.shape_cast %min3A_451 : vector<16xi32> to vector<16xi32>
        tpu.vector_store %arg14[%swap3A_452], %swap3A_455 {strides = array<i32>} : memref<128xi32, #tpu.memory_space<vmem>>, vector<16xi32>,
        %swap3A_456 = arith.constant 16 : index
        %swap3A_457 = tpu.vector_load %arg16[%swap3A_456] {strides = array<i32>} : memref<128xi32, #tpu.memory_space<vmem>>, vector<16xi32>,
        %swap3A_458 = vector.shape_cast %swap3A_457 : vector<16xi32> to vector<16xi32>
        %swap3A_459 = vector.shape_cast %get3A_441 : vector<16xi32> to vector<16xi32>
        tpu.vector_store %arg16[%swap3A_456], %swap3A_459 {strides = array<i32>} : memref<128xi32, #tpu.memory_space<vmem>>, vector<16xi32>,
        %get3A_460 = arith.constant 32 : index
        %get3A_461 = tpu.vector_load %arg10[%get3A_460] {strides = array<i32>} : memref<128xi32, #tpu.memory_space<vmem>>, vector<16xi32>,
        %get3A_462 = vector.shape_cast %get3A_461 : vector<16xi32> to vector<16xi32>
        %get3A_463 = arith.constant 32 : index
        %get3A_464 = tpu.vector_load %arg8[%get3A_463] {strides = array<i32>} : memref<128xi32, #tpu.memory_space<vmem>>, vector<16xi32>,
        %get3A_465 = vector.shape_cast %get3A_464 : vector<16xi32> to vector<16xi32>
        %swap3A_466 = arith.constant 32 : index
        %swap3A_467 = tpu.vector_load %arg12[%swap3A_466] {strides = array<i32>} : memref<128xi32, #tpu.memory_space<vmem>>, vector<16xi32>,
        %swap3A_468 = vector.shape_cast %swap3A_467 : vector<16xi32> to vector<16xi32>
        %swap3A_469 = vector.shape_cast %get3A_465 : vector<16xi32> to vector<16xi32>
        tpu.vector_store %arg12[%swap3A_466], %swap3A_469 {strides = array<i32>} : memref<128xi32, #tpu.memory_space<vmem>>, vector<16xi32>,
        %min3A_470 = arith.constant 49999 : i32
        %min3A_471 = vector.broadcast %min3A_470 : i32 to vector<16xi32>
        %min3A_472 = arith.minsi %get3A_462, %min3A_471 : vector<16xi32>
        %swap3A_473 = arith.constant 32 : index
        %swap3A_474 = tpu.vector_load %arg14[%swap3A_473] {strides = array<i32>} : memref<128xi32, #tpu.memory_space<vmem>>, vector<16xi32>,
        %swap3A_475 = vector.shape_cast %swap3A_474 : vector<16xi32> to vector<16xi32>
        %swap3A_476 = vector.shape_cast %min3A_472 : vector<16xi32> to vector<16xi32>
        tpu.vector_store %arg14[%swap3A_473], %swap3A_476 {strides = array<i32>} : memref<128xi32, #tpu.memory_space<vmem>>, vector<16xi32>,
        %swap3A_477 = arith.constant 32 : index
        %swap3A_478 = tpu.vector_load %arg16[%swap3A_477] {strides = array<i32>} : memref<128xi32, #tpu.memory_space<vmem>>, vector<16xi32>,
        %swap3A_479 = vector.shape_cast %swap3A_478 : vector<16xi32> to vector<16xi32>
        %swap3A_480 = vector.shape_cast %get3A_462 : vector<16xi32> to vector<16xi32>
        tpu.vector_store %arg16[%swap3A_477], %swap3A_480 {strides = array<i32>} : memref<128xi32, #tpu.memory_space<vmem>>, vector<16xi32>,
        %get3A_481 = arith.constant 48 : index
        %get3A_482 = tpu.vector_load %arg10[%get3A_481] {strides = array<i32>} : memref<128xi32, #tpu.memory_space<vmem>>, vector<16xi32>,
        %get3A_483 = vector.shape_cast %get3A_482 : vector<16xi32> to vector<16xi32>
        %get3A_484 = arith.constant 48 : index
        %get3A_485 = tpu.vector_load %arg8[%get3A_484] {strides = array<i32>} : memref<128xi32, #tpu.memory_space<vmem>>, vector<16xi32>,
        %get3A_486 = vector.shape_cast %get3A_485 : vector<16xi32> to vector<16xi32>
        %swap3A_487 = arith.constant 48 : index
        %swap3A_488 = tpu.vector_load %arg12[%swap3A_487] {strides = array<i32>} : memref<128xi32, #tpu.memory_space<vmem>>, vector<16xi32>,
        %swap3A_489 = vector.shape_cast %swap3A_488 : vector<16xi32> to vector<16xi32>
        %swap3A_490 = vector.shape_cast %get3A_486 : vector<16xi32> to vector<16xi32>
        tpu.vector_store %arg12[%swap3A_487], %swap3A_490 {strides = array<i32>} : memref<128xi32, #tpu.memory_space<vmem>>, vector<16xi32>,
        %min3A_491 = arith.constant 49999 : i32
        %min3A_492 = vector.broadcast %min3A_491 : i32 to vector<16xi32>
        %min3A_493 = arith.minsi %get3A_483, %min3A_492 : vector<16xi32>
        %swap3A_494 = arith.constant 48 : index
        %swap3A_495 = tpu.vector_load %arg14[%swap3A_494] {strides = array<i32>} : memref<128xi32, #tpu.memory_space<vmem>>, vector<16xi32>,
        %swap3A_496 = vector.shape_cast %swap3A_495 : vector<16xi32> to vector<16xi32>
        %swap3A_497 = vector.shape_cast %min3A_493 : vector<16xi32> to vector<16xi32>
        tpu.vector_store %arg14[%swap3A_494], %swap3A_497 {strides = array<i32>} : memref<128xi32, #tpu.memory_space<vmem>>, vector<16xi32>,
        %swap3A_498 = arith.constant 48 : index
        %swap3A_499 = tpu.vector_load %arg16[%swap3A_498] {strides = array<i32>} : memref<128xi32, #tpu.memory_space<vmem>>, vector<16xi32>,
        %swap3A_500 = vector.shape_cast %swap3A_499 : vector<16xi32> to vector<16xi32>
        %swap3A_501 = vector.shape_cast %get3A_483 : vector<16xi32> to vector<16xi32>
        tpu.vector_store %arg16[%swap3A_498], %swap3A_501 {strides = array<i32>} : memref<128xi32, #tpu.memory_space<vmem>>, vector<16xi32>,
        %get3A_502 = arith.constant 64 : index
        %get3A_503 = tpu.vector_load %arg10[%get3A_502] {strides = array<i32>} : memref<128xi32, #tpu.memory_space<vmem>>, vector<16xi32>,
        %get3A_504 = vector.shape_cast %get3A_503 : vector<16xi32> to vector<16xi32>
        %get3A_505 = arith.constant 64 : index
        %get3A_506 = tpu.vector_load %arg8[%get3A_505] {strides = array<i32>} : memref<128xi32, #tpu.memory_space<vmem>>, vector<16xi32>,
        %get3A_507 = vector.shape_cast %get3A_506 : vector<16xi32> to vector<16xi32>
        %swap3A_508 = arith.constant 64 : index
        %swap3A_509 = tpu.vector_load %arg12[%swap3A_508] {strides = array<i32>} : memref<128xi32, #tpu.memory_space<vmem>>, vector<16xi32>,
        %swap3A_510 = vector.shape_cast %swap3A_509 : vector<16xi32> to vector<16xi32>
        %swap3A_511 = vector.shape_cast %get3A_507 : vector<16xi32> to vector<16xi32>
        tpu.vector_store %arg12[%swap3A_508], %swap3A_511 {strides = array<i32>} : memref<128xi32, #tpu.memory_space<vmem>>, vector<16xi32>,
        %min3A_512 = arith.constant 49999 : i32
        %min3A_513 = vector.broadcast %min3A_512 : i32 to vector<16xi32>
        %min3A_514 = arith.minsi %get3A_504, %min3A_513 : vector<16xi32>
        %swap3A_515 = arith.constant 64 : index
        %swap3A_516 = tpu.vector_load %arg14[%swap3A_515] {strides = array<i32>} : memref<128xi32, #tpu.memory_space<vmem>>, vector<16xi32>,
        %swap3A_517 = vector.shape_cast %swap3A_516 : vector<16xi32> to vector<16xi32>
        %swap3A_518 = vector.shape_cast %min3A_514 : vector<16xi32> to vector<16xi32>
        tpu.vector_store %arg14[%swap3A_515], %swap3A_518 {strides = array<i32>} : memref<128xi32, #tpu.memory_space<vmem>>, vector<16xi32>,
        %swap3A_519 = arith.constant 64 : index
        %swap3A_520 = tpu.vector_load %arg16[%swap3A_519] {strides = array<i32>} : memref<128xi32, #tpu.memory_space<vmem>>, vector<16xi32>,
        %swap3A_521 = vector.shape_cast %swap3A_520 : vector<16xi32> to vector<16xi32>
        %swap3A_522 = vector.shape_cast %get3A_504 : vector<16xi32> to vector<16xi32>
        tpu.vector_store %arg16[%swap3A_519], %swap3A_522 {strides = array<i32>} : memref<128xi32, #tpu.memory_space<vmem>>, vector<16xi32>,
        %get3A_523 = arith.constant 80 : index
        %get3A_524 = tpu.vector_load %arg10[%get3A_523] {strides = array<i32>} : memref<128xi32, #tpu.memory_space<vmem>>, vector<16xi32>,
        %get3A_525 = vector.shape_cast %get3A_524 : vector<16xi32> to vector<16xi32>
        %get3A_526 = arith.constant 80 : index
        %get3A_527 = tpu.vector_load %arg8[%get3A_526] {strides = array<i32>} : memref<128xi32, #tpu.memory_space<vmem>>, vector<16xi32>,
        %get3A_528 = vector.shape_cast %get3A_527 : vector<16xi32> to vector<16xi32>
        %swap3A_529 = arith.constant 80 : index
        %swap3A_530 = tpu.vector_load %arg12[%swap3A_529] {strides = array<i32>} : memref<128xi32, #tpu.memory_space<vmem>>, vector<16xi32>,
        %swap3A_531 = vector.shape_cast %swap3A_530 : vector<16xi32> to vector<16xi32>
        %swap3A_532 = vector.shape_cast %get3A_528 : vector<16xi32> to vector<16xi32>
        tpu.vector_store %arg12[%swap3A_529], %swap3A_532 {strides = array<i32>} : memref<128xi32, #tpu.memory_space<vmem>>, vector<16xi32>,
        %min3A_533 = arith.constant 49999 : i32
        %min3A_534 = vector.broadcast %min3A_533 : i32 to vector<16xi32>
        %min3A_535 = arith.minsi %get3A_525, %min3A_534 : vector<16xi32>
        %swap3A_536 = arith.constant 80 : index
        %swap3A_537 = tpu.vector_load %arg14[%swap3A_536] {strides = array<i32>} : memref<128xi32, #tpu.memory_space<vmem>>, vector<16xi32>,
        %swap3A_538 = vector.shape_cast %swap3A_537 : vector<16xi32> to vector<16xi32>
        %swap3A_539 = vector.shape_cast %min3A_535 : vector<16xi32> to vector<16xi32>
        tpu.vector_store %arg14[%swap3A_536], %swap3A_539 {strides = array<i32>} : memref<128xi32, #tpu.memory_space<vmem>>, vector<16xi32>,
        %swap3A_540 = arith.constant 80 : index
        %swap3A_541 = tpu.vector_load %arg16[%swap3A_540] {strides = array<i32>} : memref<128xi32, #tpu.memory_space<vmem>>, vector<16xi32>,
        %swap3A_542 = vector.shape_cast %swap3A_541 : vector<16xi32> to vector<16xi32>
        %swap3A_543 = vector.shape_cast %get3A_525 : vector<16xi32> to vector<16xi32>
        tpu.vector_store %arg16[%swap3A_540], %swap3A_543 {strides = array<i32>} : memref<128xi32, #tpu.memory_space<vmem>>, vector<16xi32>,
        %get3A_544 = arith.constant 96 : index
        %get3A_545 = tpu.vector_load %arg10[%get3A_544] {strides = array<i32>} : memref<128xi32, #tpu.memory_space<vmem>>, vector<16xi32>,
        %get3A_546 = vector.shape_cast %get3A_545 : vector<16xi32> to vector<16xi32>
        %get3A_547 = arith.constant 96 : index
        %get3A_548 = tpu.vector_load %arg8[%get3A_547] {strides = array<i32>} : memref<128xi32, #tpu.memory_space<vmem>>, vector<16xi32>,
        %get3A_549 = vector.shape_cast %get3A_548 : vector<16xi32> to vector<16xi32>
        %swap3A_550 = arith.constant 96 : index
        %swap3A_551 = tpu.vector_load %arg12[%swap3A_550] {strides = array<i32>} : memref<128xi32, #tpu.memory_space<vmem>>, vector<16xi32>,
        %swap3A_552 = vector.shape_cast %swap3A_551 : vector<16xi32> to vector<16xi32>
        %swap3A_553 = vector.shape_cast %get3A_549 : vector<16xi32> to vector<16xi32>
        tpu.vector_store %arg12[%swap3A_550], %swap3A_553 {strides = array<i32>} : memref<128xi32, #tpu.memory_space<vmem>>, vector<16xi32>,
        %min3A_554 = arith.constant 49999 : i32
        %min3A_555 = vector.broadcast %min3A_554 : i32 to vector<16xi32>
        %min3A_556 = arith.minsi %get3A_546, %min3A_555 : vector<16xi32>
        %swap3A_557 = arith.constant 96 : index
        %swap3A_558 = tpu.vector_load %arg14[%swap3A_557] {strides = array<i32>} : memref<128xi32, #tpu.memory_space<vmem>>, vector<16xi32>,
        %swap3A_559 = vector.shape_cast %swap3A_558 : vector<16xi32> to vector<16xi32>
        %swap3A_560 = vector.shape_cast %min3A_556 : vector<16xi32> to vector<16xi32>
        tpu.vector_store %arg14[%swap3A_557], %swap3A_560 {strides = array<i32>} : memref<128xi32, #tpu.memory_space<vmem>>, vector<16xi32>,
        %swap3A_561 = arith.constant 96 : index
        %swap3A_562 = tpu.vector_load %arg16[%swap3A_561] {strides = array<i32>} : memref<128xi32, #tpu.memory_space<vmem>>, vector<16xi32>,
        %swap3A_563 = vector.shape_cast %swap3A_562 : vector<16xi32> to vector<16xi32>
        %swap3A_564 = vector.shape_cast %get3A_546 : vector<16xi32> to vector<16xi32>
        tpu.vector_store %arg16[%swap3A_561], %swap3A_564 {strides = array<i32>} : memref<128xi32, #tpu.memory_space<vmem>>, vector<16xi32>,
        %get3A_565 = arith.constant 112 : index
        %get3A_566 = tpu.vector_load %arg10[%get3A_565] {strides = array<i32>} : memref<128xi32, #tpu.memory_space<vmem>>, vector<16xi32>,
        %get3A_567 = vector.shape_cast %get3A_566 : vector<16xi32> to vector<16xi32>
        %get3A_568 = arith.constant 112 : index
        %get3A_569 = tpu.vector_load %arg8[%get3A_568] {strides = array<i32>} : memref<128xi32, #tpu.memory_space<vmem>>, vector<16xi32>,
        %get3A_570 = vector.shape_cast %get3A_569 : vector<16xi32> to vector<16xi32>
        %swap3A_571 = arith.constant 112 : index
        %swap3A_572 = tpu.vector_load %arg12[%swap3A_571] {strides = array<i32>} : memref<128xi32, #tpu.memory_space<vmem>>, vector<16xi32>,
        %swap3A_573 = vector.shape_cast %swap3A_572 : vector<16xi32> to vector<16xi32>
        %swap3A_574 = vector.shape_cast %get3A_570 : vector<16xi32> to vector<16xi32>
        tpu.vector_store %arg12[%swap3A_571], %swap3A_574 {strides = array<i32>} : memref<128xi32, #tpu.memory_space<vmem>>, vector<16xi32>,
        %min3A_575 = arith.constant 49999 : i32
        %min3A_576 = vector.broadcast %min3A_575 : i32 to vector<16xi32>
        %min3A_577 = arith.minsi %get3A_567, %min3A_576 : vector<16xi32>
        %swap3A_578 = arith.constant 112 : index
        %swap3A_579 = tpu.vector_load %arg14[%swap3A_578] {strides = array<i32>} : memref<128xi32, #tpu.memory_space<vmem>>, vector<16xi32>,
        %swap3A_580 = vector.shape_cast %swap3A_579 : vector<16xi32> to vector<16xi32>
        %swap3A_581 = vector.shape_cast %min3A_577 : vector<16xi32> to vector<16xi32>
        tpu.vector_store %arg14[%swap3A_578], %swap3A_581 {strides = array<i32>} : memref<128xi32, #tpu.memory_space<vmem>>, vector<16xi32>,
        %swap3A_582 = arith.constant 112 : index
        %swap3A_583 = tpu.vector_load %arg16[%swap3A_582] {strides = array<i32>} : memref<128xi32, #tpu.memory_space<vmem>>, vector<16xi32>,
        %swap3A_584 = vector.shape_cast %swap3A_583 : vector<16xi32> to vector<16xi32>
        %swap3A_585 = vector.shape_cast %get3A_567 : vector<16xi32> to vector<16xi32>
        tpu.vector_store %arg16[%swap3A_582], %swap3A_585 {strides = array<i32>} : memref<128xi32, #tpu.memory_space<vmem>>, vector<16xi32>,
        %dma_start3A_586 = arith.constant 0 : i32
        %dma_start3A_587 = arith.constant 0 : i32
        %dma_start3A_588 = tpu.memref_slice %arg4[%dma_start3A_586, %dma_start3A_587] : memref<50000x16xf32, #tpu.memory_space<hbm>> -> memref<50000x16xf32, #tpu.memory_space<hbm>>
        tpu.enqueue_indirect_dma source(%dma_start3A_588 : memref<50000x16xf32, #tpu.memory_space<hbm>>) target(%arg20 : memref<128x16xf32, #tpu.memory_space<vmem>>) offsets(%arg12 : memref<128xi32, #tpu.memory_space<vmem>>) semaphore(%arg28 : memref<!tpu.dma_semaphore, #tpu.memory_space<semaphore_mem>>)
        %dma_start3A_589 = arith.constant 0 : i32
        %dma_start3A_590 = arith.constant 0 : i32
        %dma_start3A_591 = tpu.memref_slice %arg5[%dma_start3A_589, %dma_start3A_590] : memref<50000x16xf32, #tpu.memory_space<hbm>> -> memref<50000x16xf32, #tpu.memory_space<hbm>>
        tpu.enqueue_indirect_dma source(%dma_start3A_591 : memref<50000x16xf32, #tpu.memory_space<hbm>>) target(%arg22 : memref<128x16xf32, #tpu.memory_space<vmem>>) offsets(%arg14 : memref<128xi32, #tpu.memory_space<vmem>>) semaphore(%arg28 : memref<!tpu.dma_semaphore, #tpu.memory_space<semaphore_mem>>)
      } else {
      }
      %dma_wait3A_333 = arith.constant 0 : i32
      %dma_wait3A_334 = arith.constant 0 : i32
      %dma_wait3A_335 = tpu.memref_slice %arg4[%dma_wait3A_333, %dma_wait3A_334] : memref<50000x16xf32, #tpu.memory_space<hbm>> -> memref<50000x16xf32, #tpu.memory_space<hbm>>
      tpu.wait_indirect_dma semaphore(%arg29 : memref<!tpu.dma_semaphore, #tpu.memory_space<semaphore_mem>>) src(%dma_wait3A_335 : memref<50000x16xf32, #tpu.memory_space<hbm>>) dst(%arg21 : memref<128x16xf32, #tpu.memory_space<vmem>>)
      %dma_wait3A_336 = arith.constant 0 : i32
      %dma_wait3A_337 = arith.constant 0 : i32
      %dma_wait3A_338 = tpu.memref_slice %arg5[%dma_wait3A_336, %dma_wait3A_337] : memref<50000x16xf32, #tpu.memory_space<hbm>> -> memref<50000x16xf32, #tpu.memory_space<hbm>>
      tpu.wait_indirect_dma semaphore(%arg29 : memref<!tpu.dma_semaphore, #tpu.memory_space<semaphore_mem>>) src(%dma_wait3A_338 : memref<50000x16xf32, #tpu.memory_space<hbm>>) dst(%arg23 : memref<128x16xf32, #tpu.memory_space<vmem>>)
      %ge3A_339 = arith.constant 2 : i32
      %ge3A_340 = arith.cmpi sge, %add3A_318, %ge3A_339 : i32
      %convert_element_type3A_341 = arith.extui %ge3A_340 : i1 to i32
      %cond3A_342 = arith.constant 0 : i32
      %cond3A_343 = arith.cmpi ne, %convert_element_type3A_341, %cond3A_342 : i32
      scf.if %cond3A_343 {
        %dma_wait3A_410 = arith.constant 0 : i32
        %dma_wait3A_411 = arith.constant 0 : i32
        %dma_wait3A_412 = tpu.memref_slice %arg7[%dma_wait3A_410, %dma_wait3A_411] : memref<50176x16xf32, #tpu.memory_space<vmem_shared>> -> memref<50176x16xf32, #tpu.memory_space<vmem_shared>>
        tpu.wait_indirect_dma semaphore(%arg31 : memref<!tpu.dma_semaphore, #tpu.memory_space<semaphore_mem>>) src(%arg25 : memref<128x16xf32, #tpu.memory_space<vmem>>) dst(%dma_wait3A_412 : memref<50176x16xf32, #tpu.memory_space<vmem_shared>>)
      } else {
      }
      %scan3A_344 = arith.constant 0 : i32
      %scan3A_345 = arith.constant 0 : i32
      %scan3A_346 = arith.constant 32 : i32
      %scan3A_347 = arith.addi %scan3A_345, %scan3A_346 : i32
      %scan3A_348 = arith.constant 1 : i32
      %scan3A_349 = scf.for %scan3A_410 = %scan3A_345 to %scan3A_347 step %scan3A_348 iter_args(%scan3A_411 = %scan3A_344) -> (i32)  : i32 {
        %mul3A_412 = arith.constant 4 : i32
        %mul3A_413 = arith.muli %scan3A_410, %mul3A_412 : i32
        %add3A_414 = arith.constant 0 : i32
        %add3A_415 = arith.addi %mul3A_413, %add3A_414 : i32
        %get3A_416 = arith.index_cast %add3A_415 : i32 to index
        %get3A_417 = arith.constant 0 : index
        %get3A_418 = tpu.vector_load %arg21[%get3A_416, %get3A_417] {strides = array<i32>} : memref<128x16xf32, #tpu.memory_space<vmem>>, vector<1x16xf32>,
        %get3A_419 = vector.shape_cast %get3A_418 : vector<1x16xf32> to vector<16xf32>
        %get3A_420 = arith.index_cast %add3A_415 : i32 to index
        %get3A_421 = arith.constant 0 : index
        %get3A_422 = tpu.vector_load %arg23[%get3A_420, %get3A_421] {strides = array<i32>} : memref<128x16xf32, #tpu.memory_space<vmem>>, vector<1x16xf32>,
        %get3A_423 = vector.shape_cast %get3A_422 : vector<1x16xf32> to vector<16xf32>
        %add3A_424 = arith.addf %get3A_419, %get3A_423 : vector<16xf32>
        %mul3A_425 = arith.constant 2.000000e-01 : f32
        %mul3A_426 = vector.broadcast %mul3A_425 : f32 to vector<16xf32>
        %mul3A_427 = arith.mulf %add3A_424, %mul3A_426 : vector<16xf32>
        %max3A = arith.maximumf %add3A_424, %mul3A_427 : vector<16xf32>
        %exp3A = math.exp %max3A : vector<16xf32>
        %slice3A = vector.extract_strided_slice %exp3A {offsets = [8], sizes = [1], strides = [1]} : vector<16xf32> to vector<1xf32>
        %squeeze3A = vector.extract %slice3A[0] : f32 from vector<1xf32>
        %broadcast_in_dim3A = vector.broadcast %squeeze3A : f32 to vector<16xf32>
        %mul3A_428 = arith.mulf %get3A_419, %broadcast_in_dim3A : vector<16xf32>
        %swap3A_429 = arith.index_cast %add3A_415 : i32 to index
        %swap3A_430 = arith.constant 0 : index
        %swap3A_431 = tpu.vector_load %arg25[%swap3A_429, %swap3A_430] {strides = array<i32>} : memref<128x16xf32, #tpu.memory_space<vmem>>, vector<1x16xf32>,
        %swap3A_432 = vector.shape_cast %swap3A_431 : vector<1x16xf32> to vector<16xf32>
        %swap3A_433 = vector.shape_cast %mul3A_428 : vector<16xf32> to vector<1x16xf32>
        tpu.vector_store %arg25[%swap3A_429, %swap3A_430], %swap3A_433 {strides = array<i32>} : memref<128x16xf32, #tpu.memory_space<vmem>>, vector<1x16xf32>,
        %mul3A_434 = arith.constant 4 : i32
        %mul3A_435 = arith.muli %scan3A_410, %mul3A_434 : i32
        %add3A_436 = arith.constant 1 : i32
        %add3A_437 = arith.addi %mul3A_435, %add3A_436 : i32
        %get3A_438 = arith.index_cast %add3A_437 : i32 to index
        %get3A_439 = arith.constant 0 : index
        %get3A_440 = tpu.vector_load %arg21[%get3A_438, %get3A_439] {strides = array<i32>} : memref<128x16xf32, #tpu.memory_space<vmem>>, vector<1x16xf32>,
        %get3A_441 = vector.shape_cast %get3A_440 : vector<1x16xf32> to vector<16xf32>
        %get3A_442 = arith.index_cast %add3A_437 : i32 to index
        %get3A_443 = arith.constant 0 : index
        %get3A_444 = tpu.vector_load %arg23[%get3A_442, %get3A_443] {strides = array<i32>} : memref<128x16xf32, #tpu.memory_space<vmem>>, vector<1x16xf32>,
        %get3A_445 = vector.shape_cast %get3A_444 : vector<1x16xf32> to vector<16xf32>
        %add3A_446 = arith.addf %get3A_441, %get3A_445 : vector<16xf32>
        %mul3A_447 = arith.constant 2.000000e-01 : f32
        %mul3A_448 = vector.broadcast %mul3A_447 : f32 to vector<16xf32>
        %mul3A_449 = arith.mulf %add3A_446, %mul3A_448 : vector<16xf32>
        %max3A_450 = arith.maximumf %add3A_446, %mul3A_449 : vector<16xf32>
        %exp3A_451 = math.exp %max3A_450 : vector<16xf32>
        %slice3A_452 = vector.extract_strided_slice %exp3A_451 {offsets = [8], sizes = [1], strides = [1]} : vector<16xf32> to vector<1xf32>
        %squeeze3A_453 = vector.extract %slice3A_452[0] : f32 from vector<1xf32>
        %broadcast_in_dim3A_454 = vector.broadcast %squeeze3A_453 : f32 to vector<16xf32>
        %mul3A_455 = arith.mulf %get3A_441, %broadcast_in_dim3A_454 : vector<16xf32>
        %swap3A_456 = arith.index_cast %add3A_437 : i32 to index
        %swap3A_457 = arith.constant 0 : index
        %swap3A_458 = tpu.vector_load %arg25[%swap3A_456, %swap3A_457] {strides = array<i32>} : memref<128x16xf32, #tpu.memory_space<vmem>>, vector<1x16xf32>,
        %swap3A_459 = vector.shape_cast %swap3A_458 : vector<1x16xf32> to vector<16xf32>
        %swap3A_460 = vector.shape_cast %mul3A_455 : vector<16xf32> to vector<1x16xf32>
        tpu.vector_store %arg25[%swap3A_456, %swap3A_457], %swap3A_460 {strides = array<i32>} : memref<128x16xf32, #tpu.memory_space<vmem>>, vector<1x16xf32>,
        %mul3A_461 = arith.constant 4 : i32
        %mul3A_462 = arith.muli %scan3A_410, %mul3A_461 : i32
        %add3A_463 = arith.constant 2 : i32
        %add3A_464 = arith.addi %mul3A_462, %add3A_463 : i32
        %get3A_465 = arith.index_cast %add3A_464 : i32 to index
        %get3A_466 = arith.constant 0 : index
        %get3A_467 = tpu.vector_load %arg21[%get3A_465, %get3A_466] {strides = array<i32>} : memref<128x16xf32, #tpu.memory_space<vmem>>, vector<1x16xf32>,
        %get3A_468 = vector.shape_cast %get3A_467 : vector<1x16xf32> to vector<16xf32>
        %get3A_469 = arith.index_cast %add3A_464 : i32 to index
        %get3A_470 = arith.constant 0 : index
        %get3A_471 = tpu.vector_load %arg23[%get3A_469, %get3A_470] {strides = array<i32>} : memref<128x16xf32, #tpu.memory_space<vmem>>, vector<1x16xf32>,
        %get3A_472 = vector.shape_cast %get3A_471 : vector<1x16xf32> to vector<16xf32>
        %add3A_473 = arith.addf %get3A_468, %get3A_472 : vector<16xf32>
        %mul3A_474 = arith.constant 2.000000e-01 : f32
        %mul3A_475 = vector.broadcast %mul3A_474 : f32 to vector<16xf32>
        %mul3A_476 = arith.mulf %add3A_473, %mul3A_475 : vector<16xf32>
        %max3A_477 = arith.maximumf %add3A_473, %mul3A_476 : vector<16xf32>
        %exp3A_478 = math.exp %max3A_477 : vector<16xf32>
        %slice3A_479 = vector.extract_strided_slice %exp3A_478 {offsets = [8], sizes = [1], strides = [1]} : vector<16xf32> to vector<1xf32>
        %squeeze3A_480 = vector.extract %slice3A_479[0] : f32 from vector<1xf32>
        %broadcast_in_dim3A_481 = vector.broadcast %squeeze3A_480 : f32 to vector<16xf32>
        %mul3A_482 = arith.mulf %get3A_468, %broadcast_in_dim3A_481 : vector<16xf32>
        %swap3A_483 = arith.index_cast %add3A_464 : i32 to index
        %swap3A_484 = arith.constant 0 : index
        %swap3A_485 = tpu.vector_load %arg25[%swap3A_483, %swap3A_484] {strides = array<i32>} : memref<128x16xf32, #tpu.memory_space<vmem>>, vector<1x16xf32>,
        %swap3A_486 = vector.shape_cast %swap3A_485 : vector<1x16xf32> to vector<16xf32>
        %swap3A_487 = vector.shape_cast %mul3A_482 : vector<16xf32> to vector<1x16xf32>
        tpu.vector_store %arg25[%swap3A_483, %swap3A_484], %swap3A_487 {strides = array<i32>} : memref<128x16xf32, #tpu.memory_space<vmem>>, vector<1x16xf32>,
        %mul3A_488 = arith.constant 4 : i32
        %mul3A_489 = arith.muli %scan3A_410, %mul3A_488 : i32
        %add3A_490 = arith.constant 3 : i32
        %add3A_491 = arith.addi %mul3A_489, %add3A_490 : i32
        %get3A_492 = arith.index_cast %add3A_491 : i32 to index
        %get3A_493 = arith.constant 0 : index
        %get3A_494 = tpu.vector_load %arg21[%get3A_492, %get3A_493] {strides = array<i32>} : memref<128x16xf32, #tpu.memory_space<vmem>>, vector<1x16xf32>,
        %get3A_495 = vector.shape_cast %get3A_494 : vector<1x16xf32> to vector<16xf32>
        %get3A_496 = arith.index_cast %add3A_491 : i32 to index
        %get3A_497 = arith.constant 0 : index
        %get3A_498 = tpu.vector_load %arg23[%get3A_496, %get3A_497] {strides = array<i32>} : memref<128x16xf32, #tpu.memory_space<vmem>>, vector<1x16xf32>,
        %get3A_499 = vector.shape_cast %get3A_498 : vector<1x16xf32> to vector<16xf32>
        %add3A_500 = arith.addf %get3A_495, %get3A_499 : vector<16xf32>
        %mul3A_501 = arith.constant 2.000000e-01 : f32
        %mul3A_502 = vector.broadcast %mul3A_501 : f32 to vector<16xf32>
        %mul3A_503 = arith.mulf %add3A_500, %mul3A_502 : vector<16xf32>
        %max3A_504 = arith.maximumf %add3A_500, %mul3A_503 : vector<16xf32>
        %exp3A_505 = math.exp %max3A_504 : vector<16xf32>
        %slice3A_506 = vector.extract_strided_slice %exp3A_505 {offsets = [8], sizes = [1], strides = [1]} : vector<16xf32> to vector<1xf32>
        %squeeze3A_507 = vector.extract %slice3A_506[0] : f32 from vector<1xf32>
        %broadcast_in_dim3A_508 = vector.broadcast %squeeze3A_507 : f32 to vector<16xf32>
        %mul3A_509 = arith.mulf %get3A_495, %broadcast_in_dim3A_508 : vector<16xf32>
        %swap3A_510 = arith.index_cast %add3A_491 : i32 to index
        %swap3A_511 = arith.constant 0 : index
        %swap3A_512 = tpu.vector_load %arg25[%swap3A_510, %swap3A_511] {strides = array<i32>} : memref<128x16xf32, #tpu.memory_space<vmem>>, vector<1x16xf32>,
        %swap3A_513 = vector.shape_cast %swap3A_512 : vector<1x16xf32> to vector<16xf32>
        %swap3A_514 = vector.shape_cast %mul3A_509 : vector<16xf32> to vector<1x16xf32>
        tpu.vector_store %arg25[%swap3A_510, %swap3A_511], %swap3A_514 {strides = array<i32>} : memref<128x16xf32, #tpu.memory_space<vmem>>, vector<1x16xf32>,
        %scan3A_515 = arith.constant 0 : i32
        scf.yield %scan3A_515 : i32
      }
      %scan3A_350 = arith.constant 32 : i32
      %get3A_351 = arith.constant 0 : index
      %get3A_352 = tpu.vector_load %arg17[%get3A_351] {strides = array<i32>} : memref<128xi32, #tpu.memory_space<vmem>>, vector<16xi32>,
      %get3A_353 = vector.shape_cast %get3A_352 : vector<16xi32> to vector<16xi32>
      %swap3A_354 = arith.constant 0 : index
      %swap3A_355 = tpu.vector_load %arg19[%swap3A_354] {strides = array<i32>} : memref<128xi32, #tpu.memory_space<vmem>>, vector<16xi32>,
      %swap3A_356 = vector.shape_cast %swap3A_355 : vector<16xi32> to vector<16xi32>
      %swap3A_357 = vector.shape_cast %get3A_353 : vector<16xi32> to vector<16xi32>
      tpu.vector_store %arg19[%swap3A_354], %swap3A_357 {strides = array<i32>} : memref<128xi32, #tpu.memory_space<vmem>>, vector<16xi32>,
      %get3A_358 = arith.constant 16 : index
      %get3A_359 = tpu.vector_load %arg17[%get3A_358] {strides = array<i32>} : memref<128xi32, #tpu.memory_space<vmem>>, vector<16xi32>,
      %get3A_360 = vector.shape_cast %get3A_359 : vector<16xi32> to vector<16xi32>
      %swap3A_361 = arith.constant 16 : index
      %swap3A_362 = tpu.vector_load %arg19[%swap3A_361] {strides = array<i32>} : memref<128xi32, #tpu.memory_space<vmem>>, vector<16xi32>,
      %swap3A_363 = vector.shape_cast %swap3A_362 : vector<16xi32> to vector<16xi32>
      %swap3A_364 = vector.shape_cast %get3A_360 : vector<16xi32> to vector<16xi32>
      tpu.vector_store %arg19[%swap3A_361], %swap3A_364 {strides = array<i32>} : memref<128xi32, #tpu.memory_space<vmem>>, vector<16xi32>,
      %get3A_365 = arith.constant 32 : index
      %get3A_366 = tpu.vector_load %arg17[%get3A_365] {strides = array<i32>} : memref<128xi32, #tpu.memory_space<vmem>>, vector<16xi32>,
      %get3A_367 = vector.shape_cast %get3A_366 : vector<16xi32> to vector<16xi32>
      %swap3A_368 = arith.constant 32 : index
      %swap3A_369 = tpu.vector_load %arg19[%swap3A_368] {strides = array<i32>} : memref<128xi32, #tpu.memory_space<vmem>>, vector<16xi32>,
      %swap3A_370 = vector.shape_cast %swap3A_369 : vector<16xi32> to vector<16xi32>
      %swap3A_371 = vector.shape_cast %get3A_367 : vector<16xi32> to vector<16xi32>
      tpu.vector_store %arg19[%swap3A_368], %swap3A_371 {strides = array<i32>} : memref<128xi32, #tpu.memory_space<vmem>>, vector<16xi32>,
      %get3A_372 = arith.constant 48 : index
      %get3A_373 = tpu.vector_load %arg17[%get3A_372] {strides = array<i32>} : memref<128xi32, #tpu.memory_space<vmem>>, vector<16xi32>,
      %get3A_374 = vector.shape_cast %get3A_373 : vector<16xi32> to vector<16xi32>
      %swap3A_375 = arith.constant 48 : index
      %swap3A_376 = tpu.vector_load %arg19[%swap3A_375] {strides = array<i32>} : memref<128xi32, #tpu.memory_space<vmem>>, vector<16xi32>,
      %swap3A_377 = vector.shape_cast %swap3A_376 : vector<16xi32> to vector<16xi32>
      %swap3A_378 = vector.shape_cast %get3A_374 : vector<16xi32> to vector<16xi32>
      tpu.vector_store %arg19[%swap3A_375], %swap3A_378 {strides = array<i32>} : memref<128xi32, #tpu.memory_space<vmem>>, vector<16xi32>,
      %get3A_379 = arith.constant 64 : index
      %get3A_380 = tpu.vector_load %arg17[%get3A_379] {strides = array<i32>} : memref<128xi32, #tpu.memory_space<vmem>>, vector<16xi32>,
      %get3A_381 = vector.shape_cast %get3A_380 : vector<16xi32> to vector<16xi32>
      %swap3A_382 = arith.constant 64 : index
      %swap3A_383 = tpu.vector_load %arg19[%swap3A_382] {strides = array<i32>} : memref<128xi32, #tpu.memory_space<vmem>>, vector<16xi32>,
      %swap3A_384 = vector.shape_cast %swap3A_383 : vector<16xi32> to vector<16xi32>
      %swap3A_385 = vector.shape_cast %get3A_381 : vector<16xi32> to vector<16xi32>
      tpu.vector_store %arg19[%swap3A_382], %swap3A_385 {strides = array<i32>} : memref<128xi32, #tpu.memory_space<vmem>>, vector<16xi32>,
      %get3A_386 = arith.constant 80 : index
      %get3A_387 = tpu.vector_load %arg17[%get3A_386] {strides = array<i32>} : memref<128xi32, #tpu.memory_space<vmem>>, vector<16xi32>,
      %get3A_388 = vector.shape_cast %get3A_387 : vector<16xi32> to vector<16xi32>
      %swap3A_389 = arith.constant 80 : index
      %swap3A_390 = tpu.vector_load %arg19[%swap3A_389] {strides = array<i32>} : memref<128xi32, #tpu.memory_space<vmem>>, vector<16xi32>,
      %swap3A_391 = vector.shape_cast %swap3A_390 : vector<16xi32> to vector<16xi32>
      %swap3A_392 = vector.shape_cast %get3A_388 : vector<16xi32> to vector<16xi32>
      tpu.vector_store %arg19[%swap3A_389], %swap3A_392 {strides = array<i32>} : memref<128xi32, #tpu.memory_space<vmem>>, vector<16xi32>,
      %get3A_393 = arith.constant 96 : index
      %get3A_394 = tpu.vector_load %arg17[%get3A_393] {strides = array<i32>} : memref<128xi32, #tpu.memory_space<vmem>>, vector<16xi32>,
      %get3A_395 = vector.shape_cast %get3A_394 : vector<16xi32> to vector<16xi32>
      %swap3A_396 = arith.constant 96 : index
      %swap3A_397 = tpu.vector_load %arg19[%swap3A_396] {strides = array<i32>} : memref<128xi32, #tpu.memory_space<vmem>>, vector<16xi32>,
      %swap3A_398 = vector.shape_cast %swap3A_397 : vector<16xi32> to vector<16xi32>
      %swap3A_399 = vector.shape_cast %get3A_395 : vector<16xi32> to vector<16xi32>
      tpu.vector_store %arg19[%swap3A_396], %swap3A_399 {strides = array<i32>} : memref<128xi32, #tpu.memory_space<vmem>>, vector<16xi32>,
      %get3A_400 = arith.constant 112 : index
      %get3A_401 = tpu.vector_load %arg17[%get3A_400] {strides = array<i32>} : memref<128xi32, #tpu.memory_space<vmem>>, vector<16xi32>,
      %get3A_402 = vector.shape_cast %get3A_401 : vector<16xi32> to vector<16xi32>
      %swap3A_403 = arith.constant 112 : index
      %swap3A_404 = tpu.vector_load %arg19[%swap3A_403] {strides = array<i32>} : memref<128xi32, #tpu.memory_space<vmem>>, vector<16xi32>,
      %swap3A_405 = vector.shape_cast %swap3A_404 : vector<16xi32> to vector<16xi32>
      %swap3A_406 = vector.shape_cast %get3A_402 : vector<16xi32> to vector<16xi32>
      tpu.vector_store %arg19[%swap3A_403], %swap3A_406 {strides = array<i32>} : memref<128xi32, #tpu.memory_space<vmem>>, vector<16xi32>,
      %dma_start3A_407 = arith.constant 0 : i32
      %dma_start3A_408 = arith.constant 0 : i32
      %dma_start3A_409 = tpu.memref_slice %arg7[%dma_start3A_407, %dma_start3A_408] : memref<50176x16xf32, #tpu.memory_space<vmem_shared>> -> memref<50176x16xf32, #tpu.memory_space<vmem_shared>>
      tpu.enqueue_indirect_dma source(%arg25 : memref<128x16xf32, #tpu.memory_space<vmem>>) target(%dma_start3A_409 : memref<50176x16xf32, #tpu.memory_space<vmem_shared>>) offsets(%arg19 : memref<128xi32, #tpu.memory_space<vmem>>) semaphore(%arg31 : memref<!tpu.dma_semaphore, #tpu.memory_space<semaphore_mem>>) {add = true}
    }
    %scan3A_215 = arith.constant 100 : i32
    %dma_wait3A_216 = arith.constant 0 : i32
    %dma_wait3A_217 = arith.constant 0 : i32
    %dma_wait3A_218 = tpu.memref_slice %arg7[%dma_wait3A_216, %dma_wait3A_217] : memref<50176x16xf32, #tpu.memory_space<vmem_shared>> -> memref<50176x16xf32, #tpu.memory_space<vmem_shared>>
    tpu.wait_indirect_dma semaphore(%arg30 : memref<!tpu.dma_semaphore, #tpu.memory_space<semaphore_mem>>) src(%arg24 : memref<128x16xf32, #tpu.memory_space<vmem>>) dst(%dma_wait3A_218 : memref<50176x16xf32, #tpu.memory_space<vmem_shared>>)
    %dma_wait3A_219 = arith.constant 0 : i32
    %dma_wait3A_220 = arith.constant 0 : i32
    %dma_wait3A_221 = tpu.memref_slice %arg7[%dma_wait3A_219, %dma_wait3A_220] : memref<50176x16xf32, #tpu.memory_space<vmem_shared>> -> memref<50176x16xf32, #tpu.memory_space<vmem_shared>>
    tpu.wait_indirect_dma semaphore(%arg31 : memref<!tpu.dma_semaphore, #tpu.memory_space<semaphore_mem>>) src(%arg25 : memref<128x16xf32, #tpu.memory_space<vmem>>) dst(%dma_wait3A_221 : memref<50176x16xf32, #tpu.memory_space<vmem_shared>>)
    %barrier3A_222 = arith.constant 0 : index
    tpu.barrier barrier_id(%barrier3A_222)
    %mul3A_223 = arith.constant 3136 : i32
    %mul3A_224 = arith.muli %arg1, %mul3A_223 : i32
    "tpu.region"() ({
      %run_scoped3A = tpu.sem_alloc : memref<!tpu.dma_semaphore, #tpu.memory_space<semaphore_mem>>
      %dma_start3A_225 = arith.constant 0 : i32
      %dma_start3A_226 = tpu.memref_slice %arg6[%arg0, %mul3A_224, %dma_start3A_225] : memref<2x50176x16xf32, #tpu.memory_space<hbm>> -> memref<1x3136x16xf32, #tpu.memory_space<hbm>>
      %dma_start3A_227 = tpu.memref_squeeze %dma_start3A_226 : memref<1x3136x16xf32, #tpu.memory_space<hbm>> -> memref<3136x16xf32, #tpu.memory_space<hbm>>
      %dma_start3A_228 = arith.constant 0 : i32
      %dma_start3A_229 = tpu.memref_slice %arg7[%mul3A_224, %dma_start3A_228] : memref<50176x16xf32, #tpu.memory_space<vmem_shared>> -> memref<3136x16xf32, #tpu.memory_space<vmem_shared>>
      tpu.enqueue_dma source(%dma_start3A_229 : memref<3136x16xf32, #tpu.memory_space<vmem_shared>>) target(%dma_start3A_227 : memref<3136x16xf32, #tpu.memory_space<hbm>>) target_semaphore(%run_scoped3A : memref<!tpu.dma_semaphore, #tpu.memory_space<semaphore_mem>>)
      %dma_wait3A_230 = arith.constant 0 : i32
      %dma_wait3A_231 = tpu.memref_slice %arg6[%arg0, %mul3A_224, %dma_wait3A_230] : memref<2x50176x16xf32, #tpu.memory_space<hbm>> -> memref<1x3136x16xf32, #tpu.memory_space<hbm>>
      %dma_wait3A_232 = tpu.memref_squeeze %dma_wait3A_231 : memref<1x3136x16xf32, #tpu.memory_space<hbm>> -> memref<3136x16xf32, #tpu.memory_space<hbm>>
      %dma_wait3A_233 = arith.constant 0 : i32
      %dma_wait3A_234 = tpu.memref_slice %arg7[%mul3A_224, %dma_wait3A_233] : memref<50176x16xf32, #tpu.memory_space<vmem_shared>> -> memref<3136x16xf32, #tpu.memory_space<vmem_shared>>
      tpu.wait_dma2 semaphore(%run_scoped3A : memref<!tpu.dma_semaphore, #tpu.memory_space<semaphore_mem>>) src(%dma_wait3A_234 : memref<3136x16xf32, #tpu.memory_space<vmem_shared>>) dst(%dma_wait3A_232 : memref<3136x16xf32, #tpu.memory_space<hbm>>)
      tpu.yield
    }) : () -> ()
    return
  }
}

module attributes {stable_mosaic.version = 14 : i64} {
  func.func @_l1_body(%arg0: i32, %arg1: memref<1000x1433xf32, #tpu.memory_space<vmem>>, %arg2: memref<1433x64xf32, #tpu.memory_space<vmem>>, %arg3: memref<64x64xf32, #tpu.memory_space<vmem>>, %arg4: memref<64x64xf32, #tpu.memory_space<vmem>>, %arg5: memref<4x1000x16xf32, #tpu.memory_space<vmem>>, %arg6: memref<4x1000x16xf32, #tpu.memory_space<vmem>>, %arg7: memref<4x1000x16xf32, #tpu.memory_space<vmem>>) attributes {dimension_semantics = [#tpu.dimension_semantics<arbitrary>], iteration_bounds = array<i64: 50>, scalar_prefetch = 0 : i64, scratch_operands = 0 : i64, tpu.core_type = #tpu.core_type<tc>, window_params = [{transform_indices = @transform_0, window_bounds = array<i64: 1000, 1433>}, {pipeline_mode = #tpu.pipeline_mode<synchronous>, transform_indices = @transform_1, window_bounds = array<i64: 1433, 64>}, {pipeline_mode = #tpu.pipeline_mode<synchronous>, transform_indices = @transform_2, window_bounds = array<i64: 64, 64>}, {pipeline_mode = #tpu.pipeline_mode<synchronous>, transform_indices = @transform_3, window_bounds = array<i64: 64, 64>}, {transform_indices = @transform_4, window_bounds = array<i64: 4, 1000, 16>}, {transform_indices = @transform_5, window_bounds = array<i64: 4, 1000, 16>}, {transform_indices = @transform_6, window_bounds = array<i64: 4, 1000, 16>}]} {
    %get3A = arith.constant 0 : index
    %get3A_0 = arith.constant 0 : index
    %get3A_1 = vector.load %arg1[%get3A, %get3A_0] : memref<1000x1433xf32, #tpu.memory_space<vmem>>, vector<1000x1433xf32>
    %get3A_2 = arith.constant 0 : index
    %get3A_3 = arith.constant 0 : index
    %get3A_4 = vector.load %arg2[%get3A_2, %get3A_3] : memref<1433x64xf32, #tpu.memory_space<vmem>>, vector<1433x64xf32>
    %dot_general3A = arith.constant dense<0.000000e+00> : vector<1000x64xf32>
    %dot_general3A_5 = tpu.matmul %get3A_1, %get3A_4, %dot_general3A {dimension_numbers = #tpu.dot_dimension_numbers<[1], [0], [0], [1], [0, 0, 1, 1], [], []>, transpose_lhs_hint = false} : vector<1000x1433xf32>, vector<1433x64xf32>, vector<1000x64xf32> -> vector<1000x64xf32>
    %get3A_6 = arith.constant 0 : index
    %get3A_7 = arith.constant 0 : index
    %get3A_8 = vector.load %arg3[%get3A_6, %get3A_7] : memref<64x64xf32, #tpu.memory_space<vmem>>, vector<64x64xf32>
    %dot_general3A_9 = arith.constant dense<0.000000e+00> : vector<1000x64xf32>
    %dot_general3A_10 = tpu.matmul %dot_general3A_5, %get3A_8, %dot_general3A_9 {dimension_numbers = #tpu.dot_dimension_numbers<[1], [0], [0], [1], [0, 0, 1, 1], [], []>, transpose_lhs_hint = false} : vector<1000x64xf32>, vector<64x64xf32>, vector<1000x64xf32> -> vector<1000x64xf32>
    %get3A_11 = arith.constant 0 : index
    %get3A_12 = arith.constant 0 : index
    %get3A_13 = vector.load %arg4[%get3A_11, %get3A_12] : memref<64x64xf32, #tpu.memory_space<vmem>>, vector<64x64xf32>
    %dot_general3A_14 = arith.constant dense<0.000000e+00> : vector<1000x64xf32>
    %dot_general3A_15 = tpu.matmul %dot_general3A_5, %get3A_13, %dot_general3A_14 {dimension_numbers = #tpu.dot_dimension_numbers<[1], [0], [0], [1], [0, 0, 1, 1], [], []>, transpose_lhs_hint = false} : vector<1000x64xf32>, vector<64x64xf32>, vector<1000x64xf32> -> vector<1000x64xf32>
    %slice3A = vector.extract_strided_slice %dot_general3A_10 {offsets = [0, 0], sizes = [1000, 16], strides = [1, 1]} : vector<1000x64xf32> to vector<1000x16xf32>
    %swap3A = arith.constant 0 : index
    %swap3A_16 = arith.constant 0 : index
    %swap3A_17 = arith.constant 0 : index
    %swap3A_18 = vector.load %arg5[%swap3A, %swap3A_16, %swap3A_17] : memref<4x1000x16xf32, #tpu.memory_space<vmem>>, vector<1x1000x16xf32>
    %swap3A_19 = vector.shape_cast %swap3A_18 : vector<1x1000x16xf32> to vector<1000x16xf32>
    %swap3A_20 = vector.shape_cast %slice3A : vector<1000x16xf32> to vector<1x1000x16xf32>
    tpu.vector_store %arg5[%swap3A, %swap3A_16, %swap3A_17], %swap3A_20 {strides = array<i32>} : memref<4x1000x16xf32, #tpu.memory_space<vmem>>, vector<1x1000x16xf32>,
    %slice3A_21 = vector.extract_strided_slice %dot_general3A_15 {offsets = [0, 0], sizes = [1000, 16], strides = [1, 1]} : vector<1000x64xf32> to vector<1000x16xf32>
    %swap3A_22 = arith.constant 0 : index
    %swap3A_23 = arith.constant 0 : index
    %swap3A_24 = arith.constant 0 : index
    %swap3A_25 = vector.load %arg6[%swap3A_22, %swap3A_23, %swap3A_24] : memref<4x1000x16xf32, #tpu.memory_space<vmem>>, vector<1x1000x16xf32>
    %swap3A_26 = vector.shape_cast %swap3A_25 : vector<1x1000x16xf32> to vector<1000x16xf32>
    %swap3A_27 = vector.shape_cast %slice3A_21 : vector<1000x16xf32> to vector<1x1000x16xf32>
    tpu.vector_store %arg6[%swap3A_22, %swap3A_23, %swap3A_24], %swap3A_27 {strides = array<i32>} : memref<4x1000x16xf32, #tpu.memory_space<vmem>>, vector<1x1000x16xf32>,
    %slice3A_28 = vector.extract_strided_slice %dot_general3A_5 {offsets = [0, 0], sizes = [1000, 16], strides = [1, 1]} : vector<1000x64xf32> to vector<1000x16xf32>
    %swap3A_29 = arith.constant 0 : index
    %swap3A_30 = arith.constant 0 : index
    %swap3A_31 = arith.constant 0 : index
    %swap3A_32 = vector.load %arg7[%swap3A_29, %swap3A_30, %swap3A_31] : memref<4x1000x16xf32, #tpu.memory_space<vmem>>, vector<1x1000x16xf32>
    %swap3A_33 = vector.shape_cast %swap3A_32 : vector<1x1000x16xf32> to vector<1000x16xf32>
    %swap3A_34 = vector.shape_cast %slice3A_28 : vector<1000x16xf32> to vector<1x1000x16xf32>
    tpu.vector_store %arg7[%swap3A_29, %swap3A_30, %swap3A_31], %swap3A_34 {strides = array<i32>} : memref<4x1000x16xf32, #tpu.memory_space<vmem>>, vector<1x1000x16xf32>,
    %slice3A_35 = vector.extract_strided_slice %dot_general3A_10 {offsets = [0, 16], sizes = [1000, 16], strides = [1, 1]} : vector<1000x64xf32> to vector<1000x16xf32>
    %swap3A_36 = arith.constant 1 : index
    %swap3A_37 = arith.constant 0 : index
    %swap3A_38 = arith.constant 0 : index
    %swap3A_39 = vector.load %arg5[%swap3A_36, %swap3A_37, %swap3A_38] : memref<4x1000x16xf32, #tpu.memory_space<vmem>>, vector<1x1000x16xf32>
    %swap3A_40 = vector.shape_cast %swap3A_39 : vector<1x1000x16xf32> to vector<1000x16xf32>
    %swap3A_41 = vector.shape_cast %slice3A_35 : vector<1000x16xf32> to vector<1x1000x16xf32>
    tpu.vector_store %arg5[%swap3A_36, %swap3A_37, %swap3A_38], %swap3A_41 {strides = array<i32>} : memref<4x1000x16xf32, #tpu.memory_space<vmem>>, vector<1x1000x16xf32>,
    %slice3A_42 = vector.extract_strided_slice %dot_general3A_15 {offsets = [0, 16], sizes = [1000, 16], strides = [1, 1]} : vector<1000x64xf32> to vector<1000x16xf32>
    %swap3A_43 = arith.constant 1 : index
    %swap3A_44 = arith.constant 0 : index
    %swap3A_45 = arith.constant 0 : index
    %swap3A_46 = vector.load %arg6[%swap3A_43, %swap3A_44, %swap3A_45] : memref<4x1000x16xf32, #tpu.memory_space<vmem>>, vector<1x1000x16xf32>
    %swap3A_47 = vector.shape_cast %swap3A_46 : vector<1x1000x16xf32> to vector<1000x16xf32>
    %swap3A_48 = vector.shape_cast %slice3A_42 : vector<1000x16xf32> to vector<1x1000x16xf32>
    tpu.vector_store %arg6[%swap3A_43, %swap3A_44, %swap3A_45], %swap3A_48 {strides = array<i32>} : memref<4x1000x16xf32, #tpu.memory_space<vmem>>, vector<1x1000x16xf32>,
    %slice3A_49 = vector.extract_strided_slice %dot_general3A_5 {offsets = [0, 16], sizes = [1000, 16], strides = [1, 1]} : vector<1000x64xf32> to vector<1000x16xf32>
    %swap3A_50 = arith.constant 1 : index
    %swap3A_51 = arith.constant 0 : index
    %swap3A_52 = arith.constant 0 : index
    %swap3A_53 = vector.load %arg7[%swap3A_50, %swap3A_51, %swap3A_52] : memref<4x1000x16xf32, #tpu.memory_space<vmem>>, vector<1x1000x16xf32>
    %swap3A_54 = vector.shape_cast %swap3A_53 : vector<1x1000x16xf32> to vector<1000x16xf32>
    %swap3A_55 = vector.shape_cast %slice3A_49 : vector<1000x16xf32> to vector<1x1000x16xf32>
    tpu.vector_store %arg7[%swap3A_50, %swap3A_51, %swap3A_52], %swap3A_55 {strides = array<i32>} : memref<4x1000x16xf32, #tpu.memory_space<vmem>>, vector<1x1000x16xf32>,
    %slice3A_56 = vector.extract_strided_slice %dot_general3A_10 {offsets = [0, 32], sizes = [1000, 16], strides = [1, 1]} : vector<1000x64xf32> to vector<1000x16xf32>
    %swap3A_57 = arith.constant 2 : index
    %swap3A_58 = arith.constant 0 : index
    %swap3A_59 = arith.constant 0 : index
    %swap3A_60 = vector.load %arg5[%swap3A_57, %swap3A_58, %swap3A_59] : memref<4x1000x16xf32, #tpu.memory_space<vmem>>, vector<1x1000x16xf32>
    %swap3A_61 = vector.shape_cast %swap3A_60 : vector<1x1000x16xf32> to vector<1000x16xf32>
    %swap3A_62 = vector.shape_cast %slice3A_56 : vector<1000x16xf32> to vector<1x1000x16xf32>
    tpu.vector_store %arg5[%swap3A_57, %swap3A_58, %swap3A_59], %swap3A_62 {strides = array<i32>} : memref<4x1000x16xf32, #tpu.memory_space<vmem>>, vector<1x1000x16xf32>,
    %slice3A_63 = vector.extract_strided_slice %dot_general3A_15 {offsets = [0, 32], sizes = [1000, 16], strides = [1, 1]} : vector<1000x64xf32> to vector<1000x16xf32>
    %swap3A_64 = arith.constant 2 : index
    %swap3A_65 = arith.constant 0 : index
    %swap3A_66 = arith.constant 0 : index
    %swap3A_67 = vector.load %arg6[%swap3A_64, %swap3A_65, %swap3A_66] : memref<4x1000x16xf32, #tpu.memory_space<vmem>>, vector<1x1000x16xf32>
    %swap3A_68 = vector.shape_cast %swap3A_67 : vector<1x1000x16xf32> to vector<1000x16xf32>
    %swap3A_69 = vector.shape_cast %slice3A_63 : vector<1000x16xf32> to vector<1x1000x16xf32>
    tpu.vector_store %arg6[%swap3A_64, %swap3A_65, %swap3A_66], %swap3A_69 {strides = array<i32>} : memref<4x1000x16xf32, #tpu.memory_space<vmem>>, vector<1x1000x16xf32>,
    %slice3A_70 = vector.extract_strided_slice %dot_general3A_5 {offsets = [0, 32], sizes = [1000, 16], strides = [1, 1]} : vector<1000x64xf32> to vector<1000x16xf32>
    %swap3A_71 = arith.constant 2 : index
    %swap3A_72 = arith.constant 0 : index
    %swap3A_73 = arith.constant 0 : index
    %swap3A_74 = vector.load %arg7[%swap3A_71, %swap3A_72, %swap3A_73] : memref<4x1000x16xf32, #tpu.memory_space<vmem>>, vector<1x1000x16xf32>
    %swap3A_75 = vector.shape_cast %swap3A_74 : vector<1x1000x16xf32> to vector<1000x16xf32>
    %swap3A_76 = vector.shape_cast %slice3A_70 : vector<1000x16xf32> to vector<1x1000x16xf32>
    tpu.vector_store %arg7[%swap3A_71, %swap3A_72, %swap3A_73], %swap3A_76 {strides = array<i32>} : memref<4x1000x16xf32, #tpu.memory_space<vmem>>, vector<1x1000x16xf32>,
    %slice3A_77 = vector.extract_strided_slice %dot_general3A_10 {offsets = [0, 48], sizes = [1000, 16], strides = [1, 1]} : vector<1000x64xf32> to vector<1000x16xf32>
    %swap3A_78 = arith.constant 3 : index
    %swap3A_79 = arith.constant 0 : index
    %swap3A_80 = arith.constant 0 : index
    %swap3A_81 = vector.load %arg5[%swap3A_78, %swap3A_79, %swap3A_80] : memref<4x1000x16xf32, #tpu.memory_space<vmem>>, vector<1x1000x16xf32>
    %swap3A_82 = vector.shape_cast %swap3A_81 : vector<1x1000x16xf32> to vector<1000x16xf32>
    %swap3A_83 = vector.shape_cast %slice3A_77 : vector<1000x16xf32> to vector<1x1000x16xf32>
    tpu.vector_store %arg5[%swap3A_78, %swap3A_79, %swap3A_80], %swap3A_83 {strides = array<i32>} : memref<4x1000x16xf32, #tpu.memory_space<vmem>>, vector<1x1000x16xf32>,
    %slice3A_84 = vector.extract_strided_slice %dot_general3A_15 {offsets = [0, 48], sizes = [1000, 16], strides = [1, 1]} : vector<1000x64xf32> to vector<1000x16xf32>
    %swap3A_85 = arith.constant 3 : index
    %swap3A_86 = arith.constant 0 : index
    %swap3A_87 = arith.constant 0 : index
    %swap3A_88 = vector.load %arg6[%swap3A_85, %swap3A_86, %swap3A_87] : memref<4x1000x16xf32, #tpu.memory_space<vmem>>, vector<1x1000x16xf32>
    %swap3A_89 = vector.shape_cast %swap3A_88 : vector<1x1000x16xf32> to vector<1000x16xf32>
    %swap3A_90 = vector.shape_cast %slice3A_84 : vector<1000x16xf32> to vector<1x1000x16xf32>
    tpu.vector_store %arg6[%swap3A_85, %swap3A_86, %swap3A_87], %swap3A_90 {strides = array<i32>} : memref<4x1000x16xf32, #tpu.memory_space<vmem>>, vector<1x1000x16xf32>,
    %slice3A_91 = vector.extract_strided_slice %dot_general3A_5 {offsets = [0, 48], sizes = [1000, 16], strides = [1, 1]} : vector<1000x64xf32> to vector<1000x16xf32>
    %swap3A_92 = arith.constant 3 : index
    %swap3A_93 = arith.constant 0 : index
    %swap3A_94 = arith.constant 0 : index
    %swap3A_95 = vector.load %arg7[%swap3A_92, %swap3A_93, %swap3A_94] : memref<4x1000x16xf32, #tpu.memory_space<vmem>>, vector<1x1000x16xf32>
    %swap3A_96 = vector.shape_cast %swap3A_95 : vector<1x1000x16xf32> to vector<1000x16xf32>
    %swap3A_97 = vector.shape_cast %slice3A_91 : vector<1000x16xf32> to vector<1x1000x16xf32>
    tpu.vector_store %arg7[%swap3A_92, %swap3A_93, %swap3A_94], %swap3A_97 {strides = array<i32>} : memref<4x1000x16xf32, #tpu.memory_space<vmem>>, vector<1x1000x16xf32>,
    return
  }
  func.func @transform_0(%arg0: i32) -> (i32, i32) {
    %c0_i32 = arith.constant 0 : i32
    %c0_i32_0 = arith.constant 0 : i32
    return %arg0, %c0_i32 : i32, i32
  }
  func.func @transform_1(%arg0: i32) -> (i32, i32) {
    %c0_i32 = arith.constant 0 : i32
    %c0_i32_0 = arith.constant 0 : i32
    %c0_i32_1 = arith.constant 0 : i32
    return %c0_i32, %c0_i32_0 : i32, i32
  }
  func.func @transform_2(%arg0: i32) -> (i32, i32) {
    %c0_i32 = arith.constant 0 : i32
    %c0_i32_0 = arith.constant 0 : i32
    %c0_i32_1 = arith.constant 0 : i32
    return %c0_i32, %c0_i32_0 : i32, i32
  }
  func.func @transform_3(%arg0: i32) -> (i32, i32) {
    %c0_i32 = arith.constant 0 : i32
    %c0_i32_0 = arith.constant 0 : i32
    %c0_i32_1 = arith.constant 0 : i32
    return %c0_i32, %c0_i32_0 : i32, i32
  }
  func.func @transform_4(%arg0: i32) -> (i32, i32, i32) {
    %c0_i32 = arith.constant 0 : i32
    %c0_i32_0 = arith.constant 0 : i32
    %c0_i32_1 = arith.constant 0 : i32
    return %c0_i32, %arg0, %c0_i32_0 : i32, i32, i32
  }
  func.func @transform_5(%arg0: i32) -> (i32, i32, i32) {
    %c0_i32 = arith.constant 0 : i32
    %c0_i32_0 = arith.constant 0 : i32
    %c0_i32_1 = arith.constant 0 : i32
    return %c0_i32, %arg0, %c0_i32_0 : i32, i32, i32
  }
  func.func @transform_6(%arg0: i32) -> (i32, i32, i32) {
    %c0_i32 = arith.constant 0 : i32
    %c0_i32_0 = arith.constant 0 : i32
    %c0_i32_1 = arith.constant 0 : i32
    return %c0_i32, %arg0, %c0_i32_0 : i32, i32, i32
  }
}

module attributes {stable_mosaic.version = 14 : i64} {
  func.func @_mhi_body(%arg0: i32, %arg1: memref<4x1000x16xf32, #tpu.memory_space<vmem>>, %arg2: memref<1x64xf32, #tpu.memory_space<vmem>>, %arg3: memref<64x64xf32, #tpu.memory_space<vmem>>, %arg4: memref<1x64xf32, #tpu.memory_space<vmem>>, %arg5: memref<64x8xf32, #tpu.memory_space<vmem>>, %arg6: memref<64x1xf32, #tpu.memory_space<vmem>>, %arg7: memref<8x64xf32, #tpu.memory_space<vmem>>, %arg8: memref<64x8xf32, #tpu.memory_space<vmem>>, %arg9: memref<8x7xf32, #tpu.memory_space<vmem>>, %arg10: memref<7x1xf32, #tpu.memory_space<vmem>>, %arg11: memref<7x1xf32, #tpu.memory_space<vmem>>, %arg12: memref<1000x16xf32, #tpu.memory_space<vmem>>, %arg13: memref<1000x16xf32, #tpu.memory_space<vmem>>) attributes {dimension_semantics = [#tpu.dimension_semantics<arbitrary>], iteration_bounds = array<i64: 50>, scalar_prefetch = 0 : i64, scratch_operands = 0 : i64, tpu.core_type = #tpu.core_type<tc>, window_params = [{transform_indices = @transform_0, window_bounds = array<i64: 4, 1000, 16>}, {pipeline_mode = #tpu.pipeline_mode<synchronous>, transform_indices = @transform_1, window_bounds = array<i64: 1, 64>}, {pipeline_mode = #tpu.pipeline_mode<synchronous>, transform_indices = @transform_2, window_bounds = array<i64: 64, 64>}, {pipeline_mode = #tpu.pipeline_mode<synchronous>, transform_indices = @transform_3, window_bounds = array<i64: 1, 64>}, {pipeline_mode = #tpu.pipeline_mode<synchronous>, transform_indices = @transform_4, window_bounds = array<i64: 64, 8>}, {pipeline_mode = #tpu.pipeline_mode<synchronous>, transform_indices = @transform_5, window_bounds = array<i64: 64, 1>}, {pipeline_mode = #tpu.pipeline_mode<synchronous>, transform_indices = @transform_6, window_bounds = array<i64: 8, 64>}, {pipeline_mode = #tpu.pipeline_mode<synchronous>, transform_indices = @transform_7, window_bounds = array<i64: 64, 8>}, {pipeline_mode = #tpu.pipeline_mode<synchronous>, transform_indices = @transform_8, window_bounds = array<i64: 8, 7>}, {pipeline_mode = #tpu.pipeline_mode<synchronous>, transform_indices = @transform_9, window_bounds = array<i64: 7, 1>}, {pipeline_mode = #tpu.pipeline_mode<synchronous>, transform_indices = @transform_10, window_bounds = array<i64: 7, 1>}, {transform_indices = @transform_11, window_bounds = array<i64: 1000, 16>}, {transform_indices = @transform_12, window_bounds = array<i64: 1000, 16>}]} {
    %get3A = arith.constant 0 : index
    %get3A_0 = arith.constant 0 : index
    %get3A_1 = arith.constant 0 : index
    %get3A_2 = vector.load %arg1[%get3A, %get3A_0, %get3A_1] : memref<4x1000x16xf32, #tpu.memory_space<vmem>>, vector<4x1000x16xf32>
    %slice3A = vector.extract_strided_slice %get3A_2 {offsets = [0, 0, 0], sizes = [1, 1000, 16], strides = [1, 1, 1]} : vector<4x1000x16xf32> to vector<1x1000x16xf32>
    %squeeze3A = vector.shape_cast %slice3A : vector<1x1000x16xf32> to vector<1000x16xf32>
    %slice3A_3 = vector.extract_strided_slice %get3A_2 {offsets = [1, 0, 0], sizes = [1, 1000, 16], strides = [1, 1, 1]} : vector<4x1000x16xf32> to vector<1x1000x16xf32>
    %squeeze3A_4 = vector.shape_cast %slice3A_3 : vector<1x1000x16xf32> to vector<1000x16xf32>
    %slice3A_5 = vector.extract_strided_slice %get3A_2 {offsets = [2, 0, 0], sizes = [1, 1000, 16], strides = [1, 1, 1]} : vector<4x1000x16xf32> to vector<1x1000x16xf32>
    %squeeze3A_6 = vector.shape_cast %slice3A_5 : vector<1x1000x16xf32> to vector<1000x16xf32>
    %slice3A_7 = vector.extract_strided_slice %get3A_2 {offsets = [3, 0, 0], sizes = [1, 1000, 16], strides = [1, 1, 1]} : vector<4x1000x16xf32> to vector<1x1000x16xf32>
    %squeeze3A_8 = vector.shape_cast %slice3A_7 : vector<1x1000x16xf32> to vector<1000x16xf32>
    %concatenate3A = tpu.concatenate %squeeze3A, %squeeze3A_4, %squeeze3A_6, %squeeze3A_8 in 1 : vector<1000x16xf32>, vector<1000x16xf32>, vector<1000x16xf32>, vector<1000x16xf32> -> vector<1000x64xf32>
    %get3A_9 = arith.constant 0 : index
    %get3A_10 = arith.constant 0 : index
    %get3A_11 = vector.load %arg2[%get3A_9, %get3A_10] : memref<1x64xf32, #tpu.memory_space<vmem>>, vector<1x64xf32>
    %add3A = vector.broadcast %get3A_11 : vector<1x64xf32> to vector<1000x64xf32>
    %add3A_12 = arith.addf %concatenate3A, %add3A : vector<1000x64xf32>
    %max3A = arith.constant 0.000000e+00 : f32
    %max3A_13 = vector.broadcast %max3A : f32 to vector<1000x64xf32>
    %max3A_14 = arith.maximumf %add3A_12, %max3A_13 : vector<1000x64xf32>
    %get3A_15 = arith.constant 0 : index
    %get3A_16 = arith.constant 0 : index
    %get3A_17 = vector.load %arg3[%get3A_15, %get3A_16] : memref<64x64xf32, #tpu.memory_space<vmem>>, vector<64x64xf32>
    %dot_general3A = arith.constant dense<0.000000e+00> : vector<1000x64xf32>
    %dot_general3A_18 = tpu.matmul %max3A_14, %get3A_17, %dot_general3A {dimension_numbers = #tpu.dot_dimension_numbers<[1], [0], [0], [1], [0, 0, 1, 1], [], []>, transpose_lhs_hint = false} : vector<1000x64xf32>, vector<64x64xf32>, vector<1000x64xf32> -> vector<1000x64xf32>
    %get3A_19 = arith.constant 0 : index
    %get3A_20 = arith.constant 0 : index
    %get3A_21 = vector.load %arg4[%get3A_19, %get3A_20] : memref<1x64xf32, #tpu.memory_space<vmem>>, vector<1x64xf32>
    %add3A_22 = vector.broadcast %get3A_21 : vector<1x64xf32> to vector<1000x64xf32>
    %add3A_23 = arith.addf %dot_general3A_18, %add3A_22 : vector<1000x64xf32>
    %get3A_24 = arith.constant 0 : index
    %get3A_25 = arith.constant 0 : index
    %get3A_26 = vector.load %arg5[%get3A_24, %get3A_25] : memref<64x8xf32, #tpu.memory_space<vmem>>, vector<64x8xf32>
    %dot_general3A_27 = arith.constant dense<0.000000e+00> : vector<1000x8xf32>
    %dot_general3A_28 = tpu.matmul %add3A_23, %get3A_26, %dot_general3A_27 {dimension_numbers = #tpu.dot_dimension_numbers<[1], [0], [0], [1], [0, 0, 1, 1], [], []>, transpose_lhs_hint = false} : vector<1000x64xf32>, vector<64x8xf32>, vector<1000x8xf32> -> vector<1000x8xf32>
    %get3A_29 = arith.constant 0 : index
    %get3A_30 = arith.constant 0 : index
    %get3A_31 = vector.load %arg6[%get3A_29, %get3A_30] : memref<64x1xf32, #tpu.memory_space<vmem>>, vector<64x1xf32>
    %dot_general3A_32 = arith.constant dense<0.000000e+00> : vector<1000x1xf32>
    %dot_general3A_33 = tpu.matmul %add3A_23, %get3A_31, %dot_general3A_32 {dimension_numbers = #tpu.dot_dimension_numbers<[1], [0], [0], [1], [0, 0, 1, 1], [], []>, transpose_lhs_hint = false} : vector<1000x64xf32>, vector<64x1xf32>, vector<1000x1xf32> -> vector<1000x1xf32>
    %add3A_34 = vector.broadcast %dot_general3A_33 : vector<1000x1xf32> to vector<1000x8xf32>
    %add3A_35 = arith.addf %dot_general3A_28, %add3A_34 : vector<1000x8xf32>
    %max3A_36 = arith.constant 0.000000e+00 : f32
    %max3A_37 = vector.broadcast %max3A_36 : f32 to vector<1000x8xf32>
    %max3A_38 = arith.maximumf %add3A_35, %max3A_37 : vector<1000x8xf32>
    %reduce_max3A = arith.constant dense<0xFF800000> : vector<1000xf32>
    %reduce_max3A_39 = vector.multi_reduction <maximumf>, %max3A_38, %reduce_max3A [1] : vector<1000x8xf32> to vector<1000xf32>
    %broadcast_in_dim3A = vector.shape_cast %reduce_max3A_39 : vector<1000xf32> to vector<1000x1xf32>
    %sub3A = vector.broadcast %broadcast_in_dim3A : vector<1000x1xf32> to vector<1000x8xf32>
    %sub3A_40 = arith.subf %max3A_38, %sub3A : vector<1000x8xf32>
    %exp3A = math.exp %sub3A_40 : vector<1000x8xf32>
    %reduce_sum3A = arith.constant dense<0.000000e+00> : vector<1000xf32>
    %reduce_sum3A_41 = vector.multi_reduction <add>, %exp3A, %reduce_sum3A [1] : vector<1000x8xf32> to vector<1000xf32>
    %broadcast_in_dim3A_42 = vector.shape_cast %reduce_sum3A_41 : vector<1000xf32> to vector<1000x1xf32>
    %div3A = vector.broadcast %broadcast_in_dim3A_42 : vector<1000x1xf32> to vector<1000x8xf32>
    %div3A_43 = arith.divf %exp3A, %div3A : vector<1000x8xf32>
    %get3A_44 = arith.constant 0 : index
    %get3A_45 = arith.constant 0 : index
    %get3A_46 = vector.load %arg7[%get3A_44, %get3A_45] : memref<8x64xf32, #tpu.memory_space<vmem>>, vector<8x64xf32>
    %dot_general3A_47 = arith.constant dense<0.000000e+00> : vector<1000x64xf32>
    %dot_general3A_48 = tpu.matmul %div3A_43, %get3A_46, %dot_general3A_47 {dimension_numbers = #tpu.dot_dimension_numbers<[1], [0], [0], [1], [0, 0, 1, 1], [], []>, transpose_lhs_hint = false} : vector<1000x8xf32>, vector<8x64xf32>, vector<1000x64xf32> -> vector<1000x64xf32>
    %mul3A = arith.mulf %max3A_14, %dot_general3A_48 : vector<1000x64xf32>
    %get3A_49 = arith.constant 0 : index
    %get3A_50 = arith.constant 0 : index
    %get3A_51 = vector.load %arg8[%get3A_49, %get3A_50] : memref<64x8xf32, #tpu.memory_space<vmem>>, vector<64x8xf32>
    %dot_general3A_52 = arith.constant dense<0.000000e+00> : vector<1000x8xf32>
    %dot_general3A_53 = tpu.matmul %mul3A, %get3A_51, %dot_general3A_52 {dimension_numbers = #tpu.dot_dimension_numbers<[1], [0], [0], [1], [0, 0, 1, 1], [], []>, transpose_lhs_hint = false} : vector<1000x64xf32>, vector<64x8xf32>, vector<1000x8xf32> -> vector<1000x8xf32>
    %get3A_54 = arith.constant 0 : index
    %get3A_55 = arith.constant 0 : index
    %get3A_56 = vector.load %arg9[%get3A_54, %get3A_55] : memref<8x7xf32, #tpu.memory_space<vmem>>, vector<8x7xf32>
    %dot_general3A_57 = arith.constant dense<0.000000e+00> : vector<1000x7xf32>
    %dot_general3A_58 = tpu.matmul %dot_general3A_53, %get3A_56, %dot_general3A_57 {dimension_numbers = #tpu.dot_dimension_numbers<[1], [0], [0], [1], [0, 0, 1, 1], [], []>, transpose_lhs_hint = false} : vector<1000x8xf32>, vector<8x7xf32>, vector<1000x7xf32> -> vector<1000x7xf32>
    %get3A_59 = arith.constant 0 : index
    %get3A_60 = arith.constant 0 : index
    %get3A_61 = vector.load %arg10[%get3A_59, %get3A_60] : memref<7x1xf32, #tpu.memory_space<vmem>>, vector<7x1xf32>
    %dot_general3A_62 = arith.constant dense<0.000000e+00> : vector<1000x1xf32>
    %dot_general3A_63 = tpu.matmul %dot_general3A_58, %get3A_61, %dot_general3A_62 {dimension_numbers = #tpu.dot_dimension_numbers<[1], [0], [0], [1], [0, 0, 1, 1], [], []>, transpose_lhs_hint = false} : vector<1000x7xf32>, vector<7x1xf32>, vector<1000x1xf32> -> vector<1000x1xf32>
    %get3A_64 = arith.constant 0 : index
    %get3A_65 = arith.constant 0 : index
    %get3A_66 = vector.load %arg11[%get3A_64, %get3A_65] : memref<7x1xf32, #tpu.memory_space<vmem>>, vector<7x1xf32>
    %dot_general3A_67 = arith.constant dense<0.000000e+00> : vector<1000x1xf32>
    %dot_general3A_68 = tpu.matmul %dot_general3A_58, %get3A_66, %dot_general3A_67 {dimension_numbers = #tpu.dot_dimension_numbers<[1], [0], [0], [1], [0, 0, 1, 1], [], []>, transpose_lhs_hint = false} : vector<1000x7xf32>, vector<7x1xf32>, vector<1000x1xf32> -> vector<1000x1xf32>
    %broadcast_in_dim3A_69 = arith.constant 1.000000e+00 : f32
    %broadcast_in_dim3A_70 = vector.broadcast %broadcast_in_dim3A_69 : f32 to vector<1000x1xf32>
    %broadcast_in_dim3A_71 = vector.shape_cast %dot_general3A_63 : vector<1000x1xf32> to vector<1000x1xf32>
    %broadcast_in_dim3A_72 = vector.broadcast %broadcast_in_dim3A_71 : vector<1000x1xf32> to vector<1000x8xf32>
    %concatenate3A_73 = tpu.concatenate %dot_general3A_58, %broadcast_in_dim3A_70, %broadcast_in_dim3A_72 in 1 : vector<1000x7xf32>, vector<1000x1xf32>, vector<1000x8xf32> -> vector<1000x16xf32>
    %swap3A = arith.constant 0 : index
    %swap3A_74 = arith.constant 0 : index
    %swap3A_75 = vector.load %arg12[%swap3A, %swap3A_74] : memref<1000x16xf32, #tpu.memory_space<vmem>>, vector<1000x16xf32>
    tpu.vector_store %arg12[%swap3A, %swap3A_74], %concatenate3A_73 {strides = array<i32>} : memref<1000x16xf32, #tpu.memory_space<vmem>>, vector<1000x16xf32>,
    %broadcast_in_dim3A_76 = arith.constant 0.000000e+00 : f32
    %broadcast_in_dim3A_77 = vector.broadcast %broadcast_in_dim3A_76 : f32 to vector<1000x8xf32>
    %broadcast_in_dim3A_78 = vector.shape_cast %dot_general3A_68 : vector<1000x1xf32> to vector<1000x1xf32>
    %broadcast_in_dim3A_79 = vector.broadcast %broadcast_in_dim3A_78 : vector<1000x1xf32> to vector<1000x8xf32>
    %concatenate3A_80 = tpu.concatenate %broadcast_in_dim3A_77, %broadcast_in_dim3A_79 in 1 : vector<1000x8xf32>, vector<1000x8xf32> -> vector<1000x16xf32>
    %swap3A_81 = arith.constant 0 : index
    %swap3A_82 = arith.constant 0 : index
    %swap3A_83 = vector.load %arg13[%swap3A_81, %swap3A_82] : memref<1000x16xf32, #tpu.memory_space<vmem>>, vector<1000x16xf32>
    tpu.vector_store %arg13[%swap3A_81, %swap3A_82], %concatenate3A_80 {strides = array<i32>} : memref<1000x16xf32, #tpu.memory_space<vmem>>, vector<1000x16xf32>,
    return
  }
  func.func @transform_0(%arg0: i32) -> (i32, i32, i32) {
    %c0_i32 = arith.constant 0 : i32
    %c0_i32_0 = arith.constant 0 : i32
    %c0_i32_1 = arith.constant 0 : i32
    return %c0_i32, %arg0, %c0_i32_0 : i32, i32, i32
  }
  func.func @transform_1(%arg0: i32) -> (i32, i32) {
    %c0_i32 = arith.constant 0 : i32
    %c0_i32_0 = arith.constant 0 : i32
    %c0_i32_1 = arith.constant 0 : i32
    return %c0_i32, %c0_i32_0 : i32, i32
  }
  func.func @transform_2(%arg0: i32) -> (i32, i32) {
    %c0_i32 = arith.constant 0 : i32
    %c0_i32_0 = arith.constant 0 : i32
    %c0_i32_1 = arith.constant 0 : i32
    return %c0_i32, %c0_i32_0 : i32, i32
  }
  func.func @transform_3(%arg0: i32) -> (i32, i32) {
    %c0_i32 = arith.constant 0 : i32
    %c0_i32_0 = arith.constant 0 : i32
    %c0_i32_1 = arith.constant 0 : i32
    return %c0_i32, %c0_i32_0 : i32, i32
  }
  func.func @transform_4(%arg0: i32) -> (i32, i32) {
    %c0_i32 = arith.constant 0 : i32
    %c0_i32_0 = arith.constant 0 : i32
    %c0_i32_1 = arith.constant 0 : i32
    return %c0_i32, %c0_i32_0 : i32, i32
  }
  func.func @transform_5(%arg0: i32) -> (i32, i32) {
    %c0_i32 = arith.constant 0 : i32
    %c0_i32_0 = arith.constant 0 : i32
    %c0_i32_1 = arith.constant 0 : i32
    return %c0_i32, %c0_i32_0 : i32, i32
  }
  func.func @transform_6(%arg0: i32) -> (i32, i32) {
    %c0_i32 = arith.constant 0 : i32
    %c0_i32_0 = arith.constant 0 : i32
    %c0_i32_1 = arith.constant 0 : i32
    return %c0_i32, %c0_i32_0 : i32, i32
  }
  func.func @transform_7(%arg0: i32) -> (i32, i32) {
    %c0_i32 = arith.constant 0 : i32
    %c0_i32_0 = arith.constant 0 : i32
    %c0_i32_1 = arith.constant 0 : i32
    return %c0_i32, %c0_i32_0 : i32, i32
  }
  func.func @transform_8(%arg0: i32) -> (i32, i32) {
    %c0_i32 = arith.constant 0 : i32
    %c0_i32_0 = arith.constant 0 : i32
    %c0_i32_1 = arith.constant 0 : i32
    return %c0_i32, %c0_i32_0 : i32, i32
  }
  func.func @transform_9(%arg0: i32) -> (i32, i32) {
    %c0_i32 = arith.constant 0 : i32
    %c0_i32_0 = arith.constant 0 : i32
    %c0_i32_1 = arith.constant 0 : i32
    return %c0_i32, %c0_i32_0 : i32, i32
  }
  func.func @transform_10(%arg0: i32) -> (i32, i32) {
    %c0_i32 = arith.constant 0 : i32
    %c0_i32_0 = arith.constant 0 : i32
    %c0_i32_1 = arith.constant 0 : i32
    return %c0_i32, %c0_i32_0 : i32, i32
  }
  func.func @transform_11(%arg0: i32) -> (i32, i32) {
    %c0_i32 = arith.constant 0 : i32
    %c0_i32_0 = arith.constant 0 : i32
    return %arg0, %c0_i32 : i32, i32
  }
  func.func @transform_12(%arg0: i32) -> (i32, i32) {
    %c0_i32 = arith.constant 0 : i32
    %c0_i32_0 = arith.constant 0 : i32
    return %arg0, %c0_i32 : i32, i32
  }
}

module attributes {stable_mosaic.version = 14 : i64} {
  func.func @_fin_body(%arg0: i32, %arg1: memref<2x1000x16xf32, #tpu.memory_space<vmem>>, %arg2: memref<1x7xf32, #tpu.memory_space<vmem>>, %arg3: memref<1000x7xf32, #tpu.memory_space<vmem>>) attributes {dimension_semantics = [#tpu.dimension_semantics<arbitrary>], iteration_bounds = array<i64: 50>, scalar_prefetch = 0 : i64, scratch_operands = 0 : i64, tpu.core_type = #tpu.core_type<tc>, window_params = [{transform_indices = @transform_0, window_bounds = array<i64: 2, 1000, 16>}, {pipeline_mode = #tpu.pipeline_mode<synchronous>, transform_indices = @transform_1, window_bounds = array<i64: 1, 7>}, {transform_indices = @transform_2, window_bounds = array<i64: 1000, 7>}]} {
    %get3A = arith.constant 0 : index
    %get3A_0 = arith.constant 0 : index
    %get3A_1 = arith.constant 0 : index
    %get3A_2 = vector.load %arg1[%get3A, %get3A_0, %get3A_1] : memref<2x1000x16xf32, #tpu.memory_space<vmem>>, vector<2x1000x16xf32>
    %slice3A = vector.extract_strided_slice %get3A_2 {offsets = [0, 0, 0], sizes = [1, 1000, 16], strides = [1, 1, 1]} : vector<2x1000x16xf32> to vector<1x1000x16xf32>
    %squeeze3A = vector.shape_cast %slice3A : vector<1x1000x16xf32> to vector<1000x16xf32>
    %get3A_3 = arith.constant 0 : index
    %get3A_4 = arith.constant 0 : index
    %get3A_5 = arith.constant 0 : index
    %get3A_6 = vector.load %arg1[%get3A_3, %get3A_4, %get3A_5] : memref<2x1000x16xf32, #tpu.memory_space<vmem>>, vector<2x1000x16xf32>
    %slice3A_7 = vector.extract_strided_slice %get3A_6 {offsets = [1, 0, 0], sizes = [1, 1000, 16], strides = [1, 1, 1]} : vector<2x1000x16xf32> to vector<1x1000x16xf32>
    %squeeze3A_8 = vector.shape_cast %slice3A_7 : vector<1x1000x16xf32> to vector<1000x16xf32>
    %add3A = arith.addf %squeeze3A, %squeeze3A_8 : vector<1000x16xf32>
    %slice3A_9 = vector.extract_strided_slice %add3A {offsets = [0, 0], sizes = [1000, 7], strides = [1, 1]} : vector<1000x16xf32> to vector<1000x7xf32>
    %slice3A_10 = vector.extract_strided_slice %add3A {offsets = [0, 7], sizes = [1000, 1], strides = [1, 1]} : vector<1000x16xf32> to vector<1000x1xf32>
    %max3A = arith.constant 9.99999971E-10 : f32
    %max3A_11 = vector.broadcast %max3A : f32 to vector<1000x1xf32>
    %max3A_12 = arith.maximumf %slice3A_10, %max3A_11 : vector<1000x1xf32>
    %div3A = vector.broadcast %max3A_12 : vector<1000x1xf32> to vector<1000x7xf32>
    %div3A_13 = arith.divf %slice3A_9, %div3A : vector<1000x7xf32>
    %get3A_14 = arith.constant 0 : index
    %get3A_15 = arith.constant 0 : index
    %get3A_16 = vector.load %arg2[%get3A_14, %get3A_15] : memref<1x7xf32, #tpu.memory_space<vmem>>, vector<1x7xf32>
    %add3A_17 = vector.broadcast %get3A_16 : vector<1x7xf32> to vector<1000x7xf32>
    %add3A_18 = arith.addf %div3A_13, %add3A_17 : vector<1000x7xf32>
    %swap3A = arith.constant 0 : index
    %swap3A_19 = arith.constant 0 : index
    %swap3A_20 = vector.load %arg3[%swap3A, %swap3A_19] : memref<1000x7xf32, #tpu.memory_space<vmem>>, vector<1000x7xf32>
    tpu.vector_store %arg3[%swap3A, %swap3A_19], %add3A_18 {strides = array<i32>} : memref<1000x7xf32, #tpu.memory_space<vmem>>, vector<1000x7xf32>,
    return
  }
  func.func @transform_0(%arg0: i32) -> (i32, i32, i32) {
    %c0_i32 = arith.constant 0 : i32
    %c0_i32_0 = arith.constant 0 : i32
    %c0_i32_1 = arith.constant 0 : i32
    return %c0_i32, %arg0, %c0_i32_0 : i32, i32, i32
  }
  func.func @transform_1(%arg0: i32) -> (i32, i32) {
    %c0_i32 = arith.constant 0 : i32
    %c0_i32_0 = arith.constant 0 : i32
    %c0_i32_1 = arith.constant 0 : i32
    return %c0_i32, %c0_i32_0 : i32, i32
  }
  func.func @transform_2(%arg0: i32) -> (i32, i32) {
    %c0_i32 = arith.constant 0 : i32
    %c0_i32_0 = arith.constant 0 : i32
    return %arg0, %c0_i32 : i32, i32
  }
}

</mosaic_0001>

<sc_bundles>
// kernel: kernel.10.cloned.1.call-start
scs
__scs_entry_jumppad:
0x0: {  	(pc) =	sbr.rel $0x88, $3  }
0x1: {  	(tag) =	ssettag $0x0;
	lr =	simm.s32 $0x1  }
0x2: {  	[smem:$0x3F94] =	sst lr;
	_ =	strace $0xD0000000  }
0x3: {  	_ = 	snop  }
0x4: {  	_ = 	snop  }
0x5: {  	_ = 	snop  }
0x6: {  	_ = 	snop  }
0x7: {  	_ = 	snop  }
__scs_overlays_trampoline_lowered:
0x8: {  	[smem:$0x3FA3] =	sst s0  }
0x9: {  	[smem:$0x3FA4] =	sst s1  }
0xa: {  	[smem:$0x3FA5] =	sst s2  }
0xb: {  	[smem:$0x3FA6] =	sst s3  }
0xc: {  	[smem:$0x3FA7] =	sst s4  }
0xd: {  	[smem:$0x3FA8] =	sst s5  }
0xe: {  	[smem:$0x3FA9] =	sst s6  }
0xf: {  	[smem:$0x3FAA] =	sst s7  }
0x10: {  	[smem:$0x3FAB] =	sst s8  }
0x11: {  	[smem:$0x3FAC] =	sst s9;
	s0 =	simm.s32 @!p0 $0x0  }
0x12: {  	s1 =	sld [smem:$0x3F92];
	s0 =	simm.s32 @p0 $0x1  }
0x13: {  	[smem:$0x3FAD] =	sst s0;
	s0 =	simm.s32 @!p1 $0x0  }
0x14: {  	s2 =	sld [smem:$0x3F91];
	s0 =	simm.s32 @p1 $0x1  }
0x15: {  	[smem:$0x3FAE] =	sst s0;
	s0 =	simm.s32 @!p2 $0x0  }
0x16: {  	s3 =	sld [smem:$0x3FDB];
	s0 =	simm.s32 @p2 $0x1  }
0x17: {  	s4 =	simm.s32 $0x1BF5;
	[smem:$0x3FB0] =	sst s0  }
0x18: {  	s0 =	sld [smem:$0x3F93];
	_ =	swait.ge [sflag:s4], $0x0  }
0x19: {  	s7 =	sld [smem:$0x3F94]  }
0x1a: {  	s8 =	sadd.s32 $0xFFFFE003, lr  }
0x1b: {  	s9 =	sadd.s32 $0xFFFFFEF7, lr;
	s5 =	simm.s32 $0xFFFFFFFF;
	p2 =	slt.u32 s8, $0xFFFFF086  }
0x1c: {  	p1 =	slt.u32 s9, $0xF7A;
	s5 =	simm.s32 @!p2 $0x0  }
0x1d: {  	s5 =	simm.s32 @p1 $0x1;
	p0 =	seq.s32 s7, s2  }
0x1e: {  	s7 =	smul.u32 @!p0 $0xF7A, s2;
	p2 =	seq.s32 @!p0 s5, $0x0  }
0x1f: {  	s9 =	smul.u32 $0xF7A, s1;
	s8 =	simm.s32 @!p0 $0x1BF5;
	p2 =	por !p2, p0  }
0x20: {  	[sflag:s8] =	ssyncset.s32 @!p0 $0xFFFFF086;
	s6 =	sadd.s32 @!p0 s3, s7;
	s7 =	simm.s32 @!p0 $0x108  }
0x21: {  	s3 =	sadd.s32 s3, s9;
	s6 =	sadd.s32 @!p0 $0x88, s6;
	s7 =	simm.s32 @p2 $0x1082  }
0x22: {  	[simem:s7], [sflag:s8] =	dma.local @!p0 [hbm:s6], $0xF7A  }
0x23: {  	s9 =	sor.u32 $0xD0000000, s2;
	s6 =	simm.s32 $0x108;
	_ =	swait.ge @!p0 [sflag:s8], $0x0  }
0x24: {  	s3 =	sadd.s32 $0x88, s3;
	s6 =	simm.s32 @!p1 $0x1082;
	[sflag:s4] =	ssyncset.s32 $0xFFFFF086  }
0x25: {  	[simem:s6], [sflag:s4] =	dma.local [hbm:s3], $0xF7A  }
0x26: {  	[smem:$0x3F94] =	sst s1;
	(tag) =	ssettag s2;
	_ =	strace s9  }
0x27: {  	s1 =	sld [smem:$0x3FA4]  }
0x28: {  	s2 =	sld [smem:$0x3FA5]  }
0x29: {  	s4 =	sld [smem:$0x3FA7]  }
0x2a: {  	p0 =	seq.s32 s5, $0x0;
	s5 =	sld [smem:$0x3FA8]  }
0x2b: {  	s6 =	sld [smem:$0x3FA9]  }
0x2c: {  	s7 =	sld [smem:$0x3FAA]  }
0x2d: {  	s3 =	simm.s32 $0x108;
	s8 =	sld [smem:$0x3FAB]  }
0x2e: {  	s3 =	simm.s32 @!p0 $0x1082;
	s9 =	sld [smem:$0x3FAC]  }
0x2f: {  	lr =	sadd.s32 s0, s3;
	s0 =	sld [smem:$0x3FA3]  }
0x30: {  	s3 =	sld [smem:$0x3FA6]  }
0x31: {  	[smem:$0x3FAF] =	sst s10  }
0x32: {  	s10 =	sld [smem:$0x3FAD];
	_ =	sdelay $0x3  }
0x33: {  	p0 =	seq.s32 s10, $0x1;
	s10 =	sld [smem:$0x3FAF];
	_ =	sdelay $0x3  }
0x34: {  	[smem:$0x3FAF] =	sst s10  }
0x35: {  	s10 =	sld [smem:$0x3FAE];
	_ =	sdelay $0x3  }
0x36: {  	p1 =	seq.s32 s10, $0x1;
	s10 =	sld [smem:$0x3FAF];
	_ =	sdelay $0x3  }
0x37: {  	[smem:$0x3FAF] =	sst s10  }
0x38: {  	s10 =	sld [smem:$0x3FB0]  }
0x39: {  	_ = 	snop;
	(pc) =	sbr.ind lr, $3  }
0x3a: {  	_ = 	snop  }
0x3b: {  	_ = 	snop  }
0x3c: {  	p2 =	seq.s32 s10, $0x1;
	s10 =	sld [smem:$0x3FAF]  }
0x3d: {  	_ =	shalt  }
0x3e: {  	_ =	shalt  }
0x3f: {  	_ =	shalt  }
0x40: {  	_ =	shalt  }
0x41: {  	_ =	shalt  }
0x42: {  	_ =	shalt  }
0x43: {  	_ =	shalt  }
0x44: {  	_ =	shalt  }
0x45: {  	_ =	shalt  }
0x46: {  	_ =	shalt  }
0x47: {  	_ =	shalt  }
0x48: {  	_ =	shalt  }
0x49: {  	_ =	shalt  }
0x4a: {  	_ =	shalt  }
0x4b: {  	_ =	shalt  }
0x4c: {  	_ =	shalt  }
0x4d: {  	_ =	shalt  }
0x4e: {  	_ =	shalt  }
0x4f: {  	_ =	shalt  }
0x50: {  	_ =	shalt  }
0x51: {  	_ =	shalt  }
0x52: {  	_ =	shalt  }
0x53: {  	_ =	shalt  }
0x54: {  	_ =	shalt  }
0x55: {  	_ =	shalt  }
0x56: {  	_ =	shalt  }
0x57: {  	_ =	shalt  }
0x58: {  	_ =	shalt  }
0x59: {  	_ =	shalt  }
0x5a: {  	_ =	shalt  }
0x5b: {  	_ =	shalt  }
0x5c: {  	_ =	shalt  }
0x5d: {  	_ =	shalt  }
0x5e: {  	_ =	shalt  }
0x5f: {  	_ =	shalt  }
0x60: {  	_ =	shalt  }
0x61: {  	_ =	shalt  }
0x62: {  	_ =	shalt  }
0x63: {  	_ =	shalt  }
0x64: {  	_ =	shalt  }
0x65: {  	_ =	shalt  }
0x66: {  	_ =	shalt  }
0x67: {  	_ =	shalt  }
0x68: {  	_ =	shalt  }
0x69: {  	_ =	shalt  }
0x6a: {  	_ =	shalt  }
0x6b: {  	_ =	shalt  }
0x6c: {  	_ =	shalt  }
0x6d: {  	_ =	shalt  }
0x6e: {  	_ =	shalt  }
0x6f: {  	_ =	shalt  }
0x70: {  	_ =	shalt  }
0x71: {  	_ =	shalt  }
0x72: {  	_ =	shalt  }
0x73: {  	_ =	shalt  }
0x74: {  	_ =	shalt  }
0x75: {  	_ =	shalt  }
0x76: {  	_ =	shalt  }
0x77: {  	_ =	shalt  }
0x78: {  	_ =	shalt  }
0x79: {  	_ =	shalt  }
0x7a: {  	_ =	shalt  }
0x7b: {  	_ =	shalt  }
0x7c: {  	_ =	shalt  }
0x7d: {  	_ =	shalt  }
0x7e: {  	_ =	shalt  }
0x7f: {  	_ =	shalt  }
0x80: {  	_ =	shalt  }
0x81: {  	_ =	shalt  }
0x82: {  	_ =	shalt  }
0x83: {  	_ =	shalt  }
0x84: {  	_ =	shalt  }
0x85: {  	_ =	shalt  }
0x86: {  	_ =	shalt  }
0x87: {  	_ =	shalt  }
.Lfunc_end0:
.L_simem_size_0:
called_computation.1_lowered:
.L_overlay_start_0:
0x88: {  	s2 =	sld [smem:$0x3FD9]  }
0x89: {  	s3 =	sld [smem:$0x3FFE];
	_ =	sdelay $0x1  }
0x8a: {  	s1 =	srdreg.scid  }
0x8b: {  	s0 =	sand.u32 $0x1, s1  }
0x8c: {  	s16 =	sshll.u32 s0, $0xA;
	s2 =	sadd.s32 s3, s2  }
0x8d: {  	s2 =	sadd.s32 s2, s16  }
0x8e: {  	[smem:$0x3FBB] =	sst s2  }
0x8f: {  	_ = 	snop  }
0x90: {  	(tm) =	ssettm $0x1  }
0x91: {  	s17 =	sld [smem:$0x3FFB];
	_ =	sdelay $0x3  }
0x92: {  	_ =	strace s17  }
0x93: {  	s2 =	sld [smem:$0x3FFC];
	_ =	sdelay $0x3  }
0x94: {  	_ =	strace s2  }
0x95: {  	s2 =	sld [smem:$0x3FFD];
	_ =	sdelay $0x3  }
0x96: {  	_ =	strace s2  }
0x97: {  	_ =	strace $0x8FFFFFFF  }
0x98: {  	s18 =	sld [smem:$0x3FDB];
	_ =	sdelay $0x1  }
0x99: {  	s19 =	simm.s32 $_scs_section_size  }
0x9a: {  	s4 =	simm.s32 $_size__tile_overlayer_lowered;
	s5 =	simm.s32 $_tile_overlayer_lowered  }
0x9b: {  	s22 =	simm.s32 $0x1BFF;
	s21 =	sshll.u32 s5, $0x1;
	s2 =	sadd.s32 s19, s18  }
0x9c: {  	s6 =	simm.s32 $0x0;
	s20 =	sshll.u32 s4, $0x1;
	s4 =	sadd.s32 s21, s2  }
0x9d: {  	[timem:s6], [sflag:s22] =	dma.local [hbm:s4], s20  }
0x9e: {  	_ =	swait.ge [sflag:s22], s20  }
0x9f: {  	s3 =	ssub.s32 $0x0, s20;
	[sflag:s22] =	ssyncset.done $0x0  }
0xa0: {  	[sflag:s22] =	ssyncadd.s32 s3;
	_ =	sdelay $0x1  }
0xa1: {  	s23 =	simm.s32 $0x1B8B  }
0xa2: {  	_ =	swait.ge [sflag:s23], $0x1  }
0xa3: {  	[sflag:s23] =	ssyncset.done $0x0  }
0xa4: {  	s25 =	simm.s32 $0x1B8E;
	s24 =	sld [smem:$0x3FFE];
	[sflag:s23] =	ssyncadd.s32 $0xFFFFFFFF  }
0xa5: {  	s26 =	simm.s32 $execute0_lowered;
	[smem:$0x3FD2] =	sst s25  }
0xa6: {  	s4 =	sshll.u32 s26, $0x1;
	_ =	strace $0x80000049;
	[dreg:$0x1] =	wrdreg $0xFFFFFFFF  }
0xa7: {  	s28 =	simm.s32 $_size_execute0_lowered;
	s2 =	sadd.s32 s2, s4;
	[dreg:$0x0] =	wrdreg $0x0  }
0xa8: {  	s4 =	sshll.u32 s28, $0x1;
	[dreg:$0x2] =	wrdreg s2  }
0xa9: {  	[dreg:$0x3] =	wrdreg s4  }
0xaa: {  	[dreg:$0x4] =	wrdreg $0xC0  }
0xab: {  	_ =	task [dreg:s6], $0x5FFFF  }
0xac: {  	[dreg:$0x1] =	wrdreg $0xFFFFFFFF  }
0xad: {  	[dreg:$0x0] =	wrdreg $0x60  }
0xae: {  	[dreg:$0x2] =	wrdreg s24  }
0xaf: {  	[dreg:$0x3] =	wrdreg $0x0  }
0xb0: {  	[dreg:$0x4] =	wrdreg $0x9  }
0xb1: {  	_ =	task.clear_ibuf [dreg:s6], $0x5FFFF;
	_ =	strace $0x90000049  }
0xb2: {  	s29 =	simm.s32 $0x9;
	_ =	strace $0x8000004B  }
0xb3: {  	_ =	swait.ge [sflag:s29], $0x1  }
0xb4: {  	[sflag:s29] =	ssyncadd.s32 $0xFFFFFFFF  }
0xb5: {  	_ =	strace $0x9000004B  }
0xb6: {  	_ =	sfence  }
0xb7: {  	s30 =	sld [smem:$0x0];
	_ =	sdelay $0x2  }
0xb8: {  	s31 =	sshll.u32 s1, $0xD;
	s1 =	sshrl.u32 s1, $0x2  }
0xb9: {  	s3 =	sand.u32 $0x4000, s31;
	s1 =	sadd.s32 s1, s30  }
0xba: {  	s0 =	sor.u32 s3, s0;
	s1 =	sshll.u32 s1, $0x11  }
0xbb: {  	s0 =	sor.u32 s1, s0  }
0xbc: {  	s0 =	sadd.s32 $0x8F2B, s0  }
0xbd: {  	[sflag:s0] =	ssyncadd.remote.s32 $0x1  }
0xbe: {  	_ =	sfence.sel $0xFFFF  }
0xbf: {  	[dreg:$0x0] =	wrdreg $0xFFFFFFFF;
	(pc) =	sbr.abs _section_cstart, $3  }
0xc0: {  	[dreg:$0x1] =	wrdreg $0xFFFFFFFF  }
0xc1: {  	_ =	task.clear_ibuf [dreg:s6], $0x2FFFF;
	_ =	strace $0x9FFFFFFF  }
0xc2: {  	(tm) =	ssettm $0x7FFFFFFF  }
0xc3: {  	_ =	shalt  }
tec
execute0_lowered:
.L_overlay_start_1:
0x0: {  	(tag) =	ssettag $0x1  }
0x1: {  	s0 =	rddreg [dreg:$0x0]  }
0x2: {  	s1 =	rddreg [dreg:$0x1]  }
0x3: {  	s3 =	srdreg.scid;
	s12 =	stileid.u32  }
0x4: {  	s2 =	simm.s32 $0x0;
	s3 =	sand.u32 $0x1, s3;
	s11 =	smul.u32 $0x31000, s12  }
0x5: {  	[smem:$0x7FF] =	sst s2;
	s8 =	smul.u32 $0xC4000, s3  }
0x6: {  	s10 =	sshll.u32 s3, $0x4;
	s3 =	ssub.s32 $0x2, s3;
	s11 =	sshrl.u32 s11, $0x2  }
0x7: {  	_ =	strace $0x8000004A;
	s15 =	sshrl.u32 s3, $0x1;
	s11 =	sadd.s32 s11, s1  }
0x8: {  	s3 =	ssub.s32 s3, s15;
	s16 =	sadd.s32 $0xC000, s11;
	[dreg:$0x3] =	wrdreg s11  }
0x9: {  	s3 =	smax.u32 s3, $0x1;
	[dreg:$0x4] =	wrdreg s16  }
0xa: {  	s22 =	sadd.s32 $0x800, s11;
	[dreg:$0xa] =	wrdreg s3  }
0xb: {  	s23 =	sadd.s32 $0x1000, s11;
	[dreg:$0xb] =	wrdreg s22  }
0xc: {  	s24 =	sadd.s32 $0x1800, s11;
	[dreg:$0xc] =	wrdreg s23  }
0xd: {  	s9 =	smul.u32 $0xC400, s12;
	s25 =	sadd.s32 $0x2000, s11;
	[dreg:$0xd] =	wrdreg s24  }
0xe: {  	s10 =	sor.u32 s12, s10;
	s26 =	sadd.s32 $0x2800, s11;
	[dreg:$0xe] =	wrdreg s25  }
0xf: {  	s21 =	sadd.s32 s9, s1;
	s28 =	sadd.s32 $0x3000, s11;
	[dreg:$0xf] =	wrdreg s26  }
0x10: {  	s8 =	sadd.s32 s9, s8;
	s9 =	sadd.s32 $0x4000, s11;
	[dreg:$0x10] =	wrdreg s28  }
0x11: {  	s13 =	smul.u32 $0xC80, s10;
	s12 =	sadd.s32 $0x4800, s11;
	[dreg:$0x13] =	wrdreg s9  }
0x12: {  	s4 =	sadd.s32 $0x141200, s0;
	s14 =	sadd.s32 $0x5800, s11;
	[dreg:$0x14] =	wrdreg s12  }
0x13: {  	s5 =	sadd.s32 $0x128200, s0;
	s18 =	sadd.s32 s4, s13;
	[dreg:$0x16] =	wrdreg s14  }
0x14: {  	s29 =	simm.s32 $0xC480;
	s19 =	sadd.s32 s5, s13;
	[dreg:$0x5] =	wrdreg s18  }
0x15: {  	s17 =	sor.u32 $0x10, s13;
	s13 =	sadd.s32 $0x5000, s11;
	[dreg:$0x6] =	wrdreg s19  }
0x16: {  	s30 =	simm.s32 $0xC580;
	s16 =	sadd.s32 $0x6000, s11;
	[dreg:$0x15] =	wrdreg s13  }
0x17: {  	s31 =	simm.s32 $0x2;
	s22 =	sadd.s32 $0x9000, s11;
	[dreg:$0x17] =	wrdreg s16  }
0x18: {  	s6 =	sadd.s32 $0xDEA00, s0;
	s23 =	sadd.s32 $0x9800, s11;
	[dreg:$0x1d] =	wrdreg s22  }
0x19: {  	s7 =	sadd.s32 $0xC6200, s0;
	s24 =	sadd.s32 $0xA000, s11;
	[dreg:$0x1e] =	wrdreg s23  }
0x1a: {  	s10 =	smul.u32 $0xC8, s10;
	s25 =	sadd.s32 $0xA800, s11;
	[dreg:$0x1f] =	wrdreg s24  }
0x1b: {  	s8 =	sshrl.u32 s8, $0x3;
	s26 =	sadd.s32 $0xB000, s11;
	[smem:$0x7FB] =	sst s25  }
0x1c: {  	s0 =	sadd.s32 s8, s0;
	s28 =	sadd.s32 $0xB800, s11;
	[smem:$0x7FC] =	sst s26  }
0x1d: {  	s15 =	sor.u32 $0x1, s10;
	s20 =	sadd.s32 s4, s17;
	[smem:$0x7FD] =	sst s28  }
0x1e: {  	s3 =	simm.s32 $0xD200;
	s8 =	sadd.s32 s5, s17;
	[dreg:$0x7] =	wrdreg s20  }
0x1f: {  	s9 =	simm.s32 $0xC780;
	s0 =	sadd.s32 $0x2C00, s0;
	[dreg:$0x8] =	wrdreg s8  }
0x20: {  	s12 =	simm.s32 $0x3;
	s17 =	sadd.s32 $0x6800, s11;
	[dreg:$0x9] =	wrdreg s0  }
0x21: {  	s14 =	simm.s32 $0x4;
	s18 =	sadd.s32 $0x7000, s11;
	[dreg:$0x18] =	wrdreg s17  }
0x22: {  	s19 =	sadd.s32 $0x7800, s11;
	s22 =	simm.s32 $0x1;
	[dreg:$0x19] =	wrdreg s18  }
0x23: {  	s23 =	simm.s32 $0x80;
	s8 =	sadd.s32 $0x3800, s11;
	[dreg:$0x1a] =	wrdreg s19  }
0x24: {  	s13 =	simm.s32 $0xC900;
	s0 =	sshrl.u32 s21, $0x3;
	[dreg:$0x11] =	wrdreg s8  }
0x25: {  	s16 =	simm.s32 $0xC980;
	s20 =	sadd.s32 $0x8000, s11;
	[dreg:$0x12] =	wrdreg s0  }
0x26: {  	s21 =	sadd.s32 $0x8800, s11;
	s11 =	simm.s32 $0xE200;
	[dreg:$0x1b] =	wrdreg s20  }
0x27: {  	s17 =	simm.s32 $0xF200;
	s18 =	simm.s32 $0x0;
	[dreg:$0x1c] =	wrdreg s21  }
0x28: {  	v0 =	vimm.f32 $0.0e+00;
	s20 =	simm.s32 $0xEA00;
	s21 =	simm.s32 $0x7;
	s0 =	simm.s32 $0xC680  }
.LBB2_1:
0x29: {  	[smem:$0x7FA] =	sst s18;
	s8 =	simm.s32 $0x40;
	s18 =	simm.s32 $0x0  }
.LBB2_2:
0x2a: {  	p0 =	sne.s32 s8, $0x1FC0;
	[tilespmem:s18+$0xEA00] =	vst v0;
	s18 =	smov.u32 s8;
	s8 =	sadd.s32 $0x40, s8  }
.Ltmp0:
0x2b: {  	(pc) =	sbr.rel @p0 .LBB2_2-.Ltmp0, $2  }
0x2c: {  	_ =	sdelay $0x2  }
0x2d: {  	s18 =	sshra.s32 s18, $0x2  }
0x2e: {  	[tilespmem:s18+$0xEA00] =	vst v0;
	s8 =	rddreg [dreg:$0x3]  }
0x2f: {  	[spmem:s8] =	stream.linear.scatter [tilespmem:s20], [sflag:$0x7], $0x800, $0x38;
	[tilespmem:$0xFA00] =	vst v63  }
0x30: {  	_ =	swait.ge [sflag:s21], $0x800  }
0x31: {  	[sflag:s21] =	ssyncset.done $0x0  }
0x32: {  	s26 =	rddreg [dreg:$0xb];
	[sflag:s21] =	ssyncadd.s32 $0xFFFFF800  }
0x33: {  	[spmem:s26] =	stream.linear.scatter [tilespmem:s20], [sflag:$0x7], $0x800, $0x38;
	[tilespmem:$0xFA00] =	vst v63  }
0x34: {  	_ =	swait.ge [sflag:s21], $0x800  }
0x35: {  	[sflag:s21] =	ssyncset.done $0x0  }
0x36: {  	s28 =	rddreg [dreg:$0xc];
	[sflag:s21] =	ssyncadd.s32 $0xFFFFF800  }
0x37: {  	[spmem:s28] =	stream.linear.scatter [tilespmem:s20], [sflag:$0x7], $0x800, $0x38;
	[tilespmem:$0xFA00] =	vst v63  }
0x38: {  	_ =	swait.ge [sflag:s21], $0x800  }
0x39: {  	[sflag:s21] =	ssyncset.done $0x0  }
0x3a: {  	s18 =	rddreg [dreg:$0xd];
	[sflag:s21] =	ssyncadd.s32 $0xFFFFF800  }
0x3b: {  	[spmem:s18] =	stream.linear.scatter [tilespmem:s20], [sflag:$0x7], $0x800, $0x38;
	[tilespmem:$0xFA00] =	vst v63  }
0x3c: {  	_ =	swait.ge [sflag:s21], $0x800  }
0x3d: {  	[sflag:s21] =	ssyncset.done $0x0  }
0x3e: {  	s19 =	rddreg [dreg:$0xe];
	[sflag:s21] =	ssyncadd.s32 $0xFFFFF800  }
0x3f: {  	[spmem:s19] =	stream.linear.scatter [tilespmem:s20], [sflag:$0x7], $0x800, $0x38;
	[tilespmem:$0xFA00] =	vst v63  }
0x40: {  	_ =	swait.ge [sflag:s21], $0x800  }
0x41: {  	[sflag:s21] =	ssyncset.done $0x0  }
0x42: {  	s24 =	rddreg [dreg:$0xf];
	[sflag:s21] =	ssyncadd.s32 $0xFFFFF800  }
0x43: {  	[spmem:s24] =	stream.linear.scatter [tilespmem:s20], [sflag:$0x7], $0x800, $0x38;
	[tilespmem:$0xFA00] =	vst v63  }
0x44: {  	_ =	swait.ge [sflag:s21], $0x800  }
0x45: {  	[sflag:s21] =	ssyncset.done $0x0  }
0x46: {  	s25 =	rddreg [dreg:$0x10];
	[sflag:s21] =	ssyncadd.s32 $0xFFFFF800  }
0x47: {  	[spmem:s25] =	stream.linear.scatter [tilespmem:s20], [sflag:$0x7], $0x800, $0x38;
	[tilespmem:$0xFA00] =	vst v63  }
0x48: {  	_ =	swait.ge [sflag:s21], $0x800  }
0x49: {  	[sflag:s21] =	ssyncset.done $0x0  }
0x4a: {  	s26 =	rddreg [dreg:$0x11];
	[sflag:s21] =	ssyncadd.s32 $0xFFFFF800  }
0x4b: {  	[spmem:s26] =	stream.linear.scatter [tilespmem:s20], [sflag:$0x7], $0x800, $0x38;
	[tilespmem:$0xFA00] =	vst v63  }
0x4c: {  	_ =	swait.ge [sflag:s21], $0x800  }
0x4d: {  	[sflag:s21] =	ssyncset.done $0x0  }
0x4e: {  	s28 =	rddreg [dreg:$0x13];
	[sflag:s21] =	ssyncadd.s32 $0xFFFFF800  }
0x4f: {  	[spmem:s28] =	stream.linear.scatter [tilespmem:s20], [sflag:$0x7], $0x800, $0x38;
	[tilespmem:$0xFA00] =	vst v63  }
0x50: {  	_ =	swait.ge [sflag:s21], $0x800  }
0x51: {  	[sflag:s21] =	ssyncset.done $0x0  }
0x52: {  	s18 =	rddreg [dreg:$0x14];
	[sflag:s21] =	ssyncadd.s32 $0xFFFFF800  }
0x53: {  	[spmem:s18] =	stream.linear.scatter [tilespmem:s20], [sflag:$0x7], $0x800, $0x38;
	[tilespmem:$0xFA00] =	vst v63  }
0x54: {  	_ =	swait.ge [sflag:s21], $0x800  }
0x55: {  	[sflag:s21] =	ssyncset.done $0x0  }
0x56: {  	s19 =	rddreg [dreg:$0x15];
	[sflag:s21] =	ssyncadd.s32 $0xFFFFF800  }
0x57: {  	[spmem:s19] =	stream.linear.scatter [tilespmem:s20], [sflag:$0x7], $0x800, $0x38;
	[tilespmem:$0xFA00] =	vst v63  }
0x58: {  	_ =	swait.ge [sflag:s21], $0x800  }
0x59: {  	[sflag:s21] =	ssyncset.done $0x0  }
0x5a: {  	s24 =	rddreg [dreg:$0x16];
	[sflag:s21] =	ssyncadd.s32 $0xFFFFF800  }
0x5b: {  	[spmem:s24] =	stream.linear.scatter [tilespmem:s20], [sflag:$0x7], $0x800, $0x38;
	[tilespmem:$0xFA00] =	vst v63  }
0x5c: {  	_ =	swait.ge [sflag:s21], $0x800  }
0x5d: {  	[sflag:s21] =	ssyncset.done $0x0  }
0x5e: {  	s25 =	rddreg [dreg:$0x17];
	[sflag:s21] =	ssyncadd.s32 $0xFFFFF800  }
0x5f: {  	[spmem:s25] =	stream.linear.scatter [tilespmem:s20], [sflag:$0x7], $0x800, $0x38;
	[tilespmem:$0xFA00] =	vst v63  }
0x60: {  	_ =	swait.ge [sflag:s21], $0x800  }
0x61: {  	[sflag:s21] =	ssyncset.done $0x0  }
0x62: {  	s26 =	rddreg [dreg:$0x18];
	[sflag:s21] =	ssyncadd.s32 $0xFFFFF800  }
0x63: {  	[spmem:s26] =	stream.linear.scatter [tilespmem:s20], [sflag:$0x7], $0x800, $0x38;
	[tilespmem:$0xFA00] =	vst v63  }
0x64: {  	_ =	swait.ge [sflag:s21], $0x800  }
0x65: {  	[sflag:s21] =	ssyncset.done $0x0  }
0x66: {  	s28 =	rddreg [dreg:$0x19];
	[sflag:s21] =	ssyncadd.s32 $0xFFFFF800  }
0x67: {  	[spmem:s28] =	stream.linear.scatter [tilespmem:s20], [sflag:$0x7], $0x800, $0x38;
	[tilespmem:$0xFA00] =	vst v63  }
0x68: {  	_ =	swait.ge [sflag:s21], $0x800  }
0x69: {  	[sflag:s21] =	ssyncset.done $0x0  }
0x6a: {  	s18 =	rddreg [dreg:$0x1a];
	[sflag:s21] =	ssyncadd.s32 $0xFFFFF800  }
0x6b: {  	[spmem:s18] =	stream.linear.scatter [tilespmem:s20], [sflag:$0x7], $0x800, $0x38;
	[tilespmem:$0xFA00] =	vst v63  }
0x6c: {  	_ =	swait.ge [sflag:s21], $0x800  }
0x6d: {  	[sflag:s21] =	ssyncset.done $0x0  }
0x6e: {  	s19 =	rddreg [dreg:$0x1b];
	[sflag:s21] =	ssyncadd.s32 $0xFFFFF800  }
0x6f: {  	[spmem:s19] =	stream.linear.scatter [tilespmem:s20], [sflag:$0x7], $0x800, $0x38;
	[tilespmem:$0xFA00] =	vst v63  }
0x70: {  	_ =	swait.ge [sflag:s21], $0x800  }
0x71: {  	[sflag:s21] =	ssyncset.done $0x0  }
0x72: {  	s24 =	rddreg [dreg:$0x1c];
	[sflag:s21] =	ssyncadd.s32 $0xFFFFF800  }
0x73: {  	[spmem:s24] =	stream.linear.scatter [tilespmem:s20], [sflag:$0x7], $0x800, $0x38;
	[tilespmem:$0xFA00] =	vst v63  }
0x74: {  	_ =	swait.ge [sflag:s21], $0x800  }
0x75: {  	[sflag:s21] =	ssyncset.done $0x0  }
0x76: {  	s25 =	rddreg [dreg:$0x1d];
	[sflag:s21] =	ssyncadd.s32 $0xFFFFF800  }
0x77: {  	[spmem:s25] =	stream.linear.scatter [tilespmem:s20], [sflag:$0x7], $0x800, $0x38;
	[tilespmem:$0xFA00] =	vst v63  }
0x78: {  	_ =	swait.ge [sflag:s21], $0x800  }
0x79: {  	[sflag:s21] =	ssyncset.done $0x0  }
0x7a: {  	s26 =	rddreg [dreg:$0x1e];
	[sflag:s21] =	ssyncadd.s32 $0xFFFFF800  }
0x7b: {  	[spmem:s26] =	stream.linear.scatter [tilespmem:s20], [sflag:$0x7], $0x800, $0x38;
	[tilespmem:$0xFA00] =	vst v63  }
0x7c: {  	_ =	swait.ge [sflag:s21], $0x800  }
0x7d: {  	[sflag:s21] =	ssyncset.done $0x0  }
0x7e: {  	s28 =	rddreg [dreg:$0x1f];
	[sflag:s21] =	ssyncadd.s32 $0xFFFFF800  }
0x7f: {  	[spmem:s28] =	stream.linear.scatter [tilespmem:s20], [sflag:$0x7], $0x800, $0x38;
	[tilespmem:$0xFA00] =	vst v63  }
0x80: {  	_ =	swait.ge [sflag:s21], $0x800  }
0x81: {  	s18 =	sld [smem:$0x7FB]  }
0x82: {  	[sflag:s21] =	ssyncset.done $0x0  }
0x83: {  	[sflag:s21] =	ssyncadd.s32 $0xFFFFF800  }
0x84: {  	[spmem:s18] =	stream.linear.scatter [tilespmem:s20], [sflag:$0x7], $0x800, $0x38;
	[tilespmem:$0xFA00] =	vst v63  }
0x85: {  	_ =	swait.ge [sflag:s21], $0x800  }
0x86: {  	s19 =	sld [smem:$0x7FC]  }
0x87: {  	[sflag:s21] =	ssyncset.done $0x0  }
0x88: {  	[sflag:s21] =	ssyncadd.s32 $0xFFFFF800  }
0x89: {  	[spmem:s19] =	stream.linear.scatter [tilespmem:s20], [sflag:$0x7], $0x800, $0x38;
	[tilespmem:$0xFA00] =	vst v63  }
0x8a: {  	_ =	swait.ge [sflag:s21], $0x800  }
0x8b: {  	s24 =	sld [smem:$0x7FD]  }
0x8c: {  	[sflag:s21] =	ssyncset.done $0x0  }
0x8d: {  	[sflag:s21] =	ssyncadd.s32 $0xFFFFF800  }
0x8e: {  	[spmem:s24] =	stream.linear.scatter [tilespmem:s20], [sflag:$0x7], $0x800, $0x38;
	[tilespmem:$0xFA00] =	vst v63  }
0x8f: {  	_ =	swait.ge [sflag:s21], $0x800  }
0x90: {  	[sflag:s21] =	ssyncset.done $0x0  }
0x91: {  	s25 =	rddreg [dreg:$0x4];
	[sflag:s21] =	ssyncadd.s32 $0xFFFFF800  }
0x92: {  	[spmem:s25] =	stream.linear.scatter [tilespmem:s20], [sflag:$0x7], $0x400, $0x38;
	[tilespmem:$0xFA00] =	vst v63  }
0x93: {  	_ =	swait.ge [sflag:s21], $0x400  }
0x94: {  	[sflag:s21] =	ssyncset.done $0x0  }
0x95: {  	[sflag:s21] =	ssyncadd.s32 $0xFFFFFC00  }
0x96: {  	[bflag:$0x0] =	sbarrier.arrive $0xFFFF  }
0x97: {  	s28 =	simm.s32 $0xC400;
	s19 =	simm.s32 $0x0;
	s26 =	rddreg [dreg:$0x5]  }
0x98: {  	[tilespmem:s28], [sflag:$0x1] =	stream.linear.gather [hbm4b:s26+s19], $0x80, $0x38;
	[tilespmem:$0xFA00] =	vst v63  }
0x99: {  	s25 =	simm.s32 $0xC500;
	s24 =	rddreg [dreg:$0x6]  }
0x9a: {  	[tilespmem:s25], [sflag:$0x1] =	stream.linear.gather [hbm4b:s24+s19], $0x80, $0x38;
	[tilespmem:$0xFA00] =	vst v63  }
0x9b: {  	_ =	swait.ge [sflag:s22], $0x80  }
0x9c: {  	[sflag:s22] =	ssyncset.done $0x0  }
0x9d: {  	[sflag:s22] =	ssyncadd.s32 $0xFFFFFF80  }
0x9e: {  	_ =	swait.ge [sflag:s22], $0x80  }
0x9f: {  	[sflag:s22] =	ssyncset.done $0x0  }
0xa0: {  	[sflag:s22] =	ssyncadd.s32 $0xFFFFFF80  }
0xa1: {  	v1 =	vld [tilespmem:$0xC500]  }
0xa2: {  	v2 =	vld [tilespmem:$0xC400]  }
0xa3: {  	v3 =	vld [tilespmem:$0xC510];
	_ =	sdelay $0x2  }
0xa4: {  	v4 =	vld [tilespmem:$0xC410]  }
0xa5: {  	v5 =	vld [tilespmem:$0xC520];
	vm0 =	vlt.s32 v1, $0xC34F;
	[tilespmem:$0xC600] =	vst v2  }
0xa6: {  	v61 =	vld [tilespmem:$0xC530];
	[tilespmem:$0xC800] =	vst v1;
	vm9 =	vlt.s32 v3, $0xC34F;
	v2 =	vnsel vm0, $0xC34F, v1  }
0xa7: {  	v1 =	vnsel vm9, $0xC34F, v3;
	[tilespmem:$0xC700] =	vst v2;
	v2 =	vld [tilespmem:$0xC420]  }
0xa8: {  	[tilespmem:$0xC710] =	vst v1;
	v1 =	vld [tilespmem:$0xC430];
	_ =	sdelay $0x1  }
0xa9: {  	[tilespmem:$0xC610] =	vst v4  }
0xaa: {  	[tilespmem:$0xC810] =	vst v3  }
0xab: {  	v62 =	vld [tilespmem:$0xC550];
	vm10 =	vlt.s32 v5, $0xC34F;
	[tilespmem:$0xC620] =	vst v2  }
0xac: {  	vm11 =	vlt.s32 v61, $0xC34F;
	v3 =	vld [tilespmem:$0xC540];
	v2 =	vnsel vm10, $0xC34F, v5;
	[tilespmem:$0xC630] =	vst v1  }
0xad: {  	v1 =	vnsel vm11, $0xC34F, v61;
	[tilespmem:$0xC720] =	vst v2;
	v2 =	vld [tilespmem:$0xC440]  }
0xae: {  	[tilespmem:$0xC730] =	vst v1;
	v1 =	vld [tilespmem:$0xC450]  }
0xaf: {  	[tilespmem:$0xC820] =	vst v5  }
0xb0: {  	[tilespmem:$0xC830] =	vst v61  }
0xb1: {  	[tilespmem:$0xC840] =	vst v3  }
0xb2: {  	v63 =	vld [tilespmem:$0xC560];
	vm12 =	vlt.s32 v3, $0xC34F;
	[tilespmem:$0xC640] =	vst v2  }
0xb3: {  	vm13 =	vlt.s32 v62, $0xC34F;
	v2 =	vnsel vm12, $0xC34F, v3;
	[tilespmem:$0xC650] =	vst v1;
	v3 =	vld [tilespmem:$0xC570]  }
0xb4: {  	v1 =	vnsel vm13, $0xC34F, v62;
	[tilespmem:$0xC740] =	vst v2;
	v2 =	vld [tilespmem:$0xC460]  }
0xb5: {  	[tilespmem:$0xC750] =	vst v1;
	v1 =	vld [tilespmem:$0xC470]  }
0xb6: {  	[tilespmem:$0xC850] =	vst v62  }
0xb7: {  	[tilespmem:$0xC860] =	vst v63  }
0xb8: {  	[tilespmem:$0xC870] =	vst v3  }
0xb9: {  	vm14 =	vlt.s32 v63, $0xC34F;
	[tilespmem:$0xC660] =	vst v2  }
0xba: {  	vm15 =	vlt.s32 v3, $0xC34F;
	v2 =	vnsel vm14, $0xC34F, v63;
	[tilespmem:$0xC670] =	vst v1  }
0xbb: {  	v1 =	vnsel vm15, $0xC34F, v3;
	[tilespmem:$0xC760] =	vst v2  }
0xbc: {  	s26 =	simm.s32 $0xC600;
	s28 =	simm.s32 $0xCA00;
	[tilespmem:$0xC770] =	vst v1  }
0xbd: {  	[tilespmem:s28], [sflag:$0x3] =	stream.indirect.gather [hbm4b:s6+s23], $0x10, s26, s23, $0xb8;
	[tilespmem:$0xFA00] =	vst v63  }
0xbe: {  	s24 =	simm.s32 $0xC700;
	s25 =	simm.s32 $0xDA00  }
0xbf: {  	[tilespmem:s25], [sflag:$0x3] =	stream.indirect.gather [hbm4b:s7+s23], $0x10, s24, s23, $0xb8;
	[tilespmem:$0xFA00] =	vst v63  }
0xc0: {  	s26 =	rddreg [dreg:$0x7]  }
0xc1: {  	[tilespmem:s29], [sflag:$0x2] =	stream.linear.gather [hbm4b:s26+s19], $0x80, $0x38;
	[tilespmem:$0xFA00] =	vst v63  }
0xc2: {  	s28 =	rddreg [dreg:$0x8]  }
0xc3: {  	[tilespmem:s30], [sflag:$0x2] =	stream.linear.gather [hbm4b:s28+s19], $0x80, $0x38;
	[tilespmem:$0xFA00] =	vst v63  }
.LBB2_4:
0xc4: {  	s8 =	sshll.u32 s19, $0x1;
	p1 =	seq.s32 s19, $0x63  }
0xc5: {  	s18 =	sadd.s32 @!p1 s10, s8  }
0xc6: {  	s18 =	sshll.u32 @!p1 s18, $0x4  }
0xc7: {  	s18 =	sadd.s32 @!p1 $0x20, s18  }
0xc8: {  	s25 =	simm.s32 @!p1 $0x0;
	s26 =	simm.s32 @!p1 $0xC400;
	s24 =	sadd.s32 @!p1 s4, s18  }
0xc9: {  	[tilespmem:s26], [sflag:$0x1] =	stream.linear.gather @!p1 [hbm4b:s24+s25], $0x80, $0x38;
	[tilespmem:$0xFA00] =	vst v63  }
0xca: {  	s18 =	sadd.s32 @!p1 s5, s18;
	s24 =	simm.s32 @!p1 $0xC500  }
0xcb: {  	[tilespmem:s24], [sflag:$0x1] =	stream.linear.gather @!p1 [hbm4b:s18+s25], $0x80, $0x38;
	[tilespmem:$0xFA00] =	vst v63  }
0xcc: {  	_ =	swait.ge [sflag:s31], $0x80  }
0xcd: {  	[sflag:s31] =	ssyncset.done $0x0  }
0xce: {  	[sflag:s31] =	ssyncadd.s32 $0xFFFFFF80  }
0xcf: {  	_ =	swait.ge [sflag:s31], $0x80  }
0xd0: {  	[sflag:s31] =	ssyncset.done $0x0  }
0xd1: {  	[sflag:s31] =	ssyncadd.s32 $0xFFFFFF80  }
0xd2: {  	v1 =	vld [tilespmem:$0xC580]  }
0xd3: {  	v2 =	vld [tilespmem:$0xC480]  }
0xd4: {  	v3 =	vld [tilespmem:$0xC590]  }
0xd5: {  	v4 =	vld [tilespmem:$0xC490];
	_ =	sdelay $0x2  }
0xd6: {  	[tilespmem:$0xC680] =	vst v2  }
0xd7: {  	v5 =	vld [tilespmem:$0xC5A0];
	vm0 =	vlt.s32 v1, $0xC34F;
	[tilespmem:$0xC880] =	vst v1  }
0xd8: {  	vm9 =	vlt.s32 v3, $0xC34F;
	[tilespmem:$0xC690] =	vst v4;
	v4 =	vld [tilespmem:$0xC5B0];
	v2 =	vnsel vm0, $0xC34F, v1  }
0xd9: {  	v1 =	vnsel vm9, $0xC34F, v3;
	[tilespmem:$0xC780] =	vst v2;
	v2 =	vld [tilespmem:$0xC4A0]  }
0xda: {  	[tilespmem:$0xC790] =	vst v1;
	v1 =	vld [tilespmem:$0xC4B0];
	_ =	sdelay $0x1  }
0xdb: {  	[tilespmem:$0xC890] =	vst v3  }
0xdc: {  	[tilespmem:$0xC8A0] =	vst v5  }
0xdd: {  	vm10 =	vlt.s32 v5, $0xC34F;
	v3 =	vld [tilespmem:$0xC5C0];
	[tilespmem:$0xC6A0] =	vst v2  }
0xde: {  	vm11 =	vlt.s32 v4, $0xC34F;
	v2 =	vnsel vm10, $0xC34F, v5;
	[tilespmem:$0xC6B0] =	vst v1;
	v5 =	vld [tilespmem:$0xC5D0]  }
0xdf: {  	v1 =	vnsel vm11, $0xC34F, v4;
	[tilespmem:$0xC7A0] =	vst v2;
	v2 =	vld [tilespmem:$0xC4C0]  }
0xe0: {  	[tilespmem:$0xC7B0] =	vst v1;
	v1 =	vld [tilespmem:$0xC4D0];
	_ =	sdelay $0x1  }
0xe1: {  	[tilespmem:$0xC8B0] =	vst v4  }
0xe2: {  	[tilespmem:$0xC8C0] =	vst v3  }
0xe3: {  	vm12 =	vlt.s32 v3, $0xC34F;
	v4 =	vld [tilespmem:$0xC5E0];
	[tilespmem:$0xC6C0] =	vst v2  }
0xe4: {  	vm13 =	vlt.s32 v5, $0xC34F;
	v2 =	vnsel vm12, $0xC34F, v3;
	[tilespmem:$0xC6D0] =	vst v1;
	v3 =	vld [tilespmem:$0xC5F0]  }
0xe5: {  	v1 =	vnsel vm13, $0xC34F, v5;
	[tilespmem:$0xC7C0] =	vst v2;
	v2 =	vld [tilespmem:$0xC4E0]  }
0xe6: {  	[tilespmem:$0xC7D0] =	vst v1;
	v1 =	vld [tilespmem:$0xC4F0]  }
0xe7: {  	[tilespmem:$0xC8D0] =	vst v5  }
0xe8: {  	[tilespmem:$0xC8E0] =	vst v4  }
0xe9: {  	[tilespmem:$0xC8F0] =	vst v3  }
0xea: {  	vm14 =	vlt.s32 v4, $0xC34F;
	[tilespmem:$0xC6E0] =	vst v2  }
0xeb: {  	vm15 =	vlt.s32 v3, $0xC34F;
	v2 =	vnsel vm14, $0xC34F, v4;
	[tilespmem:$0xC6F0] =	vst v1  }
0xec: {  	v1 =	vnsel vm15, $0xC34F, v3;
	[tilespmem:$0xC7E0] =	vst v2  }
0xed: {  	[tilespmem:$0xC7F0] =	vst v1  }
0xee: {  	[tilespmem:s3], [sflag:$0x4] =	stream.indirect.gather [hbm4b:s6+s23], $0x10, s0, s23, $0xb8;
	[tilespmem:$0xFA00] =	vst v63  }
0xef: {  	_ = 	snop  }
0xf0: {  	[tilespmem:s11], [sflag:$0x4] =	stream.indirect.gather [hbm4b:s7+s23], $0x10, s9, s23, $0xb8;
	[tilespmem:$0xFA00] =	vst v63  }
0xf1: {  	_ =	swait.ge [sflag:s12], $0x800  }
0xf2: {  	[sflag:s12] =	ssyncset.done $0x0  }
0xf3: {  	[sflag:s12] =	ssyncadd.s32 $0xFFFFF800  }
0xf4: {  	_ =	swait.ge [sflag:s12], $0x800  }
0xf5: {  	p0 =	seq.s32 s19, $0x0;
	[sflag:s12] =	ssyncset.done $0x0  }
0xf6: {  	s18 =	simm.s32 @!p0 $0x5;
	[sflag:s12] =	ssyncadd.s32 $0xFFFFF800  }
0xf7: {  	_ =	swait.ge @!p0 [sflag:s18], $0x800  }
0xf8: {  	[sflag:s18] =	ssyncset.done @!p0 $0x0  }
0xf9: {  	s25 =	simm.s32 $0x0;
	[sflag:s18] =	ssyncadd.s32 @!p0 $0xFFFFF800  }
0xfa: {  	v7 =	vld [tilespmem:s25+$0xCA30]  }
0xfb: {  	v1 =	vld [tilespmem:s25+$0xDA30];
	_ =	sdelay $0x1  }
0xfc: {  	v10 =	vld [tilespmem:s25+$0xCA00]  }
0xfd: {  	v2 =	vld [tilespmem:s25+$0xDA00];
	_ =	sdelay $0x1  }
0xfe: {  	v17 =	vld [tilespmem:s25+$0xCA10];
	v1 =	vadd.f32 v1, v7  }
0xff: {  	v3 =	vld [tilespmem:s25+$0xDA10]  }
0x100: {  	v6 =	vld [tilespmem:s25+$0xCA20];
	v5 =	vmul.f32 $2.000000030e-01, v1  }
0x101: {  	s18 =	simm.s32 $0x40;
	v4 =	vld [tilespmem:s25+$0xDA20];
	v2 =	vadd.f32 v2, v10  }
0x102: {  	v8 =	vld [tilespmem:s18+$0xCA30];
	v1 =	vmax.f32 v1, v5  }
0x103: {  	v9 =	vmul.f32 $2.000000030e-01, v2;
	v5 =	vld [tilespmem:s18+$0xDA30];
	v11 =	vmul.f32 $1.442695020e+00, v1  }
0x104: {  	v13 =	vld [tilespmem:s18+$0xDA00];
	v3 =	vadd.f32 v3, v17  }
0x105: {  	v9 =	vmax.f32 v2, v9;
	v2 =	vld [tilespmem:s18+$0xCA10];
	(erf) = vpow2.f32 v11  }
0x106: {  	v4 =	vadd.f32 v4, v6;
	v12 =	vmul.f32 $2.000000030e-01, v3;
	v1 =	vld [tilespmem:s18+$0xCA00]  }
0x107: {  	v9 =	vmul.f32 $1.442695020e+00, v9;
	v11 =	vld [tilespmem:s18+$0xDA10]  }
0x108: {  	v14 =	vmul.f32 $2.000000030e-01, v4;
	v12 =	vmax.f32 v3, v12;
	v3 =	vld [tilespmem:s18+$0xCA20];
	v5 =	vadd.f32 v5, v8  }
0x109: {  	v12 =	vmul.f32 $1.442695020e+00, v12;
	(erf) = vpow2.f32 v9;
	v9 =	vld [tilespmem:s18+$0xDA20]  }
0x10a: {  	v4 =	vmax.f32 v4, v14;
	v14 =	vmul.f32 $2.000000030e-01, v5  }
0x10b: {  	s24 =	simm.s32 $0x80;
	(erf) = vpow2.f32 v12;
	v12 =	vadd.f32 v13, v1  }
0x10c: {  	v15 =	vld [tilespmem:s24+$0xDA30];
	v4 =	vmul.f32 $1.442695020e+00, v4;
	v11 =	vadd.f32 v11, v2;
	v13 =	vmax.f32 v5, v14  }
0x10d: {  	v5 =	vld [tilespmem:s24+$0xCA30];
	v14 =	vmul.f32 $2.000000030e-01, v12;
	v13 =	vmul.f32 $1.442695020e+00, v13  }
0x10e: {  	(erf) = vpow2.f32 v4;
	v9 =	vadd.f32 v9, v3;
	v18 =	vmul.f32 $2.000000030e-01, v11;
	v16 =	vpop (erf)  }
0x10f: {  	v4 =	vld [tilespmem:s24+$0xCA00];
	v12 =	vmax.f32 v12, v14;
	(erf) = vpow2.f32 v13;
	v13 =	vbroadcast v16, $0x8  }
0x110: {  	v14 =	vld [tilespmem:s24+$0xDA00];
	v12 =	vmul.f32 $1.442695020e+00, v12  }
0x111: {  	v11 =	vmax.f32 v11, v18;
	v16 =	vmul.f32 $2.000000030e-01, v9;
	v13 =	vmul.f32 v13, v7  }
0x112: {  	v11 =	vmul.f32 $1.442695020e+00, v11;
	v18 =	vpop (erf);
	v19 =	vadd.f32 v15, v5;
	v7 =	vld [tilespmem:s24+$0xCA10]  }
0x113: {  	(erf) = vpow2.f32 v12;
	v9 =	vmax.f32 v9, v16;
	v16 =	vld [tilespmem:s24+$0xDA10];
	v18 =	vbroadcast v18, $0x8;
	[tilespmem:s25+$0xEA30] =	vst v13  }
0x114: {  	v12 =	vpop (erf);
	v21 =	vmul.f32 $2.000000030e-01, v19;
	v13 =	vmul.f32 $1.442695020e+00, v9;
	v9 =	vld [tilespmem:s24+$0xCA20]  }
0x115: {  	(erf) = vpow2.f32 v11;
	v11 =	vadd.f32 v14, v4;
	v20 =	vbroadcast v12, $0x8;
	v12 =	vld [tilespmem:s24+$0xDA20]  }
0x116: {  	v22 =	vmul.f32 v18, v10;
	v18 =	vmax.f32 v19, v21;
	(erf) = vpow2.f32 v13  }
0x117: {  	v14 =	vpop (erf)  }
0x118: {  	s26 =	simm.s32 $0xC0;
	v15 =	vbroadcast v14, $0x8;
	v14 =	vmul.f32 $2.000000030e-01, v11;
	v13 =	vadd.f32 v16, v7  }
0x119: {  	s28 =	simm.s32 $0x400;
	v10 =	vld [tilespmem:s26+$0xCA30];
	[tilespmem:s25+$0xEA00] =	vst v22;
	v17 =	vmul.f32 v20, v17;
	v16 =	vmul.f32 $1.442695020e+00, v18;
	v18 =	vpop (erf)  }
.LBB2_5:
0x11a: {  	p2 =	sne.s32 s28, $0x1F00;
	v19 =	vld [tilespmem:s26+$0xDA30];
	v20 =	vmul.f32 $2.000000030e-01, v13;
	v12 =	vadd.f32 v12, v9;
	v18 =	vbroadcast v18, $0x8;
	v21 =	vmovc v7  }
0x11b: {  	v11 =	vmax.f32 v11, v14;
	v14 =	vmul.f32 v15, v6;
	v6 =	vmovc v3;
	v22 =	vld [tilespmem:s26+$0xCA00];
	(erf) = vpow2.f32 v16;
	[tilespmem:s25+$0xEA10] =	vst v17  }
0x11c: {  	v3 =	vmovc v9;
	v15 =	vld [tilespmem:s26+$0xDA00];
	v13 =	vmax.f32 v13, v20;
	v20 =	vmul.f32 $2.000000030e-01, v12;
	v17 =	vmul.f32 v18, v8;
	v8 =	vmovc v5  }
0x11d: {  	v11 =	vmul.f32 $1.442695020e+00, v11;
	v7 =	vld [tilespmem:s26+$0xCA10];
	v13 =	vmul.f32 $1.442695020e+00, v13;
	v5 =	vpop (erf);
	[tilespmem:s25+$0xEA20] =	vst v14;
	s25 =	smov.u32 s18;
	s18 =	smov.u32 s24;
	s24 =	smov.u32 s26  }
0x11e: {  	v18 =	vld [tilespmem:s24+$0xDA10];
	v12 =	vmax.f32 v12, v20;
	v14 =	vbroadcast v5, $0x8;
	[tilespmem:s25+$0xEA30] =	vst v17;
	v16 =	vpop (erf);
	v5 =	vmov v10  }
0x11f: {  	v9 =	vld [tilespmem:s24+$0xCA20];
	v10 =	vadd.f32 v19, v5;
	v17 =	vmul.f32 $1.442695020e+00, v12;
	(erf) = vpow2.f32 v11;
	v19 =	vpop (erf)  }
.Ltmp1:
0x120: {  	v20 =	vbroadcast v16, $0x8;
	v12 =	vld [tilespmem:s24+$0xDA20];
	(erf) = vpow2.f32 v13;
	(pc) =	sbr.rel @p2 .LBB2_5-.Ltmp1, $4  }
0x121: {  	v11 =	vadd.f32 v15, v22;
	v16 =	vmul.f32 $2.000000030e-01, v10;
	(erf) = vpow2.f32 v17  }
0x122: {  	v17 =	vmul.f32 v14, v1;
	v15 =	vbroadcast v19, $0x8;
	v1 =	vmovc v4;
	v4 =	vmov v22  }
0x123: {  	s26 =	sshra.s32 s28, $0x2;
	v14 =	vmul.f32 $2.000000030e-01, v11;
	v13 =	vadd.f32 v18, v7;
	v16 =	vmax.f32 v10, v16  }
0x124: {  	s28 =	sadd.s32 $0x100, s28;
	v10 =	vld [tilespmem:s26+$0xCA30];
	v16 =	vmul.f32 $1.442695020e+00, v16;
	v18 =	vpop (erf);
	[tilespmem:s25+$0xEA00] =	vst v17;
	v17 =	vmul.f32 v20, v2;
	v2 =	vmov v21  }
0x125: {  	v19 =	vld [tilespmem:s26+$0xDA30];
	v30 =	vbroadcast v18, $0x8  }
0x126: {  	v20 =	vld [tilespmem:s26+$0xCA00];
	v6 =	vmul.f32 v15, v6;
	[tilespmem:s25+$0xEA10] =	vst v17  }
0x127: {  	v31 =	vld [tilespmem:s26+$0xDA00];
	v8 =	vmul.f32 v30, v8  }
0x128: {  	v32 =	vld [tilespmem:s26+$0xCA10];
	[tilespmem:s25+$0xEA20] =	vst v6  }
0x129: {  	v6 =	vld [tilespmem:s26+$0xDA10];
	[tilespmem:s18+$0xEA30] =	vst v8  }
0x12a: {  	v34 =	vld [tilespmem:s26+$0xCA20]  }
0x12b: {  	v33 =	vadd.f32 v12, v9;
	v35 =	vmul.f32 $2.000000030e-01, v13;
	v11 =	vmax.f32 v11, v14;
	v21 =	vld [tilespmem:s26+$0xDA20]  }
0x12c: {  	(erf) = vpow2.f32 v16;
	v11 =	vmul.f32 $1.442695020e+00, v11  }
0x12d: {  	v36 =	vmul.f32 $2.000000030e-01, v33;
	v13 =	vmax.f32 v13, v35;
	v37 =	vadd.f32 v19, v10  }
0x12e: {  	v13 =	vmul.f32 $1.442695020e+00, v13;
	(erf) = vpow2.f32 v11;
	v38 =	vadd.f32 v31, v20  }
0x12f: {  	v8 =	vmax.f32 v33, v36;
	v39 =	vmul.f32 $2.000000030e-01, v37;
	v6 =	vadd.f32 v6, v32  }
0x130: {  	v8 =	vmul.f32 $1.442695020e+00, v8;
	v40 =	vmul.f32 $2.000000030e-01, v38;
	v41 =	vadd.f32 v21, v34  }
0x131: {  	(erf) = vpow2.f32 v13;
	v42 =	vmax.f32 v37, v39;
	v43 =	vmul.f32 $2.000000030e-01, v6  }
0x132: {  	v13 =	vmul.f32 $1.442695020e+00, v42;
	v11 =	vmax.f32 v38, v40;
	v44 =	vmul.f32 $2.000000030e-01, v41  }
0x133: {  	(erf) = vpow2.f32 v8;
	v6 =	vmax.f32 v6, v43;
	v45 =	vmul.f32 $1.442695020e+00, v11  }
0x134: {  	(erf) = vpow2.f32 v13;
	v6 =	vmul.f32 $1.442695020e+00, v6;
	v46 =	vmax.f32 v41, v44  }
0x135: {  	(erf) = vpow2.f32 v45;
	v11 =	vmul.f32 $1.442695020e+00, v46  }
0x136: {  	v47 =	vpop (erf);
	(erf) = vpow2.f32 v6  }
0x137: {  	v48 =	vbroadcast v47, $0x8;
	v49 =	vpop (erf);
	(erf) = vpow2.f32 v11  }
0x138: {  	v50 =	vpop (erf);
	v8 =	vbroadcast v49, $0x8  }
0x139: {  	v1 =	vmul.f32 v48, v1;
	v52 =	vbroadcast v50, $0x8;
	v51 =	vpop (erf)  }
0x13a: {  	v2 =	vmul.f32 v8, v2;
	v54 =	vbroadcast v51, $0x8;
	v53 =	vpop (erf)  }
0x13b: {  	[tilespmem:s18+$0xEA00] =	vst v1;
	v1 =	vmul.f32 v52, v3;
	v3 =	vbroadcast v53, $0x8;
	v55 =	vpop (erf)  }
0x13c: {  	[tilespmem:s18+$0xEA10] =	vst v2;
	v2 =	vmul.f32 v54, v5;
	v57 =	vbroadcast v55, $0x8;
	v56 =	vpop (erf)  }
0x13d: {  	[tilespmem:s18+$0xEA20] =	vst v1;
	v1 =	vmul.f32 v3, v4;
	v3 =	vbroadcast v56, $0x8;
	v58 =	vpop (erf)  }
0x13e: {  	[tilespmem:s24+$0xEA30] =	vst v2;
	v2 =	vmul.f32 v57, v7;
	v4 =	vbroadcast v58, $0x8;
	v59 =	vpop (erf)  }
0x13f: {  	[tilespmem:s24+$0xEA00] =	vst v1;
	v1 =	vmul.f32 v3, v9;
	v3 =	vbroadcast v59, $0x8;
	v60 =	vpop (erf)  }
0x140: {  	[tilespmem:s24+$0xEA10] =	vst v2;
	v2 =	vmul.f32 v4, v10;
	v5 =	vbroadcast v60, $0x8;
	v61 =	vpop (erf)  }
0x141: {  	[tilespmem:s24+$0xEA20] =	vst v1;
	v1 =	vmul.f32 v3, v20;
	v3 =	vbroadcast v61, $0x8  }
0x142: {  	[tilespmem:s26+$0xEA30] =	vst v2;
	v2 =	vmul.f32 v5, v32  }
0x143: {  	[tilespmem:s26+$0xEA00] =	vst v1;
	v1 =	vmul.f32 v3, v34  }
0x144: {  	[tilespmem:s26+$0xEA10] =	vst v2  }
0x145: {  	[tilespmem:s26+$0xEA20] =	vst v1  }
0x146: {  	v1 =	vld [tilespmem:$0xC800]  }
0x147: {  	v2 =	vld [tilespmem:$0xC810]  }
0x148: {  	v3 =	vld [tilespmem:$0xC820]  }
0x149: {  	v62 =	vld [tilespmem:$0xC830]  }
0x14a: {  	v63 =	vld [tilespmem:$0xC840]  }
0x14b: {  	[tilespmem:$0xC900] =	vst v1;
	v1 =	vld [tilespmem:$0xC850]  }
0x14c: {  	[tilespmem:$0xC910] =	vst v2;
	v2 =	vld [tilespmem:$0xC860]  }
0x14d: {  	[tilespmem:$0xC920] =	vst v3;
	v3 =	vld [tilespmem:$0xC870]  }
0x14e: {  	[tilespmem:$0xC930] =	vst v62  }
.Ltmp2:
0x14f: {  	[tilespmem:$0xC940] =	vst v63;
	(pc) =	sbr.rel @p1 .LBB2_8-.Ltmp2, $4  }
0x150: {  	[tilespmem:$0xC950] =	vst v1  }
0x151: {  	[tilespmem:$0xC960] =	vst v2  }
0x152: {  	[tilespmem:$0xC970] =	vst v3  }
0x153: {  	[spmem:s1] =	stream.indirect.scatter.add.f32 [tilespmem:s20], [sflag:$0x5], $0x10, s13, s23, $0xb8;
	[tilespmem:$0xFA00] =	vst v63  }
0x154: {  	s8 =	sadd.s32 s8, s15  }
0x155: {  	s8 =	sshll.u32 s8, $0x4  }
0x156: {  	s8 =	sadd.s32 $0x20, s8  }
0x157: {  	s18 =	sadd.s32 s4, s8  }
0x158: {  	[tilespmem:s29], [sflag:$0x2] =	stream.linear.gather [hbm4b:s18+s2], $0x80, $0x38;
	[tilespmem:$0xFA00] =	vst v63  }
0x159: {  	s8 =	sadd.s32 s5, s8  }
0x15a: {  	[tilespmem:s30], [sflag:$0x2] =	stream.linear.gather [hbm4b:s8+s2], $0x80, $0x38;
	[tilespmem:$0xFA00] =	vst v63  }
0x15b: {  	_ =	swait.ge [sflag:s22], $0x80  }
0x15c: {  	[sflag:s22] =	ssyncset.done $0x0  }
0x15d: {  	[sflag:s22] =	ssyncadd.s32 $0xFFFFFF80  }
0x15e: {  	_ =	swait.ge [sflag:s22], $0x80  }
0x15f: {  	[sflag:s22] =	ssyncset.done $0x0  }
0x160: {  	[sflag:s22] =	ssyncadd.s32 $0xFFFFFF80  }
0x161: {  	v1 =	vld [tilespmem:$0xC500]  }
0x162: {  	v2 =	vld [tilespmem:$0xC400]  }
0x163: {  	v3 =	vld [tilespmem:$0xC510];
	_ =	sdelay $0x2  }
0x164: {  	v4 =	vld [tilespmem:$0xC410]  }
0x165: {  	v5 =	vld [tilespmem:$0xC520];
	vm0 =	vlt.s32 v1, $0xC34F;
	[tilespmem:$0xC600] =	vst v2  }
0x166: {  	v61 =	vld [tilespmem:$0xC530];
	[tilespmem:$0xC800] =	vst v1;
	vm9 =	vlt.s32 v3, $0xC34F;
	v2 =	vnsel vm0, $0xC34F, v1  }
0x167: {  	v1 =	vnsel vm9, $0xC34F, v3;
	[tilespmem:$0xC700] =	vst v2;
	v2 =	vld [tilespmem:$0xC420]  }
0x168: {  	[tilespmem:$0xC710] =	vst v1;
	v1 =	vld [tilespmem:$0xC430];
	_ =	sdelay $0x1  }
0x169: {  	[tilespmem:$0xC610] =	vst v4  }
0x16a: {  	[tilespmem:$0xC810] =	vst v3  }
0x16b: {  	v62 =	vld [tilespmem:$0xC550];
	vm10 =	vlt.s32 v5, $0xC34F;
	[tilespmem:$0xC620] =	vst v2  }
0x16c: {  	vm11 =	vlt.s32 v61, $0xC34F;
	v3 =	vld [tilespmem:$0xC540];
	v2 =	vnsel vm10, $0xC34F, v5;
	[tilespmem:$0xC630] =	vst v1  }
0x16d: {  	v1 =	vnsel vm11, $0xC34F, v61;
	[tilespmem:$0xC720] =	vst v2;
	v2 =	vld [tilespmem:$0xC440]  }
0x16e: {  	[tilespmem:$0xC730] =	vst v1;
	v1 =	vld [tilespmem:$0xC450]  }
0x16f: {  	[tilespmem:$0xC820] =	vst v5  }
0x170: {  	[tilespmem:$0xC830] =	vst v61  }
0x171: {  	[tilespmem:$0xC840] =	vst v3  }
0x172: {  	v63 =	vld [tilespmem:$0xC560];
	vm12 =	vlt.s32 v3, $0xC34F;
	[tilespmem:$0xC640] =	vst v2  }
0x173: {  	vm13 =	vlt.s32 v62, $0xC34F;
	v2 =	vnsel vm12, $0xC34F, v3;
	[tilespmem:$0xC650] =	vst v1;
	v3 =	vld [tilespmem:$0xC570]  }
0x174: {  	v1 =	vnsel vm13, $0xC34F, v62;
	[tilespmem:$0xC740] =	vst v2;
	v2 =	vld [tilespmem:$0xC460]  }
0x175: {  	[tilespmem:$0xC750] =	vst v1;
	v1 =	vld [tilespmem:$0xC470]  }
0x176: {  	[tilespmem:$0xC850] =	vst v62  }
0x177: {  	[tilespmem:$0xC860] =	vst v63  }
0x178: {  	[tilespmem:$0xC870] =	vst v3  }
0x179: {  	vm14 =	vlt.s32 v63, $0xC34F;
	[tilespmem:$0xC660] =	vst v2  }
0x17a: {  	vm15 =	vlt.s32 v3, $0xC34F;
	v2 =	vnsel vm14, $0xC34F, v63;
	[tilespmem:$0xC670] =	vst v1  }
0x17b: {  	v1 =	vnsel vm15, $0xC34F, v3;
	[tilespmem:$0xC760] =	vst v2  }
0x17c: {  	s24 =	simm.s32 $0xC600;
	s25 =	simm.s32 $0xCA00;
	[tilespmem:$0xC770] =	vst v1  }
0x17d: {  	[tilespmem:s25], [sflag:$0x3] =	stream.indirect.gather [hbm4b:s6+s23], $0x10, s24, s23, $0xb8;
	[tilespmem:$0xFA00] =	vst v63  }
0x17e: {  	s26 =	simm.s32 $0xC700;
	s28 =	simm.s32 $0xDA00  }
0x17f: {  	[tilespmem:s28], [sflag:$0x3] =	stream.indirect.gather [hbm4b:s7+s23], $0x10, s26, s23, $0xb8;
	[tilespmem:$0xFA00] =	vst v63  }
.LBB2_8:
0x180: {  	_ =	swait.ge [sflag:s14], $0x800  }
0x181: {  	[sflag:s14] =	ssyncset.done $0x0  }
0x182: {  	[sflag:s14] =	ssyncadd.s32 $0xFFFFF800  }
0x183: {  	_ =	swait.ge [sflag:s14], $0x800  }
0x184: {  	[sflag:s14] =	ssyncset.done $0x0  }
0x185: {  	s8 =	simm.s32 @!p0 $0x6;
	[sflag:s14] =	ssyncadd.s32 $0xFFFFF800  }
0x186: {  	_ =	swait.ge @!p0 [sflag:s8], $0x800  }
0x187: {  	[sflag:s8] =	ssyncset.done @!p0 $0x0  }
0x188: {  	s24 =	simm.s32 $0x0;
	[sflag:s8] =	ssyncadd.s32 @!p0 $0xFFFFF800  }
0x189: {  	v7 =	vld [tilespmem:s24+$0xD230]  }
0x18a: {  	v1 =	vld [tilespmem:s24+$0xE230];
	_ =	sdelay $0x1  }
0x18b: {  	v10 =	vld [tilespmem:s24+$0xD200]  }
0x18c: {  	v2 =	vld [tilespmem:s24+$0xE200];
	_ =	sdelay $0x1  }
0x18d: {  	v17 =	vld [tilespmem:s24+$0xD210];
	v1 =	vadd.f32 v1, v7  }
0x18e: {  	v3 =	vld [tilespmem:s24+$0xE210]  }
0x18f: {  	v6 =	vld [tilespmem:s24+$0xD220];
	v5 =	vmul.f32 $2.000000030e-01, v1  }
0x190: {  	s8 =	simm.s32 $0x40;
	v4 =	vld [tilespmem:s24+$0xE220];
	v2 =	vadd.f32 v2, v10  }
0x191: {  	v8 =	vld [tilespmem:s8+$0xD230];
	v1 =	vmax.f32 v1, v5  }
0x192: {  	v9 =	vmul.f32 $2.000000030e-01, v2;
	v5 =	vld [tilespmem:s8+$0xE230];
	v11 =	vmul.f32 $1.442695020e+00, v1  }
0x193: {  	v13 =	vld [tilespmem:s8+$0xE200];
	v3 =	vadd.f32 v3, v17  }
0x194: {  	v9 =	vmax.f32 v2, v9;
	v2 =	vld [tilespmem:s8+$0xD210];
	(erf) = vpow2.f32 v11  }
0x195: {  	v4 =	vadd.f32 v4, v6;
	v12 =	vmul.f32 $2.000000030e-01, v3;
	v1 =	vld [tilespmem:s8+$0xD200]  }
0x196: {  	v9 =	vmul.f32 $1.442695020e+00, v9;
	v11 =	vld [tilespmem:s8+$0xE210]  }
0x197: {  	v14 =	vmul.f32 $2.000000030e-01, v4;
	v12 =	vmax.f32 v3, v12;
	v3 =	vld [tilespmem:s8+$0xD220];
	v5 =	vadd.f32 v5, v8  }
0x198: {  	v12 =	vmul.f32 $1.442695020e+00, v12;
	(erf) = vpow2.f32 v9;
	v9 =	vld [tilespmem:s8+$0xE220]  }
0x199: {  	v4 =	vmax.f32 v4, v14;
	v14 =	vmul.f32 $2.000000030e-01, v5  }
0x19a: {  	s18 =	simm.s32 $0x80;
	(erf) = vpow2.f32 v12;
	v12 =	vadd.f32 v13, v1  }
0x19b: {  	v15 =	vld [tilespmem:s18+$0xE230];
	v4 =	vmul.f32 $1.442695020e+00, v4;
	v11 =	vadd.f32 v11, v2;
	v13 =	vmax.f32 v5, v14  }
0x19c: {  	v5 =	vld [tilespmem:s18+$0xD230];
	v14 =	vmul.f32 $2.000000030e-01, v12;
	v13 =	vmul.f32 $1.442695020e+00, v13  }
0x19d: {  	(erf) = vpow2.f32 v4;
	v9 =	vadd.f32 v9, v3;
	v18 =	vmul.f32 $2.000000030e-01, v11;
	v16 =	vpop (erf)  }
0x19e: {  	v4 =	vld [tilespmem:s18+$0xD200];
	v12 =	vmax.f32 v12, v14;
	(erf) = vpow2.f32 v13;
	v13 =	vbroadcast v16, $0x8  }
0x19f: {  	v14 =	vld [tilespmem:s18+$0xE200];
	v12 =	vmul.f32 $1.442695020e+00, v12  }
0x1a0: {  	v11 =	vmax.f32 v11, v18;
	v16 =	vmul.f32 $2.000000030e-01, v9;
	v13 =	vmul.f32 v13, v7  }
0x1a1: {  	v11 =	vmul.f32 $1.442695020e+00, v11;
	v18 =	vpop (erf);
	v19 =	vadd.f32 v15, v5;
	v7 =	vld [tilespmem:s18+$0xD210]  }
0x1a2: {  	(erf) = vpow2.f32 v12;
	v9 =	vmax.f32 v9, v16;
	v16 =	vld [tilespmem:s18+$0xE210];
	v18 =	vbroadcast v18, $0x8;
	[tilespmem:s24+$0xF230] =	vst v13  }
0x1a3: {  	v12 =	vpop (erf);
	v21 =	vmul.f32 $2.000000030e-01, v19;
	v13 =	vmul.f32 $1.442695020e+00, v9;
	v9 =	vld [tilespmem:s18+$0xD220]  }
0x1a4: {  	(erf) = vpow2.f32 v11;
	v11 =	vadd.f32 v14, v4;
	v20 =	vbroadcast v12, $0x8;
	v12 =	vld [tilespmem:s18+$0xE220]  }
0x1a5: {  	v22 =	vmul.f32 v18, v10;
	v18 =	vmax.f32 v19, v21;
	(erf) = vpow2.f32 v13  }
0x1a6: {  	v14 =	vpop (erf)  }
0x1a7: {  	s25 =	simm.s32 $0xC0;
	v15 =	vbroadcast v14, $0x8;
	v14 =	vmul.f32 $2.000000030e-01, v11;
	v13 =	vadd.f32 v16, v7  }
0x1a8: {  	s26 =	simm.s32 $0x400;
	v10 =	vld [tilespmem:s25+$0xD230];
	[tilespmem:s24+$0xF200] =	vst v22;
	v17 =	vmul.f32 v20, v17;
	v16 =	vmul.f32 $1.442695020e+00, v18;
	v18 =	vpop (erf)  }
.LBB2_9:
0x1a9: {  	p0 =	sne.s32 s26, $0x1F00;
	v19 =	vld [tilespmem:s25+$0xE230];
	v20 =	vmul.f32 $2.000000030e-01, v13;
	v12 =	vadd.f32 v12, v9;
	v18 =	vbroadcast v18, $0x8;
	v21 =	vmovc v7  }
0x1aa: {  	v11 =	vmax.f32 v11, v14;
	v14 =	vmul.f32 v15, v6;
	v6 =	vmovc v3;
	v22 =	vld [tilespmem:s25+$0xD200];
	(erf) = vpow2.f32 v16;
	[tilespmem:s24+$0xF210] =	vst v17  }
0x1ab: {  	v3 =	vmovc v9;
	v15 =	vld [tilespmem:s25+$0xE200];
	v13 =	vmax.f32 v13, v20;
	v20 =	vmul.f32 $2.000000030e-01, v12;
	v17 =	vmul.f32 v18, v8;
	v8 =	vmovc v5  }
0x1ac: {  	v11 =	vmul.f32 $1.442695020e+00, v11;
	v7 =	vld [tilespmem:s25+$0xD210];
	v13 =	vmul.f32 $1.442695020e+00, v13;
	v5 =	vpop (erf);
	[tilespmem:s24+$0xF220] =	vst v14;
	s24 =	smov.u32 s8;
	s8 =	smov.u32 s18;
	s18 =	smov.u32 s25  }
0x1ad: {  	v18 =	vld [tilespmem:s18+$0xE210];
	v12 =	vmax.f32 v12, v20;
	v14 =	vbroadcast v5, $0x8;
	[tilespmem:s24+$0xF230] =	vst v17;
	v16 =	vpop (erf);
	v5 =	vmov v10  }
0x1ae: {  	v9 =	vld [tilespmem:s18+$0xD220];
	v10 =	vadd.f32 v19, v5;
	v17 =	vmul.f32 $1.442695020e+00, v12;
	(erf) = vpow2.f32 v11;
	v19 =	vpop (erf)  }
.Ltmp3:
0x1af: {  	v20 =	vbroadcast v16, $0x8;
	v12 =	vld [tilespmem:s18+$0xE220];
	(erf) = vpow2.f32 v13;
	(pc) =	sbr.rel @p0 .LBB2_9-.Ltmp3, $4  }
0x1b0: {  	v11 =	vadd.f32 v15, v22;
	v16 =	vmul.f32 $2.000000030e-01, v10;
	(erf) = vpow2.f32 v17  }
0x1b1: {  	v17 =	vmul.f32 v14, v1;
	v15 =	vbroadcast v19, $0x8;
	v1 =	vmovc v4;
	v4 =	vmov v22  }
0x1b2: {  	s25 =	sshra.s32 s26, $0x2;
	v14 =	vmul.f32 $2.000000030e-01, v11;
	v13 =	vadd.f32 v18, v7;
	v16 =	vmax.f32 v10, v16  }
0x1b3: {  	s26 =	sadd.s32 $0x100, s26;
	v10 =	vld [tilespmem:s25+$0xD230];
	v16 =	vmul.f32 $1.442695020e+00, v16;
	v18 =	vpop (erf);
	[tilespmem:s24+$0xF200] =	vst v17;
	v17 =	vmul.f32 v20, v2;
	v2 =	vmov v21  }
0x1b4: {  	v19 =	vld [tilespmem:s25+$0xE230];
	v30 =	vbroadcast v18, $0x8  }
0x1b5: {  	v20 =	vld [tilespmem:s25+$0xD200];
	v6 =	vmul.f32 v15, v6;
	[tilespmem:s24+$0xF210] =	vst v17  }
0x1b6: {  	v31 =	vld [tilespmem:s25+$0xE200];
	v8 =	vmul.f32 v30, v8  }
0x1b7: {  	v32 =	vld [tilespmem:s25+$0xD210];
	[tilespmem:s24+$0xF220] =	vst v6  }
0x1b8: {  	v6 =	vld [tilespmem:s25+$0xE210];
	[tilespmem:s8+$0xF230] =	vst v8  }
0x1b9: {  	v34 =	vld [tilespmem:s25+$0xD220]  }
0x1ba: {  	v33 =	vadd.f32 v12, v9;
	v35 =	vmul.f32 $2.000000030e-01, v13;
	v11 =	vmax.f32 v11, v14;
	v21 =	vld [tilespmem:s25+$0xE220]  }
0x1bb: {  	(erf) = vpow2.f32 v16;
	v11 =	vmul.f32 $1.442695020e+00, v11  }
0x1bc: {  	v36 =	vmul.f32 $2.000000030e-01, v33;
	v13 =	vmax.f32 v13, v35;
	v37 =	vadd.f32 v19, v10  }
0x1bd: {  	v13 =	vmul.f32 $1.442695020e+00, v13;
	(erf) = vpow2.f32 v11;
	v38 =	vadd.f32 v31, v20  }
0x1be: {  	v8 =	vmax.f32 v33, v36;
	v39 =	vmul.f32 $2.000000030e-01, v37;
	v6 =	vadd.f32 v6, v32  }
0x1bf: {  	v8 =	vmul.f32 $1.442695020e+00, v8;
	v40 =	vmul.f32 $2.000000030e-01, v38;
	v41 =	vadd.f32 v21, v34  }
0x1c0: {  	(erf) = vpow2.f32 v13;
	v42 =	vmax.f32 v37, v39;
	v43 =	vmul.f32 $2.000000030e-01, v6  }
0x1c1: {  	v13 =	vmul.f32 $1.442695020e+00, v42;
	v11 =	vmax.f32 v38, v40;
	v44 =	vmul.f32 $2.000000030e-01, v41  }
0x1c2: {  	(erf) = vpow2.f32 v8;
	v6 =	vmax.f32 v6, v43;
	v45 =	vmul.f32 $1.442695020e+00, v11  }
0x1c3: {  	(erf) = vpow2.f32 v13;
	v6 =	vmul.f32 $1.442695020e+00, v6;
	v46 =	vmax.f32 v41, v44  }
0x1c4: {  	(erf) = vpow2.f32 v45;
	v11 =	vmul.f32 $1.442695020e+00, v46  }
0x1c5: {  	v47 =	vpop (erf);
	(erf) = vpow2.f32 v6  }
0x1c6: {  	v48 =	vbroadcast v47, $0x8;
	v49 =	vpop (erf);
	(erf) = vpow2.f32 v11  }
0x1c7: {  	v50 =	vpop (erf);
	v8 =	vbroadcast v49, $0x8  }
0x1c8: {  	v1 =	vmul.f32 v48, v1;
	v52 =	vbroadcast v50, $0x8;
	v51 =	vpop (erf)  }
0x1c9: {  	v2 =	vmul.f32 v8, v2;
	v54 =	vbroadcast v51, $0x8;
	v53 =	vpop (erf)  }
0x1ca: {  	[tilespmem:s8+$0xF200] =	vst v1;
	v1 =	vmul.f32 v52, v3;
	v3 =	vbroadcast v53, $0x8;
	v55 =	vpop (erf)  }
0x1cb: {  	[tilespmem:s8+$0xF210] =	vst v2;
	v2 =	vmul.f32 v54, v5;
	v57 =	vbroadcast v55, $0x8;
	v56 =	vpop (erf)  }
0x1cc: {  	[tilespmem:s8+$0xF220] =	vst v1;
	v1 =	vmul.f32 v3, v4;
	v3 =	vbroadcast v56, $0x8;
	v58 =	vpop (erf)  }
0x1cd: {  	[tilespmem:s18+$0xF230] =	vst v2;
	v2 =	vmul.f32 v57, v7;
	v4 =	vbroadcast v58, $0x8;
	v59 =	vpop (erf)  }
0x1ce: {  	[tilespmem:s18+$0xF200] =	vst v1;
	v1 =	vmul.f32 v3, v9;
	v3 =	vbroadcast v59, $0x8;
	v60 =	vpop (erf)  }
0x1cf: {  	[tilespmem:s18+$0xF210] =	vst v2;
	v2 =	vmul.f32 v4, v10;
	v5 =	vbroadcast v60, $0x8;
	v61 =	vpop (erf)  }
0x1d0: {  	[tilespmem:s18+$0xF220] =	vst v1;
	v1 =	vmul.f32 v3, v20;
	v3 =	vbroadcast v61, $0x8  }
0x1d1: {  	[tilespmem:s25+$0xF230] =	vst v2;
	v2 =	vmul.f32 v5, v32  }
0x1d2: {  	[tilespmem:s25+$0xF200] =	vst v1;
	v1 =	vmul.f32 v3, v34  }
0x1d3: {  	[tilespmem:s25+$0xF210] =	vst v2  }
0x1d4: {  	[tilespmem:s25+$0xF220] =	vst v1  }
0x1d5: {  	v1 =	vld [tilespmem:$0xC880]  }
0x1d6: {  	v2 =	vld [tilespmem:$0xC890]  }
0x1d7: {  	v3 =	vld [tilespmem:$0xC8A0]  }
0x1d8: {  	v62 =	vld [tilespmem:$0xC8B0]  }
0x1d9: {  	v63 =	vld [tilespmem:$0xC8C0]  }
0x1da: {  	[tilespmem:$0xC980] =	vst v1;
	v1 =	vld [tilespmem:$0xC8D0]  }
0x1db: {  	[tilespmem:$0xC990] =	vst v2;
	v2 =	vld [tilespmem:$0xC8E0]  }
0x1dc: {  	s19 =	sadd.s32 $0x1, s19;
	[tilespmem:$0xC9A0] =	vst v3;
	v3 =	vld [tilespmem:$0xC8F0]  }
0x1dd: {  	p0 =	sne.s32 s19, $0x64;
	[tilespmem:$0xC9B0] =	vst v62  }
.Ltmp4:
0x1de: {  	[tilespmem:$0xC9C0] =	vst v63;
	(pc) =	sbr.rel @p0 .LBB2_4-.Ltmp4, $4  }
0x1df: {  	[tilespmem:$0xC9D0] =	vst v1  }
0x1e0: {  	[tilespmem:$0xC9E0] =	vst v2  }
0x1e1: {  	[tilespmem:$0xC9F0] =	vst v3  }
0x1e2: {  	[spmem:s1] =	stream.indirect.scatter.add.f32 [tilespmem:s17], [sflag:$0x6], $0x10, s16, s23, $0xb8;
	[tilespmem:$0xFA00] =	vst v63  }
0x1e3: {  	s8 =	simm.s32 $0x5  }
0x1e4: {  	_ =	swait.ge [sflag:s8], $0x800  }
0x1e5: {  	[sflag:s8] =	ssyncset.done $0x0  }
0x1e6: {  	s24 =	simm.s32 $0x6;
	[sflag:s8] =	ssyncadd.s32 $0xFFFFF800  }
0x1e7: {  	_ =	swait.ge [sflag:s24], $0x800  }
0x1e8: {  	[sflag:s24] =	ssyncset.done $0x0  }
0x1e9: {  	[sflag:s24] =	ssyncadd.s32 $0xFFFFF800  }
0x1ea: {  	s25 =	stileid.u32;
	[bflag:$0x0] =	sbarrier.arrive $0xFFFF  }
0x1eb: {  	s8 =	sshll.u32 s25, $0x6;
	s18 =	rddreg [dreg:$0x9]  }
0x1ec: {  	s8 =	sor.u32 $0x1C07, s8;
	s19 =	rddreg [dreg:$0x12]  }
0x1ed: {  	[hbm:s18], [sflag:s8] =	dma.local [spmem:s19], $0x1880  }
0x1ee: {  	_ =	swait.ge [sflag:s21], $0x1880  }
0x1ef: {  	s26 =	sld [smem:$0x7FA];
	_ =	sdelay $0x2  }
0x1f0: {  	s28 =	rddreg [dreg:$0xa];
	s18 =	sadd.s32 $0x1, s26  }
0x1f1: {  	p0 =	sne.s32 s18, s28  }
.Ltmp5:
0x1f2: {  	_ = 	snop;
	(pc) =	sbr.rel @p0 .LBB2_1-.Ltmp5, $3  }
0x1f3: {  	_ =	sdelay $0x1  }
0x1f4: {  	[sflag:s21] =	ssyncset.done $0x0  }
0x1f5: {  	[sflag:s21] =	ssyncadd.s32 $0xFFFFE780  }
0x1f6: {  	_ =	sfence.sel $0x180000  }
0x1f7: {  	[bflag:$0x0] =	sbarrier.arrive $0xFFFF  }
0x1f8: {  	_ =	strace $0x9000004A  }
0x1f9: {  	s0 =	stileid.u32;
	[bflag:$0x2] =	sbarrier.arrive $0xFFFF  }
0x1fa: {  	p0 =	sne.s32 s0, $0x0;
	s0 =	rddreg [dreg:$0x2]  }
0x1fb: {  	s0 =	sadd.s32 @!p0 $0x100000, s0  }
0x1fc: {  	[sflag:s0] =	ssyncadd.tile.s32 @!p0 $0x1;
	_ =	shalt  }
.Lfunc_end2:
_tile_overlayer_lowered:
.L_overlay_start_2:
0x1fd: {  	(tag) =	ssettag $0x2  }
0x1fe: {  	s0 =	rddreg [dreg:$0x0];
	s2 =	stileid.u32  }
0x1ff: {  	s1 =	rddreg [dreg:$0x1];
	p0 =	sne.s32 s2, $0x0  }
0x200: {  	s3 =	rddreg [dreg:$0x2];
	[bflag:$0x3] =	sbarrier.arrive $0xFFFF;
	s2 =	simm.s32 @!p0 $0x1C07  }
0x201: {  	[timem:s3], [sflag:s2] =	dma.local @!p0 [hbm:s0], s1  }
0x202: {  	s0 =	simm.s32 @!p0 $0x7  }
0x203: {  	_ =	swait.ge @!p0 [sflag:s0], s1  }
0x204: {  	s1 =	ssub.s32 @!p0 $0x0, s1;
	[sflag:s0] =	ssyncset.done @!p0 $0x0  }
0x205: {  	[sflag:s0] =	ssyncadd.s32 @!p0 s1  }
0x206: {  	[bflag:$0x3] =	sbarrier.arrive $0xFFFF  }
0x207: {  	_ =	shalt  }

// kernel: kernel.7.cloned.1.call-start
scs
__scs_entry_jumppad:
0x0: {  	(pc) =	sbr.rel $0x88, $3  }
0x1: {  	(tag) =	ssettag $0x0;
	lr =	simm.s32 $0x1  }
0x2: {  	[smem:$0x3F94] =	sst lr;
	_ =	strace $0xD0000000  }
0x3: {  	_ = 	snop  }
0x4: {  	_ = 	snop  }
0x5: {  	_ = 	snop  }
0x6: {  	_ = 	snop  }
0x7: {  	_ = 	snop  }
__scs_overlays_trampoline_lowered:
0x8: {  	[smem:$0x3FA3] =	sst s0  }
0x9: {  	[smem:$0x3FA4] =	sst s1  }
0xa: {  	[smem:$0x3FA5] =	sst s2  }
0xb: {  	[smem:$0x3FA6] =	sst s3  }
0xc: {  	[smem:$0x3FA7] =	sst s4  }
0xd: {  	[smem:$0x3FA8] =	sst s5  }
0xe: {  	[smem:$0x3FA9] =	sst s6  }
0xf: {  	[smem:$0x3FAA] =	sst s7  }
0x10: {  	[smem:$0x3FAB] =	sst s8  }
0x11: {  	[smem:$0x3FAC] =	sst s9;
	s0 =	simm.s32 @!p0 $0x0  }
0x12: {  	s1 =	sld [smem:$0x3F92];
	s0 =	simm.s32 @p0 $0x1  }
0x13: {  	[smem:$0x3FAD] =	sst s0;
	s0 =	simm.s32 @!p1 $0x0  }
0x14: {  	s2 =	sld [smem:$0x3F91];
	s0 =	simm.s32 @p1 $0x1  }
0x15: {  	[smem:$0x3FAE] =	sst s0;
	s0 =	simm.s32 @!p2 $0x0  }
0x16: {  	s3 =	sld [smem:$0x3FDB];
	s0 =	simm.s32 @p2 $0x1  }
0x17: {  	s4 =	simm.s32 $0x1BF5;
	[smem:$0x3FB0] =	sst s0  }
0x18: {  	s0 =	sld [smem:$0x3F93];
	_ =	swait.ge [sflag:s4], $0x0  }
0x19: {  	s7 =	sld [smem:$0x3F94]  }
0x1a: {  	s8 =	sadd.s32 $0xFFFFE003, lr  }
0x1b: {  	s9 =	sadd.s32 $0xFFFFFEF7, lr;
	s5 =	simm.s32 $0xFFFFFFFF;
	p2 =	slt.u32 s8, $0xFFFFF086  }
0x1c: {  	p1 =	slt.u32 s9, $0xF7A;
	s5 =	simm.s32 @!p2 $0x0  }
0x1d: {  	s5 =	simm.s32 @p1 $0x1;
	p0 =	seq.s32 s7, s2  }
0x1e: {  	s7 =	smul.u32 @!p0 $0xF7A, s2;
	p2 =	seq.s32 @!p0 s5, $0x0  }
0x1f: {  	s9 =	smul.u32 $0xF7A, s1;
	s8 =	simm.s32 @!p0 $0x1BF5;
	p2 =	por !p2, p0  }
0x20: {  	[sflag:s8] =	ssyncset.s32 @!p0 $0xFFFFF086;
	s6 =	sadd.s32 @!p0 s3, s7;
	s7 =	simm.s32 @!p0 $0x108  }
0x21: {  	s3 =	sadd.s32 s3, s9;
	s6 =	sadd.s32 @!p0 $0x88, s6;
	s7 =	simm.s32 @p2 $0x1082  }
0x22: {  	[simem:s7], [sflag:s8] =	dma.local @!p0 [hbm:s6], $0xF7A  }
0x23: {  	s9 =	sor.u32 $0xD0000000, s2;
	s6 =	simm.s32 $0x108;
	_ =	swait.ge @!p0 [sflag:s8], $0x0  }
0x24: {  	s3 =	sadd.s32 $0x88, s3;
	s6 =	simm.s32 @!p1 $0x1082;
	[sflag:s4] =	ssyncset.s32 $0xFFFFF086  }
0x25: {  	[simem:s6], [sflag:s4] =	dma.local [hbm:s3], $0xF7A  }
0x26: {  	[smem:$0x3F94] =	sst s1;
	(tag) =	ssettag s2;
	_ =	strace s9  }
0x27: {  	s1 =	sld [smem:$0x3FA4]  }
0x28: {  	s2 =	sld [smem:$0x3FA5]  }
0x29: {  	s4 =	sld [smem:$0x3FA7]  }
0x2a: {  	p0 =	seq.s32 s5, $0x0;
	s5 =	sld [smem:$0x3FA8]  }
0x2b: {  	s6 =	sld [smem:$0x3FA9]  }
0x2c: {  	s7 =	sld [smem:$0x3FAA]  }
0x2d: {  	s3 =	simm.s32 $0x108;
	s8 =	sld [smem:$0x3FAB]  }
0x2e: {  	s3 =	simm.s32 @!p0 $0x1082;
	s9 =	sld [smem:$0x3FAC]  }
0x2f: {  	lr =	sadd.s32 s0, s3;
	s0 =	sld [smem:$0x3FA3]  }
0x30: {  	s3 =	sld [smem:$0x3FA6]  }
0x31: {  	[smem:$0x3FAF] =	sst s10  }
0x32: {  	s10 =	sld [smem:$0x3FAD];
	_ =	sdelay $0x3  }
0x33: {  	p0 =	seq.s32 s10, $0x1;
	s10 =	sld [smem:$0x3FAF];
	_ =	sdelay $0x3  }
0x34: {  	[smem:$0x3FAF] =	sst s10  }
0x35: {  	s10 =	sld [smem:$0x3FAE];
	_ =	sdelay $0x3  }
0x36: {  	p1 =	seq.s32 s10, $0x1;
	s10 =	sld [smem:$0x3FAF];
	_ =	sdelay $0x3  }
0x37: {  	[smem:$0x3FAF] =	sst s10  }
0x38: {  	s10 =	sld [smem:$0x3FB0]  }
0x39: {  	_ = 	snop;
	(pc) =	sbr.ind lr, $3  }
0x3a: {  	_ = 	snop  }
0x3b: {  	_ = 	snop  }
0x3c: {  	p2 =	seq.s32 s10, $0x1;
	s10 =	sld [smem:$0x3FAF]  }
0x3d: {  	_ =	shalt  }
0x3e: {  	_ =	shalt  }
0x3f: {  	_ =	shalt  }
0x40: {  	_ =	shalt  }
0x41: {  	_ =	shalt  }
0x42: {  	_ =	shalt  }
0x43: {  	_ =	shalt  }
0x44: {  	_ =	shalt  }
0x45: {  	_ =	shalt  }
0x46: {  	_ =	shalt  }
0x47: {  	_ =	shalt  }
0x48: {  	_ =	shalt  }
0x49: {  	_ =	shalt  }
0x4a: {  	_ =	shalt  }
0x4b: {  	_ =	shalt  }
0x4c: {  	_ =	shalt  }
0x4d: {  	_ =	shalt  }
0x4e: {  	_ =	shalt  }
0x4f: {  	_ =	shalt  }
0x50: {  	_ =	shalt  }
0x51: {  	_ =	shalt  }
0x52: {  	_ =	shalt  }
0x53: {  	_ =	shalt  }
0x54: {  	_ =	shalt  }
0x55: {  	_ =	shalt  }
0x56: {  	_ =	shalt  }
0x57: {  	_ =	shalt  }
0x58: {  	_ =	shalt  }
0x59: {  	_ =	shalt  }
0x5a: {  	_ =	shalt  }
0x5b: {  	_ =	shalt  }
0x5c: {  	_ =	shalt  }
0x5d: {  	_ =	shalt  }
0x5e: {  	_ =	shalt  }
0x5f: {  	_ =	shalt  }
0x60: {  	_ =	shalt  }
0x61: {  	_ =	shalt  }
0x62: {  	_ =	shalt  }
0x63: {  	_ =	shalt  }
0x64: {  	_ =	shalt  }
0x65: {  	_ =	shalt  }
0x66: {  	_ =	shalt  }
0x67: {  	_ =	shalt  }
0x68: {  	_ =	shalt  }
0x69: {  	_ =	shalt  }
0x6a: {  	_ =	shalt  }
0x6b: {  	_ =	shalt  }
0x6c: {  	_ =	shalt  }
0x6d: {  	_ =	shalt  }
0x6e: {  	_ =	shalt  }
0x6f: {  	_ =	shalt  }
0x70: {  	_ =	shalt  }
0x71: {  	_ =	shalt  }
0x72: {  	_ =	shalt  }
0x73: {  	_ =	shalt  }
0x74: {  	_ =	shalt  }
0x75: {  	_ =	shalt  }
0x76: {  	_ =	shalt  }
0x77: {  	_ =	shalt  }
0x78: {  	_ =	shalt  }
0x79: {  	_ =	shalt  }
0x7a: {  	_ =	shalt  }
0x7b: {  	_ =	shalt  }
0x7c: {  	_ =	shalt  }
0x7d: {  	_ =	shalt  }
0x7e: {  	_ =	shalt  }
0x7f: {  	_ =	shalt  }
0x80: {  	_ =	shalt  }
0x81: {  	_ =	shalt  }
0x82: {  	_ =	shalt  }
0x83: {  	_ =	shalt  }
0x84: {  	_ =	shalt  }
0x85: {  	_ =	shalt  }
0x86: {  	_ =	shalt  }
0x87: {  	_ =	shalt  }
.Lfunc_end0:
.L_simem_size_0:
called_computation_lowered:
.L_overlay_start_0:
0x88: {  	s2 =	sld [smem:$0x3FD9]  }
0x89: {  	s3 =	sld [smem:$0x3FFE];
	_ =	sdelay $0x1  }
0x8a: {  	s1 =	srdreg.scid  }
0x8b: {  	s0 =	sand.u32 $0x1, s1  }
0x8c: {  	s16 =	sshll.u32 s0, $0xA;
	s2 =	sadd.s32 s3, s2  }
0x8d: {  	s2 =	sadd.s32 s2, s16  }
0x8e: {  	[smem:$0x3FBB] =	sst s2  }
0x8f: {  	_ = 	snop  }
0x90: {  	(tm) =	ssettm $0x1  }
0x91: {  	s17 =	sld [smem:$0x3FFB];
	_ =	sdelay $0x3  }
0x92: {  	_ =	strace s17  }
0x93: {  	s2 =	sld [smem:$0x3FFC];
	_ =	sdelay $0x3  }
0x94: {  	_ =	strace s2  }
0x95: {  	s2 =	sld [smem:$0x3FFD];
	_ =	sdelay $0x3  }
0x96: {  	_ =	strace s2  }
0x97: {  	_ =	strace $0x8FFFFFFF  }
0x98: {  	s18 =	sld [smem:$0x3FDB];
	_ =	sdelay $0x1  }
0x99: {  	s19 =	simm.s32 $_scs_section_size  }
0x9a: {  	s4 =	simm.s32 $_size__tile_overlayer_lowered;
	s5 =	simm.s32 $_tile_overlayer_lowered  }
0x9b: {  	s22 =	simm.s32 $0x1BFF;
	s21 =	sshll.u32 s5, $0x1;
	s2 =	sadd.s32 s19, s18  }
0x9c: {  	s6 =	simm.s32 $0x0;
	s20 =	sshll.u32 s4, $0x1;
	s4 =	sadd.s32 s21, s2  }
0x9d: {  	[timem:s6], [sflag:s22] =	dma.local [hbm:s4], s20  }
0x9e: {  	_ =	swait.ge [sflag:s22], s20  }
0x9f: {  	s3 =	ssub.s32 $0x0, s20;
	[sflag:s22] =	ssyncset.done $0x0  }
0xa0: {  	[sflag:s22] =	ssyncadd.s32 s3;
	_ =	sdelay $0x1  }
0xa1: {  	s23 =	simm.s32 $0x1B8B  }
0xa2: {  	_ =	swait.ge [sflag:s23], $0x1  }
0xa3: {  	[sflag:s23] =	ssyncset.done $0x0  }
0xa4: {  	s25 =	simm.s32 $0x1B8E;
	s24 =	sld [smem:$0x3FFE];
	[sflag:s23] =	ssyncadd.s32 $0xFFFFFFFF  }
0xa5: {  	s26 =	simm.s32 $execute0_lowered;
	[smem:$0x3FD2] =	sst s25  }
0xa6: {  	s4 =	sshll.u32 s26, $0x1;
	_ =	strace $0x80000046;
	[dreg:$0x1] =	wrdreg $0xFFFFFFFF  }
0xa7: {  	s28 =	simm.s32 $_size_execute0_lowered;
	s2 =	sadd.s32 s2, s4;
	[dreg:$0x0] =	wrdreg $0x0  }
0xa8: {  	s4 =	sshll.u32 s28, $0x1;
	[dreg:$0x2] =	wrdreg s2  }
0xa9: {  	[dreg:$0x3] =	wrdreg s4  }
0xaa: {  	[dreg:$0x4] =	wrdreg $0xC0  }
0xab: {  	_ =	task [dreg:s6], $0x5FFFF  }
0xac: {  	[dreg:$0x1] =	wrdreg $0xFFFFFFFF  }
0xad: {  	[dreg:$0x0] =	wrdreg $0x60  }
0xae: {  	[dreg:$0x2] =	wrdreg s24  }
0xaf: {  	[dreg:$0x3] =	wrdreg $0x0  }
0xb0: {  	[dreg:$0x4] =	wrdreg $0xC4000  }
0xb1: {  	[dreg:$0x5] =	wrdreg $0x9  }
0xb2: {  	_ =	task.clear_ibuf [dreg:s6], $0x6FFFF;
	_ =	strace $0x90000046  }
0xb3: {  	s29 =	simm.s32 $0x9;
	_ =	strace $0x80000048  }
0xb4: {  	_ =	swait.ge [sflag:s29], $0x1  }
0xb5: {  	[sflag:s29] =	ssyncadd.s32 $0xFFFFFFFF  }
0xb6: {  	_ =	strace $0x90000048  }
0xb7: {  	_ =	sfence  }
0xb8: {  	s30 =	sld [smem:$0x0];
	_ =	sdelay $0x2  }
0xb9: {  	s31 =	sshll.u32 s1, $0xD;
	s1 =	sshrl.u32 s1, $0x2  }
0xba: {  	s3 =	sand.u32 $0x4000, s31;
	s1 =	sadd.s32 s1, s30  }
0xbb: {  	s0 =	sor.u32 s3, s0;
	s1 =	sshll.u32 s1, $0x11  }
0xbc: {  	s0 =	sor.u32 s1, s0  }
0xbd: {  	s0 =	sadd.s32 $0x8F2B, s0  }
0xbe: {  	[sflag:s0] =	ssyncadd.remote.s32 $0x1  }
0xbf: {  	_ =	sfence.sel $0xFFFF  }
0xc0: {  	[dreg:$0x0] =	wrdreg $0xFFFFFFFF;
	(pc) =	sbr.abs _section_cstart, $3  }
0xc1: {  	[dreg:$0x1] =	wrdreg $0xFFFFFFFF  }
0xc2: {  	_ =	task.clear_ibuf [dreg:s6], $0x2FFFF;
	_ =	strace $0x9FFFFFFF  }
0xc3: {  	(tm) =	ssettm $0x7FFFFFFF  }
tec
execute0_lowered:
.L_overlay_start_1:
0x0: {  	(tag) =	ssettag $0x1  }
0x1: {  	s0 =	rddreg [dreg:$0x0]  }
0x2: {  	s1 =	rddreg [dreg:$0x1]  }
0x3: {  	s2 =	rddreg [dreg:$0x2]  }
0x4: {  	s3 =	simm.s32 $0x0;
	s4 =	srdreg.scid;
	s14 =	stileid.u32  }
0x5: {  	s28 =	simm.s32 $0x1D600;
	s29 =	simm.s32 $0x7;
	s30 =	simm.s32 $0x3  }
0x6: {  	s31 =	simm.s32 $0x1A500;
	[smem:$0x7FF] =	sst s3;
	s5 =	sadd.s32 $0x141200, s0  }
0x7: {  	s6 =	sadd.s32 $0x128200, s0;
	s7 =	sadd.s32 $0xC6600, s0;
	s12 =	smul.u32 $0xC400, s14  }
0x8: {  	s4 =	sand.u32 $0x1, s4;
	s8 =	sadd.s32 $0x64A00, s0;
	s13 =	smul.u32 $0x1900, s14  }
0x9: {  	s9 =	sadd.s32 $0x2E00, s0;
	s10 =	sadd.s32 $0x15A200, s0;
	s21 =	smul.u32 $0x31000, s14  }
0xa: {  	_ =	strace $0x80000047;
	s11 =	ssub.s32 $0x2, s4;
	s4 =	sshll.u32 s4, $0x1  }
0xb: {  	s15 =	sshrl.u32 s11, $0x1;
	s12 =	sadd.s32 $0xC000, s12;
	[dreg:$0x4] =	wrdreg s4  }
0xc: {  	s18 =	sadd.s32 s5, s13;
	s19 =	sadd.s32 s6, s13;
	s20 =	sor.u32 $0x10, s13  }
0xd: {  	s25 =	sshrl.u32 s21, $0x2;
	s0 =	ssub.s32 s11, s15;
	[dreg:$0x7] =	wrdreg s18  }
0xe: {  	s11 =	smul.u32 $0x190, s14;
	s16 =	sadd.s32 s12, s1;
	[dreg:$0x8] =	wrdreg s19  }
0xf: {  	s17 =	sadd.s32 s12, s2;
	s13 =	sadd.s32 s5, s20;
	[dreg:$0x5] =	wrdreg s16  }
0x10: {  	s4 =	sadd.s32 s6, s20;
	s18 =	simm.s32 $0x1A280;
	[dreg:$0x6] =	wrdreg s17  }
0x11: {  	s15 =	simm.s32 $0x0;
	s16 =	smul.u32 $0xC380, s14;
	[dreg:$0x9] =	wrdreg s13  }
0x12: {  	[dreg:$0xa] =	wrdreg s4;
	s0 =	smax.u32 s0, $0x1;
	s4 =	simm.s32 $0x80  }
0x13: {  	s17 =	simm.s32 $0x2;
	s23 =	sor.u32 $0x1, s11;
	[dreg:$0xe] =	wrdreg s0  }
0x14: {  	s13 =	simm.s32 $0x4;
	s22 =	sadd.s32 $0xC000, s16;
	[dreg:$0xc] =	wrdreg s23  }
0x15: {  	s14 =	simm.s32 $0x1A580;
	s24 =	sadd.s32 s22, s1;
	[dreg:$0xb] =	wrdreg s22  }
0x16: {  	s0 =	simm.s32 $0x1;
	s26 =	sadd.s32 s22, s2;
	[dreg:$0xd] =	wrdreg s24  }
0x17: {  	v0 =	vimm.f32 $0.0e+00;
	s24 =	sadd.s32 s25, s2;
	s25 =	sadd.s32 s25, s1;
	[dreg:$0xf] =	wrdreg s26  }
.LBB2_1:
0x18: {  	[dreg:$0x10] =	wrdreg s15;
	p1 =	por $0x1, $0x1;
	s12 =	simm.s32 $0x0  }
.LBB2_2:
0x19: {  	p0 =	por p1, p1;
	s15 =	simm.s32 $0x40;
	s19 =	simm.s32 $0x0  }
.LBB2_3:
0x1a: {  	p1 =	sne.s32 s15, $0x1FC0;
	[tilespmem:s19+$0x1D600] =	vst v0;
	s19 =	smov.u32 s15;
	s15 =	sadd.s32 $0x40, s15  }
.Ltmp0:
0x1b: {  	(pc) =	sbr.rel @p1 .LBB2_3-.Ltmp0, $2  }
0x1c: {  	_ =	sdelay $0x2  }
0x1d: {  	s19 =	sshra.s32 s19, $0x2  }
0x1e: {  	[tilespmem:s19+$0x1D600] =	vst v0;
	s15 =	sadd.s32 $0x0, s25  }
0x1f: {  	[spmem:s15] =	stream.linear.scatter [tilespmem:s28], [sflag:$0x7], $0x800, $0x38;
	[tilespmem:$0x1F600] =	vst v63  }
0x20: {  	_ =	swait.ge [sflag:s29], $0x800  }
0x21: {  	[sflag:s29] =	ssyncset.done $0x0  }
0x22: {  	s26 =	sadd.s32 $0x0, s24;
	[sflag:s29] =	ssyncadd.s32 $0xFFFFF800  }
0x23: {  	[spmem:s26] =	stream.linear.scatter [tilespmem:s28], [sflag:$0x7], $0x800, $0x38;
	[tilespmem:$0x1F600] =	vst v63  }
0x24: {  	_ =	swait.ge [sflag:s29], $0x800  }
0x25: {  	s19 =	simm.s32 $0x4000;
	s15 =	simm.s32 $0x800;
	[sflag:s29] =	ssyncset.done $0x0  }
.LBB2_5:
0x26: {  	s20 =	sadd.s32 s15, s25  }
0x27: {  	[sflag:s29] =	ssyncadd.s32 $0xFFFFF800;
	s21 =	smov.u32 s19;
	s22 =	sadd.s32 $0x2000, s19  }
0x28: {  	[spmem:s20] =	stream.linear.scatter [tilespmem:s28], [sflag:$0x7], $0x800, $0x38;
	[tilespmem:$0x1F600] =	vst v63  }
0x29: {  	p1 =	sne.s32 s19, $0x2E000;
	_ =	swait.ge [sflag:s29], $0x800  }
.Ltmp1:
0x2a: {  	[sflag:s29] =	ssyncset.done $0x0;
	(pc) =	sbr.rel @p1 .LBB2_5-.Ltmp1, $4  }
0x2b: {  	s15 =	sadd.s32 s15, s24;
	[sflag:s29] =	ssyncadd.s32 $0xFFFFF800  }
0x2c: {  	[spmem:s15] =	stream.linear.scatter [tilespmem:s28], [sflag:$0x7], $0x800, $0x38;
	[tilespmem:$0x1F600] =	vst v63  }
0x2d: {  	_ =	swait.ge [sflag:s29], $0x800  }
0x2e: {  	s19 =	smov.u32 s22;
	s15 =	sshra.s32 s21, $0x2;
	[sflag:s29] =	ssyncset.done $0x0  }
0x2f: {  	s19 =	sadd.s32 s15, s25;
	[sflag:s29] =	ssyncadd.s32 $0xFFFFF800  }
0x30: {  	[spmem:s19] =	stream.linear.scatter [tilespmem:s28], [sflag:$0x7], $0x800, $0x38;
	[tilespmem:$0x1F600] =	vst v63  }
0x31: {  	_ =	swait.ge [sflag:s29], $0x800  }
0x32: {  	[sflag:s29] =	ssyncset.done $0x0  }
0x33: {  	s21 =	sadd.s32 s15, s24;
	[sflag:s29] =	ssyncadd.s32 $0xFFFFF800  }
0x34: {  	[spmem:s21] =	stream.linear.scatter [tilespmem:s28], [sflag:$0x7], $0x800, $0x38;
	[tilespmem:$0x1F600] =	vst v63  }
0x35: {  	_ =	swait.ge [sflag:s29], $0x800  }
0x36: {  	[sflag:s29] =	ssyncset.done $0x0  }
0x37: {  	s22 =	rddreg [dreg:$0x5];
	[sflag:s29] =	ssyncadd.s32 $0xFFFFF800  }
0x38: {  	[spmem:s22] =	stream.linear.scatter [tilespmem:s28], [sflag:$0x7], $0x400, $0x38;
	[tilespmem:$0x1F600] =	vst v63  }
0x39: {  	_ =	swait.ge [sflag:s29], $0x400  }
0x3a: {  	[sflag:s29] =	ssyncset.done $0x0  }
0x3b: {  	s26 =	rddreg [dreg:$0x6];
	[sflag:s29] =	ssyncadd.s32 $0xFFFFFC00  }
0x3c: {  	[spmem:s26] =	stream.linear.scatter [tilespmem:s28], [sflag:$0x7], $0x400, $0x38;
	[tilespmem:$0x1F600] =	vst v63  }
0x3d: {  	_ =	swait.ge [sflag:s29], $0x400  }
0x3e: {  	[sflag:s29] =	ssyncset.done $0x0  }
0x3f: {  	[sflag:s29] =	ssyncadd.s32 $0xFFFFFC00  }
0x40: {  	[bflag:$0x0] =	sbarrier.arrive $0xFFFF  }
0x41: {  	s20 =	simm.s32 $0x1A000;
	s26 =	simm.s32 $0x0;
	s19 =	rddreg [dreg:$0x7]  }
0x42: {  	[tilespmem:s20], [sflag:$0x1] =	stream.linear.gather [hbm4b:s19+s26], $0x80, $0x38;
	[tilespmem:$0x1F600] =	vst v63  }
0x43: {  	s22 =	simm.s32 $0x1A100;
	s21 =	rddreg [dreg:$0x8]  }
0x44: {  	[tilespmem:s22], [sflag:$0x1] =	stream.linear.gather [hbm4b:s21+s26], $0x80, $0x38;
	[tilespmem:$0x1F600] =	vst v63  }
0x45: {  	_ =	swait.ge [sflag:s0], $0x80  }
0x46: {  	[sflag:s0] =	ssyncset.done $0x0  }
0x47: {  	[sflag:s0] =	ssyncadd.s32 $0xFFFFFF80  }
0x48: {  	_ =	swait.ge [sflag:s0], $0x80  }
0x49: {  	[sflag:s0] =	ssyncset.done $0x0  }
0x4a: {  	[sflag:s0] =	ssyncadd.s32 $0xFFFFFF80  }
0x4b: {  	v1 =	vld [tilespmem:$0x1A100]  }
0x4c: {  	v2 =	vld [tilespmem:$0x1A000]  }
0x4d: {  	v3 =	vld [tilespmem:$0x1A110]  }
0x4e: {  	s19 =	rddreg [dreg:$0x4]  }
0x4f: {  	s12 =	sor.u32 s19, s12;
	v4 =	vld [tilespmem:$0x1A010]  }
0x50: {  	[dreg:$0x11] =	wrdreg s12;
	s12 =	smul.u32 $0xC350, s12  }
0x51: {  	v6 =	vld [tilespmem:$0x1A120];
	vm0 =	vlt.s32 v1, $0xC34F;
	[tilespmem:$0x1A400] =	vst v1  }
0x52: {  	v59 =	vld [tilespmem:$0x1A130];
	v2 =	vadd.s32 s12, v2;
	[tilespmem:$0x1A410] =	vst v3;
	v5 =	vnsel vm0, $0xC34F, v1  }
0x53: {  	v58 =	vld [tilespmem:$0x1A020];
	vm9 =	vlt.s32 v3, $0xC34F;
	[tilespmem:$0x1A200] =	vst v2;
	v2 =	vadd.s32 s12, v5  }
0x54: {  	v1 =	vadd.s32 s12, v4;
	[tilespmem:$0x1A300] =	vst v2;
	v2 =	vnsel vm9, $0xC34F, v3  }
0x55: {  	[tilespmem:$0x1A210] =	vst v1;
	v1 =	vadd.s32 s12, v2;
	v2 =	vld [tilespmem:$0x1A030]  }
0x56: {  	[tilespmem:$0x1A420] =	vst v6  }
0x57: {  	v60 =	vld [tilespmem:$0x1A140];
	vm10 =	vlt.s32 v6, $0xC34F;
	[tilespmem:$0x1A430] =	vst v59  }
0x58: {  	v61 =	vld [tilespmem:$0x1A150];
	v3 =	vnsel vm10, $0xC34F, v6;
	[tilespmem:$0x1A310] =	vst v1;
	v1 =	vadd.s32 s12, v58  }
0x59: {  	vm11 =	vlt.s32 v59, $0xC34F;
	[tilespmem:$0x1A220] =	vst v1;
	v1 =	vadd.s32 s12, v3;
	v3 =	vld [tilespmem:$0x1A040]  }
0x5a: {  	[tilespmem:$0x1A320] =	vst v1;
	v1 =	vadd.s32 s12, v2;
	v2 =	vnsel vm11, $0xC34F, v59  }
0x5b: {  	[tilespmem:$0x1A230] =	vst v1;
	v1 =	vadd.s32 s12, v2;
	v2 =	vld [tilespmem:$0x1A050]  }
0x5c: {  	[tilespmem:$0x1A440] =	vst v60  }
0x5d: {  	v62 =	vld [tilespmem:$0x1A160];
	vm12 =	vlt.s32 v60, $0xC34F;
	[tilespmem:$0x1A450] =	vst v61  }
0x5e: {  	v63 =	vld [tilespmem:$0x1A170];
	[tilespmem:$0x1A330] =	vst v1;
	v1 =	vadd.s32 s12, v3;
	v3 =	vnsel vm12, $0xC34F, v60  }
0x5f: {  	vm13 =	vlt.s32 v61, $0xC34F;
	[tilespmem:$0x1A240] =	vst v1;
	v1 =	vadd.s32 s12, v3;
	v3 =	vld [tilespmem:$0x1A060]  }
0x60: {  	[tilespmem:$0x1A340] =	vst v1;
	v1 =	vadd.s32 s12, v2;
	v2 =	vnsel vm13, $0xC34F, v61  }
0x61: {  	[tilespmem:$0x1A250] =	vst v1;
	v1 =	vadd.s32 s12, v2;
	v2 =	vld [tilespmem:$0x1A070]  }
0x62: {  	[tilespmem:$0x1A460] =	vst v62  }
0x63: {  	vm14 =	vlt.s32 v62, $0xC34F;
	[tilespmem:$0x1A470] =	vst v63  }
0x64: {  	[tilespmem:$0x1A350] =	vst v1;
	v1 =	vadd.s32 s12, v3;
	v3 =	vnsel vm14, $0xC34F, v62  }
0x65: {  	vm15 =	vlt.s32 v63, $0xC34F;
	[tilespmem:$0x1A260] =	vst v1;
	v1 =	vadd.s32 s12, v3  }
0x66: {  	[tilespmem:$0x1A360] =	vst v1;
	v1 =	vadd.s32 s12, v2;
	v2 =	vnsel vm15, $0xC34F, v63  }
0x67: {  	[tilespmem:$0x1A270] =	vst v1;
	v1 =	vadd.s32 s12, v2  }
0x68: {  	s15 =	simm.s32 $0x1A200;
	s20 =	simm.s32 $0x1A600;
	[tilespmem:$0x1A370] =	vst v1  }
0x69: {  	[tilespmem:s20], [sflag:$0x3] =	stream.indirect.gather [hbm4b:s7+s4], $0x10, s15, s4, $0xb8;
	[tilespmem:$0x1F600] =	vst v63  }
0x6a: {  	s21 =	simm.s32 $0x1A300;
	s20 =	simm.s32 $0x1B600  }
0x6b: {  	[tilespmem:s20], [sflag:$0x3] =	stream.indirect.gather [hbm4b:s8+s4], $0x10, s21, s4, $0xb8;
	[tilespmem:$0x1F600] =	vst v63  }
0x6c: {  	s22 =	simm.s32 $0x1C600  }
0x6d: {  	[tilespmem:s22], [sflag:$0x3] =	stream.indirect.gather [hbm4b:s9+s4], $0x10, s15, s4, $0xb8;
	[tilespmem:$0x1F600] =	vst v63  }
0x6e: {  	s19 =	rddreg [dreg:$0x9];
	s20 =	simm.s32 $0x1A080  }
0x6f: {  	[tilespmem:s20], [sflag:$0x2] =	stream.linear.gather [hbm4b:s19+s26], $0x80, $0x38;
	[tilespmem:$0x1F600] =	vst v63  }
0x70: {  	s21 =	rddreg [dreg:$0xa];
	s22 =	simm.s32 $0x1A180  }
0x71: {  	v1 =	vmov s12;
	[tilespmem:s22], [sflag:$0x2] =	stream.linear.gather [hbm4b:s21+s26], $0x80, $0x38;
	[tilespmem:$0x1F600] =	vst v63  }
.LBB2_7:
0x72: {  	s12 =	sshll.u32 s26, $0x1;
	p2 =	seq.s32 s26, $0xC7  }
0x73: {  	s15 =	sadd.s32 @!p2 s11, s12  }
0x74: {  	s15 =	sshll.u32 @!p2 s15, $0x4  }
0x75: {  	s15 =	sadd.s32 @!p2 $0x20, s15  }
0x76: {  	s20 =	simm.s32 @!p2 $0x0;
	s21 =	simm.s32 @!p2 $0x1A000;
	s19 =	sadd.s32 @!p2 s5, s15  }
0x77: {  	[tilespmem:s21], [sflag:$0x1] =	stream.linear.gather @!p2 [hbm4b:s19+s20], $0x80, $0x38;
	[tilespmem:$0x1F600] =	vst v63  }
0x78: {  	s15 =	sadd.s32 @!p2 s6, s15;
	s19 =	simm.s32 @!p2 $0x1A100  }
0x79: {  	[tilespmem:s19], [sflag:$0x1] =	stream.linear.gather @!p2 [hbm4b:s15+s20], $0x80, $0x38;
	[tilespmem:$0x1F600] =	vst v63  }
0x7a: {  	_ =	swait.ge [sflag:s17], $0x80  }
0x7b: {  	[sflag:s17] =	ssyncset.done $0x0  }
0x7c: {  	[sflag:s17] =	ssyncadd.s32 $0xFFFFFF80  }
0x7d: {  	_ =	swait.ge [sflag:s17], $0x80  }
0x7e: {  	[sflag:s17] =	ssyncset.done $0x0  }
0x7f: {  	[sflag:s17] =	ssyncadd.s32 $0xFFFFFF80  }
0x80: {  	v2 =	vld [tilespmem:$0x1A180]  }
0x81: {  	v3 =	vld [tilespmem:$0x1A080]  }
0x82: {  	v4 =	vld [tilespmem:$0x1A190]  }
0x83: {  	v5 =	vld [tilespmem:$0x1A090];
	_ =	sdelay $0x3  }
0x84: {  	v7 =	vld [tilespmem:$0x1A1A0];
	vm0 =	vlt.s32 v2, $0xC34F;
	[tilespmem:$0x1A480] =	vst v2  }
0x85: {  	v3 =	vadd.s32 v1, v3;
	[tilespmem:$0x1A490] =	vst v4;
	v6 =	vnsel vm0, $0xC34F, v2;
	v2 =	vadd.s32 v1, v5;
	v5 =	vld [tilespmem:$0x1A1B0]  }
0x86: {  	vm9 =	vlt.s32 v4, $0xC34F;
	[tilespmem:$0x1A280] =	vst v3;
	v3 =	vadd.s32 v1, v6;
	v6 =	vld [tilespmem:$0x1A0A0]  }
0x87: {  	[tilespmem:$0x1A380] =	vst v3;
	v3 =	vnsel vm9, $0xC34F, v4  }
0x88: {  	[tilespmem:$0x1A290] =	vst v2;
	v2 =	vadd.s32 v1, v3;
	v3 =	vld [tilespmem:$0x1A0B0]  }
0x89: {  	vm10 =	vlt.s32 v7, $0xC34F;
	[tilespmem:$0x1A4A0] =	vst v7  }
0x8a: {  	v4 =	vnsel vm10, $0xC34F, v7;
	v7 =	vld [tilespmem:$0x1A1D0];
	[tilespmem:$0x1A390] =	vst v2  }
0x8b: {  	[tilespmem:$0x1A4B0] =	vst v5;
	v2 =	vadd.s32 v1, v6;
	v6 =	vld [tilespmem:$0x1A1C0]  }
0x8c: {  	vm11 =	vlt.s32 v5, $0xC34F;
	[tilespmem:$0x1A2A0] =	vst v2;
	v2 =	vadd.s32 v1, v4;
	v4 =	vld [tilespmem:$0x1A0C0]  }
0x8d: {  	[tilespmem:$0x1A3A0] =	vst v2;
	v2 =	vadd.s32 v1, v3;
	v3 =	vnsel vm11, $0xC34F, v5  }
0x8e: {  	[tilespmem:$0x1A2B0] =	vst v2;
	v2 =	vadd.s32 v1, v3;
	v3 =	vld [tilespmem:$0x1A0D0]  }
0x8f: {  	[tilespmem:$0x1A4D0] =	vst v7  }
0x90: {  	v5 =	vld [tilespmem:$0x1A1E0];
	[tilespmem:$0x1A3B0] =	vst v2;
	vm12 =	vlt.s32 v6, $0xC34F  }
0x91: {  	[tilespmem:$0x1A4C0] =	vst v6;
	v2 =	vadd.s32 v1, v4;
	v4 =	vnsel vm12, $0xC34F, v6;
	v6 =	vld [tilespmem:$0x1A1F0]  }
0x92: {  	vm13 =	vlt.s32 v7, $0xC34F;
	[tilespmem:$0x1A2C0] =	vst v2;
	v2 =	vadd.s32 v1, v4;
	v4 =	vld [tilespmem:$0x1A0E0]  }
0x93: {  	[tilespmem:$0x1A3C0] =	vst v2;
	v2 =	vadd.s32 v1, v3;
	v3 =	vnsel vm13, $0xC34F, v7  }
0x94: {  	[tilespmem:$0x1A2D0] =	vst v2;
	v2 =	vadd.s32 v1, v3;
	v3 =	vld [tilespmem:$0x1A0F0]  }
0x95: {  	[tilespmem:$0x1A4E0] =	vst v5  }
0x96: {  	vm14 =	vlt.s32 v5, $0xC34F;
	[tilespmem:$0x1A3D0] =	vst v2  }
0x97: {  	[tilespmem:$0x1A4F0] =	vst v6;
	v2 =	vadd.s32 v1, v4;
	v4 =	vnsel vm14, $0xC34F, v5  }
0x98: {  	vm15 =	vlt.s32 v6, $0xC34F;
	[tilespmem:$0x1A2E0] =	vst v2;
	v2 =	vadd.s32 v1, v4  }
0x99: {  	[tilespmem:$0x1A3E0] =	vst v2;
	v2 =	vadd.s32 v1, v3;
	v3 =	vnsel vm15, $0xC34F, v6  }
0x9a: {  	[tilespmem:$0x1A2F0] =	vst v2;
	v2 =	vadd.s32 v1, v3  }
0x9b: {  	s19 =	simm.s32 $0x1AE00;
	[tilespmem:$0x1A3F0] =	vst v2  }
0x9c: {  	[tilespmem:s19], [sflag:$0x4] =	stream.indirect.gather [hbm4b:s7+s4], $0x10, s18, s4, $0xb8;
	[tilespmem:$0x1F600] =	vst v63  }
0x9d: {  	s21 =	simm.s32 $0x1BE00;
	s20 =	simm.s32 $0x1A380  }
0x9e: {  	[tilespmem:s21], [sflag:$0x4] =	stream.indirect.gather [hbm4b:s8+s4], $0x10, s20, s4, $0xb8;
	[tilespmem:$0x1F600] =	vst v63  }
0x9f: {  	s22 =	simm.s32 $0x1CE00  }
0xa0: {  	[tilespmem:s22], [sflag:$0x4] =	stream.indirect.gather [hbm4b:s9+s4], $0x10, s18, s4, $0xb8;
	[tilespmem:$0x1F600] =	vst v63  }
0xa1: {  	_ =	swait.ge [sflag:s30], $0x800  }
0xa2: {  	[sflag:s30] =	ssyncset.done $0x0  }
0xa3: {  	[sflag:s30] =	ssyncadd.s32 $0xFFFFF800  }
0xa4: {  	_ =	swait.ge [sflag:s30], $0x800  }
0xa5: {  	[sflag:s30] =	ssyncset.done $0x0  }
0xa6: {  	[sflag:s30] =	ssyncadd.s32 $0xFFFFF800  }
0xa7: {  	_ =	swait.ge [sflag:s30], $0x800  }
0xa8: {  	p1 =	seq.s32 s26, $0x0;
	[sflag:s30] =	ssyncset.done $0x0  }
0xa9: {  	s15 =	simm.s32 @!p1 $0x5;
	[sflag:s30] =	ssyncadd.s32 $0xFFFFF800  }
0xaa: {  	_ =	swait.ge @!p1 [sflag:s15], $0x800  }
0xab: {  	[sflag:s15] =	ssyncset.done @!p1 $0x0  }
0xac: {  	[sflag:s15] =	ssyncadd.s32 @!p1 $0xFFFFF800  }
0xad: {  	_ =	swait.ge @!p1 [sflag:s15], $0x800  }
0xae: {  	[sflag:s15] =	ssyncset.done @!p1 $0x0  }
0xaf: {  	s21 =	simm.s32 $0x0;
	[sflag:s15] =	ssyncadd.s32 @!p1 $0xFFFFF800  }
0xb0: {  	v2 =	vld [tilespmem:s21+$0x1A670]  }
0xb1: {  	v3 =	vld [tilespmem:s21+$0x1B670];
	_ =	sdelay $0x1  }
0xb2: {  	v4 =	vld [tilespmem:s21+$0x1A600]  }
0xb3: {  	v5 =	vld [tilespmem:s21+$0x1B600];
	_ =	sdelay $0x1  }
0xb4: {  	v6 =	vld [tilespmem:s21+$0x1A610];
	v2 =	vadd.f32 v3, v2  }
0xb5: {  	v7 =	vld [tilespmem:s21+$0x1B610]  }
0xb6: {  	v10 =	vmul.f32 $2.000000030e-01, v2  }
0xb7: {  	v4 =	vadd.f32 v5, v4  }
0xb8: {  	v8 =	vld [tilespmem:s21+$0x1A620];
	v2 =	vmax.f32 v2, v10  }
0xb9: {  	v3 =	vld [tilespmem:s21+$0x1B620];
	v14 =	vmul.f32 $2.000000030e-01, v4;
	v2 =	vmul.f32 $1.442695020e+00, v2  }
0xba: {  	v6 =	vadd.f32 v7, v6  }
0xbb: {  	v9 =	vld [tilespmem:s21+$0x1A630];
	v4 =	vmax.f32 v4, v14;
	(erf) = vpow2.f32 v2  }
0xbc: {  	v11 =	vld [tilespmem:s21+$0x1B630];
	v14 =	vmul.f32 $2.000000030e-01, v6;
	v4 =	vmul.f32 $1.442695020e+00, v4  }
0xbd: {  	v12 =	vld [tilespmem:s21+$0x1A640]  }
0xbe: {  	v13 =	vld [tilespmem:s21+$0x1A650];
	v3 =	vadd.f32 v3, v8;
	v6 =	vmax.f32 v6, v14;
	(erf) = vpow2.f32 v4  }
0xbf: {  	v15 =	vld [tilespmem:s21+$0x1C600];
	v6 =	vmul.f32 $1.442695020e+00, v6  }
0xc0: {  	v17 =	vld [tilespmem:s21+$0x1C670];
	v14 =	vmul.f32 $2.000000030e-01, v3  }
0xc1: {  	v5 =	vld [tilespmem:s21+$0x1B650];
	(erf) = vpow2.f32 v6;
	v6 =	vadd.f32 v11, v9  }
0xc2: {  	v10 =	vld [tilespmem:s21+$0x1B640];
	v3 =	vmax.f32 v3, v14  }
0xc3: {  	v7 =	vld [tilespmem:s21+$0x1B660];
	v3 =	vmul.f32 $1.442695020e+00, v3;
	v11 =	vmul.f32 $2.000000030e-01, v6  }
0xc4: {  	v8 =	vld [tilespmem:s21+$0x1C620];
	v9 =	vpop (erf)  }
0xc5: {  	s15 =	simm.s32 $0x80;
	v2 =	vld [tilespmem:s21+$0x1A660];
	(erf) = vpow2.f32 v3;
	v6 =	vmax.f32 v6, v11;
	[tilespmem:s21+$0x1E670] =	vst v9;
	v9 =	vmul.f32 v9, v17  }
0xc6: {  	v6 =	vmul.f32 $1.442695020e+00, v6;
	v57 =	vld [tilespmem:s15+$0x1A670]  }
0xc7: {  	v10 =	vadd.f32 v10, v12;
	v11 =	vpop (erf);
	v3 =	vld [tilespmem:s15+$0x1B670];
	[tilespmem:s21+$0x1D670] =	vst v9  }
0xc8: {  	v5 =	vadd.f32 v5, v13;
	(erf) = vpow2.f32 v6;
	v6 =	vmul.f32 v11, v15;
	v9 =	vld [tilespmem:s15+$0x1A600]  }
0xc9: {  	v12 =	vld [tilespmem:s15+$0x1B600];
	[tilespmem:s21+$0x1E600] =	vst v11;
	v11 =	vmul.f32 $2.000000030e-01, v10  }
0xca: {  	v15 =	vld [tilespmem:s15+$0x1A610];
	[tilespmem:s21+$0x1D600] =	vst v6;
	v6 =	vmul.f32 $2.000000030e-01, v5  }
0xcb: {  	v10 =	vmax.f32 v10, v11  }
0xcc: {  	v5 =	vmax.f32 v5, v6;
	v6 =	vmul.f32 $1.442695020e+00, v10  }
0xcd: {  	v2 =	vadd.f32 v7, v2;
	v13 =	vpop (erf)  }
0xce: {  	v16 =	vld [tilespmem:s21+$0x1C610];
	v7 =	vpop (erf);
	(erf) = vpow2.f32 v6  }
0xcf: {  	v6 =	vmul.f32 v7, v8;
	v8 =	vmul.f32 $2.000000030e-01, v2  }
0xd0: {  	v5 =	vmul.f32 $1.442695020e+00, v5  }
0xd1: {  	v4 =	vld [tilespmem:s21+$0x1C630];
	v2 =	vmax.f32 v2, v8  }
0xd2: {  	(erf) = vpow2.f32 v5;
	v2 =	vmul.f32 $1.442695020e+00, v2  }
0xd3: {  	v18 =	vld [tilespmem:s21+$0x1C640];
	v16 =	vmul.f32 v13, v16  }
0xd4: {  	v19 =	vld [tilespmem:s21+$0x1C650];
	v5 =	vpop (erf);
	(erf) = vpow2.f32 v2  }
0xd5: {  	v11 =	vld [tilespmem:s15+$0x1B610];
	[tilespmem:s21+$0x1D610] =	vst v16  }
0xd6: {  	v10 =	vld [tilespmem:s15+$0x1A620];
	[tilespmem:s21+$0x1E610] =	vst v13;
	v4 =	vmul.f32 v5, v4  }
0xd7: {  	v13 =	vld [tilespmem:s15+$0x1B620];
	[tilespmem:s21+$0x1D620] =	vst v6  }
0xd8: {  	v3 =	vadd.f32 v3, v57;
	v6 =	vld [tilespmem:s15+$0x1A630];
	[tilespmem:s21+$0x1E620] =	vst v7  }
0xd9: {  	v7 =	vld [tilespmem:s15+$0x1B630];
	[tilespmem:s21+$0x1D630] =	vst v4  }
0xda: {  	v8 =	vadd.f32 v12, v9;
	v9 =	vmul.f32 $2.000000030e-01, v3;
	v2 =	vld [tilespmem:s15+$0x1A640];
	[tilespmem:s21+$0x1E630] =	vst v5;
	v4 =	vpop (erf)  }
0xdb: {  	v5 =	vld [tilespmem:s15+$0x1B640];
	[tilespmem:s21+$0x1E640] =	vst v4;
	v12 =	vpop (erf);
	v4 =	vmul.f32 v4, v18  }
0xdc: {  	v11 =	vadd.f32 v11, v15;
	v58 =	vmul.f32 $2.000000030e-01, v8;
	v3 =	vmax.f32 v3, v9;
	v16 =	vld [tilespmem:s15+$0x1A650];
	[tilespmem:s21+$0x1E650] =	vst v12  }
0xdd: {  	v3 =	vmul.f32 $1.442695020e+00, v3;
	v9 =	vld [tilespmem:s15+$0x1B650];
	[tilespmem:s21+$0x1D640] =	vst v4;
	v15 =	vpop (erf)  }
0xde: {  	v10 =	vadd.f32 v13, v10;
	v4 =	vmax.f32 v8, v58;
	v8 =	vmul.f32 $2.000000030e-01, v11;
	v59 =	vld [tilespmem:s15+$0x1A660];
	[tilespmem:s21+$0x1E660] =	vst v15  }
0xdf: {  	v60 =	vadd.f32 v7, v6;
	(erf) = vpow2.f32 v3;
	v3 =	vmul.f32 $1.442695020e+00, v4;
	v13 =	vld [tilespmem:s15+$0x1B660]  }
0xe0: {  	v63 =	vmul.f32 v12, v19;
	v4 =	vmax.f32 v11, v8;
	v11 =	vmul.f32 $2.000000030e-01, v10  }
0xe1: {  	v14 =	vld [tilespmem:s21+$0x1C660];
	v4 =	vmul.f32 $1.442695020e+00, v4;
	(erf) = vpow2.f32 v3  }
0xe2: {  	v2 =	vadd.f32 v5, v2;
	v8 =	vld [tilespmem:s15+$0x1C600];
	v3 =	vmax.f32 v10, v11;
	v10 =	vmul.f32 $2.000000030e-01, v60  }
0xe3: {  	v6 =	vld [tilespmem:s15+$0x1C610];
	v3 =	vmul.f32 $1.442695020e+00, v3;
	(erf) = vpow2.f32 v4;
	v9 =	vadd.f32 v9, v16  }
0xe4: {  	v11 =	vld [tilespmem:s15+$0x1C670];
	v4 =	vmax.f32 v60, v10;
	v10 =	vmul.f32 $2.000000030e-01, v2;
	v17 =	vadd.f32 v13, v59  }
0xe5: {  	v7 =	vld [tilespmem:s15+$0x1C620];
	v61 =	vmul.f32 $1.442695020e+00, v4;
	(erf) = vpow2.f32 v3  }
0xe6: {  	v5 =	vld [tilespmem:s15+$0x1C630];
	v3 =	vmax.f32 v2, v10;
	v10 =	vmul.f32 $2.000000030e-01, v9;
	v12 =	vmul.f32 $2.000000030e-01, v17  }
0xe7: {  	v4 =	vld [tilespmem:s15+$0x1C640];
	(erf) = vpow2.f32 v61  }
0xe8: {  	v2 =	vld [tilespmem:s15+$0x1C650];
	v62 =	vmul.f32 $1.442695020e+00, v3;
	v13 =	vpop (erf);
	v9 =	vmax.f32 v9, v10  }
0xe9: {  	s19 =	simm.s32 $0x100;
	v3 =	vld [tilespmem:s15+$0x1C660];
	[tilespmem:s15+$0x1E670] =	vst v13;
	v13 =	vmul.f32 v13, v11;
	v10 =	vmul.f32 $1.442695020e+00, v9  }
0xea: {  	s22 =	simm.s32 $0x600;
	v14 =	vmul.f32 v15, v14;
	v9 =	vld [tilespmem:s19+$0x1A670];
	(erf) = vpow2.f32 v62;
	[tilespmem:s21+$0x1D650] =	vst v63;
	v11 =	vmax.f32 v17, v12;
	v12 =	vpop (erf)  }
.LBB2_8:
0xeb: {  	p3 =	sne.s32 s22, $0x1E00;
	v15 =	vld [tilespmem:s19+$0x1B670];
	v11 =	vmul.f32 $1.442695020e+00, v11;
	[tilespmem:s15+$0x1D670] =	vst v13;
	(erf) = vpow2.f32 v10  }
0xec: {  	v17 =	vmul.f32 v12, v8;
	v10 =	vld [tilespmem:s19+$0x1A600];
	v13 =	vpop (erf);
	[tilespmem:s21+$0x1D660] =	vst v14;
	s21 =	smov.u32 s15;
	s15 =	smov.u32 s19  }
0xed: {  	v14 =	vld [tilespmem:s15+$0x1B600];
	[tilespmem:s21+$0x1E600] =	vst v12;
	v6 =	vmul.f32 v13, v6;
	(erf) = vpow2.f32 v11  }
0xee: {  	v11 =	vld [tilespmem:s15+$0x1A610];
	[tilespmem:s21+$0x1D600] =	vst v17;
	v8 =	vpop (erf);
	v16 =	vmov v3  }
0xef: {  	v3 =	vld [tilespmem:s15+$0x1B610];
	[tilespmem:s21+$0x1D610] =	vst v6;
	v6 =	vmul.f32 v8, v7  }
0xf0: {  	v7 =	vld [tilespmem:s15+$0x1A620];
	v9 =	vadd.f32 v15, v9;
	[tilespmem:s21+$0x1E610] =	vst v13;
	v12 =	vpop (erf)  }
0xf1: {  	v13 =	vld [tilespmem:s15+$0x1B620];
	[tilespmem:s21+$0x1D620] =	vst v6;
	v15 =	vmul.f32 v12, v5  }
0xf2: {  	v6 =	vadd.f32 v14, v10;
	v10 =	vld [tilespmem:s15+$0x1A630];
	v14 =	vmul.f32 $2.000000030e-01, v9;
	[tilespmem:s21+$0x1E620] =	vst v8  }
0xf3: {  	v8 =	vld [tilespmem:s15+$0x1B630];
	[tilespmem:s21+$0x1D630] =	vst v15;
	v5 =	vpop (erf)  }
0xf4: {  	v17 =	vmul.f32 $2.000000030e-01, v6;
	v3 =	vadd.f32 v3, v11;
	v11 =	vld [tilespmem:s15+$0x1A640];
	v9 =	vmax.f32 v9, v14;
	[tilespmem:s21+$0x1E630] =	vst v12;
	v12 =	vpop (erf)  }
0xf5: {  	v4 =	vmul.f32 v5, v4;
	v14 =	vld [tilespmem:s15+$0x1B640];
	v9 =	vmul.f32 $1.442695020e+00, v9;
	[tilespmem:s21+$0x1E640] =	vst v5  }
0xf6: {  	v5 =	vmax.f32 v6, v17;
	v6 =	vmul.f32 $2.000000030e-01, v3;
	v7 =	vadd.f32 v13, v7;
	v13 =	vld [tilespmem:s15+$0x1A650];
	[tilespmem:s21+$0x1E650] =	vst v12;
	v15 =	vpop (erf)  }
0xf7: {  	v5 =	vmul.f32 $1.442695020e+00, v5;
	v17 =	vld [tilespmem:s15+$0x1B650];
	(erf) = vpow2.f32 v9;
	[tilespmem:s21+$0x1D640] =	vst v4  }
0xf8: {  	v3 =	vmax.f32 v3, v6;
	v4 =	vmul.f32 $2.000000030e-01, v7;
	v9 =	vadd.f32 v8, v10;
	v10 =	vld [tilespmem:s15+$0x1A660];
	[tilespmem:s21+$0x1E660] =	vst v15  }
0xf9: {  	v3 =	vmul.f32 $1.442695020e+00, v3;
	v18 =	vld [tilespmem:s15+$0x1B660];
	(erf) = vpow2.f32 v5  }
0xfa: {  	v8 =	vld [tilespmem:s15+$0x1C600];
	v4 =	vmax.f32 v7, v4;
	v5 =	vmul.f32 $2.000000030e-01, v9;
	v11 =	vadd.f32 v14, v11  }
0xfb: {  	v6 =	vld [tilespmem:s15+$0x1C610];
	v4 =	vmul.f32 $1.442695020e+00, v4;
	(erf) = vpow2.f32 v3  }
0xfc: {  	v3 =	vmax.f32 v9, v5;
	v9 =	vmul.f32 $2.000000030e-01, v11;
	v13 =	vadd.f32 v17, v13;
	v14 =	vld [tilespmem:s15+$0x1C670]  }
0xfd: {  	v7 =	vld [tilespmem:s15+$0x1C620];
	v3 =	vmul.f32 $1.442695020e+00, v3;
	(erf) = vpow2.f32 v4  }
.Ltmp2:
0xfe: {  	v5 =	vld [tilespmem:s15+$0x1C630];
	v4 =	vmax.f32 v11, v9;
	v19 =	vmul.f32 $2.000000030e-01, v13;
	v11 =	vadd.f32 v18, v10;
	(pc) =	sbr.rel @p3 .LBB2_8-.Ltmp2, $4  }
0xff: {  	v17 =	vmul.f32 $1.442695020e+00, v4;
	v4 =	vld [tilespmem:s15+$0x1C640];
	(erf) = vpow2.f32 v3  }
0x100: {  	v3 =	vmax.f32 v13, v19;
	v18 =	vmul.f32 $2.000000030e-01, v11;
	v9 =	vpop (erf);
	v19 =	vmul.f32 v12, v2;
	v2 =	vld [tilespmem:s15+$0x1C650]  }
0x101: {  	s19 =	sshra.s32 s22, $0x2;
	v10 =	vmul.f32 $1.442695020e+00, v3;
	v3 =	vld [tilespmem:s15+$0x1C660];
	v13 =	vmul.f32 v9, v14;
	[tilespmem:s15+$0x1E670] =	vst v9  }
0x102: {  	s22 =	sadd.s32 $0x200, s22;
	v14 =	vmul.f32 v15, v16;
	v9 =	vld [tilespmem:s19+$0x1A670];
	v11 =	vmax.f32 v11, v18;
	v12 =	vpop (erf);
	(erf) = vpow2.f32 v17;
	[tilespmem:s21+$0x1D650] =	vst v19  }
0x103: {  	v15 =	vld [tilespmem:s19+$0x1B670];
	[tilespmem:s15+$0x1D670] =	vst v13  }
0x104: {  	v8 =	vmul.f32 v12, v8;
	v13 =	vld [tilespmem:s19+$0x1A600];
	[tilespmem:s21+$0x1D660] =	vst v14;
	v24 =	vpop (erf);
	(erf) = vpow2.f32 v10  }
0x105: {  	v11 =	vmul.f32 $1.442695020e+00, v11;
	v14 =	vld [tilespmem:s19+$0x1B600];
	[tilespmem:s15+$0x1E600] =	vst v12;
	v6 =	vmul.f32 v24, v6  }
0x106: {  	v16 =	vld [tilespmem:s19+$0x1A610];
	[tilespmem:s15+$0x1D600] =	vst v8;
	v25 =	vpop (erf)  }
0x107: {  	(erf) = vpow2.f32 v11;
	v8 =	vld [tilespmem:s19+$0x1B610];
	[tilespmem:s15+$0x1D610] =	vst v6;
	v7 =	vmul.f32 v25, v7  }
0x108: {  	v17 =	vld [tilespmem:s19+$0x1A620];
	[tilespmem:s15+$0x1E610] =	vst v24;
	v26 =	vpop (erf);
	v28 =	vadd.f32 v15, v9  }
0x109: {  	v12 =	vld [tilespmem:s19+$0x1B620];
	[tilespmem:s15+$0x1D620] =	vst v7;
	v5 =	vmul.f32 v26, v5  }
0x10a: {  	v27 =	vld [tilespmem:s19+$0x1A630];
	[tilespmem:s15+$0x1E620] =	vst v25;
	v13 =	vadd.f32 v14, v13;
	v31 =	vmul.f32 $2.000000030e-01, v28  }
0x10b: {  	v6 =	vld [tilespmem:s19+$0x1B630];
	[tilespmem:s15+$0x1D630] =	vst v5  }
0x10c: {  	v29 =	vpop (erf);
	v5 =	vld [tilespmem:s19+$0x1A640];
	[tilespmem:s15+$0x1E630] =	vst v26;
	v33 =	vmul.f32 $2.000000030e-01, v13;
	v8 =	vadd.f32 v8, v16;
	v7 =	vmax.f32 v28, v31  }
0x10d: {  	v4 =	vmul.f32 v29, v4;
	v30 =	vld [tilespmem:s19+$0x1B640];
	[tilespmem:s15+$0x1E640] =	vst v29;
	v32 =	vpop (erf);
	v7 =	vmul.f32 $1.442695020e+00, v7  }
0x10e: {  	v18 =	vld [tilespmem:s19+$0x1A650];
	[tilespmem:s15+$0x1E650] =	vst v32;
	v35 =	vmax.f32 v13, v33;
	v36 =	vmul.f32 $2.000000030e-01, v8;
	v12 =	vadd.f32 v12, v17  }
0x10f: {  	v34 =	vld [tilespmem:s19+$0x1B650];
	[tilespmem:s15+$0x1D640] =	vst v4;
	v4 =	vmul.f32 $1.442695020e+00, v35;
	(erf) = vpow2.f32 v7  }
0x110: {  	v37 =	vpop (erf);
	v39 =	vmax.f32 v8, v36;
	v40 =	vmul.f32 $2.000000030e-01, v12;
	v6 =	vadd.f32 v6, v27  }
0x111: {  	v38 =	vld [tilespmem:s19+$0x1A660];
	[tilespmem:s15+$0x1E660] =	vst v37;
	v7 =	vmul.f32 $1.442695020e+00, v39  }
0x112: {  	v41 =	vld [tilespmem:s19+$0x1B660];
	(erf) = vpow2.f32 v4;
	v43 =	vmax.f32 v12, v40;
	v44 =	vmul.f32 $2.000000030e-01, v6  }
0x113: {  	v4 =	vmul.f32 $1.442695020e+00, v43;
	(erf) = vpow2.f32 v7  }
0x114: {  	v42 =	vld [tilespmem:s19+$0x1C600];
	v6 =	vmax.f32 v6, v44  }
0x115: {  	v46 =	vld [tilespmem:s19+$0x1C670];
	v5 =	vadd.f32 v30, v5;
	v6 =	vmul.f32 $1.442695020e+00, v6;
	(erf) = vpow2.f32 v4  }
0x116: {  	v45 =	vld [tilespmem:s19+$0x1C610];
	v48 =	vadd.f32 v34, v18  }
0x117: {  	v47 =	vld [tilespmem:s19+$0x1C620];
	v50 =	vmul.f32 $2.000000030e-01, v5;
	v9 =	vadd.f32 v41, v38;
	(erf) = vpow2.f32 v6  }
0x118: {  	v49 =	vld [tilespmem:s19+$0x1C630];
	v52 =	vmul.f32 $2.000000030e-01, v48  }
0x119: {  	v2 =	vmul.f32 v32, v2;
	v51 =	vld [tilespmem:s19+$0x1C640];
	v5 =	vmax.f32 v5, v50;
	v54 =	vmul.f32 $2.000000030e-01, v9;
	v55 =	vpop (erf)  }
0x11a: {  	v53 =	vld [tilespmem:s19+$0x1C650];
	v5 =	vmul.f32 $1.442695020e+00, v5;
	v11 =	vmax.f32 v48, v52;
	v7 =	vmul.f32 v55, v46;
	[tilespmem:s19+$0x1E670] =	vst v55  }
0x11b: {  	v56 =	vld [tilespmem:s19+$0x1C660];
	v11 =	vmul.f32 $1.442695020e+00, v11;
	v9 =	vmax.f32 v9, v54;
	[tilespmem:s15+$0x1D650] =	vst v2;
	v2 =	vmul.f32 v37, v3;
	v3 =	vpop (erf)  }
0x11c: {  	(erf) = vpow2.f32 v5;
	v57 =	vmul.f32 $1.442695020e+00, v9;
	[tilespmem:s19+$0x1D670] =	vst v7;
	v59 =	vpop (erf)  }
0x11d: {  	(erf) = vpow2.f32 v11;
	[tilespmem:s15+$0x1D660] =	vst v2;
	v2 =	vmul.f32 v59, v45  }
0x11e: {  	v58 =	vmul.f32 v3, v42;
	[tilespmem:s19+$0x1E600] =	vst v3;
	v3 =	vpop (erf)  }
0x11f: {  	(erf) = vpow2.f32 v57;
	[tilespmem:s19+$0x1D610] =	vst v2;
	v2 =	vmul.f32 v3, v47  }
0x120: {  	[tilespmem:s19+$0x1D600] =	vst v58;
	v60 =	vpop (erf)  }
0x121: {  	[tilespmem:s19+$0x1D620] =	vst v2;
	v2 =	vmul.f32 v60, v49  }
0x122: {  	[tilespmem:s19+$0x1E610] =	vst v59  }
0x123: {  	[tilespmem:s19+$0x1E620] =	vst v3  }
0x124: {  	[tilespmem:s19+$0x1E630] =	vst v60  }
0x125: {  	[tilespmem:s19+$0x1D630] =	vst v2;
	v2 =	vpop (erf)  }
0x126: {  	v3 =	vpop (erf);
	v61 =	vmul.f32 v2, v51;
	[tilespmem:s19+$0x1E640] =	vst v2  }
0x127: {  	[tilespmem:s19+$0x1E650] =	vst v3  }
0x128: {  	v2 =	vpop (erf);
	v3 =	vmul.f32 v3, v53;
	[tilespmem:s19+$0x1D640] =	vst v61  }
0x129: {  	[tilespmem:s19+$0x1E660] =	vst v2;
	v2 =	vmul.f32 v2, v56  }
0x12a: {  	[tilespmem:s19+$0x1D650] =	vst v3  }
0x12b: {  	[tilespmem:s19+$0x1D660] =	vst v2  }
0x12c: {  	v2 =	vld [tilespmem:$0x1A400]  }
0x12d: {  	v3 =	vld [tilespmem:$0x1A410]  }
0x12e: {  	v4 =	vld [tilespmem:$0x1A420]  }
0x12f: {  	v5 =	vld [tilespmem:$0x1A430]  }
0x130: {  	v62 =	vld [tilespmem:$0x1A440]  }
0x131: {  	v63 =	vld [tilespmem:$0x1A470];
	[tilespmem:$0x1A500] =	vst v2  }
0x132: {  	v2 =	vld [tilespmem:$0x1A450];
	[tilespmem:$0x1A510] =	vst v3  }
0x133: {  	v3 =	vld [tilespmem:$0x1A460];
	[tilespmem:$0x1A520] =	vst v4  }
0x134: {  	[tilespmem:$0x1A530] =	vst v5  }
0x135: {  	[tilespmem:$0x1A540] =	vst v62  }
0x136: {  	[tilespmem:$0x1A570] =	vst v63  }
.Ltmp3:
0x137: {  	[tilespmem:$0x1A550] =	vst v2;
	(pc) =	sbr.rel @p2 .LBB2_11-.Ltmp3, $4  }
0x138: {  	[tilespmem:$0x1A560] =	vst v3  }
0x139: {  	[spmem:s1] =	stream.indirect.scatter.add.f32 [tilespmem:s28], [sflag:$0x5], $0x10, s31, s4, $0xb8;
	[tilespmem:$0x1F600] =	vst v63  }
0x13a: {  	s22 =	simm.s32 $0x1E600  }
0x13b: {  	[spmem:s2] =	stream.indirect.scatter.add.f32 [tilespmem:s22], [sflag:$0x5], $0x10, s31, s4, $0xb8;
	[tilespmem:$0x1F600] =	vst v63  }
0x13c: {  	s12 =	sadd.s32 s12, s23  }
0x13d: {  	s12 =	sshll.u32 s12, $0x4  }
0x13e: {  	s12 =	sadd.s32 $0x20, s12  }
0x13f: {  	s19 =	simm.s32 $0x1A080;
	s15 =	sadd.s32 s5, s12  }
0x140: {  	[tilespmem:s19], [sflag:$0x2] =	stream.linear.gather [hbm4b:s15+s3], $0x80, $0x38;
	[tilespmem:$0x1F600] =	vst v63  }
0x141: {  	s22 =	simm.s32 $0x1A180;
	s12 =	sadd.s32 s6, s12  }
0x142: {  	[tilespmem:s22], [sflag:$0x2] =	stream.linear.gather [hbm4b:s12+s3], $0x80, $0x38;
	[tilespmem:$0x1F600] =	vst v63  }
0x143: {  	_ =	swait.ge [sflag:s0], $0x80  }
0x144: {  	[sflag:s0] =	ssyncset.done $0x0  }
0x145: {  	[sflag:s0] =	ssyncadd.s32 $0xFFFFFF80  }
0x146: {  	_ =	swait.ge [sflag:s0], $0x80  }
0x147: {  	[sflag:s0] =	ssyncset.done $0x0  }
0x148: {  	[sflag:s0] =	ssyncadd.s32 $0xFFFFFF80  }
0x149: {  	v2 =	vld [tilespmem:$0x1A100]  }
0x14a: {  	v3 =	vld [tilespmem:$0x1A000]  }
0x14b: {  	v4 =	vld [tilespmem:$0x1A110];
	_ =	sdelay $0x1  }
0x14c: {  	v5 =	vld [tilespmem:$0x1A010];
	_ =	sdelay $0x1  }
0x14d: {  	v7 =	vld [tilespmem:$0x1A120];
	vm0 =	vlt.s32 v2, $0xC34F;
	[tilespmem:$0x1A400] =	vst v2  }
0x14e: {  	v54 =	vld [tilespmem:$0x1A130];
	v3 =	vadd.s32 v1, v3;
	[tilespmem:$0x1A410] =	vst v4;
	v6 =	vnsel vm0, $0xC34F, v2  }
0x14f: {  	v53 =	vld [tilespmem:$0x1A020];
	vm9 =	vlt.s32 v4, $0xC34F;
	[tilespmem:$0x1A200] =	vst v3;
	v3 =	vadd.s32 v1, v6  }
0x150: {  	v2 =	vadd.s32 v1, v5;
	[tilespmem:$0x1A300] =	vst v3;
	v3 =	vnsel vm9, $0xC34F, v4  }
0x151: {  	[tilespmem:$0x1A210] =	vst v2;
	v2 =	vadd.s32 v1, v3;
	v3 =	vld [tilespmem:$0x1A030]  }
0x152: {  	[tilespmem:$0x1A420] =	vst v7  }
0x153: {  	v56 =	vld [tilespmem:$0x1A140];
	vm10 =	vlt.s32 v7, $0xC34F;
	[tilespmem:$0x1A430] =	vst v54  }
0x154: {  	v58 =	vld [tilespmem:$0x1A150];
	v55 =	vnsel vm10, $0xC34F, v7;
	[tilespmem:$0x1A310] =	vst v2;
	v2 =	vadd.s32 v1, v53  }
0x155: {  	v57 =	vld [tilespmem:$0x1A040];
	vm11 =	vlt.s32 v54, $0xC34F;
	[tilespmem:$0x1A220] =	vst v2;
	v2 =	vadd.s32 v1, v55  }
0x156: {  	[tilespmem:$0x1A320] =	vst v2;
	v2 =	vadd.s32 v1, v3;
	v3 =	vnsel vm11, $0xC34F, v54  }
0x157: {  	[tilespmem:$0x1A230] =	vst v2;
	v2 =	vadd.s32 v1, v3;
	v3 =	vld [tilespmem:$0x1A050]  }
0x158: {  	[tilespmem:$0x1A440] =	vst v56  }
0x159: {  	v60 =	vld [tilespmem:$0x1A160];
	vm12 =	vlt.s32 v56, $0xC34F;
	[tilespmem:$0x1A450] =	vst v58  }
0x15a: {  	v62 =	vld [tilespmem:$0x1A170];
	v59 =	vnsel vm12, $0xC34F, v56;
	[tilespmem:$0x1A330] =	vst v2;
	v2 =	vadd.s32 v1, v57  }
0x15b: {  	v61 =	vld [tilespmem:$0x1A060];
	vm13 =	vlt.s32 v58, $0xC34F;
	[tilespmem:$0x1A240] =	vst v2;
	v2 =	vadd.s32 v1, v59  }
0x15c: {  	[tilespmem:$0x1A340] =	vst v2;
	v2 =	vadd.s32 v1, v3;
	v3 =	vnsel vm13, $0xC34F, v58  }
0x15d: {  	[tilespmem:$0x1A250] =	vst v2;
	v2 =	vadd.s32 v1, v3;
	v3 =	vld [tilespmem:$0x1A070]  }
0x15e: {  	[tilespmem:$0x1A460] =	vst v60  }
0x15f: {  	vm14 =	vlt.s32 v60, $0xC34F;
	[tilespmem:$0x1A470] =	vst v62  }
0x160: {  	v63 =	vnsel vm14, $0xC34F, v60;
	[tilespmem:$0x1A350] =	vst v2;
	v2 =	vadd.s32 v1, v61  }
0x161: {  	vm15 =	vlt.s32 v62, $0xC34F;
	[tilespmem:$0x1A260] =	vst v2;
	v2 =	vadd.s32 v1, v63  }
0x162: {  	[tilespmem:$0x1A360] =	vst v2;
	v2 =	vadd.s32 v1, v3;
	v3 =	vnsel vm15, $0xC34F, v62  }
0x163: {  	[tilespmem:$0x1A270] =	vst v2;
	v2 =	vadd.s32 v1, v3  }
0x164: {  	s19 =	simm.s32 $0x1A600;
	s12 =	simm.s32 $0x1A200;
	[tilespmem:$0x1A370] =	vst v2  }
0x165: {  	[tilespmem:s19], [sflag:$0x3] =	stream.indirect.gather [hbm4b:s7+s4], $0x10, s12, s4, $0xb8;
	[tilespmem:$0x1F600] =	vst v63  }
0x166: {  	s20 =	simm.s32 $0x1A300;
	s21 =	simm.s32 $0x1B600  }
0x167: {  	[tilespmem:s21], [sflag:$0x3] =	stream.indirect.gather [hbm4b:s8+s4], $0x10, s20, s4, $0xb8;
	[tilespmem:$0x1F600] =	vst v63  }
0x168: {  	s22 =	simm.s32 $0x1C600  }
0x169: {  	[tilespmem:s22], [sflag:$0x3] =	stream.indirect.gather [hbm4b:s9+s4], $0x10, s12, s4, $0xb8;
	[tilespmem:$0x1F600] =	vst v63  }
.LBB2_11:
0x16a: {  	_ =	swait.ge [sflag:s13], $0x800  }
0x16b: {  	[sflag:s13] =	ssyncset.done $0x0  }
0x16c: {  	[sflag:s13] =	ssyncadd.s32 $0xFFFFF800  }
0x16d: {  	_ =	swait.ge [sflag:s13], $0x800  }
0x16e: {  	[sflag:s13] =	ssyncset.done $0x0  }
0x16f: {  	[sflag:s13] =	ssyncadd.s32 $0xFFFFF800  }
0x170: {  	_ =	swait.ge [sflag:s13], $0x800  }
0x171: {  	[sflag:s13] =	ssyncset.done $0x0  }
0x172: {  	s12 =	simm.s32 @!p1 $0x6;
	[sflag:s13] =	ssyncadd.s32 $0xFFFFF800  }
0x173: {  	_ =	swait.ge @!p1 [sflag:s12], $0x800  }
0x174: {  	[sflag:s12] =	ssyncset.done @!p1 $0x0  }
0x175: {  	[sflag:s12] =	ssyncadd.s32 @!p1 $0xFFFFF800  }
0x176: {  	_ =	swait.ge @!p1 [sflag:s12], $0x800  }
0x177: {  	[sflag:s12] =	ssyncset.done @!p1 $0x0  }
0x178: {  	s15 =	simm.s32 $0x0;
	[sflag:s12] =	ssyncadd.s32 @!p1 $0xFFFFF800  }
0x179: {  	v2 =	vld [tilespmem:s15+$0x1AE70]  }
0x17a: {  	v3 =	vld [tilespmem:s15+$0x1BE70];
	_ =	sdelay $0x1  }
0x17b: {  	v4 =	vld [tilespmem:s15+$0x1AE00]  }
0x17c: {  	v5 =	vld [tilespmem:s15+$0x1BE00];
	_ =	sdelay $0x1  }
0x17d: {  	v6 =	vld [tilespmem:s15+$0x1AE10];
	v2 =	vadd.f32 v3, v2  }
0x17e: {  	v7 =	vld [tilespmem:s15+$0x1BE10]  }
0x17f: {  	v10 =	vmul.f32 $2.000000030e-01, v2  }
0x180: {  	v4 =	vadd.f32 v5, v4  }
0x181: {  	v8 =	vld [tilespmem:s15+$0x1AE20];
	v2 =	vmax.f32 v2, v10  }
0x182: {  	v3 =	vld [tilespmem:s15+$0x1BE20];
	v14 =	vmul.f32 $2.000000030e-01, v4;
	v2 =	vmul.f32 $1.442695020e+00, v2  }
0x183: {  	v6 =	vadd.f32 v7, v6  }
0x184: {  	v9 =	vld [tilespmem:s15+$0x1AE30];
	v4 =	vmax.f32 v4, v14;
	(erf) = vpow2.f32 v2  }
0x185: {  	v11 =	vld [tilespmem:s15+$0x1BE30];
	v14 =	vmul.f32 $2.000000030e-01, v6;
	v4 =	vmul.f32 $1.442695020e+00, v4  }
0x186: {  	v12 =	vld [tilespmem:s15+$0x1AE40]  }
0x187: {  	v13 =	vld [tilespmem:s15+$0x1AE50];
	v3 =	vadd.f32 v3, v8;
	v6 =	vmax.f32 v6, v14;
	(erf) = vpow2.f32 v4  }
0x188: {  	v15 =	vld [tilespmem:s15+$0x1CE00];
	v6 =	vmul.f32 $1.442695020e+00, v6  }
0x189: {  	v17 =	vld [tilespmem:s15+$0x1CE70];
	v14 =	vmul.f32 $2.000000030e-01, v3  }
0x18a: {  	v5 =	vld [tilespmem:s15+$0x1BE50];
	(erf) = vpow2.f32 v6;
	v6 =	vadd.f32 v11, v9  }
0x18b: {  	v10 =	vld [tilespmem:s15+$0x1BE40];
	v3 =	vmax.f32 v3, v14  }
0x18c: {  	v7 =	vld [tilespmem:s15+$0x1BE60];
	v3 =	vmul.f32 $1.442695020e+00, v3;
	v11 =	vmul.f32 $2.000000030e-01, v6  }
0x18d: {  	v8 =	vld [tilespmem:s15+$0x1CE20];
	v9 =	vpop (erf)  }
0x18e: {  	s12 =	simm.s32 $0x80;
	v2 =	vld [tilespmem:s15+$0x1AE60];
	(erf) = vpow2.f32 v3;
	v6 =	vmax.f32 v6, v11;
	[tilespmem:s15+$0x1EE70] =	vst v9;
	v9 =	vmul.f32 v9, v17  }
0x18f: {  	v6 =	vmul.f32 $1.442695020e+00, v6;
	v57 =	vld [tilespmem:s12+$0x1AE70]  }
0x190: {  	v10 =	vadd.f32 v10, v12;
	v11 =	vpop (erf);
	v3 =	vld [tilespmem:s12+$0x1BE70];
	[tilespmem:s15+$0x1DE70] =	vst v9  }
0x191: {  	v5 =	vadd.f32 v5, v13;
	(erf) = vpow2.f32 v6;
	v6 =	vmul.f32 v11, v15;
	v9 =	vld [tilespmem:s12+$0x1AE00]  }
0x192: {  	v12 =	vld [tilespmem:s12+$0x1BE00];
	[tilespmem:s15+$0x1EE00] =	vst v11;
	v11 =	vmul.f32 $2.000000030e-01, v10  }
0x193: {  	v15 =	vld [tilespmem:s12+$0x1AE10];
	[tilespmem:s15+$0x1DE00] =	vst v6;
	v6 =	vmul.f32 $2.000000030e-01, v5  }
0x194: {  	v10 =	vmax.f32 v10, v11  }
0x195: {  	v5 =	vmax.f32 v5, v6;
	v6 =	vmul.f32 $1.442695020e+00, v10  }
0x196: {  	v2 =	vadd.f32 v7, v2;
	v13 =	vpop (erf)  }
0x197: {  	v16 =	vld [tilespmem:s15+$0x1CE10];
	v7 =	vpop (erf);
	(erf) = vpow2.f32 v6  }
0x198: {  	v6 =	vmul.f32 v7, v8;
	v8 =	vmul.f32 $2.000000030e-01, v2  }
0x199: {  	v5 =	vmul.f32 $1.442695020e+00, v5  }
0x19a: {  	v4 =	vld [tilespmem:s15+$0x1CE30];
	v2 =	vmax.f32 v2, v8  }
0x19b: {  	(erf) = vpow2.f32 v5;
	v2 =	vmul.f32 $1.442695020e+00, v2  }
0x19c: {  	v18 =	vld [tilespmem:s15+$0x1CE40];
	v16 =	vmul.f32 v13, v16  }
0x19d: {  	v19 =	vld [tilespmem:s15+$0x1CE50];
	v5 =	vpop (erf);
	(erf) = vpow2.f32 v2  }
0x19e: {  	v11 =	vld [tilespmem:s12+$0x1BE10];
	[tilespmem:s15+$0x1DE10] =	vst v16  }
0x19f: {  	v10 =	vld [tilespmem:s12+$0x1AE20];
	[tilespmem:s15+$0x1EE10] =	vst v13;
	v4 =	vmul.f32 v5, v4  }
0x1a0: {  	v13 =	vld [tilespmem:s12+$0x1BE20];
	[tilespmem:s15+$0x1DE20] =	vst v6  }
0x1a1: {  	v3 =	vadd.f32 v3, v57;
	v6 =	vld [tilespmem:s12+$0x1AE30];
	[tilespmem:s15+$0x1EE20] =	vst v7  }
0x1a2: {  	v7 =	vld [tilespmem:s12+$0x1BE30];
	[tilespmem:s15+$0x1DE30] =	vst v4  }
0x1a3: {  	v8 =	vadd.f32 v12, v9;
	v9 =	vmul.f32 $2.000000030e-01, v3;
	v2 =	vld [tilespmem:s12+$0x1AE40];
	[tilespmem:s15+$0x1EE30] =	vst v5;
	v4 =	vpop (erf)  }
0x1a4: {  	v5 =	vld [tilespmem:s12+$0x1BE40];
	[tilespmem:s15+$0x1EE40] =	vst v4;
	v12 =	vpop (erf);
	v4 =	vmul.f32 v4, v18  }
0x1a5: {  	v11 =	vadd.f32 v11, v15;
	v58 =	vmul.f32 $2.000000030e-01, v8;
	v3 =	vmax.f32 v3, v9;
	v16 =	vld [tilespmem:s12+$0x1AE50];
	[tilespmem:s15+$0x1EE50] =	vst v12  }
0x1a6: {  	v3 =	vmul.f32 $1.442695020e+00, v3;
	v9 =	vld [tilespmem:s12+$0x1BE50];
	[tilespmem:s15+$0x1DE40] =	vst v4;
	v15 =	vpop (erf)  }
0x1a7: {  	v10 =	vadd.f32 v13, v10;
	v4 =	vmax.f32 v8, v58;
	v8 =	vmul.f32 $2.000000030e-01, v11;
	v59 =	vld [tilespmem:s12+$0x1AE60];
	[tilespmem:s15+$0x1EE60] =	vst v15  }
0x1a8: {  	v60 =	vadd.f32 v7, v6;
	(erf) = vpow2.f32 v3;
	v3 =	vmul.f32 $1.442695020e+00, v4;
	v13 =	vld [tilespmem:s12+$0x1BE60]  }
0x1a9: {  	v63 =	vmul.f32 v12, v19;
	v4 =	vmax.f32 v11, v8;
	v11 =	vmul.f32 $2.000000030e-01, v10  }
0x1aa: {  	v14 =	vld [tilespmem:s15+$0x1CE60];
	v4 =	vmul.f32 $1.442695020e+00, v4;
	(erf) = vpow2.f32 v3  }
0x1ab: {  	v2 =	vadd.f32 v5, v2;
	v8 =	vld [tilespmem:s12+$0x1CE00];
	v3 =	vmax.f32 v10, v11;
	v10 =	vmul.f32 $2.000000030e-01, v60  }
0x1ac: {  	v6 =	vld [tilespmem:s12+$0x1CE10];
	v3 =	vmul.f32 $1.442695020e+00, v3;
	(erf) = vpow2.f32 v4;
	v9 =	vadd.f32 v9, v16  }
0x1ad: {  	v11 =	vld [tilespmem:s12+$0x1CE70];
	v4 =	vmax.f32 v60, v10;
	v10 =	vmul.f32 $2.000000030e-01, v2;
	v17 =	vadd.f32 v13, v59  }
0x1ae: {  	v7 =	vld [tilespmem:s12+$0x1CE20];
	v61 =	vmul.f32 $1.442695020e+00, v4;
	(erf) = vpow2.f32 v3  }
0x1af: {  	v5 =	vld [tilespmem:s12+$0x1CE30];
	v3 =	vmax.f32 v2, v10;
	v10 =	vmul.f32 $2.000000030e-01, v9;
	v12 =	vmul.f32 $2.000000030e-01, v17  }
0x1b0: {  	v4 =	vld [tilespmem:s12+$0x1CE40];
	(erf) = vpow2.f32 v61  }
0x1b1: {  	v2 =	vld [tilespmem:s12+$0x1CE50];
	v62 =	vmul.f32 $1.442695020e+00, v3;
	v13 =	vpop (erf);
	v9 =	vmax.f32 v9, v10  }
0x1b2: {  	s19 =	simm.s32 $0x100;
	v3 =	vld [tilespmem:s12+$0x1CE60];
	[tilespmem:s12+$0x1EE70] =	vst v13;
	v13 =	vmul.f32 v13, v11;
	v10 =	vmul.f32 $1.442695020e+00, v9  }
0x1b3: {  	s21 =	simm.s32 $0x600;
	v14 =	vmul.f32 v15, v14;
	v9 =	vld [tilespmem:s19+$0x1AE70];
	(erf) = vpow2.f32 v62;
	[tilespmem:s15+$0x1DE50] =	vst v63;
	v11 =	vmax.f32 v17, v12;
	v12 =	vpop (erf)  }
.LBB2_12:
0x1b4: {  	p1 =	sne.s32 s21, $0x1E00;
	v15 =	vld [tilespmem:s19+$0x1BE70];
	v11 =	vmul.f32 $1.442695020e+00, v11;
	[tilespmem:s12+$0x1DE70] =	vst v13;
	(erf) = vpow2.f32 v10  }
0x1b5: {  	v17 =	vmul.f32 v12, v8;
	v10 =	vld [tilespmem:s19+$0x1AE00];
	v13 =	vpop (erf);
	[tilespmem:s15+$0x1DE60] =	vst v14;
	s15 =	smov.u32 s12;
	s12 =	smov.u32 s19  }
0x1b6: {  	v14 =	vld [tilespmem:s12+$0x1BE00];
	[tilespmem:s15+$0x1EE00] =	vst v12;
	v6 =	vmul.f32 v13, v6;
	(erf) = vpow2.f32 v11  }
0x1b7: {  	v11 =	vld [tilespmem:s12+$0x1AE10];
	[tilespmem:s15+$0x1DE00] =	vst v17;
	v8 =	vpop (erf);
	v16 =	vmov v3  }
0x1b8: {  	v3 =	vld [tilespmem:s12+$0x1BE10];
	[tilespmem:s15+$0x1DE10] =	vst v6;
	v6 =	vmul.f32 v8, v7  }
0x1b9: {  	v7 =	vld [tilespmem:s12+$0x1AE20];
	v9 =	vadd.f32 v15, v9;
	[tilespmem:s15+$0x1EE10] =	vst v13;
	v12 =	vpop (erf)  }
0x1ba: {  	v13 =	vld [tilespmem:s12+$0x1BE20];
	[tilespmem:s15+$0x1DE20] =	vst v6;
	v15 =	vmul.f32 v12, v5  }
0x1bb: {  	v6 =	vadd.f32 v14, v10;
	v10 =	vld [tilespmem:s12+$0x1AE30];
	v14 =	vmul.f32 $2.000000030e-01, v9;
	[tilespmem:s15+$0x1EE20] =	vst v8  }
0x1bc: {  	v8 =	vld [tilespmem:s12+$0x1BE30];
	[tilespmem:s15+$0x1DE30] =	vst v15;
	v5 =	vpop (erf)  }
0x1bd: {  	v17 =	vmul.f32 $2.000000030e-01, v6;
	v3 =	vadd.f32 v3, v11;
	v11 =	vld [tilespmem:s12+$0x1AE40];
	v9 =	vmax.f32 v9, v14;
	[tilespmem:s15+$0x1EE30] =	vst v12;
	v12 =	vpop (erf)  }
0x1be: {  	v4 =	vmul.f32 v5, v4;
	v14 =	vld [tilespmem:s12+$0x1BE40];
	v9 =	vmul.f32 $1.442695020e+00, v9;
	[tilespmem:s15+$0x1EE40] =	vst v5  }
0x1bf: {  	v5 =	vmax.f32 v6, v17;
	v6 =	vmul.f32 $2.000000030e-01, v3;
	v7 =	vadd.f32 v13, v7;
	v13 =	vld [tilespmem:s12+$0x1AE50];
	[tilespmem:s15+$0x1EE50] =	vst v12;
	v15 =	vpop (erf)  }
0x1c0: {  	v5 =	vmul.f32 $1.442695020e+00, v5;
	v17 =	vld [tilespmem:s12+$0x1BE50];
	(erf) = vpow2.f32 v9;
	[tilespmem:s15+$0x1DE40] =	vst v4  }
0x1c1: {  	v3 =	vmax.f32 v3, v6;
	v4 =	vmul.f32 $2.000000030e-01, v7;
	v9 =	vadd.f32 v8, v10;
	v10 =	vld [tilespmem:s12+$0x1AE60];
	[tilespmem:s15+$0x1EE60] =	vst v15  }
0x1c2: {  	v3 =	vmul.f32 $1.442695020e+00, v3;
	v18 =	vld [tilespmem:s12+$0x1BE60];
	(erf) = vpow2.f32 v5  }
0x1c3: {  	v8 =	vld [tilespmem:s12+$0x1CE00];
	v4 =	vmax.f32 v7, v4;
	v5 =	vmul.f32 $2.000000030e-01, v9;
	v11 =	vadd.f32 v14, v11  }
0x1c4: {  	v6 =	vld [tilespmem:s12+$0x1CE10];
	v4 =	vmul.f32 $1.442695020e+00, v4;
	(erf) = vpow2.f32 v3  }
0x1c5: {  	v3 =	vmax.f32 v9, v5;
	v9 =	vmul.f32 $2.000000030e-01, v11;
	v13 =	vadd.f32 v17, v13;
	v14 =	vld [tilespmem:s12+$0x1CE70]  }
0x1c6: {  	v7 =	vld [tilespmem:s12+$0x1CE20];
	v3 =	vmul.f32 $1.442695020e+00, v3;
	(erf) = vpow2.f32 v4  }
.Ltmp4:
0x1c7: {  	v5 =	vld [tilespmem:s12+$0x1CE30];
	v4 =	vmax.f32 v11, v9;
	v19 =	vmul.f32 $2.000000030e-01, v13;
	v11 =	vadd.f32 v18, v10;
	(pc) =	sbr.rel @p1 .LBB2_12-.Ltmp4, $4  }
0x1c8: {  	v17 =	vmul.f32 $1.442695020e+00, v4;
	v4 =	vld [tilespmem:s12+$0x1CE40];
	(erf) = vpow2.f32 v3  }
0x1c9: {  	v3 =	vmax.f32 v13, v19;
	v18 =	vmul.f32 $2.000000030e-01, v11;
	v9 =	vpop (erf);
	v19 =	vmul.f32 v12, v2;
	v2 =	vld [tilespmem:s12+$0x1CE50]  }
0x1ca: {  	s19 =	sshra.s32 s21, $0x2;
	v10 =	vmul.f32 $1.442695020e+00, v3;
	v3 =	vld [tilespmem:s12+$0x1CE60];
	v13 =	vmul.f32 v9, v14;
	[tilespmem:s12+$0x1EE70] =	vst v9  }
0x1cb: {  	s21 =	sadd.s32 $0x200, s21;
	v14 =	vmul.f32 v15, v16;
	v9 =	vld [tilespmem:s19+$0x1AE70];
	v11 =	vmax.f32 v11, v18;
	v12 =	vpop (erf);
	(erf) = vpow2.f32 v17;
	[tilespmem:s15+$0x1DE50] =	vst v19  }
0x1cc: {  	v15 =	vld [tilespmem:s19+$0x1BE70];
	[tilespmem:s12+$0x1DE70] =	vst v13  }
0x1cd: {  	v8 =	vmul.f32 v12, v8;
	v13 =	vld [tilespmem:s19+$0x1AE00];
	[tilespmem:s15+$0x1DE60] =	vst v14;
	v24 =	vpop (erf);
	(erf) = vpow2.f32 v10  }
0x1ce: {  	v11 =	vmul.f32 $1.442695020e+00, v11;
	v14 =	vld [tilespmem:s19+$0x1BE00];
	[tilespmem:s12+$0x1EE00] =	vst v12;
	v6 =	vmul.f32 v24, v6  }
0x1cf: {  	v16 =	vld [tilespmem:s19+$0x1AE10];
	[tilespmem:s12+$0x1DE00] =	vst v8;
	v25 =	vpop (erf)  }
0x1d0: {  	(erf) = vpow2.f32 v11;
	v8 =	vld [tilespmem:s19+$0x1BE10];
	[tilespmem:s12+$0x1DE10] =	vst v6;
	v7 =	vmul.f32 v25, v7  }
0x1d1: {  	v17 =	vld [tilespmem:s19+$0x1AE20];
	[tilespmem:s12+$0x1EE10] =	vst v24;
	v26 =	vpop (erf);
	v28 =	vadd.f32 v15, v9  }
0x1d2: {  	v12 =	vld [tilespmem:s19+$0x1BE20];
	[tilespmem:s12+$0x1DE20] =	vst v7;
	v5 =	vmul.f32 v26, v5  }
0x1d3: {  	v27 =	vld [tilespmem:s19+$0x1AE30];
	[tilespmem:s12+$0x1EE20] =	vst v25;
	v13 =	vadd.f32 v14, v13;
	v31 =	vmul.f32 $2.000000030e-01, v28  }
0x1d4: {  	v6 =	vld [tilespmem:s19+$0x1BE30];
	[tilespmem:s12+$0x1DE30] =	vst v5  }
0x1d5: {  	v29 =	vpop (erf);
	v5 =	vld [tilespmem:s19+$0x1AE40];
	[tilespmem:s12+$0x1EE30] =	vst v26;
	v33 =	vmul.f32 $2.000000030e-01, v13;
	v8 =	vadd.f32 v8, v16;
	v7 =	vmax.f32 v28, v31  }
0x1d6: {  	v4 =	vmul.f32 v29, v4;
	v30 =	vld [tilespmem:s19+$0x1BE40];
	[tilespmem:s12+$0x1EE40] =	vst v29;
	v32 =	vpop (erf);
	v7 =	vmul.f32 $1.442695020e+00, v7  }
0x1d7: {  	v18 =	vld [tilespmem:s19+$0x1AE50];
	[tilespmem:s12+$0x1EE50] =	vst v32;
	v35 =	vmax.f32 v13, v33;
	v36 =	vmul.f32 $2.000000030e-01, v8;
	v12 =	vadd.f32 v12, v17  }
0x1d8: {  	v34 =	vld [tilespmem:s19+$0x1BE50];
	[tilespmem:s12+$0x1DE40] =	vst v4;
	v4 =	vmul.f32 $1.442695020e+00, v35;
	(erf) = vpow2.f32 v7  }
0x1d9: {  	v37 =	vpop (erf);
	v39 =	vmax.f32 v8, v36;
	v40 =	vmul.f32 $2.000000030e-01, v12;
	v6 =	vadd.f32 v6, v27  }
0x1da: {  	v38 =	vld [tilespmem:s19+$0x1AE60];
	[tilespmem:s12+$0x1EE60] =	vst v37;
	v7 =	vmul.f32 $1.442695020e+00, v39  }
0x1db: {  	v41 =	vld [tilespmem:s19+$0x1BE60];
	(erf) = vpow2.f32 v4;
	v43 =	vmax.f32 v12, v40;
	v44 =	vmul.f32 $2.000000030e-01, v6  }
0x1dc: {  	v4 =	vmul.f32 $1.442695020e+00, v43;
	(erf) = vpow2.f32 v7  }
0x1dd: {  	v42 =	vld [tilespmem:s19+$0x1CE00];
	v6 =	vmax.f32 v6, v44  }
0x1de: {  	v46 =	vld [tilespmem:s19+$0x1CE70];
	v5 =	vadd.f32 v30, v5;
	v6 =	vmul.f32 $1.442695020e+00, v6;
	(erf) = vpow2.f32 v4  }
0x1df: {  	v45 =	vld [tilespmem:s19+$0x1CE10];
	v48 =	vadd.f32 v34, v18  }
0x1e0: {  	v47 =	vld [tilespmem:s19+$0x1CE20];
	v50 =	vmul.f32 $2.000000030e-01, v5;
	v9 =	vadd.f32 v41, v38;
	(erf) = vpow2.f32 v6  }
0x1e1: {  	v49 =	vld [tilespmem:s19+$0x1CE30];
	v52 =	vmul.f32 $2.000000030e-01, v48  }
0x1e2: {  	v2 =	vmul.f32 v32, v2;
	v51 =	vld [tilespmem:s19+$0x1CE40];
	v5 =	vmax.f32 v5, v50;
	v54 =	vmul.f32 $2.000000030e-01, v9;
	v55 =	vpop (erf)  }
0x1e3: {  	v53 =	vld [tilespmem:s19+$0x1CE50];
	v5 =	vmul.f32 $1.442695020e+00, v5;
	v11 =	vmax.f32 v48, v52;
	v7 =	vmul.f32 v55, v46;
	[tilespmem:s19+$0x1EE70] =	vst v55  }
0x1e4: {  	v56 =	vld [tilespmem:s19+$0x1CE60];
	v11 =	vmul.f32 $1.442695020e+00, v11;
	v9 =	vmax.f32 v9, v54;
	[tilespmem:s12+$0x1DE50] =	vst v2;
	v2 =	vmul.f32 v37, v3;
	v3 =	vpop (erf)  }
0x1e5: {  	(erf) = vpow2.f32 v5;
	v57 =	vmul.f32 $1.442695020e+00, v9;
	[tilespmem:s19+$0x1DE70] =	vst v7;
	v59 =	vpop (erf)  }
0x1e6: {  	(erf) = vpow2.f32 v11;
	[tilespmem:s12+$0x1DE60] =	vst v2;
	v2 =	vmul.f32 v59, v45  }
0x1e7: {  	v58 =	vmul.f32 v3, v42;
	[tilespmem:s19+$0x1EE00] =	vst v3;
	v3 =	vpop (erf)  }
0x1e8: {  	(erf) = vpow2.f32 v57;
	[tilespmem:s19+$0x1DE10] =	vst v2;
	v2 =	vmul.f32 v3, v47  }
0x1e9: {  	[tilespmem:s19+$0x1DE00] =	vst v58;
	v60 =	vpop (erf)  }
0x1ea: {  	[tilespmem:s19+$0x1DE20] =	vst v2;
	v2 =	vmul.f32 v60, v49  }
0x1eb: {  	[tilespmem:s19+$0x1EE10] =	vst v59  }
0x1ec: {  	[tilespmem:s19+$0x1EE20] =	vst v3  }
0x1ed: {  	[tilespmem:s19+$0x1EE30] =	vst v60  }
0x1ee: {  	[tilespmem:s19+$0x1DE30] =	vst v2;
	v2 =	vpop (erf)  }
0x1ef: {  	v3 =	vpop (erf);
	v61 =	vmul.f32 v2, v51;
	[tilespmem:s19+$0x1EE40] =	vst v2  }
0x1f0: {  	[tilespmem:s19+$0x1EE50] =	vst v3  }
0x1f1: {  	v2 =	vpop (erf);
	v3 =	vmul.f32 v3, v53;
	[tilespmem:s19+$0x1DE40] =	vst v61  }
0x1f2: {  	[tilespmem:s19+$0x1EE60] =	vst v2;
	v2 =	vmul.f32 v2, v56  }
0x1f3: {  	[tilespmem:s19+$0x1DE50] =	vst v3  }
0x1f4: {  	[tilespmem:s19+$0x1DE60] =	vst v2  }
0x1f5: {  	v2 =	vld [tilespmem:$0x1A480]  }
0x1f6: {  	v3 =	vld [tilespmem:$0x1A490]  }
0x1f7: {  	v4 =	vld [tilespmem:$0x1A4A0]  }
0x1f8: {  	v5 =	vld [tilespmem:$0x1A4B0]  }
0x1f9: {  	v62 =	vld [tilespmem:$0x1A4C0]  }
0x1fa: {  	v63 =	vld [tilespmem:$0x1A4F0];
	[tilespmem:$0x1A580] =	vst v2  }
0x1fb: {  	v2 =	vld [tilespmem:$0x1A4D0];
	[tilespmem:$0x1A590] =	vst v3  }
0x1fc: {  	v3 =	vld [tilespmem:$0x1A4E0];
	[tilespmem:$0x1A5A0] =	vst v4  }
0x1fd: {  	[tilespmem:$0x1A5B0] =	vst v5  }
0x1fe: {  	s26 =	sadd.s32 $0x1, s26;
	[tilespmem:$0x1A5C0] =	vst v62  }
0x1ff: {  	p1 =	sne.s32 s26, $0xC8;
	[tilespmem:$0x1A5F0] =	vst v63  }
.Ltmp5:
0x200: {  	[tilespmem:$0x1A5D0] =	vst v2;
	(pc) =	sbr.rel @p1 .LBB2_7-.Ltmp5, $4  }
0x201: {  	s21 =	simm.s32 $0x1DE00;
	[tilespmem:$0x1A5E0] =	vst v3  }
0x202: {  	[spmem:s1] =	stream.indirect.scatter.add.f32 [tilespmem:s21], [sflag:$0x6], $0x10, s14, s4, $0xb8;
	[tilespmem:$0x1F600] =	vst v63  }
0x203: {  	s22 =	simm.s32 $0x1EE00  }
0x204: {  	[spmem:s2] =	stream.indirect.scatter.add.f32 [tilespmem:s22], [sflag:$0x6], $0x10, s14, s4, $0xb8;
	[tilespmem:$0x1F600] =	vst v63  }
0x205: {  	s12 =	simm.s32 $0x5  }
0x206: {  	_ =	swait.ge [sflag:s12], $0x800  }
0x207: {  	[sflag:s12] =	ssyncset.done $0x0  }
0x208: {  	[sflag:s12] =	ssyncadd.s32 $0xFFFFF800  }
0x209: {  	_ =	swait.ge [sflag:s12], $0x800  }
0x20a: {  	[sflag:s12] =	ssyncset.done $0x0  }
0x20b: {  	s23 =	simm.s32 $0x6;
	[sflag:s12] =	ssyncadd.s32 $0xFFFFF800  }
0x20c: {  	_ =	swait.ge [sflag:s23], $0x800  }
0x20d: {  	[sflag:s23] =	ssyncset.done $0x0  }
0x20e: {  	[sflag:s23] =	ssyncadd.s32 $0xFFFFF800  }
0x20f: {  	_ =	swait.ge [sflag:s23], $0x800  }
0x210: {  	[sflag:s23] =	ssyncset.done $0x0  }
0x211: {  	[sflag:s23] =	ssyncadd.s32 $0xFFFFF800  }
0x212: {  	[bflag:$0x0] =	sbarrier.arrive $0xFFFF  }
0x213: {  	s26 =	rddreg [dreg:$0x11]  }
0x214: {  	s15 =	simm.s32 $0x0;
	s12 =	smul.u32 $0xC3800, s26  }
.LBB2_15:
0x215: {  	s19 =	sshll.u32 s15, $0xB  }
0x216: {  	s19 =	sadd.s32 s16, s19  }
0x217: {  	s21 =	simm.s32 $0x18800;
	s20 =	sadd.s32 s19, s1  }
0x218: {  	[tilespmem:s21], [sflag:$0x7] =	stream.linear.gather [spmem:s20], $0x800, $0x38;
	[tilespmem:$0x1F600] =	vst v63  }
0x219: {  	_ =	swait.ge [sflag:s29], $0x800  }
0x21a: {  	[sflag:s29] =	ssyncset.done $0x0  }
0x21b: {  	s26 =	simm.s32 $0x19000;
	s23 =	sadd.s32 s19, s2;
	[sflag:s29] =	ssyncadd.s32 $0xFFFFF800  }
0x21c: {  	[tilespmem:s26], [sflag:$0x7] =	stream.linear.gather [spmem:s23], $0x800, $0x38;
	[tilespmem:$0x1F600] =	vst v63  }
0x21d: {  	_ =	swait.ge [sflag:s29], $0x800  }
0x21e: {  	[sflag:s29] =	ssyncset.done $0x0  }
0x21f: {  	s26 =	simm.s32 $0x0;
	[sflag:s29] =	ssyncadd.s32 $0xFFFFF800  }
0x220: {  	v1 =	vld [tilespmem:s26+$0x19000];
	_ =	sdelay $0x4  }
0x221: {  	v1 =	vmax.f32 v1, $9.999999710e-10  }
0x222: {  	(erf) = vrcp.f32 v1;
	_ =	sdelay $0x1  }
0x223: {  	s21 =	simm.s32 $0x10  }
0x224: {  	v1 =	vld [tilespmem:s21+$0x19000];
	_ =	sdelay $0x4  }
0x225: {  	s22 =	simm.s32 $0x20;
	v2 =	vld [tilespmem:s26+$0x18800];
	v1 =	vmax.f32 v1, $9.999999710e-10  }
0x226: {  	v3 =	vpop (erf);
	(erf) = vrcp.f32 v1;
	v1 =	vld [tilespmem:s22+$0x19000];
	_ =	sdelay $0x3  }
0x227: {  	s20 =	simm.s32 $0xC0;
	v2 =	vmul.f32 v3, v2  }
.LBB2_16:
0x228: {  	s23 =	sshra.s32 s20, $0x2;
	p1 =	sne.s32 s20, $0x1FC0;
	s20 =	sadd.s32 $0x40, s20;
	v3 =	vmax.f32 v1, $9.999999710e-10;
	v4 =	vld [tilespmem:s21+$0x18800]  }
.Ltmp6:
0x229: {  	v1 =	vld [tilespmem:s23+$0x19000];
	(erf) = vrcp.f32 v3;
	[tilespmem:s26+$0x19800] =	vst v2;
	s26 =	smov.u32 s21;
	s21 =	smov.u32 s22;
	(pc) =	sbr.rel @p1 .LBB2_16-.Ltmp6, $3  }
0x22a: {  	s22 =	smov.u32 s23;
	_ =	sdelay $0x1  }
0x22b: {  	v2 =	vpop (erf)  }
0x22c: {  	v2 =	vmul.f32 v2, v4  }
0x22d: {  	v1 =	vmax.f32 v1, $9.999999710e-10  }
0x22e: {  	(erf) = vrcp.f32 v1;
	_ =	sdelay $0x3  }
0x22f: {  	v1 =	vld [tilespmem:s21+$0x18800];
	[tilespmem:s26+$0x19800] =	vst v2  }
0x230: {  	v2 =	vld [tilespmem:s22+$0x18800];
	_ =	sdelay $0x2  }
0x231: {  	v3 =	vpop (erf)  }
0x232: {  	v1 =	vmul.f32 v3, v1;
	v3 =	vpop (erf)  }
0x233: {  	s19 =	sadd.s32 s12, s19;
	s15 =	sadd.s32 $0x1, s15;
	v2 =	vmul.f32 v3, v2  }
0x234: {  	s19 =	sshrl.u32 s19, $0x3;
	p1 =	sne.s32 s15, $0x18;
	[tilespmem:s21+$0x19800] =	vst v1  }
.Ltmp7:
0x235: {  	s20 =	simm.s32 $0x19800;
	s19 =	sadd.s32 s10, s19;
	[tilespmem:s22+$0x19800] =	vst v2;
	(pc) =	sbr.rel @p1 .LBB2_15-.Ltmp7, $4  }
0x236: {  	[hbm4b:s19+s3] =	stream.linear.scatter [tilespmem:s20], [sflag:$0x7], $0x800, $0x38;
	[tilespmem:$0x1F600] =	vst v63  }
0x237: {  	_ =	swait.ge [sflag:s29], $0x800  }
0x238: {  	[sflag:s29] =	ssyncset.done $0x0  }
0x239: {  	[sflag:s29] =	ssyncadd.s32 $0xFFFFF800  }
0x23a: {  	s15 =	rddreg [dreg:$0xd];
	s19 =	simm.s32 $0x18800  }
0x23b: {  	[tilespmem:s19], [sflag:$0x7] =	stream.linear.gather [spmem:s15], $0x380, $0x38;
	[tilespmem:$0x1F600] =	vst v63  }
0x23c: {  	_ =	swait.ge [sflag:s29], $0x380  }
0x23d: {  	[sflag:s29] =	ssyncset.done $0x0  }
0x23e: {  	s26 =	simm.s32 $0x19000;
	s23 =	rddreg [dreg:$0xf];
	[sflag:s29] =	ssyncadd.s32 $0xFFFFFC80  }
0x23f: {  	[tilespmem:s26], [sflag:$0x7] =	stream.linear.gather [spmem:s23], $0x380, $0x38;
	[tilespmem:$0x1F600] =	vst v63  }
0x240: {  	_ =	swait.ge [sflag:s29], $0x380  }
0x241: {  	[sflag:s29] =	ssyncset.done $0x0  }
0x242: {  	s21 =	simm.s32 $0x0;
	[sflag:s29] =	ssyncadd.s32 $0xFFFFFC80  }
0x243: {  	v1 =	vld [tilespmem:s21+$0x19000];
	_ =	sdelay $0x4  }
0x244: {  	v1 =	vmax.f32 v1, $9.999999710e-10  }
0x245: {  	(erf) = vrcp.f32 v1;
	_ =	sdelay $0x1  }
0x246: {  	s15 =	simm.s32 $0x10  }
0x247: {  	v1 =	vld [tilespmem:s15+$0x19000];
	_ =	sdelay $0x4  }
0x248: {  	s19 =	simm.s32 $0x20;
	v2 =	vld [tilespmem:s21+$0x18800];
	v1 =	vmax.f32 v1, $9.999999710e-10  }
0x249: {  	v3 =	vpop (erf);
	(erf) = vrcp.f32 v1;
	v1 =	vld [tilespmem:s19+$0x19000];
	_ =	sdelay $0x3  }
0x24a: {  	s20 =	simm.s32 $0xC0;
	v2 =	vmul.f32 v3, v2  }
.LBB2_19:
0x24b: {  	s22 =	sshra.s32 s20, $0x2;
	p1 =	sne.s32 s20, $0xDC0;
	s20 =	sadd.s32 $0x40, s20;
	v3 =	vmax.f32 v1, $9.999999710e-10;
	v4 =	vld [tilespmem:s15+$0x18800]  }
.Ltmp8:
0x24c: {  	v1 =	vld [tilespmem:s22+$0x19000];
	(erf) = vrcp.f32 v3;
	[tilespmem:s21+$0x19800] =	vst v2;
	s21 =	smov.u32 s15;
	s15 =	smov.u32 s19;
	(pc) =	sbr.rel @p1 .LBB2_19-.Ltmp8, $3  }
0x24d: {  	s19 =	smov.u32 s22;
	_ =	sdelay $0x1  }
0x24e: {  	v2 =	vpop (erf)  }
0x24f: {  	v2 =	vmul.f32 v2, v4  }
0x250: {  	v1 =	vmax.f32 v1, $9.999999710e-10  }
0x251: {  	(erf) = vrcp.f32 v1;
	_ =	sdelay $0x3  }
0x252: {  	v1 =	vld [tilespmem:s15+$0x18800];
	[tilespmem:s21+$0x19800] =	vst v2  }
0x253: {  	v2 =	vld [tilespmem:s19+$0x18800];
	_ =	sdelay $0x2  }
0x254: {  	v3 =	vpop (erf)  }
0x255: {  	s20 =	rddreg [dreg:$0xb];
	v1 =	vmul.f32 v3, v1;
	v3 =	vpop (erf)  }
0x256: {  	s12 =	sadd.s32 s20, s12;
	v2 =	vmul.f32 v3, v2  }
0x257: {  	s12 =	sshrl.u32 s12, $0x3;
	[tilespmem:s15+$0x19800] =	vst v1  }
0x258: {  	s26 =	simm.s32 $0x19800;
	s12 =	sadd.s32 s10, s12;
	[tilespmem:s19+$0x19800] =	vst v2  }
0x259: {  	[hbm4b:s12+s3] =	stream.linear.scatter [tilespmem:s26], [sflag:$0x7], $0x380, $0x38;
	[tilespmem:$0x1F600] =	vst v63  }
.Ltmp9:
0x25a: {  	_ =	swait.ge [sflag:s29], $0x380;
	(pc) =	sbr.rel @p0 .LBB2_2-.Ltmp9, $4  }
0x25b: {  	[sflag:s29] =	ssyncset.done $0x0  }
0x25c: {  	[sflag:s29] =	ssyncadd.s32 $0xFFFFFC80  }
0x25d: {  	[bflag:$0x0] =	sbarrier.arrive $0xFFFF  }
0x25e: {  	p1 =	por $0x0, $0x0;
	s12 =	simm.s32 $0x1;
	s23 =	rddreg [dreg:$0xc]  }
0x25f: {  	s15 =	rddreg [dreg:$0x10]  }
0x260: {  	s12 =	rddreg [dreg:$0xe];
	s15 =	sadd.s32 $0x1, s15  }
0x261: {  	p0 =	sne.s32 s15, s12  }
.Ltmp10:
0x262: {  	_ = 	snop;
	(pc) =	sbr.rel @p0 .LBB2_1-.Ltmp10, $1  }
0x263: {  	_ =	sdelay $0x3  }
0x264: {  	_ =	sfence.sel $0x180000  }
0x265: {  	[bflag:$0x0] =	sbarrier.arrive $0xFFFF  }
0x266: {  	_ =	strace $0x90000047  }
0x267: {  	s0 =	stileid.u32;
	[bflag:$0x2] =	sbarrier.arrive $0xFFFF  }
0x268: {  	p0 =	sne.s32 s0, $0x0;
	s0 =	rddreg [dreg:$0x3]  }
0x269: {  	s0 =	sadd.s32 @!p0 $0x100000, s0  }
0x26a: {  	[sflag:s0] =	ssyncadd.tile.s32 @!p0 $0x1;
	_ =	shalt  }
.Lfunc_end2:
_tile_overlayer_lowered:
.L_overlay_start_2:
0x26b: {  	(tag) =	ssettag $0x2  }
0x26c: {  	s0 =	rddreg [dreg:$0x0];
	s2 =	stileid.u32  }
0x26d: {  	s1 =	rddreg [dreg:$0x1];
	p0 =	sne.s32 s2, $0x0  }
0x26e: {  	s3 =	rddreg [dreg:$0x2];
	[bflag:$0x3] =	sbarrier.arrive $0xFFFF;
	s2 =	simm.s32 @!p0 $0x1C07  }
0x26f: {  	[timem:s3], [sflag:s2] =	dma.local @!p0 [hbm:s0], s1  }
0x270: {  	s0 =	simm.s32 @!p0 $0x7  }
0x271: {  	_ =	swait.ge @!p0 [sflag:s0], s1  }
0x272: {  	s1 =	ssub.s32 @!p0 $0x0, s1;
	[sflag:s0] =	ssyncset.done @!p0 $0x0  }
0x273: {  	[sflag:s0] =	ssyncadd.s32 @!p0 s1  }
0x274: {  	[bflag:$0x3] =	sbarrier.arrive $0xFFFF  }
0x275: {  	_ =	shalt  }

</sc_bundles>
